<compile_context>
chip_gen: v7x
topology: tpu7x:2x2x1
jax: 0.10.2.dev20260603
libtpu: 0.0.44.dev20260713+nightly
codegen_flags: <defaults>
</compile_context>

<pallas_src>
import functools

import jax
import jax.numpy as jnp
from jax import lax
from jax.experimental import pallas as pl
from jax.experimental.pallas import tpu as pltpu
from jax.experimental.pallas import tpu_sc as plsc

NC = 2
NS = 16
NW = NC * NS
CH = 128
LANES = 16


def _cdiv(a, b):
    return (a + b - 1) // b


def _sc_degree(dst2d, n_pad, k0, k1):
    mesh = plsc.VectorSubcoreMesh(core_axis_name="c", subcore_axis_name="s")
    zslice = n_pad // NS
    kmax = max(k0, k1)

    @functools.partial(
        pl.kernel,
        out_type=jax.ShapeDtypeStruct((NC * n_pad,), jnp.float32),
        mesh=mesh,
        scratch_types=[
            pltpu.VMEM((kmax, CH), jnp.int32),
            pltpu.VMEM((CH,), jnp.float32),
            pltpu.VMEM((_cdiv(zslice, LANES) * LANES,), jnp.float32),
            pltpu.VMEM_SHARED((n_pad,), jnp.float32),
            pltpu.SemaphoreType.DMA,
        ],
        compiler_params=pltpu.CompilerParams(use_tc_tiling_on_sc=False),
    )
    def deg_kernel(dst_hbm, out_hbm, didx, ones, zbuf, acc, sem):
        c = lax.axis_index("c")
        s = lax.axis_index("s")
        kpt = jnp.where(c == 0, k0, k1)
        base = jnp.where(c == 0, s * k0, NS * k0 + s * k1)

        def fill_ones(i, carry):
            ones[pl.ds(i * LANES, LANES)] = jnp.full((LANES,), 1.0, jnp.float32)
            return carry

        lax.fori_loop(0, CH // LANES, fill_ones, 0)

        def fill_zero(i, carry):
            zbuf[pl.ds(i * LANES, LANES)] = jnp.zeros((LANES,), jnp.float32)
            return carry

        lax.fori_loop(0, _cdiv(zslice, LANES), fill_zero, 0)
        pltpu.sync_copy(zbuf.at[pl.ds(0, zslice)],
                        acc.at[pl.ds(s * zslice, zslice)])
        pltpu.sync_copy(dst_hbm.at[pl.ds(base, kmax)], didx)
        plsc.subcore_barrier()

        BATCH = 8

        def batch(q, carry):
            for b in range(BATCH):
                k = q * BATCH + b

                @pl.when(k < kpt)
                def _():
                    pltpu.async_copy(ones, acc.at[didx.at[k]], sem, add=True)
            for b in range(BATCH):
                k = q * BATCH + b

                @pl.when(k < kpt)
                def _():
                    pltpu.make_async_copy(ones, acc.at[didx.at[k]],
                                          sem).wait()
            return carry

        lax.fori_loop(0, (kpt + BATCH - 1) // BATCH, batch, 0)
        plsc.subcore_barrier()
        pltpu.sync_copy(acc.at[pl.ds(s * zslice, zslice)],
                        out_hbm.at[pl.ds(c * n_pad + s * zslice, zslice)])

    return deg_kernel(dst2d)


def _sc_aggregate(src2d, dst2d, y, n, n_pad, k0, k1, ch, nbuf):
    d = y.shape[1]
    mesh = plsc.VectorSubcoreMesh(core_axis_name="c", subcore_axis_name="s")
    zslice = n_pad // NS
    kmax = max(k0, k1)

    @functools.partial(
        pl.kernel,
        out_type=jax.ShapeDtypeStruct((NC * n_pad, d), jnp.float32),
        mesh=mesh,
        scratch_types=[
            [pltpu.VMEM((ch,), jnp.int32)] * nbuf,
            pltpu.VMEM((kmax, ch), jnp.int32),
            [pltpu.VMEM((ch, d), jnp.float32)] * nbuf,
            pltpu.VMEM_SHARED((n_pad, d), jnp.float32),
            [pltpu.SemaphoreType.DMA] * nbuf,
            [pltpu.SemaphoreType.DMA] * nbuf,
            [pltpu.SemaphoreType.DMA] * nbuf,
        ],
        compiler_params=pltpu.CompilerParams(use_tc_tiling_on_sc=False),
    )
    def agg_kernel(src_hbm, dst_hbm, y_hbm, out_hbm, sidx, didx, rows, acc,
                   gsem, ssem, isem):
        c = lax.axis_index("c")
        s = lax.axis_index("s")
        kpt = jnp.where(c == 0, k0, k1)
        base = jnp.where(c == 0, s * k0, NS * k0 + s * k1)

        def fill_zero(i, carry):
            j = i // (d // LANES)
            l = i % (d // LANES)
            rows[0][j, pl.ds(l * LANES, LANES)] = jnp.zeros((LANES,),
                                                            jnp.float32)
            return carry

        lax.fori_loop(0, ch * d // LANES, fill_zero, 0)

        def zero_acc(j, carry):
            pltpu.sync_copy(rows[0], acc.at[pl.ds(s * zslice + j * ch, ch)])
            return carry

        lax.fori_loop(0, zslice // ch, zero_acc, 0)
        rem = zslice % ch
        if rem:
            pltpu.sync_copy(
                rows[0].at[pl.ds(0, rem)],
                acc.at[pl.ds(s * zslice + (zslice // ch) * ch, rem)])
        pltpu.sync_copy(dst_hbm.at[pl.ds(base, kmax)], didx)
        plsc.subcore_barrier()

        def gather(b):
            pltpu.async_copy(y_hbm.at[sidx[b]], rows[b], gsem[b])

        def gather_wait(b):
            pltpu.make_async_copy(y_hbm.at[sidx[b]], rows[b], gsem[b]).wait()

        def scatter(k, b):
            pltpu.async_copy(rows[b], acc.at[didx.at[k]], ssem[b], add=True)

        def scatter_wait(k, b):
            pltpu.make_async_copy(rows[b], acc.at[didx.at[k]],
                                  ssem[b]).wait()

        def sidx_copy(k, b):
            pltpu.async_copy(src_hbm.at[base + k], sidx[b], isem[b])

        def sidx_wait(k, b):
            pltpu.make_async_copy(src_hbm.at[base + k], sidx[b],
                                  isem[b]).wait()

        for b in range(nbuf):
            @pl.when(b < kpt)
            def _():
                sidx_copy(b, b)
                sidx_wait(b, b)
                gather(b)

        def ring(q, carry):
            for b in range(nbuf):
                k = q * nbuf + b

                @pl.when(k < kpt)
                def _():
                    gather_wait(b)
                    scatter(k, b)

                    @pl.when(k + nbuf < kpt)
                    def _():
                        sidx_copy(k + nbuf, b)
            for b in range(nbuf):
                k = q * nbuf + b

                @pl.when(k < kpt)
                def _():
                    scatter_wait(k, b)

                    @pl.when(k + nbuf < kpt)
                    def _():
                        sidx_wait(k + nbuf, b)
                        gather(b)
            return carry

        lax.fori_loop(0, (kpt + nbuf - 1) // nbuf, ring, 0)
        plsc.subcore_barrier()
        pltpu.sync_copy(acc.at[pl.ds(s * zslice, zslice)],
                        out_hbm.at[pl.ds(c * n_pad + s * zslice, zslice)])

    return agg_kernel(src2d, dst2d, y)


def _tc_first(x, w, deg_a, deg_b):
    n = x.shape[0]

    def body(x_ref, w_ref, da_ref, db_ref, y_ref, v_ref):
        dinv = lax.rsqrt(da_ref[...] + db_ref[...] + 1.0)
        v_ref[...] = dinv
        y_ref[...] = jnp.dot(x_ref[...], w_ref[...],
                             preferred_element_type=jnp.float32) * dinv

    return pl.pallas_call(
        body,
        out_shape=[jax.ShapeDtypeStruct((n, w.shape[1]), jnp.float32),
                   jax.ShapeDtypeStruct((n, 1), jnp.float32)],
    )(x, w, deg_a, deg_b)


def _tc_mid(agg, y1, dinv_col, b1row, w2, n, n_pad):

    def body(agg_ref, y_ref, v_ref, bias_ref, w_ref, o_ref):
        acc = agg_ref[pl.ds(0, n), :] + agg_ref[pl.ds(n_pad, n), :]
        h = (acc + y_ref[...]) * v_ref[...] + bias_ref[...]
        h = jnp.maximum(h, 0.0)
        o_ref[...] = jnp.dot(h, w_ref[...],
                             preferred_element_type=jnp.float32) * v_ref[...]

    return pl.pallas_call(
        body,
        out_shape=jax.ShapeDtypeStruct((n, w2.shape[1]), jnp.float32),
    )(agg, y1, dinv_col, b1row, w2)


def _tc_final(agg, y2, dinv_col, b2row, n, n_pad):

    def body(agg_ref, y_ref, v_ref, bias_ref, o_ref):
        acc = agg_ref[pl.ds(0, n), :] + agg_ref[pl.ds(n_pad, n), :]
        o_ref[...] = (acc + y_ref[...]) * v_ref[...] + bias_ref[...]

    return pl.pallas_call(
        body,
        out_shape=jax.ShapeDtypeStruct(y2.shape, jnp.float32),
    )(agg, y2, dinv_col, b2row)


def kernel(x, edge_index, W1, b1, W2, b2):
    n = x.shape[0]
    e = edge_index.shape[1]

    src = edge_index[0].astype(jnp.int32)
    dst = edge_index[1].astype(jnp.int32)

    def chunked(arr, ch, fill, f0):
        n_chunks = _cdiv(e, ch)
        c0 = int(n_chunks * f0)
        k0 = max(_cdiv(c0, NS), 1)
        k1 = max(_cdiv(n_chunks - NS * k0, NS), 1)
        rows = NS * (k0 + k1) + abs(k0 - k1)
        padn = rows * ch - e
        return (jnp.concatenate(
            [arr, jnp.full((padn,), fill, jnp.int32)]).reshape(rows, ch),
            k0, k1)

    F0_A = 0.6
    F0_B = 0.65
    srcA, kA0, kA1 = chunked(src, 64, 0, F0_A)
    dstA, _, _ = chunked(dst, 64, n, F0_A)
    srcB, kB0, kB1 = chunked(src, 128, 0, F0_B)
    dstB, _, _ = chunked(dst, 128, n, F0_B)

    n_pad = _cdiv(n + 1, NS * 8) * NS * 8

    deg_parts = _sc_degree(dstB, n_pad, kB0, kB1)
    deg_a = deg_parts[:n].reshape(n, 1)
    deg_b = deg_parts[n_pad:n_pad + n].reshape(n, 1)

    y1, dinv_col = _tc_first(x, W1, deg_a, deg_b)
    agg1 = _sc_aggregate(srcA, dstA, y1, n, n_pad, kA0, kA1, 64, 4)
    y2 = _tc_mid(agg1, y1, dinv_col, b1.reshape(1, -1), W2, n, n_pad)
    agg2 = _sc_aggregate(srcB, dstB, y2, n, n_pad, kB0, kB1, 128, 6)
    out = _tc_final(agg2, y2, dinv_col, b2.reshape(1, -1), n, n_pad)
    return out

# --- scband reference (transcript-rebuilt; emitter-appended) ---
"""Pipeline reference for scband-gcn-23089744183641 (READ-ONLY COPY).

The authoritative reference and input builder live on the scoring server;
editing this copy changes nothing except your own understanding.
"""

import jax, jax.numpy as jnp
import numpy as np

N_NODES = 10000
N_EDGES = 320000
D_FEAT = 128
D_HID = 128
N_CLASS = 64


def gcn_conv(x, edge_index, W, b):
    # PyG-style GCNConv: linear transform, add self-loops, sym-normalized scatter-add
    n = x.shape[0]
    x = x @ W
    loop = jnp.arange(n, dtype=edge_index.dtype)
    src = jnp.concatenate([edge_index[0], loop])
    dst = jnp.concatenate([edge_index[1], loop])
    deg = jnp.zeros((n,), dtype=x.dtype).at[dst].add(1.0)
    dinv = jnp.where(deg > 0, jax.lax.rsqrt(jnp.maximum(deg, 1e-12)), 0.0)
    norm = dinv[src] * dinv[dst]
    msg = x[src] * norm[:, None]
    out = jnp.zeros_like(x).at[dst].add(msg)
    return out + b


def setup_inputs(seed: int = 0) -> dict:
    key = jax.random.key(seed)
    k1, k2, k3, k4 = jax.random.split(key, 4)
    x = jax.random.normal(k1, (N_NODES, D_FEAT), dtype=jnp.float32)
    edge_index = jax.random.randint(k2, (2, N_EDGES), 0, N_NODES, dtype=jnp.int32)
    W1 = jax.random.normal(k3, (D_FEAT, D_HID), dtype=jnp.float32) * (1.0 / np.sqrt(D_FEAT))
    b1 = jnp.zeros((D_HID,), dtype=jnp.float32)
    W2 = jax.random.normal(k4, (D_HID, N_CLASS), dtype=jnp.float32) * (1.0 / np.sqrt(D_HID))
    b2 = jnp.zeros((N_CLASS,), dtype=jnp.float32)
    return {"x": x, "edge_index": edge_index, "W1": W1, "b1": b1, "W2": W2, "b2": b2}


def reference(x, edge_index, W1, b1, W2, b2):
    # GCN.forward: conv -> relu -> (dropout is identity in eval) -> conv
    h = jax.nn.relu(gcn_conv(x, edge_index, W1, b1))
    out = gcn_conv(h, edge_index, W2, b2)
    return out

if __name__ == "__main__":
    import jax
    _d = setup_inputs()
    print(jax.jit(kernel)(*tuple(_d.values())))

</pallas_src>

<mosaic_0001>
#map = affine_map<(d0, d1) -> (0, 0)>
#map1 = affine_map<(d0, d1) -> (0)>
module attributes {stable_mosaic.version = 14 : i64} {
  func.func @deg_kernel(%arg0: i32, %arg1: i32, %arg2: memref<2559x128xi32, #tpu.memory_space<hbm>>, %arg3: memref<20224xf32, #tpu.memory_space<hbm>>, %arg4: memref<102x128xi32, #tpu.memory_space<vmem>>, %arg5: memref<128xf32, #tpu.memory_space<vmem>>, %arg6: memref<640xf32, #tpu.memory_space<vmem>>, %arg7: memref<10112xf32, #tpu.memory_space<vmem_shared>>, %arg8: memref<!tpu.dma_semaphore, #tpu.memory_space<semaphore_mem>>) attributes {dimension_semantics = [#tpu.dimension_semantics<core_parallel>, #tpu.dimension_semantics<subcore_parallel>], iteration_bounds = array<i64: 2, 16>, scalar_prefetch = 0 : i64, scratch_operands = 5 : i64, tpu.core_type = #tpu.core_type<sc_vector_subcore>, window_params = [{transform_indices = #map}, {transform_indices = #map1}]} {
    %eq3A = arith.constant 0 : i32
    %eq3A_0 = arith.cmpi eq, %arg0, %eq3A : i32
    %jit3A = arith.constant 102 : i32
    %jit3A_1 = arith.constant 55 : i32
    %select_n3A = arith.select %eq3A_0, %jit3A, %jit3A_1 : i32
    %eq3A_2 = arith.constant 0 : i32
    %eq3A_3 = arith.cmpi eq, %arg0, %eq3A_2 : i32
    %mul3A = arith.constant 102 : i32
    %mul3A_4 = arith.muli %arg1, %mul3A : i32
    %mul3A_5 = arith.constant 55 : i32
    %mul3A_6 = arith.muli %arg1, %mul3A_5 : i32
    %add3A = arith.constant 1632 : i32
    %add3A_7 = arith.addi %add3A, %mul3A_6 : i32
    %select_n3A_8 = arith.select %eq3A_3, %mul3A_4, %add3A_7 : i32
    %scan3A = arith.constant 0 : i32
    %scan3A_9 = arith.constant 0 : i32
    %scan3A_10 = arith.constant 8 : i32
    %scan3A_11 = arith.addi %scan3A_9, %scan3A_10 : i32
    %scan3A_12 = arith.constant 1 : i32
    scf.for %scan3A_61 = %scan3A_9 to %scan3A_11 step %scan3A_12  : i32 {
      %broadcast_in_dim3A = arith.constant 1.000000e+00 : f32
      %broadcast_in_dim3A_62 = vector.broadcast %broadcast_in_dim3A : f32 to vector<16xf32>
      %mul3A_63 = arith.constant 16 : i32
      %mul3A_64 = arith.muli %scan3A_61, %mul3A_63 : i32
      %swap3A = arith.index_cast %mul3A_64 : i32 to index
      %swap3A_65 = tpu.vector_load %arg5[%swap3A] {strides = array<i32>} : memref<128xf32, #tpu.memory_space<vmem>>, vector<16xf32>,
      %swap3A_66 = vector.shape_cast %swap3A_65 : vector<16xf32> to vector<16xf32>
      %swap3A_67 = vector.shape_cast %broadcast_in_dim3A_62 : vector<16xf32> to vector<16xf32>
      tpu.vector_store %arg5[%swap3A], %swap3A_67 {strides = array<i32>} : memref<128xf32, #tpu.memory_space<vmem>>, vector<16xf32>,
    }
    %scan3A_13 = arith.constant 8 : i32
    %scan3A_14 = arith.constant 0 : i32
    %scan3A_15 = arith.constant 0 : i32
    %scan3A_16 = arith.constant 40 : i32
    %scan3A_17 = arith.addi %scan3A_15, %scan3A_16 : i32
    %scan3A_18 = arith.constant 1 : i32
    scf.for %scan3A_61 = %scan3A_15 to %scan3A_17 step %scan3A_18  : i32 {
      %broadcast_in_dim3A = arith.constant 0.000000e+00 : f32
      %broadcast_in_dim3A_62 = vector.broadcast %broadcast_in_dim3A : f32 to vector<16xf32>
      %mul3A_63 = arith.constant 16 : i32
      %mul3A_64 = arith.muli %scan3A_61, %mul3A_63 : i32
      %swap3A = arith.index_cast %mul3A_64 : i32 to index
      %swap3A_65 = tpu.vector_load %arg6[%swap3A] {strides = array<i32>} : memref<640xf32, #tpu.memory_space<vmem>>, vector<16xf32>,
      %swap3A_66 = vector.shape_cast %swap3A_65 : vector<16xf32> to vector<16xf32>
      %swap3A_67 = vector.shape_cast %broadcast_in_dim3A_62 : vector<16xf32> to vector<16xf32>
      tpu.vector_store %arg6[%swap3A], %swap3A_67 {strides = array<i32>} : memref<640xf32, #tpu.memory_space<vmem>>, vector<16xf32>,
    }
    %scan3A_19 = arith.constant 40 : i32
    %mul3A_20 = arith.constant 632 : i32
    %mul3A_21 = arith.muli %arg1, %mul3A_20 : i32
    "tpu.region"() ({
      %run_scoped3A = tpu.sem_alloc : memref<!tpu.dma_semaphore, #tpu.memory_space<semaphore_mem>>
      %dma_start3A = arith.constant 0 : i32
      %dma_start3A_61 = tpu.memref_slice %arg6[%dma_start3A] : memref<640xf32, #tpu.memory_space<vmem>> -> memref<632xf32, #tpu.memory_space<vmem>>
      %dma_start3A_62 = tpu.memref_slice %arg7[%mul3A_21] : memref<10112xf32, #tpu.memory_space<vmem_shared>> -> memref<632xf32, #tpu.memory_space<vmem_shared>>
      %dma_start3A_63 = tpu.memref_slice %arg7[%mul3A_21] : memref<10112xf32, #tpu.memory_space<vmem_shared>> -> memref<632xf32, #tpu.memory_space<vmem_shared>>
      %dma_start3A_64 = arith.constant 0 : i32
      %dma_start3A_65 = tpu.memref_slice %arg6[%dma_start3A_64] : memref<640xf32, #tpu.memory_space<vmem>> -> memref<632xf32, #tpu.memory_space<vmem>>
      tpu.enqueue_dma source(%dma_start3A_65 : memref<632xf32, #tpu.memory_space<vmem>>) target(%dma_start3A_63 : memref<632xf32, #tpu.memory_space<vmem_shared>>) target_semaphore(%run_scoped3A : memref<!tpu.dma_semaphore, #tpu.memory_space<semaphore_mem>>)
      %dma_wait3A = arith.constant 0 : i32
      %dma_wait3A_66 = tpu.memref_slice %arg6[%dma_wait3A] : memref<640xf32, #tpu.memory_space<vmem>> -> memref<632xf32, #tpu.memory_space<vmem>>
      %dma_wait3A_67 = tpu.memref_slice %arg7[%mul3A_21] : memref<10112xf32, #tpu.memory_space<vmem_shared>> -> memref<632xf32, #tpu.memory_space<vmem_shared>>
      %dma_wait3A_68 = tpu.memref_slice %arg7[%mul3A_21] : memref<10112xf32, #tpu.memory_space<vmem_shared>> -> memref<632xf32, #tpu.memory_space<vmem_shared>>
      %dma_wait3A_69 = arith.constant 0 : i32
      %dma_wait3A_70 = tpu.memref_slice %arg6[%dma_wait3A_69] : memref<640xf32, #tpu.memory_space<vmem>> -> memref<632xf32, #tpu.memory_space<vmem>>
      tpu.wait_dma2 semaphore(%run_scoped3A : memref<!tpu.dma_semaphore, #tpu.memory_space<semaphore_mem>>) src(%dma_wait3A_70 : memref<632xf32, #tpu.memory_space<vmem>>) dst(%dma_wait3A_68 : memref<632xf32, #tpu.memory_space<vmem_shared>>)
      tpu.yield
    }) : () -> ()
    "tpu.region"() ({
      %run_scoped3A = tpu.sem_alloc : memref<!tpu.dma_semaphore, #tpu.memory_space<semaphore_mem>>
      %dma_start3A = arith.constant 0 : i32
      %dma_start3A_61 = tpu.memref_slice %arg2[%select_n3A_8, %dma_start3A] : memref<2559x128xi32, #tpu.memory_space<hbm>> -> memref<102x128xi32, #tpu.memory_space<hbm>>
      %dma_start3A_62 = arith.constant 0 : i32
      %dma_start3A_63 = tpu.memref_slice %arg2[%select_n3A_8, %dma_start3A_62] : memref<2559x128xi32, #tpu.memory_space<hbm>> -> memref<102x128xi32, #tpu.memory_space<hbm>>
      tpu.enqueue_dma source(%dma_start3A_63 : memref<102x128xi32, #tpu.memory_space<hbm>>) target(%arg4 : memref<102x128xi32, #tpu.memory_space<vmem>>) target_semaphore(%run_scoped3A : memref<!tpu.dma_semaphore, #tpu.memory_space<semaphore_mem>>)
      %dma_wait3A = arith.constant 0 : i32
      %dma_wait3A_64 = tpu.memref_slice %arg2[%select_n3A_8, %dma_wait3A] : memref<2559x128xi32, #tpu.memory_space<hbm>> -> memref<102x128xi32, #tpu.memory_space<hbm>>
      %dma_wait3A_65 = arith.constant 0 : i32
      %dma_wait3A_66 = tpu.memref_slice %arg2[%select_n3A_8, %dma_wait3A_65] : memref<2559x128xi32, #tpu.memory_space<hbm>> -> memref<102x128xi32, #tpu.memory_space<hbm>>
      tpu.wait_dma2 semaphore(%run_scoped3A : memref<!tpu.dma_semaphore, #tpu.memory_space<semaphore_mem>>) src(%dma_wait3A_66 : memref<102x128xi32, #tpu.memory_space<hbm>>) dst(%arg4 : memref<102x128xi32, #tpu.memory_space<vmem>>)
      tpu.yield
    }) : () -> ()
    %barrier3A = arith.constant 0 : index
    tpu.barrier barrier_id(%barrier3A)
    %add3A_22 = arith.constant 8 : i32
    %add3A_23 = arith.addi %select_n3A, %add3A_22 : i32
    %sub3A = arith.constant 1 : i32
    %sub3A_24 = arith.subi %add3A_23, %sub3A : i32
    %jit3A_25 = arith.constant 8 : i32
    %div3A = arith.divsi %sub3A_24, %jit3A_25 : i32
    %sign3A = arith.constant 0 : i32
    %sign3A_26 = arith.cmpi sgt, %sub3A_24, %sign3A : i32
    %sign3A_27 = arith.extui %sign3A_26 : i1 to i32
    %sign3A_28 = arith.constant 0 : i32
    %sign3A_29 = arith.cmpi slt, %sub3A_24, %sign3A_28 : i32
    %sign3A_30 = arith.extui %sign3A_29 : i1 to i32
    %sign3A_31 = arith.subi %sign3A_27, %sign3A_30 : i32
    %sign3A_32 = arith.constant 0 : i32
    %sign3A_33 = arith.cmpi sgt, %jit3A_25, %sign3A_32 : i32
    %sign3A_34 = arith.extui %sign3A_33 : i1 to i32
    %sign3A_35 = arith.constant 0 : i32
    %sign3A_36 = arith.cmpi slt, %jit3A_25, %sign3A_35 : i32
    %sign3A_37 = arith.extui %sign3A_36 : i1 to i32
    %sign3A_38 = arith.subi %sign3A_34, %sign3A_37 : i32
    %ne3A = arith.cmpi ne, %sign3A_31, %sign3A_38 : i32
    %rem3A = arith.remsi %sub3A_24, %jit3A_25 : i32
    %ne3A_39 = arith.constant 0 : i32
    %ne3A_40 = arith.cmpi ne, %rem3A, %ne3A_39 : i32
    %and3A = arith.andi %ne3A, %ne3A_40 : i1
    %sub3A_41 = arith.constant 1 : i32
    %sub3A_42 = arith.subi %div3A, %sub3A_41 : i32
    %select_n3A_43 = arith.select %and3A, %sub3A_42, %div3A : i32
    %while3A = arith.constant 0 : i32
    %while3A_44 = arith.constant 0 : i32
    %while3A_45 = arith.subi %select_n3A_43, %while3A_44 : i32
    %while3A_46 = arith.addi %while3A_44, %while3A_45 : i32
    %while3A_47 = arith.constant 1 : i32
    %while3A_48 = arith.divsi %while3A_45, %while3A_47 : i32
    %while3A_49 = arith.muli %while3A_48, %while3A_47 : i32
    %while3A_50 = arith.addi %while3A_44, %while3A_49 : i32
    %while3A_51 = arith.constant 1 : i32
    scf.for %while3A_61 = %while3A_44 to %while3A_50 step %while3A_51  : i32 {
      %mul3A_62 = arith.constant 8 : i32
      %mul3A_63 = arith.muli %while3A_61, %mul3A_62 : i32
      %add3A_64 = arith.constant 0 : i32
      %add3A_65 = arith.addi %mul3A_63, %add3A_64 : i32
      %lt3A = arith.cmpi slt, %add3A_65, %select_n3A : i32
      %convert_element_type3A = arith.extui %lt3A : i1 to i32
      %cond3A = arith.constant 0 : i32
      %cond3A_66 = arith.cmpi ne, %convert_element_type3A, %cond3A : i32
      scf.if %cond3A_66 {
        %dma_start3A = arith.constant 0 : i32
        %dma_start3A_187 = tpu.memref_slice %arg4[%add3A_65, %dma_start3A] : memref<102x128xi32, #tpu.memory_space<vmem>> -> memref<1x128xi32, #tpu.memory_space<vmem>>
        %dma_start3A_188 = tpu.memref_squeeze %dma_start3A_187 : memref<1x128xi32, #tpu.memory_space<vmem>> -> memref<128xi32, #tpu.memory_space<vmem>>
        %dma_start3A_189 = arith.constant 0 : i32
        %dma_start3A_190 = tpu.memref_slice %arg7[%dma_start3A_189] : memref<10112xf32, #tpu.memory_space<vmem_shared>> -> memref<10112xf32, #tpu.memory_space<vmem_shared>>
        tpu.enqueue_indirect_dma source(%arg5 : memref<128xf32, #tpu.memory_space<vmem>>) target(%dma_start3A_190 : memref<10112xf32, #tpu.memory_space<vmem_shared>>) offsets(%dma_start3A_188 : memref<128xi32, #tpu.memory_space<vmem>>) semaphore(%arg8 : memref<!tpu.dma_semaphore, #tpu.memory_space<semaphore_mem>>) {add = true}
      } else {
      }
      %mul3A_67 = arith.constant 8 : i32
      %mul3A_68 = arith.muli %while3A_61, %mul3A_67 : i32
      %add3A_69 = arith.constant 1 : i32
      %add3A_70 = arith.addi %mul3A_68, %add3A_69 : i32
      %lt3A_71 = arith.cmpi slt, %add3A_70, %select_n3A : i32
      %convert_element_type3A_72 = arith.extui %lt3A_71 : i1 to i32
      %cond3A_73 = arith.constant 0 : i32
      %cond3A_74 = arith.cmpi ne, %convert_element_type3A_72, %cond3A_73 : i32
      scf.if %cond3A_74 {
        %dma_start3A = arith.constant 0 : i32
        %dma_start3A_187 = tpu.memref_slice %arg4[%add3A_70, %dma_start3A] : memref<102x128xi32, #tpu.memory_space<vmem>> -> memref<1x128xi32, #tpu.memory_space<vmem>>
        %dma_start3A_188 = tpu.memref_squeeze %dma_start3A_187 : memref<1x128xi32, #tpu.memory_space<vmem>> -> memref<128xi32, #tpu.memory_space<vmem>>
        %dma_start3A_189 = arith.constant 0 : i32
        %dma_start3A_190 = tpu.memref_slice %arg7[%dma_start3A_189] : memref<10112xf32, #tpu.memory_space<vmem_shared>> -> memref<10112xf32, #tpu.memory_space<vmem_shared>>
        tpu.enqueue_indirect_dma source(%arg5 : memref<128xf32, #tpu.memory_space<vmem>>) target(%dma_start3A_190 : memref<10112xf32, #tpu.memory_space<vmem_shared>>) offsets(%dma_start3A_188 : memref<128xi32, #tpu.memory_space<vmem>>) semaphore(%arg8 : memref<!tpu.dma_semaphore, #tpu.memory_space<semaphore_mem>>) {add = true}
      } else {
      }
      %mul3A_75 = arith.constant 8 : i32
      %mul3A_76 = arith.muli %while3A_61, %mul3A_75 : i32
      %add3A_77 = arith.constant 2 : i32
      %add3A_78 = arith.addi %mul3A_76, %add3A_77 : i32
      %lt3A_79 = arith.cmpi slt, %add3A_78, %select_n3A : i32
      %convert_element_type3A_80 = arith.extui %lt3A_79 : i1 to i32
      %cond3A_81 = arith.constant 0 : i32
      %cond3A_82 = arith.cmpi ne, %convert_element_type3A_80, %cond3A_81 : i32
      scf.if %cond3A_82 {
        %dma_start3A = arith.constant 0 : i32
        %dma_start3A_187 = tpu.memref_slice %arg4[%add3A_78, %dma_start3A] : memref<102x128xi32, #tpu.memory_space<vmem>> -> memref<1x128xi32, #tpu.memory_space<vmem>>
        %dma_start3A_188 = tpu.memref_squeeze %dma_start3A_187 : memref<1x128xi32, #tpu.memory_space<vmem>> -> memref<128xi32, #tpu.memory_space<vmem>>
        %dma_start3A_189 = arith.constant 0 : i32
        %dma_start3A_190 = tpu.memref_slice %arg7[%dma_start3A_189] : memref<10112xf32, #tpu.memory_space<vmem_shared>> -> memref<10112xf32, #tpu.memory_space<vmem_shared>>
        tpu.enqueue_indirect_dma source(%arg5 : memref<128xf32, #tpu.memory_space<vmem>>) target(%dma_start3A_190 : memref<10112xf32, #tpu.memory_space<vmem_shared>>) offsets(%dma_start3A_188 : memref<128xi32, #tpu.memory_space<vmem>>) semaphore(%arg8 : memref<!tpu.dma_semaphore, #tpu.memory_space<semaphore_mem>>) {add = true}
      } else {
      }
      %mul3A_83 = arith.constant 8 : i32
      %mul3A_84 = arith.muli %while3A_61, %mul3A_83 : i32
      %add3A_85 = arith.constant 3 : i32
      %add3A_86 = arith.addi %mul3A_84, %add3A_85 : i32
      %lt3A_87 = arith.cmpi slt, %add3A_86, %select_n3A : i32
      %convert_element_type3A_88 = arith.extui %lt3A_87 : i1 to i32
      %cond3A_89 = arith.constant 0 : i32
      %cond3A_90 = arith.cmpi ne, %convert_element_type3A_88, %cond3A_89 : i32
      scf.if %cond3A_90 {
        %dma_start3A = arith.constant 0 : i32
        %dma_start3A_187 = tpu.memref_slice %arg4[%add3A_86, %dma_start3A] : memref<102x128xi32, #tpu.memory_space<vmem>> -> memref<1x128xi32, #tpu.memory_space<vmem>>
        %dma_start3A_188 = tpu.memref_squeeze %dma_start3A_187 : memref<1x128xi32, #tpu.memory_space<vmem>> -> memref<128xi32, #tpu.memory_space<vmem>>
        %dma_start3A_189 = arith.constant 0 : i32
        %dma_start3A_190 = tpu.memref_slice %arg7[%dma_start3A_189] : memref<10112xf32, #tpu.memory_space<vmem_shared>> -> memref<10112xf32, #tpu.memory_space<vmem_shared>>
        tpu.enqueue_indirect_dma source(%arg5 : memref<128xf32, #tpu.memory_space<vmem>>) target(%dma_start3A_190 : memref<10112xf32, #tpu.memory_space<vmem_shared>>) offsets(%dma_start3A_188 : memref<128xi32, #tpu.memory_space<vmem>>) semaphore(%arg8 : memref<!tpu.dma_semaphore, #tpu.memory_space<semaphore_mem>>) {add = true}
      } else {
      }
      %mul3A_91 = arith.constant 8 : i32
      %mul3A_92 = arith.muli %while3A_61, %mul3A_91 : i32
      %add3A_93 = arith.constant 4 : i32
      %add3A_94 = arith.addi %mul3A_92, %add3A_93 : i32
      %lt3A_95 = arith.cmpi slt, %add3A_94, %select_n3A : i32
      %convert_element_type3A_96 = arith.extui %lt3A_95 : i1 to i32
      %cond3A_97 = arith.constant 0 : i32
      %cond3A_98 = arith.cmpi ne, %convert_element_type3A_96, %cond3A_97 : i32
      scf.if %cond3A_98 {
        %dma_start3A = arith.constant 0 : i32
        %dma_start3A_187 = tpu.memref_slice %arg4[%add3A_94, %dma_start3A] : memref<102x128xi32, #tpu.memory_space<vmem>> -> memref<1x128xi32, #tpu.memory_space<vmem>>
        %dma_start3A_188 = tpu.memref_squeeze %dma_start3A_187 : memref<1x128xi32, #tpu.memory_space<vmem>> -> memref<128xi32, #tpu.memory_space<vmem>>
        %dma_start3A_189 = arith.constant 0 : i32
        %dma_start3A_190 = tpu.memref_slice %arg7[%dma_start3A_189] : memref<10112xf32, #tpu.memory_space<vmem_shared>> -> memref<10112xf32, #tpu.memory_space<vmem_shared>>
        tpu.enqueue_indirect_dma source(%arg5 : memref<128xf32, #tpu.memory_space<vmem>>) target(%dma_start3A_190 : memref<10112xf32, #tpu.memory_space<vmem_shared>>) offsets(%dma_start3A_188 : memref<128xi32, #tpu.memory_space<vmem>>) semaphore(%arg8 : memref<!tpu.dma_semaphore, #tpu.memory_space<semaphore_mem>>) {add = true}
      } else {
      }
      %mul3A_99 = arith.constant 8 : i32
      %mul3A_100 = arith.muli %while3A_61, %mul3A_99 : i32
      %add3A_101 = arith.constant 5 : i32
      %add3A_102 = arith.addi %mul3A_100, %add3A_101 : i32
      %lt3A_103 = arith.cmpi slt, %add3A_102, %select_n3A : i32
      %convert_element_type3A_104 = arith.extui %lt3A_103 : i1 to i32
      %cond3A_105 = arith.constant 0 : i32
      %cond3A_106 = arith.cmpi ne, %convert_element_type3A_104, %cond3A_105 : i32
      scf.if %cond3A_106 {
        %dma_start3A = arith.constant 0 : i32
        %dma_start3A_187 = tpu.memref_slice %arg4[%add3A_102, %dma_start3A] : memref<102x128xi32, #tpu.memory_space<vmem>> -> memref<1x128xi32, #tpu.memory_space<vmem>>
        %dma_start3A_188 = tpu.memref_squeeze %dma_start3A_187 : memref<1x128xi32, #tpu.memory_space<vmem>> -> memref<128xi32, #tpu.memory_space<vmem>>
        %dma_start3A_189 = arith.constant 0 : i32
        %dma_start3A_190 = tpu.memref_slice %arg7[%dma_start3A_189] : memref<10112xf32, #tpu.memory_space<vmem_shared>> -> memref<10112xf32, #tpu.memory_space<vmem_shared>>
        tpu.enqueue_indirect_dma source(%arg5 : memref<128xf32, #tpu.memory_space<vmem>>) target(%dma_start3A_190 : memref<10112xf32, #tpu.memory_space<vmem_shared>>) offsets(%dma_start3A_188 : memref<128xi32, #tpu.memory_space<vmem>>) semaphore(%arg8 : memref<!tpu.dma_semaphore, #tpu.memory_space<semaphore_mem>>) {add = true}
      } else {
      }
      %mul3A_107 = arith.constant 8 : i32
      %mul3A_108 = arith.muli %while3A_61, %mul3A_107 : i32
      %add3A_109 = arith.constant 6 : i32
      %add3A_110 = arith.addi %mul3A_108, %add3A_109 : i32
      %lt3A_111 = arith.cmpi slt, %add3A_110, %select_n3A : i32
      %convert_element_type3A_112 = arith.extui %lt3A_111 : i1 to i32
      %cond3A_113 = arith.constant 0 : i32
      %cond3A_114 = arith.cmpi ne, %convert_element_type3A_112, %cond3A_113 : i32
      scf.if %cond3A_114 {
        %dma_start3A = arith.constant 0 : i32
        %dma_start3A_187 = tpu.memref_slice %arg4[%add3A_110, %dma_start3A] : memref<102x128xi32, #tpu.memory_space<vmem>> -> memref<1x128xi32, #tpu.memory_space<vmem>>
        %dma_start3A_188 = tpu.memref_squeeze %dma_start3A_187 : memref<1x128xi32, #tpu.memory_space<vmem>> -> memref<128xi32, #tpu.memory_space<vmem>>
        %dma_start3A_189 = arith.constant 0 : i32
        %dma_start3A_190 = tpu.memref_slice %arg7[%dma_start3A_189] : memref<10112xf32, #tpu.memory_space<vmem_shared>> -> memref<10112xf32, #tpu.memory_space<vmem_shared>>
        tpu.enqueue_indirect_dma source(%arg5 : memref<128xf32, #tpu.memory_space<vmem>>) target(%dma_start3A_190 : memref<10112xf32, #tpu.memory_space<vmem_shared>>) offsets(%dma_start3A_188 : memref<128xi32, #tpu.memory_space<vmem>>) semaphore(%arg8 : memref<!tpu.dma_semaphore, #tpu.memory_space<semaphore_mem>>) {add = true}
      } else {
      }
      %mul3A_115 = arith.constant 8 : i32
      %mul3A_116 = arith.muli %while3A_61, %mul3A_115 : i32
      %add3A_117 = arith.constant 7 : i32
      %add3A_118 = arith.addi %mul3A_116, %add3A_117 : i32
      %lt3A_119 = arith.cmpi slt, %add3A_118, %select_n3A : i32
      %convert_element_type3A_120 = arith.extui %lt3A_119 : i1 to i32
      %cond3A_121 = arith.constant 0 : i32
      %cond3A_122 = arith.cmpi ne, %convert_element_type3A_120, %cond3A_121 : i32
      scf.if %cond3A_122 {
        %dma_start3A = arith.constant 0 : i32
        %dma_start3A_187 = tpu.memref_slice %arg4[%add3A_118, %dma_start3A] : memref<102x128xi32, #tpu.memory_space<vmem>> -> memref<1x128xi32, #tpu.memory_space<vmem>>
        %dma_start3A_188 = tpu.memref_squeeze %dma_start3A_187 : memref<1x128xi32, #tpu.memory_space<vmem>> -> memref<128xi32, #tpu.memory_space<vmem>>
        %dma_start3A_189 = arith.constant 0 : i32
        %dma_start3A_190 = tpu.memref_slice %arg7[%dma_start3A_189] : memref<10112xf32, #tpu.memory_space<vmem_shared>> -> memref<10112xf32, #tpu.memory_space<vmem_shared>>
        tpu.enqueue_indirect_dma source(%arg5 : memref<128xf32, #tpu.memory_space<vmem>>) target(%dma_start3A_190 : memref<10112xf32, #tpu.memory_space<vmem_shared>>) offsets(%dma_start3A_188 : memref<128xi32, #tpu.memory_space<vmem>>) semaphore(%arg8 : memref<!tpu.dma_semaphore, #tpu.memory_space<semaphore_mem>>) {add = true}
      } else {
      }
      %mul3A_123 = arith.constant 8 : i32
      %mul3A_124 = arith.muli %while3A_61, %mul3A_123 : i32
      %add3A_125 = arith.constant 0 : i32
      %add3A_126 = arith.addi %mul3A_124, %add3A_125 : i32
      %lt3A_127 = arith.cmpi slt, %add3A_126, %select_n3A : i32
      %convert_element_type3A_128 = arith.extui %lt3A_127 : i1 to i32
      %cond3A_129 = arith.constant 0 : i32
      %cond3A_130 = arith.cmpi ne, %convert_element_type3A_128, %cond3A_129 : i32
      scf.if %cond3A_130 {
        %dma_wait3A = arith.constant 0 : i32
        %dma_wait3A_187 = tpu.memref_slice %arg4[%add3A_126, %dma_wait3A] : memref<102x128xi32, #tpu.memory_space<vmem>> -> memref<1x128xi32, #tpu.memory_space<vmem>>
        %dma_wait3A_188 = tpu.memref_squeeze %dma_wait3A_187 : memref<1x128xi32, #tpu.memory_space<vmem>> -> memref<128xi32, #tpu.memory_space<vmem>>
        %dma_wait3A_189 = arith.constant 0 : i32
        %dma_wait3A_190 = tpu.memref_slice %arg7[%dma_wait3A_189] : memref<10112xf32, #tpu.memory_space<vmem_shared>> -> memref<10112xf32, #tpu.memory_space<vmem_shared>>
        tpu.wait_indirect_dma semaphore(%arg8 : memref<!tpu.dma_semaphore, #tpu.memory_space<semaphore_mem>>) src(%arg5 : memref<128xf32, #tpu.memory_space<vmem>>) dst(%dma_wait3A_190 : memref<10112xf32, #tpu.memory_space<vmem_shared>>)
      } else {
      }
      %mul3A_131 = arith.constant 8 : i32
      %mul3A_132 = arith.muli %while3A_61, %mul3A_131 : i32
      %add3A_133 = arith.constant 1 : i32
      %add3A_134 = arith.addi %mul3A_132, %add3A_133 : i32
      %lt3A_135 = arith.cmpi slt, %add3A_134, %select_n3A : i32
      %convert_element_type3A_136 = arith.extui %lt3A_135 : i1 to i32
      %cond3A_137 = arith.constant 0 : i32
      %cond3A_138 = arith.cmpi ne, %convert_element_type3A_136, %cond3A_137 : i32
      scf.if %cond3A_138 {
        %dma_wait3A = arith.constant 0 : i32
        %dma_wait3A_187 = tpu.memref_slice %arg4[%add3A_134, %dma_wait3A] : memref<102x128xi32, #tpu.memory_space<vmem>> -> memref<1x128xi32, #tpu.memory_space<vmem>>
        %dma_wait3A_188 = tpu.memref_squeeze %dma_wait3A_187 : memref<1x128xi32, #tpu.memory_space<vmem>> -> memref<128xi32, #tpu.memory_space<vmem>>
        %dma_wait3A_189 = arith.constant 0 : i32
        %dma_wait3A_190 = tpu.memref_slice %arg7[%dma_wait3A_189] : memref<10112xf32, #tpu.memory_space<vmem_shared>> -> memref<10112xf32, #tpu.memory_space<vmem_shared>>
        tpu.wait_indirect_dma semaphore(%arg8 : memref<!tpu.dma_semaphore, #tpu.memory_space<semaphore_mem>>) src(%arg5 : memref<128xf32, #tpu.memory_space<vmem>>) dst(%dma_wait3A_190 : memref<10112xf32, #tpu.memory_space<vmem_shared>>)
      } else {
      }
      %mul3A_139 = arith.constant 8 : i32
      %mul3A_140 = arith.muli %while3A_61, %mul3A_139 : i32
      %add3A_141 = arith.constant 2 : i32
      %add3A_142 = arith.addi %mul3A_140, %add3A_141 : i32
      %lt3A_143 = arith.cmpi slt, %add3A_142, %select_n3A : i32
      %convert_element_type3A_144 = arith.extui %lt3A_143 : i1 to i32
      %cond3A_145 = arith.constant 0 : i32
      %cond3A_146 = arith.cmpi ne, %convert_element_type3A_144, %cond3A_145 : i32
      scf.if %cond3A_146 {
        %dma_wait3A = arith.constant 0 : i32
        %dma_wait3A_187 = tpu.memref_slice %arg4[%add3A_142, %dma_wait3A] : memref<102x128xi32, #tpu.memory_space<vmem>> -> memref<1x128xi32, #tpu.memory_space<vmem>>
        %dma_wait3A_188 = tpu.memref_squeeze %dma_wait3A_187 : memref<1x128xi32, #tpu.memory_space<vmem>> -> memref<128xi32, #tpu.memory_space<vmem>>
        %dma_wait3A_189 = arith.constant 0 : i32
        %dma_wait3A_190 = tpu.memref_slice %arg7[%dma_wait3A_189] : memref<10112xf32, #tpu.memory_space<vmem_shared>> -> memref<10112xf32, #tpu.memory_space<vmem_shared>>
        tpu.wait_indirect_dma semaphore(%arg8 : memref<!tpu.dma_semaphore, #tpu.memory_space<semaphore_mem>>) src(%arg5 : memref<128xf32, #tpu.memory_space<vmem>>) dst(%dma_wait3A_190 : memref<10112xf32, #tpu.memory_space<vmem_shared>>)
      } else {
      }
      %mul3A_147 = arith.constant 8 : i32
      %mul3A_148 = arith.muli %while3A_61, %mul3A_147 : i32
      %add3A_149 = arith.constant 3 : i32
      %add3A_150 = arith.addi %mul3A_148, %add3A_149 : i32
      %lt3A_151 = arith.cmpi slt, %add3A_150, %select_n3A : i32
      %convert_element_type3A_152 = arith.extui %lt3A_151 : i1 to i32
      %cond3A_153 = arith.constant 0 : i32
      %cond3A_154 = arith.cmpi ne, %convert_element_type3A_152, %cond3A_153 : i32
      scf.if %cond3A_154 {
        %dma_wait3A = arith.constant 0 : i32
        %dma_wait3A_187 = tpu.memref_slice %arg4[%add3A_150, %dma_wait3A] : memref<102x128xi32, #tpu.memory_space<vmem>> -> memref<1x128xi32, #tpu.memory_space<vmem>>
        %dma_wait3A_188 = tpu.memref_squeeze %dma_wait3A_187 : memref<1x128xi32, #tpu.memory_space<vmem>> -> memref<128xi32, #tpu.memory_space<vmem>>
        %dma_wait3A_189 = arith.constant 0 : i32
        %dma_wait3A_190 = tpu.memref_slice %arg7[%dma_wait3A_189] : memref<10112xf32, #tpu.memory_space<vmem_shared>> -> memref<10112xf32, #tpu.memory_space<vmem_shared>>
        tpu.wait_indirect_dma semaphore(%arg8 : memref<!tpu.dma_semaphore, #tpu.memory_space<semaphore_mem>>) src(%arg5 : memref<128xf32, #tpu.memory_space<vmem>>) dst(%dma_wait3A_190 : memref<10112xf32, #tpu.memory_space<vmem_shared>>)
      } else {
      }
      %mul3A_155 = arith.constant 8 : i32
      %mul3A_156 = arith.muli %while3A_61, %mul3A_155 : i32
      %add3A_157 = arith.constant 4 : i32
      %add3A_158 = arith.addi %mul3A_156, %add3A_157 : i32
      %lt3A_159 = arith.cmpi slt, %add3A_158, %select_n3A : i32
      %convert_element_type3A_160 = arith.extui %lt3A_159 : i1 to i32
      %cond3A_161 = arith.constant 0 : i32
      %cond3A_162 = arith.cmpi ne, %convert_element_type3A_160, %cond3A_161 : i32
      scf.if %cond3A_162 {
        %dma_wait3A = arith.constant 0 : i32
        %dma_wait3A_187 = tpu.memref_slice %arg4[%add3A_158, %dma_wait3A] : memref<102x128xi32, #tpu.memory_space<vmem>> -> memref<1x128xi32, #tpu.memory_space<vmem>>
        %dma_wait3A_188 = tpu.memref_squeeze %dma_wait3A_187 : memref<1x128xi32, #tpu.memory_space<vmem>> -> memref<128xi32, #tpu.memory_space<vmem>>
        %dma_wait3A_189 = arith.constant 0 : i32
        %dma_wait3A_190 = tpu.memref_slice %arg7[%dma_wait3A_189] : memref<10112xf32, #tpu.memory_space<vmem_shared>> -> memref<10112xf32, #tpu.memory_space<vmem_shared>>
        tpu.wait_indirect_dma semaphore(%arg8 : memref<!tpu.dma_semaphore, #tpu.memory_space<semaphore_mem>>) src(%arg5 : memref<128xf32, #tpu.memory_space<vmem>>) dst(%dma_wait3A_190 : memref<10112xf32, #tpu.memory_space<vmem_shared>>)
      } else {
      }
      %mul3A_163 = arith.constant 8 : i32
      %mul3A_164 = arith.muli %while3A_61, %mul3A_163 : i32
      %add3A_165 = arith.constant 5 : i32
      %add3A_166 = arith.addi %mul3A_164, %add3A_165 : i32
      %lt3A_167 = arith.cmpi slt, %add3A_166, %select_n3A : i32
      %convert_element_type3A_168 = arith.extui %lt3A_167 : i1 to i32
      %cond3A_169 = arith.constant 0 : i32
      %cond3A_170 = arith.cmpi ne, %convert_element_type3A_168, %cond3A_169 : i32
      scf.if %cond3A_170 {
        %dma_wait3A = arith.constant 0 : i32
        %dma_wait3A_187 = tpu.memref_slice %arg4[%add3A_166, %dma_wait3A] : memref<102x128xi32, #tpu.memory_space<vmem>> -> memref<1x128xi32, #tpu.memory_space<vmem>>
        %dma_wait3A_188 = tpu.memref_squeeze %dma_wait3A_187 : memref<1x128xi32, #tpu.memory_space<vmem>> -> memref<128xi32, #tpu.memory_space<vmem>>
        %dma_wait3A_189 = arith.constant 0 : i32
        %dma_wait3A_190 = tpu.memref_slice %arg7[%dma_wait3A_189] : memref<10112xf32, #tpu.memory_space<vmem_shared>> -> memref<10112xf32, #tpu.memory_space<vmem_shared>>
        tpu.wait_indirect_dma semaphore(%arg8 : memref<!tpu.dma_semaphore, #tpu.memory_space<semaphore_mem>>) src(%arg5 : memref<128xf32, #tpu.memory_space<vmem>>) dst(%dma_wait3A_190 : memref<10112xf32, #tpu.memory_space<vmem_shared>>)
      } else {
      }
      %mul3A_171 = arith.constant 8 : i32
      %mul3A_172 = arith.muli %while3A_61, %mul3A_171 : i32
      %add3A_173 = arith.constant 6 : i32
      %add3A_174 = arith.addi %mul3A_172, %add3A_173 : i32
      %lt3A_175 = arith.cmpi slt, %add3A_174, %select_n3A : i32
      %convert_element_type3A_176 = arith.extui %lt3A_175 : i1 to i32
      %cond3A_177 = arith.constant 0 : i32
      %cond3A_178 = arith.cmpi ne, %convert_element_type3A_176, %cond3A_177 : i32
      scf.if %cond3A_178 {
        %dma_wait3A = arith.constant 0 : i32
        %dma_wait3A_187 = tpu.memref_slice %arg4[%add3A_174, %dma_wait3A] : memref<102x128xi32, #tpu.memory_space<vmem>> -> memref<1x128xi32, #tpu.memory_space<vmem>>
        %dma_wait3A_188 = tpu.memref_squeeze %dma_wait3A_187 : memref<1x128xi32, #tpu.memory_space<vmem>> -> memref<128xi32, #tpu.memory_space<vmem>>
        %dma_wait3A_189 = arith.constant 0 : i32
        %dma_wait3A_190 = tpu.memref_slice %arg7[%dma_wait3A_189] : memref<10112xf32, #tpu.memory_space<vmem_shared>> -> memref<10112xf32, #tpu.memory_space<vmem_shared>>
        tpu.wait_indirect_dma semaphore(%arg8 : memref<!tpu.dma_semaphore, #tpu.memory_space<semaphore_mem>>) src(%arg5 : memref<128xf32, #tpu.memory_space<vmem>>) dst(%dma_wait3A_190 : memref<10112xf32, #tpu.memory_space<vmem_shared>>)
      } else {
      }
      %mul3A_179 = arith.constant 8 : i32
      %mul3A_180 = arith.muli %while3A_61, %mul3A_179 : i32
      %add3A_181 = arith.constant 7 : i32
      %add3A_182 = arith.addi %mul3A_180, %add3A_181 : i32
      %lt3A_183 = arith.cmpi slt, %add3A_182, %select_n3A : i32
      %convert_element_type3A_184 = arith.extui %lt3A_183 : i1 to i32
      %cond3A_185 = arith.constant 0 : i32
      %cond3A_186 = arith.cmpi ne, %convert_element_type3A_184, %cond3A_185 : i32
      scf.if %cond3A_186 {
        %dma_wait3A = arith.constant 0 : i32
        %dma_wait3A_187 = tpu.memref_slice %arg4[%add3A_182, %dma_wait3A] : memref<102x128xi32, #tpu.memory_space<vmem>> -> memref<1x128xi32, #tpu.memory_space<vmem>>
        %dma_wait3A_188 = tpu.memref_squeeze %dma_wait3A_187 : memref<1x128xi32, #tpu.memory_space<vmem>> -> memref<128xi32, #tpu.memory_space<vmem>>
        %dma_wait3A_189 = arith.constant 0 : i32
        %dma_wait3A_190 = tpu.memref_slice %arg7[%dma_wait3A_189] : memref<10112xf32, #tpu.memory_space<vmem_shared>> -> memref<10112xf32, #tpu.memory_space<vmem_shared>>
        tpu.wait_indirect_dma semaphore(%arg8 : memref<!tpu.dma_semaphore, #tpu.memory_space<semaphore_mem>>) src(%arg5 : memref<128xf32, #tpu.memory_space<vmem>>) dst(%dma_wait3A_190 : memref<10112xf32, #tpu.memory_space<vmem_shared>>)
      } else {
      }
    }
    %while3A_52 = arith.constant 1 : i32
    scf.for %while3A_61 = %while3A_50 to %while3A_46 step %while3A_52  : i32 {
      %mul3A_62 = arith.constant 8 : i32
      %mul3A_63 = arith.muli %while3A_61, %mul3A_62 : i32
      %add3A_64 = arith.constant 0 : i32
      %add3A_65 = arith.addi %mul3A_63, %add3A_64 : i32
      %lt3A = arith.cmpi slt, %add3A_65, %select_n3A : i32
      %convert_element_type3A = arith.extui %lt3A : i1 to i32
      %cond3A = arith.constant 0 : i32
      %cond3A_66 = arith.cmpi ne, %convert_element_type3A, %cond3A : i32
      scf.if %cond3A_66 {
        %dma_start3A = arith.constant 0 : i32
        %dma_start3A_187 = tpu.memref_slice %arg4[%add3A_65, %dma_start3A] : memref<102x128xi32, #tpu.memory_space<vmem>> -> memref<1x128xi32, #tpu.memory_space<vmem>>
        %dma_start3A_188 = tpu.memref_squeeze %dma_start3A_187 : memref<1x128xi32, #tpu.memory_space<vmem>> -> memref<128xi32, #tpu.memory_space<vmem>>
        %dma_start3A_189 = arith.constant 0 : i32
        %dma_start3A_190 = tpu.memref_slice %arg7[%dma_start3A_189] : memref<10112xf32, #tpu.memory_space<vmem_shared>> -> memref<10112xf32, #tpu.memory_space<vmem_shared>>
        tpu.enqueue_indirect_dma source(%arg5 : memref<128xf32, #tpu.memory_space<vmem>>) target(%dma_start3A_190 : memref<10112xf32, #tpu.memory_space<vmem_shared>>) offsets(%dma_start3A_188 : memref<128xi32, #tpu.memory_space<vmem>>) semaphore(%arg8 : memref<!tpu.dma_semaphore, #tpu.memory_space<semaphore_mem>>) {add = true}
      } else {
      }
      %mul3A_67 = arith.constant 8 : i32
      %mul3A_68 = arith.muli %while3A_61, %mul3A_67 : i32
      %add3A_69 = arith.constant 1 : i32
      %add3A_70 = arith.addi %mul3A_68, %add3A_69 : i32
      %lt3A_71 = arith.cmpi slt, %add3A_70, %select_n3A : i32
      %convert_element_type3A_72 = arith.extui %lt3A_71 : i1 to i32
      %cond3A_73 = arith.constant 0 : i32
      %cond3A_74 = arith.cmpi ne, %convert_element_type3A_72, %cond3A_73 : i32
      scf.if %cond3A_74 {
        %dma_start3A = arith.constant 0 : i32
        %dma_start3A_187 = tpu.memref_slice %arg4[%add3A_70, %dma_start3A] : memref<102x128xi32, #tpu.memory_space<vmem>> -> memref<1x128xi32, #tpu.memory_space<vmem>>
        %dma_start3A_188 = tpu.memref_squeeze %dma_start3A_187 : memref<1x128xi32, #tpu.memory_space<vmem>> -> memref<128xi32, #tpu.memory_space<vmem>>
        %dma_start3A_189 = arith.constant 0 : i32
        %dma_start3A_190 = tpu.memref_slice %arg7[%dma_start3A_189] : memref<10112xf32, #tpu.memory_space<vmem_shared>> -> memref<10112xf32, #tpu.memory_space<vmem_shared>>
        tpu.enqueue_indirect_dma source(%arg5 : memref<128xf32, #tpu.memory_space<vmem>>) target(%dma_start3A_190 : memref<10112xf32, #tpu.memory_space<vmem_shared>>) offsets(%dma_start3A_188 : memref<128xi32, #tpu.memory_space<vmem>>) semaphore(%arg8 : memref<!tpu.dma_semaphore, #tpu.memory_space<semaphore_mem>>) {add = true}
      } else {
      }
      %mul3A_75 = arith.constant 8 : i32
      %mul3A_76 = arith.muli %while3A_61, %mul3A_75 : i32
      %add3A_77 = arith.constant 2 : i32
      %add3A_78 = arith.addi %mul3A_76, %add3A_77 : i32
      %lt3A_79 = arith.cmpi slt, %add3A_78, %select_n3A : i32
      %convert_element_type3A_80 = arith.extui %lt3A_79 : i1 to i32
      %cond3A_81 = arith.constant 0 : i32
      %cond3A_82 = arith.cmpi ne, %convert_element_type3A_80, %cond3A_81 : i32
      scf.if %cond3A_82 {
        %dma_start3A = arith.constant 0 : i32
        %dma_start3A_187 = tpu.memref_slice %arg4[%add3A_78, %dma_start3A] : memref<102x128xi32, #tpu.memory_space<vmem>> -> memref<1x128xi32, #tpu.memory_space<vmem>>
        %dma_start3A_188 = tpu.memref_squeeze %dma_start3A_187 : memref<1x128xi32, #tpu.memory_space<vmem>> -> memref<128xi32, #tpu.memory_space<vmem>>
        %dma_start3A_189 = arith.constant 0 : i32
        %dma_start3A_190 = tpu.memref_slice %arg7[%dma_start3A_189] : memref<10112xf32, #tpu.memory_space<vmem_shared>> -> memref<10112xf32, #tpu.memory_space<vmem_shared>>
        tpu.enqueue_indirect_dma source(%arg5 : memref<128xf32, #tpu.memory_space<vmem>>) target(%dma_start3A_190 : memref<10112xf32, #tpu.memory_space<vmem_shared>>) offsets(%dma_start3A_188 : memref<128xi32, #tpu.memory_space<vmem>>) semaphore(%arg8 : memref<!tpu.dma_semaphore, #tpu.memory_space<semaphore_mem>>) {add = true}
      } else {
      }
      %mul3A_83 = arith.constant 8 : i32
      %mul3A_84 = arith.muli %while3A_61, %mul3A_83 : i32
      %add3A_85 = arith.constant 3 : i32
      %add3A_86 = arith.addi %mul3A_84, %add3A_85 : i32
      %lt3A_87 = arith.cmpi slt, %add3A_86, %select_n3A : i32
      %convert_element_type3A_88 = arith.extui %lt3A_87 : i1 to i32
      %cond3A_89 = arith.constant 0 : i32
      %cond3A_90 = arith.cmpi ne, %convert_element_type3A_88, %cond3A_89 : i32
      scf.if %cond3A_90 {
        %dma_start3A = arith.constant 0 : i32
        %dma_start3A_187 = tpu.memref_slice %arg4[%add3A_86, %dma_start3A] : memref<102x128xi32, #tpu.memory_space<vmem>> -> memref<1x128xi32, #tpu.memory_space<vmem>>
        %dma_start3A_188 = tpu.memref_squeeze %dma_start3A_187 : memref<1x128xi32, #tpu.memory_space<vmem>> -> memref<128xi32, #tpu.memory_space<vmem>>
        %dma_start3A_189 = arith.constant 0 : i32
        %dma_start3A_190 = tpu.memref_slice %arg7[%dma_start3A_189] : memref<10112xf32, #tpu.memory_space<vmem_shared>> -> memref<10112xf32, #tpu.memory_space<vmem_shared>>
        tpu.enqueue_indirect_dma source(%arg5 : memref<128xf32, #tpu.memory_space<vmem>>) target(%dma_start3A_190 : memref<10112xf32, #tpu.memory_space<vmem_shared>>) offsets(%dma_start3A_188 : memref<128xi32, #tpu.memory_space<vmem>>) semaphore(%arg8 : memref<!tpu.dma_semaphore, #tpu.memory_space<semaphore_mem>>) {add = true}
      } else {
      }
      %mul3A_91 = arith.constant 8 : i32
      %mul3A_92 = arith.muli %while3A_61, %mul3A_91 : i32
      %add3A_93 = arith.constant 4 : i32
      %add3A_94 = arith.addi %mul3A_92, %add3A_93 : i32
      %lt3A_95 = arith.cmpi slt, %add3A_94, %select_n3A : i32
      %convert_element_type3A_96 = arith.extui %lt3A_95 : i1 to i32
      %cond3A_97 = arith.constant 0 : i32
      %cond3A_98 = arith.cmpi ne, %convert_element_type3A_96, %cond3A_97 : i32
      scf.if %cond3A_98 {
        %dma_start3A = arith.constant 0 : i32
        %dma_start3A_187 = tpu.memref_slice %arg4[%add3A_94, %dma_start3A] : memref<102x128xi32, #tpu.memory_space<vmem>> -> memref<1x128xi32, #tpu.memory_space<vmem>>
        %dma_start3A_188 = tpu.memref_squeeze %dma_start3A_187 : memref<1x128xi32, #tpu.memory_space<vmem>> -> memref<128xi32, #tpu.memory_space<vmem>>
        %dma_start3A_189 = arith.constant 0 : i32
        %dma_start3A_190 = tpu.memref_slice %arg7[%dma_start3A_189] : memref<10112xf32, #tpu.memory_space<vmem_shared>> -> memref<10112xf32, #tpu.memory_space<vmem_shared>>
        tpu.enqueue_indirect_dma source(%arg5 : memref<128xf32, #tpu.memory_space<vmem>>) target(%dma_start3A_190 : memref<10112xf32, #tpu.memory_space<vmem_shared>>) offsets(%dma_start3A_188 : memref<128xi32, #tpu.memory_space<vmem>>) semaphore(%arg8 : memref<!tpu.dma_semaphore, #tpu.memory_space<semaphore_mem>>) {add = true}
      } else {
      }
      %mul3A_99 = arith.constant 8 : i32
      %mul3A_100 = arith.muli %while3A_61, %mul3A_99 : i32
      %add3A_101 = arith.constant 5 : i32
      %add3A_102 = arith.addi %mul3A_100, %add3A_101 : i32
      %lt3A_103 = arith.cmpi slt, %add3A_102, %select_n3A : i32
      %convert_element_type3A_104 = arith.extui %lt3A_103 : i1 to i32
      %cond3A_105 = arith.constant 0 : i32
      %cond3A_106 = arith.cmpi ne, %convert_element_type3A_104, %cond3A_105 : i32
      scf.if %cond3A_106 {
        %dma_start3A = arith.constant 0 : i32
        %dma_start3A_187 = tpu.memref_slice %arg4[%add3A_102, %dma_start3A] : memref<102x128xi32, #tpu.memory_space<vmem>> -> memref<1x128xi32, #tpu.memory_space<vmem>>
        %dma_start3A_188 = tpu.memref_squeeze %dma_start3A_187 : memref<1x128xi32, #tpu.memory_space<vmem>> -> memref<128xi32, #tpu.memory_space<vmem>>
        %dma_start3A_189 = arith.constant 0 : i32
        %dma_start3A_190 = tpu.memref_slice %arg7[%dma_start3A_189] : memref<10112xf32, #tpu.memory_space<vmem_shared>> -> memref<10112xf32, #tpu.memory_space<vmem_shared>>
        tpu.enqueue_indirect_dma source(%arg5 : memref<128xf32, #tpu.memory_space<vmem>>) target(%dma_start3A_190 : memref<10112xf32, #tpu.memory_space<vmem_shared>>) offsets(%dma_start3A_188 : memref<128xi32, #tpu.memory_space<vmem>>) semaphore(%arg8 : memref<!tpu.dma_semaphore, #tpu.memory_space<semaphore_mem>>) {add = true}
      } else {
      }
      %mul3A_107 = arith.constant 8 : i32
      %mul3A_108 = arith.muli %while3A_61, %mul3A_107 : i32
      %add3A_109 = arith.constant 6 : i32
      %add3A_110 = arith.addi %mul3A_108, %add3A_109 : i32
      %lt3A_111 = arith.cmpi slt, %add3A_110, %select_n3A : i32
      %convert_element_type3A_112 = arith.extui %lt3A_111 : i1 to i32
      %cond3A_113 = arith.constant 0 : i32
      %cond3A_114 = arith.cmpi ne, %convert_element_type3A_112, %cond3A_113 : i32
      scf.if %cond3A_114 {
        %dma_start3A = arith.constant 0 : i32
        %dma_start3A_187 = tpu.memref_slice %arg4[%add3A_110, %dma_start3A] : memref<102x128xi32, #tpu.memory_space<vmem>> -> memref<1x128xi32, #tpu.memory_space<vmem>>
        %dma_start3A_188 = tpu.memref_squeeze %dma_start3A_187 : memref<1x128xi32, #tpu.memory_space<vmem>> -> memref<128xi32, #tpu.memory_space<vmem>>
        %dma_start3A_189 = arith.constant 0 : i32
        %dma_start3A_190 = tpu.memref_slice %arg7[%dma_start3A_189] : memref<10112xf32, #tpu.memory_space<vmem_shared>> -> memref<10112xf32, #tpu.memory_space<vmem_shared>>
        tpu.enqueue_indirect_dma source(%arg5 : memref<128xf32, #tpu.memory_space<vmem>>) target(%dma_start3A_190 : memref<10112xf32, #tpu.memory_space<vmem_shared>>) offsets(%dma_start3A_188 : memref<128xi32, #tpu.memory_space<vmem>>) semaphore(%arg8 : memref<!tpu.dma_semaphore, #tpu.memory_space<semaphore_mem>>) {add = true}
      } else {
      }
      %mul3A_115 = arith.constant 8 : i32
      %mul3A_116 = arith.muli %while3A_61, %mul3A_115 : i32
      %add3A_117 = arith.constant 7 : i32
      %add3A_118 = arith.addi %mul3A_116, %add3A_117 : i32
      %lt3A_119 = arith.cmpi slt, %add3A_118, %select_n3A : i32
      %convert_element_type3A_120 = arith.extui %lt3A_119 : i1 to i32
      %cond3A_121 = arith.constant 0 : i32
      %cond3A_122 = arith.cmpi ne, %convert_element_type3A_120, %cond3A_121 : i32
      scf.if %cond3A_122 {
        %dma_start3A = arith.constant 0 : i32
        %dma_start3A_187 = tpu.memref_slice %arg4[%add3A_118, %dma_start3A] : memref<102x128xi32, #tpu.memory_space<vmem>> -> memref<1x128xi32, #tpu.memory_space<vmem>>
        %dma_start3A_188 = tpu.memref_squeeze %dma_start3A_187 : memref<1x128xi32, #tpu.memory_space<vmem>> -> memref<128xi32, #tpu.memory_space<vmem>>
        %dma_start3A_189 = arith.constant 0 : i32
        %dma_start3A_190 = tpu.memref_slice %arg7[%dma_start3A_189] : memref<10112xf32, #tpu.memory_space<vmem_shared>> -> memref<10112xf32, #tpu.memory_space<vmem_shared>>
        tpu.enqueue_indirect_dma source(%arg5 : memref<128xf32, #tpu.memory_space<vmem>>) target(%dma_start3A_190 : memref<10112xf32, #tpu.memory_space<vmem_shared>>) offsets(%dma_start3A_188 : memref<128xi32, #tpu.memory_space<vmem>>) semaphore(%arg8 : memref<!tpu.dma_semaphore, #tpu.memory_space<semaphore_mem>>) {add = true}
      } else {
      }
      %mul3A_123 = arith.constant 8 : i32
      %mul3A_124 = arith.muli %while3A_61, %mul3A_123 : i32
      %add3A_125 = arith.constant 0 : i32
      %add3A_126 = arith.addi %mul3A_124, %add3A_125 : i32
      %lt3A_127 = arith.cmpi slt, %add3A_126, %select_n3A : i32
      %convert_element_type3A_128 = arith.extui %lt3A_127 : i1 to i32
      %cond3A_129 = arith.constant 0 : i32
      %cond3A_130 = arith.cmpi ne, %convert_element_type3A_128, %cond3A_129 : i32
      scf.if %cond3A_130 {
        %dma_wait3A = arith.constant 0 : i32
        %dma_wait3A_187 = tpu.memref_slice %arg4[%add3A_126, %dma_wait3A] : memref<102x128xi32, #tpu.memory_space<vmem>> -> memref<1x128xi32, #tpu.memory_space<vmem>>
        %dma_wait3A_188 = tpu.memref_squeeze %dma_wait3A_187 : memref<1x128xi32, #tpu.memory_space<vmem>> -> memref<128xi32, #tpu.memory_space<vmem>>
        %dma_wait3A_189 = arith.constant 0 : i32
        %dma_wait3A_190 = tpu.memref_slice %arg7[%dma_wait3A_189] : memref<10112xf32, #tpu.memory_space<vmem_shared>> -> memref<10112xf32, #tpu.memory_space<vmem_shared>>
        tpu.wait_indirect_dma semaphore(%arg8 : memref<!tpu.dma_semaphore, #tpu.memory_space<semaphore_mem>>) src(%arg5 : memref<128xf32, #tpu.memory_space<vmem>>) dst(%dma_wait3A_190 : memref<10112xf32, #tpu.memory_space<vmem_shared>>)
      } else {
      }
      %mul3A_131 = arith.constant 8 : i32
      %mul3A_132 = arith.muli %while3A_61, %mul3A_131 : i32
      %add3A_133 = arith.constant 1 : i32
      %add3A_134 = arith.addi %mul3A_132, %add3A_133 : i32
      %lt3A_135 = arith.cmpi slt, %add3A_134, %select_n3A : i32
      %convert_element_type3A_136 = arith.extui %lt3A_135 : i1 to i32
      %cond3A_137 = arith.constant 0 : i32
      %cond3A_138 = arith.cmpi ne, %convert_element_type3A_136, %cond3A_137 : i32
      scf.if %cond3A_138 {
        %dma_wait3A = arith.constant 0 : i32
        %dma_wait3A_187 = tpu.memref_slice %arg4[%add3A_134, %dma_wait3A] : memref<102x128xi32, #tpu.memory_space<vmem>> -> memref<1x128xi32, #tpu.memory_space<vmem>>
        %dma_wait3A_188 = tpu.memref_squeeze %dma_wait3A_187 : memref<1x128xi32, #tpu.memory_space<vmem>> -> memref<128xi32, #tpu.memory_space<vmem>>
        %dma_wait3A_189 = arith.constant 0 : i32
        %dma_wait3A_190 = tpu.memref_slice %arg7[%dma_wait3A_189] : memref<10112xf32, #tpu.memory_space<vmem_shared>> -> memref<10112xf32, #tpu.memory_space<vmem_shared>>
        tpu.wait_indirect_dma semaphore(%arg8 : memref<!tpu.dma_semaphore, #tpu.memory_space<semaphore_mem>>) src(%arg5 : memref<128xf32, #tpu.memory_space<vmem>>) dst(%dma_wait3A_190 : memref<10112xf32, #tpu.memory_space<vmem_shared>>)
      } else {
      }
      %mul3A_139 = arith.constant 8 : i32
      %mul3A_140 = arith.muli %while3A_61, %mul3A_139 : i32
      %add3A_141 = arith.constant 2 : i32
      %add3A_142 = arith.addi %mul3A_140, %add3A_141 : i32
      %lt3A_143 = arith.cmpi slt, %add3A_142, %select_n3A : i32
      %convert_element_type3A_144 = arith.extui %lt3A_143 : i1 to i32
      %cond3A_145 = arith.constant 0 : i32
      %cond3A_146 = arith.cmpi ne, %convert_element_type3A_144, %cond3A_145 : i32
      scf.if %cond3A_146 {
        %dma_wait3A = arith.constant 0 : i32
        %dma_wait3A_187 = tpu.memref_slice %arg4[%add3A_142, %dma_wait3A] : memref<102x128xi32, #tpu.memory_space<vmem>> -> memref<1x128xi32, #tpu.memory_space<vmem>>
        %dma_wait3A_188 = tpu.memref_squeeze %dma_wait3A_187 : memref<1x128xi32, #tpu.memory_space<vmem>> -> memref<128xi32, #tpu.memory_space<vmem>>
        %dma_wait3A_189 = arith.constant 0 : i32
        %dma_wait3A_190 = tpu.memref_slice %arg7[%dma_wait3A_189] : memref<10112xf32, #tpu.memory_space<vmem_shared>> -> memref<10112xf32, #tpu.memory_space<vmem_shared>>
        tpu.wait_indirect_dma semaphore(%arg8 : memref<!tpu.dma_semaphore, #tpu.memory_space<semaphore_mem>>) src(%arg5 : memref<128xf32, #tpu.memory_space<vmem>>) dst(%dma_wait3A_190 : memref<10112xf32, #tpu.memory_space<vmem_shared>>)
      } else {
      }
      %mul3A_147 = arith.constant 8 : i32
      %mul3A_148 = arith.muli %while3A_61, %mul3A_147 : i32
      %add3A_149 = arith.constant 3 : i32
      %add3A_150 = arith.addi %mul3A_148, %add3A_149 : i32
      %lt3A_151 = arith.cmpi slt, %add3A_150, %select_n3A : i32
      %convert_element_type3A_152 = arith.extui %lt3A_151 : i1 to i32
      %cond3A_153 = arith.constant 0 : i32
      %cond3A_154 = arith.cmpi ne, %convert_element_type3A_152, %cond3A_153 : i32
      scf.if %cond3A_154 {
        %dma_wait3A = arith.constant 0 : i32
        %dma_wait3A_187 = tpu.memref_slice %arg4[%add3A_150, %dma_wait3A] : memref<102x128xi32, #tpu.memory_space<vmem>> -> memref<1x128xi32, #tpu.memory_space<vmem>>
        %dma_wait3A_188 = tpu.memref_squeeze %dma_wait3A_187 : memref<1x128xi32, #tpu.memory_space<vmem>> -> memref<128xi32, #tpu.memory_space<vmem>>
        %dma_wait3A_189 = arith.constant 0 : i32
        %dma_wait3A_190 = tpu.memref_slice %arg7[%dma_wait3A_189] : memref<10112xf32, #tpu.memory_space<vmem_shared>> -> memref<10112xf32, #tpu.memory_space<vmem_shared>>
        tpu.wait_indirect_dma semaphore(%arg8 : memref<!tpu.dma_semaphore, #tpu.memory_space<semaphore_mem>>) src(%arg5 : memref<128xf32, #tpu.memory_space<vmem>>) dst(%dma_wait3A_190 : memref<10112xf32, #tpu.memory_space<vmem_shared>>)
      } else {
      }
      %mul3A_155 = arith.constant 8 : i32
      %mul3A_156 = arith.muli %while3A_61, %mul3A_155 : i32
      %add3A_157 = arith.constant 4 : i32
      %add3A_158 = arith.addi %mul3A_156, %add3A_157 : i32
      %lt3A_159 = arith.cmpi slt, %add3A_158, %select_n3A : i32
      %convert_element_type3A_160 = arith.extui %lt3A_159 : i1 to i32
      %cond3A_161 = arith.constant 0 : i32
      %cond3A_162 = arith.cmpi ne, %convert_element_type3A_160, %cond3A_161 : i32
      scf.if %cond3A_162 {
        %dma_wait3A = arith.constant 0 : i32
        %dma_wait3A_187 = tpu.memref_slice %arg4[%add3A_158, %dma_wait3A] : memref<102x128xi32, #tpu.memory_space<vmem>> -> memref<1x128xi32, #tpu.memory_space<vmem>>
        %dma_wait3A_188 = tpu.memref_squeeze %dma_wait3A_187 : memref<1x128xi32, #tpu.memory_space<vmem>> -> memref<128xi32, #tpu.memory_space<vmem>>
        %dma_wait3A_189 = arith.constant 0 : i32
        %dma_wait3A_190 = tpu.memref_slice %arg7[%dma_wait3A_189] : memref<10112xf32, #tpu.memory_space<vmem_shared>> -> memref<10112xf32, #tpu.memory_space<vmem_shared>>
        tpu.wait_indirect_dma semaphore(%arg8 : memref<!tpu.dma_semaphore, #tpu.memory_space<semaphore_mem>>) src(%arg5 : memref<128xf32, #tpu.memory_space<vmem>>) dst(%dma_wait3A_190 : memref<10112xf32, #tpu.memory_space<vmem_shared>>)
      } else {
      }
      %mul3A_163 = arith.constant 8 : i32
      %mul3A_164 = arith.muli %while3A_61, %mul3A_163 : i32
      %add3A_165 = arith.constant 5 : i32
      %add3A_166 = arith.addi %mul3A_164, %add3A_165 : i32
      %lt3A_167 = arith.cmpi slt, %add3A_166, %select_n3A : i32
      %convert_element_type3A_168 = arith.extui %lt3A_167 : i1 to i32
      %cond3A_169 = arith.constant 0 : i32
      %cond3A_170 = arith.cmpi ne, %convert_element_type3A_168, %cond3A_169 : i32
      scf.if %cond3A_170 {
        %dma_wait3A = arith.constant 0 : i32
        %dma_wait3A_187 = tpu.memref_slice %arg4[%add3A_166, %dma_wait3A] : memref<102x128xi32, #tpu.memory_space<vmem>> -> memref<1x128xi32, #tpu.memory_space<vmem>>
        %dma_wait3A_188 = tpu.memref_squeeze %dma_wait3A_187 : memref<1x128xi32, #tpu.memory_space<vmem>> -> memref<128xi32, #tpu.memory_space<vmem>>
        %dma_wait3A_189 = arith.constant 0 : i32
        %dma_wait3A_190 = tpu.memref_slice %arg7[%dma_wait3A_189] : memref<10112xf32, #tpu.memory_space<vmem_shared>> -> memref<10112xf32, #tpu.memory_space<vmem_shared>>
        tpu.wait_indirect_dma semaphore(%arg8 : memref<!tpu.dma_semaphore, #tpu.memory_space<semaphore_mem>>) src(%arg5 : memref<128xf32, #tpu.memory_space<vmem>>) dst(%dma_wait3A_190 : memref<10112xf32, #tpu.memory_space<vmem_shared>>)
      } else {
      }
      %mul3A_171 = arith.constant 8 : i32
      %mul3A_172 = arith.muli %while3A_61, %mul3A_171 : i32
      %add3A_173 = arith.constant 6 : i32
      %add3A_174 = arith.addi %mul3A_172, %add3A_173 : i32
      %lt3A_175 = arith.cmpi slt, %add3A_174, %select_n3A : i32
      %convert_element_type3A_176 = arith.extui %lt3A_175 : i1 to i32
      %cond3A_177 = arith.constant 0 : i32
      %cond3A_178 = arith.cmpi ne, %convert_element_type3A_176, %cond3A_177 : i32
      scf.if %cond3A_178 {
        %dma_wait3A = arith.constant 0 : i32
        %dma_wait3A_187 = tpu.memref_slice %arg4[%add3A_174, %dma_wait3A] : memref<102x128xi32, #tpu.memory_space<vmem>> -> memref<1x128xi32, #tpu.memory_space<vmem>>
        %dma_wait3A_188 = tpu.memref_squeeze %dma_wait3A_187 : memref<1x128xi32, #tpu.memory_space<vmem>> -> memref<128xi32, #tpu.memory_space<vmem>>
        %dma_wait3A_189 = arith.constant 0 : i32
        %dma_wait3A_190 = tpu.memref_slice %arg7[%dma_wait3A_189] : memref<10112xf32, #tpu.memory_space<vmem_shared>> -> memref<10112xf32, #tpu.memory_space<vmem_shared>>
        tpu.wait_indirect_dma semaphore(%arg8 : memref<!tpu.dma_semaphore, #tpu.memory_space<semaphore_mem>>) src(%arg5 : memref<128xf32, #tpu.memory_space<vmem>>) dst(%dma_wait3A_190 : memref<10112xf32, #tpu.memory_space<vmem_shared>>)
      } else {
      }
      %mul3A_179 = arith.constant 8 : i32
      %mul3A_180 = arith.muli %while3A_61, %mul3A_179 : i32
      %add3A_181 = arith.constant 7 : i32
      %add3A_182 = arith.addi %mul3A_180, %add3A_181 : i32
      %lt3A_183 = arith.cmpi slt, %add3A_182, %select_n3A : i32
      %convert_element_type3A_184 = arith.extui %lt3A_183 : i1 to i32
      %cond3A_185 = arith.constant 0 : i32
      %cond3A_186 = arith.cmpi ne, %convert_element_type3A_184, %cond3A_185 : i32
      scf.if %cond3A_186 {
        %dma_wait3A = arith.constant 0 : i32
        %dma_wait3A_187 = tpu.memref_slice %arg4[%add3A_182, %dma_wait3A] : memref<102x128xi32, #tpu.memory_space<vmem>> -> memref<1x128xi32, #tpu.memory_space<vmem>>
        %dma_wait3A_188 = tpu.memref_squeeze %dma_wait3A_187 : memref<1x128xi32, #tpu.memory_space<vmem>> -> memref<128xi32, #tpu.memory_space<vmem>>
        %dma_wait3A_189 = arith.constant 0 : i32
        %dma_wait3A_190 = tpu.memref_slice %arg7[%dma_wait3A_189] : memref<10112xf32, #tpu.memory_space<vmem_shared>> -> memref<10112xf32, #tpu.memory_space<vmem_shared>>
        tpu.wait_indirect_dma semaphore(%arg8 : memref<!tpu.dma_semaphore, #tpu.memory_space<semaphore_mem>>) src(%arg5 : memref<128xf32, #tpu.memory_space<vmem>>) dst(%dma_wait3A_190 : memref<10112xf32, #tpu.memory_space<vmem_shared>>)
      } else {
      }
    }
    %barrier3A_53 = arith.constant 0 : index
    tpu.barrier barrier_id(%barrier3A_53)
    %mul3A_54 = arith.constant 632 : i32
    %mul3A_55 = arith.muli %arg1, %mul3A_54 : i32
    %mul3A_56 = arith.constant 10112 : i32
    %mul3A_57 = arith.muli %arg0, %mul3A_56 : i32
    %mul3A_58 = arith.constant 632 : i32
    %mul3A_59 = arith.muli %arg1, %mul3A_58 : i32
    %add3A_60 = arith.addi %mul3A_57, %mul3A_59 : i32
    "tpu.region"() ({
      %run_scoped3A = tpu.sem_alloc : memref<!tpu.dma_semaphore, #tpu.memory_space<semaphore_mem>>
      %dma_start3A = tpu.memref_slice %arg3[%add3A_60] : memref<20224xf32, #tpu.memory_space<hbm>> -> memref<632xf32, #tpu.memory_space<hbm>>
      %dma_start3A_61 = tpu.memref_slice %arg7[%mul3A_55] : memref<10112xf32, #tpu.memory_space<vmem_shared>> -> memref<632xf32, #tpu.memory_space<vmem_shared>>
      tpu.enqueue_dma source(%dma_start3A_61 : memref<632xf32, #tpu.memory_space<vmem_shared>>) target(%dma_start3A : memref<632xf32, #tpu.memory_space<hbm>>) target_semaphore(%run_scoped3A : memref<!tpu.dma_semaphore, #tpu.memory_space<semaphore_mem>>)
      %dma_wait3A = tpu.memref_slice %arg3[%add3A_60] : memref<20224xf32, #tpu.memory_space<hbm>> -> memref<632xf32, #tpu.memory_space<hbm>>
      %dma_wait3A_62 = tpu.memref_slice %arg7[%mul3A_55] : memref<10112xf32, #tpu.memory_space<vmem_shared>> -> memref<632xf32, #tpu.memory_space<vmem_shared>>
      tpu.wait_dma2 semaphore(%run_scoped3A : memref<!tpu.dma_semaphore, #tpu.memory_space<semaphore_mem>>) src(%dma_wait3A_62 : memref<632xf32, #tpu.memory_space<vmem_shared>>) dst(%dma_wait3A : memref<632xf32, #tpu.memory_space<hbm>>)
      tpu.yield
    }) : () -> ()
    return
  }
}

#map = affine_map<(d0, d1) -> (0, 0)>
module attributes {stable_mosaic.version = 14 : i64} {
  func.func @agg_kernel(%arg0: i32, %arg1: i32, %arg2: memref<2559x128xi32, #tpu.memory_space<hbm>>, %arg3: memref<2559x128xi32, #tpu.memory_space<hbm>>, %arg4: memref<10000x64xf32, #tpu.memory_space<hbm>>, %arg5: memref<20224x64xf32, #tpu.memory_space<hbm>>, %arg6: memref<128xi32, #tpu.memory_space<vmem>>, %arg7: memref<128xi32, #tpu.memory_space<vmem>>, %arg8: memref<128xi32, #tpu.memory_space<vmem>>, %arg9: memref<128xi32, #tpu.memory_space<vmem>>, %arg10: memref<128xi32, #tpu.memory_space<vmem>>, %arg11: memref<128xi32, #tpu.memory_space<vmem>>, %arg12: memref<102x128xi32, #tpu.memory_space<vmem>>, %arg13: memref<128x64xf32, #tpu.memory_space<vmem>>, %arg14: memref<128x64xf32, #tpu.memory_space<vmem>>, %arg15: memref<128x64xf32, #tpu.memory_space<vmem>>, %arg16: memref<128x64xf32, #tpu.memory_space<vmem>>, %arg17: memref<128x64xf32, #tpu.memory_space<vmem>>, %arg18: memref<128x64xf32, #tpu.memory_space<vmem>>, %arg19: memref<10112x64xf32, #tpu.memory_space<vmem_shared>>, %arg20: memref<!tpu.dma_semaphore, #tpu.memory_space<semaphore_mem>>, %arg21: memref<!tpu.dma_semaphore, #tpu.memory_space<semaphore_mem>>, %arg22: memref<!tpu.dma_semaphore, #tpu.memory_space<semaphore_mem>>, %arg23: memref<!tpu.dma_semaphore, #tpu.memory_space<semaphore_mem>>, %arg24: memref<!tpu.dma_semaphore, #tpu.memory_space<semaphore_mem>>, %arg25: memref<!tpu.dma_semaphore, #tpu.memory_space<semaphore_mem>>, %arg26: memref<!tpu.dma_semaphore, #tpu.memory_space<semaphore_mem>>, %arg27: memref<!tpu.dma_semaphore, #tpu.memory_space<semaphore_mem>>, %arg28: memref<!tpu.dma_semaphore, #tpu.memory_space<semaphore_mem>>, %arg29: memref<!tpu.dma_semaphore, #tpu.memory_space<semaphore_mem>>, %arg30: memref<!tpu.dma_semaphore, #tpu.memory_space<semaphore_mem>>, %arg31: memref<!tpu.dma_semaphore, #tpu.memory_space<semaphore_mem>>, %arg32: memref<!tpu.dma_semaphore, #tpu.memory_space<semaphore_mem>>, %arg33: memref<!tpu.dma_semaphore, #tpu.memory_space<semaphore_mem>>, %arg34: memref<!tpu.dma_semaphore, #tpu.memory_space<semaphore_mem>>, %arg35: memref<!tpu.dma_semaphore, #tpu.memory_space<semaphore_mem>>, %arg36: memref<!tpu.dma_semaphore, #tpu.memory_space<semaphore_mem>>, %arg37: memref<!tpu.dma_semaphore, #tpu.memory_space<semaphore_mem>>) attributes {dimension_semantics = [#tpu.dimension_semantics<core_parallel>, #tpu.dimension_semantics<subcore_parallel>], iteration_bounds = array<i64: 2, 16>, scalar_prefetch = 0 : i64, scratch_operands = 32 : i64, tpu.core_type = #tpu.core_type<sc_vector_subcore>, window_params = [{transform_indices = #map}, {transform_indices = #map}, {transform_indices = #map}, {transform_indices = #map}]} {
    %eq3A = arith.constant 0 : i32
    %eq3A_0 = arith.cmpi eq, %arg0, %eq3A : i32
    %jit3A = arith.constant 102 : i32
    %jit3A_1 = arith.constant 55 : i32
    %select_n3A = arith.select %eq3A_0, %jit3A, %jit3A_1 : i32
    %eq3A_2 = arith.constant 0 : i32
    %eq3A_3 = arith.cmpi eq, %arg0, %eq3A_2 : i32
    %mul3A = arith.constant 102 : i32
    %mul3A_4 = arith.muli %arg1, %mul3A : i32
    %mul3A_5 = arith.constant 55 : i32
    %mul3A_6 = arith.muli %arg1, %mul3A_5 : i32
    %add3A = arith.constant 1632 : i32
    %add3A_7 = arith.addi %add3A, %mul3A_6 : i32
    %select_n3A_8 = arith.select %eq3A_3, %mul3A_4, %add3A_7 : i32
    %scan3A = arith.constant 0 : i32
    %scan3A_9 = arith.constant 0 : i32
    %scan3A_10 = arith.constant 512 : i32
    %scan3A_11 = arith.addi %scan3A_9, %scan3A_10 : i32
    %scan3A_12 = arith.constant 1 : i32
    scf.for %scan3A_90 = %scan3A_9 to %scan3A_11 step %scan3A_12  : i32 {
      %jit3A_91 = arith.constant 4 : i32
      %div3A_92 = arith.divsi %scan3A_90, %jit3A_91 : i32
      %sign3A_93 = arith.constant 0 : i32
      %sign3A_94 = arith.cmpi sgt, %scan3A_90, %sign3A_93 : i32
      %sign3A_95 = arith.extui %sign3A_94 : i1 to i32
      %sign3A_96 = arith.constant 0 : i32
      %sign3A_97 = arith.cmpi slt, %scan3A_90, %sign3A_96 : i32
      %sign3A_98 = arith.extui %sign3A_97 : i1 to i32
      %sign3A_99 = arith.subi %sign3A_95, %sign3A_98 : i32
      %sign3A_100 = arith.constant 0 : i32
      %sign3A_101 = arith.cmpi sgt, %jit3A_91, %sign3A_100 : i32
      %sign3A_102 = arith.extui %sign3A_101 : i1 to i32
      %sign3A_103 = arith.constant 0 : i32
      %sign3A_104 = arith.cmpi slt, %jit3A_91, %sign3A_103 : i32
      %sign3A_105 = arith.extui %sign3A_104 : i1 to i32
      %sign3A_106 = arith.subi %sign3A_102, %sign3A_105 : i32
      %ne3A_107 = arith.cmpi ne, %sign3A_99, %sign3A_106 : i32
      %rem3A_108 = arith.remsi %scan3A_90, %jit3A_91 : i32
      %ne3A_109 = arith.constant 0 : i32
      %ne3A_110 = arith.cmpi ne, %rem3A_108, %ne3A_109 : i32
      %and3A_111 = arith.andi %ne3A_107, %ne3A_110 : i1
      %sub3A_112 = arith.constant 1 : i32
      %sub3A_113 = arith.subi %div3A_92, %sub3A_112 : i32
      %select_n3A_114 = arith.select %and3A_111, %sub3A_113, %div3A_92 : i32
      %jit3A_115 = arith.constant 4 : i32
      %eq3A_116 = arith.constant 0 : i32
      %eq3A_117 = arith.cmpi eq, %jit3A_115, %eq3A_116 : i32
      %jit3A_118 = arith.constant 1 : i32
      %select_n3A_119 = arith.select %eq3A_117, %jit3A_118, %jit3A_115 : i32
      %rem3A_120 = arith.remsi %scan3A_90, %select_n3A_119 : i32
      %ne3A_121 = arith.constant 0 : i32
      %ne3A_122 = arith.cmpi ne, %rem3A_120, %ne3A_121 : i32
      %lt3A = arith.constant 0 : i32
      %lt3A_123 = arith.cmpi slt, %rem3A_120, %lt3A : i32
      %lt3A_124 = arith.constant 0 : i32
      %lt3A_125 = arith.cmpi slt, %select_n3A_119, %lt3A_124 : i32
      %ne3A_126 = arith.xori %lt3A_123, %lt3A_125 : i1
      %and3A_127 = arith.andi %ne3A_126, %ne3A_122 : i1
      %add3A_128 = arith.addi %rem3A_120, %select_n3A_119 : i32
      %select_n3A_129 = arith.select %and3A_127, %add3A_128, %rem3A_120 : i32
      %broadcast_in_dim3A = arith.constant 0.000000e+00 : f32
      %broadcast_in_dim3A_130 = vector.broadcast %broadcast_in_dim3A : f32 to vector<16xf32>
      %mul3A_131 = arith.constant 16 : i32
      %mul3A_132 = arith.muli %select_n3A_129, %mul3A_131 : i32
      %swap3A = arith.index_cast %select_n3A_114 : i32 to index
      %swap3A_133 = arith.index_cast %mul3A_132 : i32 to index
      %swap3A_134 = tpu.vector_load %arg13[%swap3A, %swap3A_133] {strides = array<i32>} : memref<128x64xf32, #tpu.memory_space<vmem>>, vector<1x16xf32>,
      %swap3A_135 = vector.shape_cast %swap3A_134 : vector<1x16xf32> to vector<16xf32>
      %swap3A_136 = vector.shape_cast %broadcast_in_dim3A_130 : vector<16xf32> to vector<1x16xf32>
      tpu.vector_store %arg13[%swap3A, %swap3A_133], %swap3A_136 {strides = array<i32>} : memref<128x64xf32, #tpu.memory_space<vmem>>, vector<1x16xf32>,
    }
    %scan3A_13 = arith.constant 512 : i32
    %scan3A_14 = arith.constant 0 : i32
    %scan3A_15 = arith.constant 0 : i32
    %scan3A_16 = arith.constant 4 : i32
    %scan3A_17 = arith.addi %scan3A_15, %scan3A_16 : i32
    %scan3A_18 = arith.constant 1 : i32
    scf.for %scan3A_90 = %scan3A_15 to %scan3A_17 step %scan3A_18  : i32 {
      %mul3A_91 = arith.constant 632 : i32
      %mul3A_92 = arith.muli %arg1, %mul3A_91 : i32
      %mul3A_93 = arith.constant 128 : i32
      %mul3A_94 = arith.muli %scan3A_90, %mul3A_93 : i32
      %add3A_95 = arith.addi %mul3A_92, %mul3A_94 : i32
      "tpu.region"() ({
        %run_scoped3A = tpu.sem_alloc : memref<!tpu.dma_semaphore, #tpu.memory_space<semaphore_mem>>
        %dma_start3A = arith.constant 0 : i32
        %dma_start3A_96 = tpu.memref_slice %arg19[%add3A_95, %dma_start3A] : memref<10112x64xf32, #tpu.memory_space<vmem_shared>> -> memref<128x64xf32, #tpu.memory_space<vmem_shared>>
        %dma_start3A_97 = arith.constant 0 : i32
        %dma_start3A_98 = tpu.memref_slice %arg19[%add3A_95, %dma_start3A_97] : memref<10112x64xf32, #tpu.memory_space<vmem_shared>> -> memref<128x64xf32, #tpu.memory_space<vmem_shared>>
        tpu.enqueue_dma source(%arg13 : memref<128x64xf32, #tpu.memory_space<vmem>>) target(%dma_start3A_98 : memref<128x64xf32, #tpu.memory_space<vmem_shared>>) target_semaphore(%run_scoped3A : memref<!tpu.dma_semaphore, #tpu.memory_space<semaphore_mem>>)
        %dma_wait3A = arith.constant 0 : i32
        %dma_wait3A_99 = tpu.memref_slice %arg19[%add3A_95, %dma_wait3A] : memref<10112x64xf32, #tpu.memory_space<vmem_shared>> -> memref<128x64xf32, #tpu.memory_space<vmem_shared>>
        %dma_wait3A_100 = arith.constant 0 : i32
        %dma_wait3A_101 = tpu.memref_slice %arg19[%add3A_95, %dma_wait3A_100] : memref<10112x64xf32, #tpu.memory_space<vmem_shared>> -> memref<128x64xf32, #tpu.memory_space<vmem_shared>>
        tpu.wait_dma2 semaphore(%run_scoped3A : memref<!tpu.dma_semaphore, #tpu.memory_space<semaphore_mem>>) src(%arg13 : memref<128x64xf32, #tpu.memory_space<vmem>>) dst(%dma_wait3A_101 : memref<128x64xf32, #tpu.memory_space<vmem_shared>>)
        tpu.yield
      }) : () -> ()
    }
    %scan3A_19 = arith.constant 4 : i32
    %mul3A_20 = arith.constant 632 : i32
    %mul3A_21 = arith.muli %arg1, %mul3A_20 : i32
    %add3A_22 = arith.constant 512 : i32
    %add3A_23 = arith.addi %mul3A_21, %add3A_22 : i32
    "tpu.region"() ({
      %run_scoped3A = tpu.sem_alloc : memref<!tpu.dma_semaphore, #tpu.memory_space<semaphore_mem>>
      %dma_start3A = arith.constant 0 : i32
      %dma_start3A_90 = arith.constant 0 : i32
      %dma_start3A_91 = tpu.memref_slice %arg13[%dma_start3A, %dma_start3A_90] : memref<128x64xf32, #tpu.memory_space<vmem>> -> memref<120x64xf32, #tpu.memory_space<vmem>>
      %dma_start3A_92 = arith.constant 0 : i32
      %dma_start3A_93 = tpu.memref_slice %arg19[%add3A_23, %dma_start3A_92] : memref<10112x64xf32, #tpu.memory_space<vmem_shared>> -> memref<120x64xf32, #tpu.memory_space<vmem_shared>>
      %dma_start3A_94 = arith.constant 0 : i32
      %dma_start3A_95 = tpu.memref_slice %arg19[%add3A_23, %dma_start3A_94] : memref<10112x64xf32, #tpu.memory_space<vmem_shared>> -> memref<120x64xf32, #tpu.memory_space<vmem_shared>>
      %dma_start3A_96 = arith.constant 0 : i32
      %dma_start3A_97 = arith.constant 0 : i32
      %dma_start3A_98 = tpu.memref_slice %arg13[%dma_start3A_96, %dma_start3A_97] : memref<128x64xf32, #tpu.memory_space<vmem>> -> memref<120x64xf32, #tpu.memory_space<vmem>>
      tpu.enqueue_dma source(%dma_start3A_98 : memref<120x64xf32, #tpu.memory_space<vmem>>) target(%dma_start3A_95 : memref<120x64xf32, #tpu.memory_space<vmem_shared>>) target_semaphore(%run_scoped3A : memref<!tpu.dma_semaphore, #tpu.memory_space<semaphore_mem>>)
      %dma_wait3A = arith.constant 0 : i32
      %dma_wait3A_99 = arith.constant 0 : i32
      %dma_wait3A_100 = tpu.memref_slice %arg13[%dma_wait3A, %dma_wait3A_99] : memref<128x64xf32, #tpu.memory_space<vmem>> -> memref<120x64xf32, #tpu.memory_space<vmem>>
      %dma_wait3A_101 = arith.constant 0 : i32
      %dma_wait3A_102 = tpu.memref_slice %arg19[%add3A_23, %dma_wait3A_101] : memref<10112x64xf32, #tpu.memory_space<vmem_shared>> -> memref<120x64xf32, #tpu.memory_space<vmem_shared>>
      %dma_wait3A_103 = arith.constant 0 : i32
      %dma_wait3A_104 = tpu.memref_slice %arg19[%add3A_23, %dma_wait3A_103] : memref<10112x64xf32, #tpu.memory_space<vmem_shared>> -> memref<120x64xf32, #tpu.memory_space<vmem_shared>>
      %dma_wait3A_105 = arith.constant 0 : i32
      %dma_wait3A_106 = arith.constant 0 : i32
      %dma_wait3A_107 = tpu.memref_slice %arg13[%dma_wait3A_105, %dma_wait3A_106] : memref<128x64xf32, #tpu.memory_space<vmem>> -> memref<120x64xf32, #tpu.memory_space<vmem>>
      tpu.wait_dma2 semaphore(%run_scoped3A : memref<!tpu.dma_semaphore, #tpu.memory_space<semaphore_mem>>) src(%dma_wait3A_107 : memref<120x64xf32, #tpu.memory_space<vmem>>) dst(%dma_wait3A_104 : memref<120x64xf32, #tpu.memory_space<vmem_shared>>)
      tpu.yield
    }) : () -> ()
    "tpu.region"() ({
      %run_scoped3A = tpu.sem_alloc : memref<!tpu.dma_semaphore, #tpu.memory_space<semaphore_mem>>
      %dma_start3A = arith.constant 0 : i32
      %dma_start3A_90 = tpu.memref_slice %arg3[%select_n3A_8, %dma_start3A] : memref<2559x128xi32, #tpu.memory_space<hbm>> -> memref<102x128xi32, #tpu.memory_space<hbm>>
      %dma_start3A_91 = arith.constant 0 : i32
      %dma_start3A_92 = tpu.memref_slice %arg3[%select_n3A_8, %dma_start3A_91] : memref<2559x128xi32, #tpu.memory_space<hbm>> -> memref<102x128xi32, #tpu.memory_space<hbm>>
      tpu.enqueue_dma source(%dma_start3A_92 : memref<102x128xi32, #tpu.memory_space<hbm>>) target(%arg12 : memref<102x128xi32, #tpu.memory_space<vmem>>) target_semaphore(%run_scoped3A : memref<!tpu.dma_semaphore, #tpu.memory_space<semaphore_mem>>)
      %dma_wait3A = arith.constant 0 : i32
      %dma_wait3A_93 = tpu.memref_slice %arg3[%select_n3A_8, %dma_wait3A] : memref<2559x128xi32, #tpu.memory_space<hbm>> -> memref<102x128xi32, #tpu.memory_space<hbm>>
      %dma_wait3A_94 = arith.constant 0 : i32
      %dma_wait3A_95 = tpu.memref_slice %arg3[%select_n3A_8, %dma_wait3A_94] : memref<2559x128xi32, #tpu.memory_space<hbm>> -> memref<102x128xi32, #tpu.memory_space<hbm>>
      tpu.wait_dma2 semaphore(%run_scoped3A : memref<!tpu.dma_semaphore, #tpu.memory_space<semaphore_mem>>) src(%dma_wait3A_95 : memref<102x128xi32, #tpu.memory_space<hbm>>) dst(%arg12 : memref<102x128xi32, #tpu.memory_space<vmem>>)
      tpu.yield
    }) : () -> ()
    %barrier3A = arith.constant 0 : index
    tpu.barrier barrier_id(%barrier3A)
    %gt3A = arith.constant 0 : i32
    %gt3A_24 = arith.cmpi sgt, %select_n3A, %gt3A : i32
    %convert_element_type3A = arith.extui %gt3A_24 : i1 to i32
    %cond3A = arith.constant 0 : i32
    %cond3A_25 = arith.cmpi ne, %convert_element_type3A, %cond3A : i32
    scf.if %cond3A_25 {
      %add3A_90 = arith.constant 0 : i32
      %add3A_91 = arith.addi %select_n3A_8, %add3A_90 : i32
      %dma_start3A = arith.constant 0 : i32
      %dma_start3A_92 = tpu.memref_slice %arg2[%add3A_91, %dma_start3A] : memref<2559x128xi32, #tpu.memory_space<hbm>> -> memref<1x128xi32, #tpu.memory_space<hbm>>
      %dma_start3A_93 = tpu.memref_squeeze %dma_start3A_92 : memref<1x128xi32, #tpu.memory_space<hbm>> -> memref<128xi32, #tpu.memory_space<hbm>>
      %dma_start3A_94 = arith.constant 0 : i32
      %dma_start3A_95 = tpu.memref_slice %arg2[%add3A_91, %dma_start3A_94] : memref<2559x128xi32, #tpu.memory_space<hbm>> -> memref<1x128xi32, #tpu.memory_space<hbm>>
      %dma_start3A_96 = tpu.memref_squeeze %dma_start3A_95 : memref<1x128xi32, #tpu.memory_space<hbm>> -> memref<128xi32, #tpu.memory_space<hbm>>
      tpu.enqueue_dma source(%dma_start3A_96 : memref<128xi32, #tpu.memory_space<hbm>>) target(%arg6 : memref<128xi32, #tpu.memory_space<vmem>>) target_semaphore(%arg32 : memref<!tpu.dma_semaphore, #tpu.memory_space<semaphore_mem>>)
      %add3A_97 = arith.constant 0 : i32
      %add3A_98 = arith.addi %select_n3A_8, %add3A_97 : i32
      %dma_wait3A = arith.constant 0 : i32
      %dma_wait3A_99 = tpu.memref_slice %arg2[%add3A_98, %dma_wait3A] : memref<2559x128xi32, #tpu.memory_space<hbm>> -> memref<1x128xi32, #tpu.memory_space<hbm>>
      %dma_wait3A_100 = tpu.memref_squeeze %dma_wait3A_99 : memref<1x128xi32, #tpu.memory_space<hbm>> -> memref<128xi32, #tpu.memory_space<hbm>>
      %dma_wait3A_101 = arith.constant 0 : i32
      %dma_wait3A_102 = tpu.memref_slice %arg2[%add3A_98, %dma_wait3A_101] : memref<2559x128xi32, #tpu.memory_space<hbm>> -> memref<1x128xi32, #tpu.memory_space<hbm>>
      %dma_wait3A_103 = tpu.memref_squeeze %dma_wait3A_102 : memref<1x128xi32, #tpu.memory_space<hbm>> -> memref<128xi32, #tpu.memory_space<hbm>>
      tpu.wait_dma2 semaphore(%arg32 : memref<!tpu.dma_semaphore, #tpu.memory_space<semaphore_mem>>) src(%dma_wait3A_103 : memref<128xi32, #tpu.memory_space<hbm>>) dst(%arg6 : memref<128xi32, #tpu.memory_space<vmem>>)
      %dma_start3A_104 = arith.constant 0 : i32
      %dma_start3A_105 = arith.constant 0 : i32
      %dma_start3A_106 = tpu.memref_slice %arg4[%dma_start3A_104, %dma_start3A_105] : memref<10000x64xf32, #tpu.memory_space<hbm>> -> memref<10000x64xf32, #tpu.memory_space<hbm>>
      tpu.enqueue_indirect_dma source(%dma_start3A_106 : memref<10000x64xf32, #tpu.memory_space<hbm>>) target(%arg13 : memref<128x64xf32, #tpu.memory_space<vmem>>) offsets(%arg6 : memref<128xi32, #tpu.memory_space<vmem>>) semaphore(%arg20 : memref<!tpu.dma_semaphore, #tpu.memory_space<semaphore_mem>>)
    } else {
    }
    %gt3A_26 = arith.constant 1 : i32
    %gt3A_27 = arith.cmpi sgt, %select_n3A, %gt3A_26 : i32
    %convert_element_type3A_28 = arith.extui %gt3A_27 : i1 to i32
    %cond3A_29 = arith.constant 0 : i32
    %cond3A_30 = arith.cmpi ne, %convert_element_type3A_28, %cond3A_29 : i32
    scf.if %cond3A_30 {
      %add3A_90 = arith.constant 1 : i32
      %add3A_91 = arith.addi %select_n3A_8, %add3A_90 : i32
      %dma_start3A = arith.constant 0 : i32
      %dma_start3A_92 = tpu.memref_slice %arg2[%add3A_91, %dma_start3A] : memref<2559x128xi32, #tpu.memory_space<hbm>> -> memref<1x128xi32, #tpu.memory_space<hbm>>
      %dma_start3A_93 = tpu.memref_squeeze %dma_start3A_92 : memref<1x128xi32, #tpu.memory_space<hbm>> -> memref<128xi32, #tpu.memory_space<hbm>>
      %dma_start3A_94 = arith.constant 0 : i32
      %dma_start3A_95 = tpu.memref_slice %arg2[%add3A_91, %dma_start3A_94] : memref<2559x128xi32, #tpu.memory_space<hbm>> -> memref<1x128xi32, #tpu.memory_space<hbm>>
      %dma_start3A_96 = tpu.memref_squeeze %dma_start3A_95 : memref<1x128xi32, #tpu.memory_space<hbm>> -> memref<128xi32, #tpu.memory_space<hbm>>
      tpu.enqueue_dma source(%dma_start3A_96 : memref<128xi32, #tpu.memory_space<hbm>>) target(%arg7 : memref<128xi32, #tpu.memory_space<vmem>>) target_semaphore(%arg33 : memref<!tpu.dma_semaphore, #tpu.memory_space<semaphore_mem>>)
      %add3A_97 = arith.constant 1 : i32
      %add3A_98 = arith.addi %select_n3A_8, %add3A_97 : i32
      %dma_wait3A = arith.constant 0 : i32
      %dma_wait3A_99 = tpu.memref_slice %arg2[%add3A_98, %dma_wait3A] : memref<2559x128xi32, #tpu.memory_space<hbm>> -> memref<1x128xi32, #tpu.memory_space<hbm>>
      %dma_wait3A_100 = tpu.memref_squeeze %dma_wait3A_99 : memref<1x128xi32, #tpu.memory_space<hbm>> -> memref<128xi32, #tpu.memory_space<hbm>>
      %dma_wait3A_101 = arith.constant 0 : i32
      %dma_wait3A_102 = tpu.memref_slice %arg2[%add3A_98, %dma_wait3A_101] : memref<2559x128xi32, #tpu.memory_space<hbm>> -> memref<1x128xi32, #tpu.memory_space<hbm>>
      %dma_wait3A_103 = tpu.memref_squeeze %dma_wait3A_102 : memref<1x128xi32, #tpu.memory_space<hbm>> -> memref<128xi32, #tpu.memory_space<hbm>>
      tpu.wait_dma2 semaphore(%arg33 : memref<!tpu.dma_semaphore, #tpu.memory_space<semaphore_mem>>) src(%dma_wait3A_103 : memref<128xi32, #tpu.memory_space<hbm>>) dst(%arg7 : memref<128xi32, #tpu.memory_space<vmem>>)
      %dma_start3A_104 = arith.constant 0 : i32
      %dma_start3A_105 = arith.constant 0 : i32
      %dma_start3A_106 = tpu.memref_slice %arg4[%dma_start3A_104, %dma_start3A_105] : memref<10000x64xf32, #tpu.memory_space<hbm>> -> memref<10000x64xf32, #tpu.memory_space<hbm>>
      tpu.enqueue_indirect_dma source(%dma_start3A_106 : memref<10000x64xf32, #tpu.memory_space<hbm>>) target(%arg14 : memref<128x64xf32, #tpu.memory_space<vmem>>) offsets(%arg7 : memref<128xi32, #tpu.memory_space<vmem>>) semaphore(%arg21 : memref<!tpu.dma_semaphore, #tpu.memory_space<semaphore_mem>>)
    } else {
    }
    %gt3A_31 = arith.constant 2 : i32
    %gt3A_32 = arith.cmpi sgt, %select_n3A, %gt3A_31 : i32
    %convert_element_type3A_33 = arith.extui %gt3A_32 : i1 to i32
    %cond3A_34 = arith.constant 0 : i32
    %cond3A_35 = arith.cmpi ne, %convert_element_type3A_33, %cond3A_34 : i32
    scf.if %cond3A_35 {
      %add3A_90 = arith.constant 2 : i32
      %add3A_91 = arith.addi %select_n3A_8, %add3A_90 : i32
      %dma_start3A = arith.constant 0 : i32
      %dma_start3A_92 = tpu.memref_slice %arg2[%add3A_91, %dma_start3A] : memref<2559x128xi32, #tpu.memory_space<hbm>> -> memref<1x128xi32, #tpu.memory_space<hbm>>
      %dma_start3A_93 = tpu.memref_squeeze %dma_start3A_92 : memref<1x128xi32, #tpu.memory_space<hbm>> -> memref<128xi32, #tpu.memory_space<hbm>>
      %dma_start3A_94 = arith.constant 0 : i32
      %dma_start3A_95 = tpu.memref_slice %arg2[%add3A_91, %dma_start3A_94] : memref<2559x128xi32, #tpu.memory_space<hbm>> -> memref<1x128xi32, #tpu.memory_space<hbm>>
      %dma_start3A_96 = tpu.memref_squeeze %dma_start3A_95 : memref<1x128xi32, #tpu.memory_space<hbm>> -> memref<128xi32, #tpu.memory_space<hbm>>
      tpu.enqueue_dma source(%dma_start3A_96 : memref<128xi32, #tpu.memory_space<hbm>>) target(%arg8 : memref<128xi32, #tpu.memory_space<vmem>>) target_semaphore(%arg34 : memref<!tpu.dma_semaphore, #tpu.memory_space<semaphore_mem>>)
      %add3A_97 = arith.constant 2 : i32
      %add3A_98 = arith.addi %select_n3A_8, %add3A_97 : i32
      %dma_wait3A = arith.constant 0 : i32
      %dma_wait3A_99 = tpu.memref_slice %arg2[%add3A_98, %dma_wait3A] : memref<2559x128xi32, #tpu.memory_space<hbm>> -> memref<1x128xi32, #tpu.memory_space<hbm>>
      %dma_wait3A_100 = tpu.memref_squeeze %dma_wait3A_99 : memref<1x128xi32, #tpu.memory_space<hbm>> -> memref<128xi32, #tpu.memory_space<hbm>>
      %dma_wait3A_101 = arith.constant 0 : i32
      %dma_wait3A_102 = tpu.memref_slice %arg2[%add3A_98, %dma_wait3A_101] : memref<2559x128xi32, #tpu.memory_space<hbm>> -> memref<1x128xi32, #tpu.memory_space<hbm>>
      %dma_wait3A_103 = tpu.memref_squeeze %dma_wait3A_102 : memref<1x128xi32, #tpu.memory_space<hbm>> -> memref<128xi32, #tpu.memory_space<hbm>>
      tpu.wait_dma2 semaphore(%arg34 : memref<!tpu.dma_semaphore, #tpu.memory_space<semaphore_mem>>) src(%dma_wait3A_103 : memref<128xi32, #tpu.memory_space<hbm>>) dst(%arg8 : memref<128xi32, #tpu.memory_space<vmem>>)
      %dma_start3A_104 = arith.constant 0 : i32
      %dma_start3A_105 = arith.constant 0 : i32
      %dma_start3A_106 = tpu.memref_slice %arg4[%dma_start3A_104, %dma_start3A_105] : memref<10000x64xf32, #tpu.memory_space<hbm>> -> memref<10000x64xf32, #tpu.memory_space<hbm>>
      tpu.enqueue_indirect_dma source(%dma_start3A_106 : memref<10000x64xf32, #tpu.memory_space<hbm>>) target(%arg15 : memref<128x64xf32, #tpu.memory_space<vmem>>) offsets(%arg8 : memref<128xi32, #tpu.memory_space<vmem>>) semaphore(%arg22 : memref<!tpu.dma_semaphore, #tpu.memory_space<semaphore_mem>>)
    } else {
    }
    %gt3A_36 = arith.constant 3 : i32
    %gt3A_37 = arith.cmpi sgt, %select_n3A, %gt3A_36 : i32
    %convert_element_type3A_38 = arith.extui %gt3A_37 : i1 to i32
    %cond3A_39 = arith.constant 0 : i32
    %cond3A_40 = arith.cmpi ne, %convert_element_type3A_38, %cond3A_39 : i32
    scf.if %cond3A_40 {
      %add3A_90 = arith.constant 3 : i32
      %add3A_91 = arith.addi %select_n3A_8, %add3A_90 : i32
      %dma_start3A = arith.constant 0 : i32
      %dma_start3A_92 = tpu.memref_slice %arg2[%add3A_91, %dma_start3A] : memref<2559x128xi32, #tpu.memory_space<hbm>> -> memref<1x128xi32, #tpu.memory_space<hbm>>
      %dma_start3A_93 = tpu.memref_squeeze %dma_start3A_92 : memref<1x128xi32, #tpu.memory_space<hbm>> -> memref<128xi32, #tpu.memory_space<hbm>>
      %dma_start3A_94 = arith.constant 0 : i32
      %dma_start3A_95 = tpu.memref_slice %arg2[%add3A_91, %dma_start3A_94] : memref<2559x128xi32, #tpu.memory_space<hbm>> -> memref<1x128xi32, #tpu.memory_space<hbm>>
      %dma_start3A_96 = tpu.memref_squeeze %dma_start3A_95 : memref<1x128xi32, #tpu.memory_space<hbm>> -> memref<128xi32, #tpu.memory_space<hbm>>
      tpu.enqueue_dma source(%dma_start3A_96 : memref<128xi32, #tpu.memory_space<hbm>>) target(%arg9 : memref<128xi32, #tpu.memory_space<vmem>>) target_semaphore(%arg35 : memref<!tpu.dma_semaphore, #tpu.memory_space<semaphore_mem>>)
      %add3A_97 = arith.constant 3 : i32
      %add3A_98 = arith.addi %select_n3A_8, %add3A_97 : i32
      %dma_wait3A = arith.constant 0 : i32
      %dma_wait3A_99 = tpu.memref_slice %arg2[%add3A_98, %dma_wait3A] : memref<2559x128xi32, #tpu.memory_space<hbm>> -> memref<1x128xi32, #tpu.memory_space<hbm>>
      %dma_wait3A_100 = tpu.memref_squeeze %dma_wait3A_99 : memref<1x128xi32, #tpu.memory_space<hbm>> -> memref<128xi32, #tpu.memory_space<hbm>>
      %dma_wait3A_101 = arith.constant 0 : i32
      %dma_wait3A_102 = tpu.memref_slice %arg2[%add3A_98, %dma_wait3A_101] : memref<2559x128xi32, #tpu.memory_space<hbm>> -> memref<1x128xi32, #tpu.memory_space<hbm>>
      %dma_wait3A_103 = tpu.memref_squeeze %dma_wait3A_102 : memref<1x128xi32, #tpu.memory_space<hbm>> -> memref<128xi32, #tpu.memory_space<hbm>>
      tpu.wait_dma2 semaphore(%arg35 : memref<!tpu.dma_semaphore, #tpu.memory_space<semaphore_mem>>) src(%dma_wait3A_103 : memref<128xi32, #tpu.memory_space<hbm>>) dst(%arg9 : memref<128xi32, #tpu.memory_space<vmem>>)
      %dma_start3A_104 = arith.constant 0 : i32
      %dma_start3A_105 = arith.constant 0 : i32
      %dma_start3A_106 = tpu.memref_slice %arg4[%dma_start3A_104, %dma_start3A_105] : memref<10000x64xf32, #tpu.memory_space<hbm>> -> memref<10000x64xf32, #tpu.memory_space<hbm>>
      tpu.enqueue_indirect_dma source(%dma_start3A_106 : memref<10000x64xf32, #tpu.memory_space<hbm>>) target(%arg16 : memref<128x64xf32, #tpu.memory_space<vmem>>) offsets(%arg9 : memref<128xi32, #tpu.memory_space<vmem>>) semaphore(%arg23 : memref<!tpu.dma_semaphore, #tpu.memory_space<semaphore_mem>>)
    } else {
    }
    %gt3A_41 = arith.constant 4 : i32
    %gt3A_42 = arith.cmpi sgt, %select_n3A, %gt3A_41 : i32
    %convert_element_type3A_43 = arith.extui %gt3A_42 : i1 to i32
    %cond3A_44 = arith.constant 0 : i32
    %cond3A_45 = arith.cmpi ne, %convert_element_type3A_43, %cond3A_44 : i32
    scf.if %cond3A_45 {
      %add3A_90 = arith.constant 4 : i32
      %add3A_91 = arith.addi %select_n3A_8, %add3A_90 : i32
      %dma_start3A = arith.constant 0 : i32
      %dma_start3A_92 = tpu.memref_slice %arg2[%add3A_91, %dma_start3A] : memref<2559x128xi32, #tpu.memory_space<hbm>> -> memref<1x128xi32, #tpu.memory_space<hbm>>
      %dma_start3A_93 = tpu.memref_squeeze %dma_start3A_92 : memref<1x128xi32, #tpu.memory_space<hbm>> -> memref<128xi32, #tpu.memory_space<hbm>>
      %dma_start3A_94 = arith.constant 0 : i32
      %dma_start3A_95 = tpu.memref_slice %arg2[%add3A_91, %dma_start3A_94] : memref<2559x128xi32, #tpu.memory_space<hbm>> -> memref<1x128xi32, #tpu.memory_space<hbm>>
      %dma_start3A_96 = tpu.memref_squeeze %dma_start3A_95 : memref<1x128xi32, #tpu.memory_space<hbm>> -> memref<128xi32, #tpu.memory_space<hbm>>
      tpu.enqueue_dma source(%dma_start3A_96 : memref<128xi32, #tpu.memory_space<hbm>>) target(%arg10 : memref<128xi32, #tpu.memory_space<vmem>>) target_semaphore(%arg36 : memref<!tpu.dma_semaphore, #tpu.memory_space<semaphore_mem>>)
      %add3A_97 = arith.constant 4 : i32
      %add3A_98 = arith.addi %select_n3A_8, %add3A_97 : i32
      %dma_wait3A = arith.constant 0 : i32
      %dma_wait3A_99 = tpu.memref_slice %arg2[%add3A_98, %dma_wait3A] : memref<2559x128xi32, #tpu.memory_space<hbm>> -> memref<1x128xi32, #tpu.memory_space<hbm>>
      %dma_wait3A_100 = tpu.memref_squeeze %dma_wait3A_99 : memref<1x128xi32, #tpu.memory_space<hbm>> -> memref<128xi32, #tpu.memory_space<hbm>>
      %dma_wait3A_101 = arith.constant 0 : i32
      %dma_wait3A_102 = tpu.memref_slice %arg2[%add3A_98, %dma_wait3A_101] : memref<2559x128xi32, #tpu.memory_space<hbm>> -> memref<1x128xi32, #tpu.memory_space<hbm>>
      %dma_wait3A_103 = tpu.memref_squeeze %dma_wait3A_102 : memref<1x128xi32, #tpu.memory_space<hbm>> -> memref<128xi32, #tpu.memory_space<hbm>>
      tpu.wait_dma2 semaphore(%arg36 : memref<!tpu.dma_semaphore, #tpu.memory_space<semaphore_mem>>) src(%dma_wait3A_103 : memref<128xi32, #tpu.memory_space<hbm>>) dst(%arg10 : memref<128xi32, #tpu.memory_space<vmem>>)
      %dma_start3A_104 = arith.constant 0 : i32
      %dma_start3A_105 = arith.constant 0 : i32
      %dma_start3A_106 = tpu.memref_slice %arg4[%dma_start3A_104, %dma_start3A_105] : memref<10000x64xf32, #tpu.memory_space<hbm>> -> memref<10000x64xf32, #tpu.memory_space<hbm>>
      tpu.enqueue_indirect_dma source(%dma_start3A_106 : memref<10000x64xf32, #tpu.memory_space<hbm>>) target(%arg17 : memref<128x64xf32, #tpu.memory_space<vmem>>) offsets(%arg10 : memref<128xi32, #tpu.memory_space<vmem>>) semaphore(%arg24 : memref<!tpu.dma_semaphore, #tpu.memory_space<semaphore_mem>>)
    } else {
    }
    %gt3A_46 = arith.constant 5 : i32
    %gt3A_47 = arith.cmpi sgt, %select_n3A, %gt3A_46 : i32
    %convert_element_type3A_48 = arith.extui %gt3A_47 : i1 to i32
    %cond3A_49 = arith.constant 0 : i32
    %cond3A_50 = arith.cmpi ne, %convert_element_type3A_48, %cond3A_49 : i32
    scf.if %cond3A_50 {
      %add3A_90 = arith.constant 5 : i32
      %add3A_91 = arith.addi %select_n3A_8, %add3A_90 : i32
      %dma_start3A = arith.constant 0 : i32
      %dma_start3A_92 = tpu.memref_slice %arg2[%add3A_91, %dma_start3A] : memref<2559x128xi32, #tpu.memory_space<hbm>> -> memref<1x128xi32, #tpu.memory_space<hbm>>
      %dma_start3A_93 = tpu.memref_squeeze %dma_start3A_92 : memref<1x128xi32, #tpu.memory_space<hbm>> -> memref<128xi32, #tpu.memory_space<hbm>>
      %dma_start3A_94 = arith.constant 0 : i32
      %dma_start3A_95 = tpu.memref_slice %arg2[%add3A_91, %dma_start3A_94] : memref<2559x128xi32, #tpu.memory_space<hbm>> -> memref<1x128xi32, #tpu.memory_space<hbm>>
      %dma_start3A_96 = tpu.memref_squeeze %dma_start3A_95 : memref<1x128xi32, #tpu.memory_space<hbm>> -> memref<128xi32, #tpu.memory_space<hbm>>
      tpu.enqueue_dma source(%dma_start3A_96 : memref<128xi32, #tpu.memory_space<hbm>>) target(%arg11 : memref<128xi32, #tpu.memory_space<vmem>>) target_semaphore(%arg37 : memref<!tpu.dma_semaphore, #tpu.memory_space<semaphore_mem>>)
      %add3A_97 = arith.constant 5 : i32
      %add3A_98 = arith.addi %select_n3A_8, %add3A_97 : i32
      %dma_wait3A = arith.constant 0 : i32
      %dma_wait3A_99 = tpu.memref_slice %arg2[%add3A_98, %dma_wait3A] : memref<2559x128xi32, #tpu.memory_space<hbm>> -> memref<1x128xi32, #tpu.memory_space<hbm>>
      %dma_wait3A_100 = tpu.memref_squeeze %dma_wait3A_99 : memref<1x128xi32, #tpu.memory_space<hbm>> -> memref<128xi32, #tpu.memory_space<hbm>>
      %dma_wait3A_101 = arith.constant 0 : i32
      %dma_wait3A_102 = tpu.memref_slice %arg2[%add3A_98, %dma_wait3A_101] : memref<2559x128xi32, #tpu.memory_space<hbm>> -> memref<1x128xi32, #tpu.memory_space<hbm>>
      %dma_wait3A_103 = tpu.memref_squeeze %dma_wait3A_102 : memref<1x128xi32, #tpu.memory_space<hbm>> -> memref<128xi32, #tpu.memory_space<hbm>>
      tpu.wait_dma2 semaphore(%arg37 : memref<!tpu.dma_semaphore, #tpu.memory_space<semaphore_mem>>) src(%dma_wait3A_103 : memref<128xi32, #tpu.memory_space<hbm>>) dst(%arg11 : memref<128xi32, #tpu.memory_space<vmem>>)
      %dma_start3A_104 = arith.constant 0 : i32
      %dma_start3A_105 = arith.constant 0 : i32
      %dma_start3A_106 = tpu.memref_slice %arg4[%dma_start3A_104, %dma_start3A_105] : memref<10000x64xf32, #tpu.memory_space<hbm>> -> memref<10000x64xf32, #tpu.memory_space<hbm>>
      tpu.enqueue_indirect_dma source(%dma_start3A_106 : memref<10000x64xf32, #tpu.memory_space<hbm>>) target(%arg18 : memref<128x64xf32, #tpu.memory_space<vmem>>) offsets(%arg11 : memref<128xi32, #tpu.memory_space<vmem>>) semaphore(%arg25 : memref<!tpu.dma_semaphore, #tpu.memory_space<semaphore_mem>>)
    } else {
    }
    %add3A_51 = arith.constant 6 : i32
    %add3A_52 = arith.addi %select_n3A, %add3A_51 : i32
    %sub3A = arith.constant 1 : i32
    %sub3A_53 = arith.subi %add3A_52, %sub3A : i32
    %jit3A_54 = arith.constant 6 : i32
    %div3A = arith.divsi %sub3A_53, %jit3A_54 : i32
    %sign3A = arith.constant 0 : i32
    %sign3A_55 = arith.cmpi sgt, %sub3A_53, %sign3A : i32
    %sign3A_56 = arith.extui %sign3A_55 : i1 to i32
    %sign3A_57 = arith.constant 0 : i32
    %sign3A_58 = arith.cmpi slt, %sub3A_53, %sign3A_57 : i32
    %sign3A_59 = arith.extui %sign3A_58 : i1 to i32
    %sign3A_60 = arith.subi %sign3A_56, %sign3A_59 : i32
    %sign3A_61 = arith.constant 0 : i32
    %sign3A_62 = arith.cmpi sgt, %jit3A_54, %sign3A_61 : i32
    %sign3A_63 = arith.extui %sign3A_62 : i1 to i32
    %sign3A_64 = arith.constant 0 : i32
    %sign3A_65 = arith.cmpi slt, %jit3A_54, %sign3A_64 : i32
    %sign3A_66 = arith.extui %sign3A_65 : i1 to i32
    %sign3A_67 = arith.subi %sign3A_63, %sign3A_66 : i32
    %ne3A = arith.cmpi ne, %sign3A_60, %sign3A_67 : i32
    %rem3A = arith.remsi %sub3A_53, %jit3A_54 : i32
    %ne3A_68 = arith.constant 0 : i32
    %ne3A_69 = arith.cmpi ne, %rem3A, %ne3A_68 : i32
    %and3A = arith.andi %ne3A, %ne3A_69 : i1
    %sub3A_70 = arith.constant 1 : i32
    %sub3A_71 = arith.subi %div3A, %sub3A_70 : i32
    %select_n3A_72 = arith.select %and3A, %sub3A_71, %div3A : i32
    %while3A = arith.constant 0 : i32
    %while3A_73 = arith.constant 0 : i32
    %while3A_74 = arith.subi %select_n3A_72, %while3A_73 : i32
    %while3A_75 = arith.addi %while3A_73, %while3A_74 : i32
    %while3A_76 = arith.constant 1 : i32
    %while3A_77 = arith.divsi %while3A_74, %while3A_76 : i32
    %while3A_78 = arith.muli %while3A_77, %while3A_76 : i32
    %while3A_79 = arith.addi %while3A_73, %while3A_78 : i32
    %while3A_80 = arith.constant 1 : i32
    scf.for %while3A_90 = %while3A_73 to %while3A_79 step %while3A_80  : i32 {
      %mul3A_91 = arith.constant 6 : i32
      %mul3A_92 = arith.muli %while3A_90, %mul3A_91 : i32
      %add3A_93 = arith.constant 0 : i32
      %add3A_94 = arith.addi %mul3A_92, %add3A_93 : i32
      %lt3A = arith.cmpi slt, %add3A_94, %select_n3A : i32
      %convert_element_type3A_95 = arith.extui %lt3A : i1 to i32
      %cond3A_96 = arith.constant 0 : i32
      %cond3A_97 = arith.cmpi ne, %convert_element_type3A_95, %cond3A_96 : i32
      scf.if %cond3A_97 {
        %dma_wait3A = arith.constant 0 : i32
        %dma_wait3A_186 = arith.constant 0 : i32
        %dma_wait3A_187 = tpu.memref_slice %arg4[%dma_wait3A, %dma_wait3A_186] : memref<10000x64xf32, #tpu.memory_space<hbm>> -> memref<10000x64xf32, #tpu.memory_space<hbm>>
        tpu.wait_indirect_dma semaphore(%arg20 : memref<!tpu.dma_semaphore, #tpu.memory_space<semaphore_mem>>) src(%dma_wait3A_187 : memref<10000x64xf32, #tpu.memory_space<hbm>>) dst(%arg13 : memref<128x64xf32, #tpu.memory_space<vmem>>)
        %dma_start3A = arith.constant 0 : i32
        %dma_start3A_188 = tpu.memref_slice %arg12[%add3A_94, %dma_start3A] : memref<102x128xi32, #tpu.memory_space<vmem>> -> memref<1x128xi32, #tpu.memory_space<vmem>>
        %dma_start3A_189 = tpu.memref_squeeze %dma_start3A_188 : memref<1x128xi32, #tpu.memory_space<vmem>> -> memref<128xi32, #tpu.memory_space<vmem>>
        %dma_start3A_190 = arith.constant 0 : i32
        %dma_start3A_191 = arith.constant 0 : i32
        %dma_start3A_192 = tpu.memref_slice %arg19[%dma_start3A_190, %dma_start3A_191] : memref<10112x64xf32, #tpu.memory_space<vmem_shared>> -> memref<10112x64xf32, #tpu.memory_space<vmem_shared>>
        tpu.enqueue_indirect_dma source(%arg13 : memref<128x64xf32, #tpu.memory_space<vmem>>) target(%dma_start3A_192 : memref<10112x64xf32, #tpu.memory_space<vmem_shared>>) offsets(%dma_start3A_189 : memref<128xi32, #tpu.memory_space<vmem>>) semaphore(%arg26 : memref<!tpu.dma_semaphore, #tpu.memory_space<semaphore_mem>>) {add = true}
        %add3A_193 = arith.constant 6 : i32
        %add3A_194 = arith.addi %add3A_94, %add3A_193 : i32
        %lt3A_195 = arith.cmpi slt, %add3A_194, %select_n3A : i32
        %convert_element_type3A_196 = arith.extui %lt3A_195 : i1 to i32
        %cond3A_197 = arith.constant 0 : i32
        %cond3A_198 = arith.cmpi ne, %convert_element_type3A_196, %cond3A_197 : i32
        scf.if %cond3A_198 {
          %add3A_199 = arith.constant 6 : i32
          %add3A_200 = arith.addi %add3A_94, %add3A_199 : i32
          %add3A_201 = arith.addi %select_n3A_8, %add3A_200 : i32
          %dma_start3A_202 = arith.constant 0 : i32
          %dma_start3A_203 = tpu.memref_slice %arg2[%add3A_201, %dma_start3A_202] : memref<2559x128xi32, #tpu.memory_space<hbm>> -> memref<1x128xi32, #tpu.memory_space<hbm>>
          %dma_start3A_204 = tpu.memref_squeeze %dma_start3A_203 : memref<1x128xi32, #tpu.memory_space<hbm>> -> memref<128xi32, #tpu.memory_space<hbm>>
          %dma_start3A_205 = arith.constant 0 : i32
          %dma_start3A_206 = tpu.memref_slice %arg2[%add3A_201, %dma_start3A_205] : memref<2559x128xi32, #tpu.memory_space<hbm>> -> memref<1x128xi32, #tpu.memory_space<hbm>>
          %dma_start3A_207 = tpu.memref_squeeze %dma_start3A_206 : memref<1x128xi32, #tpu.memory_space<hbm>> -> memref<128xi32, #tpu.memory_space<hbm>>
          tpu.enqueue_dma source(%dma_start3A_207 : memref<128xi32, #tpu.memory_space<hbm>>) target(%arg6 : memref<128xi32, #tpu.memory_space<vmem>>) target_semaphore(%arg32 : memref<!tpu.dma_semaphore, #tpu.memory_space<semaphore_mem>>)
        } else {
        }
      } else {
      }
      %mul3A_98 = arith.constant 6 : i32
      %mul3A_99 = arith.muli %while3A_90, %mul3A_98 : i32
      %add3A_100 = arith.constant 1 : i32
      %add3A_101 = arith.addi %mul3A_99, %add3A_100 : i32
      %lt3A_102 = arith.cmpi slt, %add3A_101, %select_n3A : i32
      %convert_element_type3A_103 = arith.extui %lt3A_102 : i1 to i32
      %cond3A_104 = arith.constant 0 : i32
      %cond3A_105 = arith.cmpi ne, %convert_element_type3A_103, %cond3A_104 : i32
      scf.if %cond3A_105 {
        %dma_wait3A = arith.constant 0 : i32
        %dma_wait3A_186 = arith.constant 0 : i32
        %dma_wait3A_187 = tpu.memref_slice %arg4[%dma_wait3A, %dma_wait3A_186] : memref<10000x64xf32, #tpu.memory_space<hbm>> -> memref<10000x64xf32, #tpu.memory_space<hbm>>
        tpu.wait_indirect_dma semaphore(%arg21 : memref<!tpu.dma_semaphore, #tpu.memory_space<semaphore_mem>>) src(%dma_wait3A_187 : memref<10000x64xf32, #tpu.memory_space<hbm>>) dst(%arg14 : memref<128x64xf32, #tpu.memory_space<vmem>>)
        %dma_start3A = arith.constant 0 : i32
        %dma_start3A_188 = tpu.memref_slice %arg12[%add3A_101, %dma_start3A] : memref<102x128xi32, #tpu.memory_space<vmem>> -> memref<1x128xi32, #tpu.memory_space<vmem>>
        %dma_start3A_189 = tpu.memref_squeeze %dma_start3A_188 : memref<1x128xi32, #tpu.memory_space<vmem>> -> memref<128xi32, #tpu.memory_space<vmem>>
        %dma_start3A_190 = arith.constant 0 : i32
        %dma_start3A_191 = arith.constant 0 : i32
        %dma_start3A_192 = tpu.memref_slice %arg19[%dma_start3A_190, %dma_start3A_191] : memref<10112x64xf32, #tpu.memory_space<vmem_shared>> -> memref<10112x64xf32, #tpu.memory_space<vmem_shared>>
        tpu.enqueue_indirect_dma source(%arg14 : memref<128x64xf32, #tpu.memory_space<vmem>>) target(%dma_start3A_192 : memref<10112x64xf32, #tpu.memory_space<vmem_shared>>) offsets(%dma_start3A_189 : memref<128xi32, #tpu.memory_space<vmem>>) semaphore(%arg27 : memref<!tpu.dma_semaphore, #tpu.memory_space<semaphore_mem>>) {add = true}
        %add3A_193 = arith.constant 6 : i32
        %add3A_194 = arith.addi %add3A_101, %add3A_193 : i32
        %lt3A_195 = arith.cmpi slt, %add3A_194, %select_n3A : i32
        %convert_element_type3A_196 = arith.extui %lt3A_195 : i1 to i32
        %cond3A_197 = arith.constant 0 : i32
        %cond3A_198 = arith.cmpi ne, %convert_element_type3A_196, %cond3A_197 : i32
        scf.if %cond3A_198 {
          %add3A_199 = arith.constant 6 : i32
          %add3A_200 = arith.addi %add3A_101, %add3A_199 : i32
          %add3A_201 = arith.addi %select_n3A_8, %add3A_200 : i32
          %dma_start3A_202 = arith.constant 0 : i32
          %dma_start3A_203 = tpu.memref_slice %arg2[%add3A_201, %dma_start3A_202] : memref<2559x128xi32, #tpu.memory_space<hbm>> -> memref<1x128xi32, #tpu.memory_space<hbm>>
          %dma_start3A_204 = tpu.memref_squeeze %dma_start3A_203 : memref<1x128xi32, #tpu.memory_space<hbm>> -> memref<128xi32, #tpu.memory_space<hbm>>
          %dma_start3A_205 = arith.constant 0 : i32
          %dma_start3A_206 = tpu.memref_slice %arg2[%add3A_201, %dma_start3A_205] : memref<2559x128xi32, #tpu.memory_space<hbm>> -> memref<1x128xi32, #tpu.memory_space<hbm>>
          %dma_start3A_207 = tpu.memref_squeeze %dma_start3A_206 : memref<1x128xi32, #tpu.memory_space<hbm>> -> memref<128xi32, #tpu.memory_space<hbm>>
          tpu.enqueue_dma source(%dma_start3A_207 : memref<128xi32, #tpu.memory_space<hbm>>) target(%arg7 : memref<128xi32, #tpu.memory_space<vmem>>) target_semaphore(%arg33 : memref<!tpu.dma_semaphore, #tpu.memory_space<semaphore_mem>>)
        } else {
        }
      } else {
      }
      %mul3A_106 = arith.constant 6 : i32
      %mul3A_107 = arith.muli %while3A_90, %mul3A_106 : i32
      %add3A_108 = arith.constant 2 : i32
      %add3A_109 = arith.addi %mul3A_107, %add3A_108 : i32
      %lt3A_110 = arith.cmpi slt, %add3A_109, %select_n3A : i32
      %convert_element_type3A_111 = arith.extui %lt3A_110 : i1 to i32
      %cond3A_112 = arith.constant 0 : i32
      %cond3A_113 = arith.cmpi ne, %convert_element_type3A_111, %cond3A_112 : i32
      scf.if %cond3A_113 {
        %dma_wait3A = arith.constant 0 : i32
        %dma_wait3A_186 = arith.constant 0 : i32
        %dma_wait3A_187 = tpu.memref_slice %arg4[%dma_wait3A, %dma_wait3A_186] : memref<10000x64xf32, #tpu.memory_space<hbm>> -> memref<10000x64xf32, #tpu.memory_space<hbm>>
        tpu.wait_indirect_dma semaphore(%arg22 : memref<!tpu.dma_semaphore, #tpu.memory_space<semaphore_mem>>) src(%dma_wait3A_187 : memref<10000x64xf32, #tpu.memory_space<hbm>>) dst(%arg15 : memref<128x64xf32, #tpu.memory_space<vmem>>)
        %dma_start3A = arith.constant 0 : i32
        %dma_start3A_188 = tpu.memref_slice %arg12[%add3A_109, %dma_start3A] : memref<102x128xi32, #tpu.memory_space<vmem>> -> memref<1x128xi32, #tpu.memory_space<vmem>>
        %dma_start3A_189 = tpu.memref_squeeze %dma_start3A_188 : memref<1x128xi32, #tpu.memory_space<vmem>> -> memref<128xi32, #tpu.memory_space<vmem>>
        %dma_start3A_190 = arith.constant 0 : i32
        %dma_start3A_191 = arith.constant 0 : i32
        %dma_start3A_192 = tpu.memref_slice %arg19[%dma_start3A_190, %dma_start3A_191] : memref<10112x64xf32, #tpu.memory_space<vmem_shared>> -> memref<10112x64xf32, #tpu.memory_space<vmem_shared>>
        tpu.enqueue_indirect_dma source(%arg15 : memref<128x64xf32, #tpu.memory_space<vmem>>) target(%dma_start3A_192 : memref<10112x64xf32, #tpu.memory_space<vmem_shared>>) offsets(%dma_start3A_189 : memref<128xi32, #tpu.memory_space<vmem>>) semaphore(%arg28 : memref<!tpu.dma_semaphore, #tpu.memory_space<semaphore_mem>>) {add = true}
        %add3A_193 = arith.constant 6 : i32
        %add3A_194 = arith.addi %add3A_109, %add3A_193 : i32
        %lt3A_195 = arith.cmpi slt, %add3A_194, %select_n3A : i32
        %convert_element_type3A_196 = arith.extui %lt3A_195 : i1 to i32
        %cond3A_197 = arith.constant 0 : i32
        %cond3A_198 = arith.cmpi ne, %convert_element_type3A_196, %cond3A_197 : i32
        scf.if %cond3A_198 {
          %add3A_199 = arith.constant 6 : i32
          %add3A_200 = arith.addi %add3A_109, %add3A_199 : i32
          %add3A_201 = arith.addi %select_n3A_8, %add3A_200 : i32
          %dma_start3A_202 = arith.constant 0 : i32
          %dma_start3A_203 = tpu.memref_slice %arg2[%add3A_201, %dma_start3A_202] : memref<2559x128xi32, #tpu.memory_space<hbm>> -> memref<1x128xi32, #tpu.memory_space<hbm>>
          %dma_start3A_204 = tpu.memref_squeeze %dma_start3A_203 : memref<1x128xi32, #tpu.memory_space<hbm>> -> memref<128xi32, #tpu.memory_space<hbm>>
          %dma_start3A_205 = arith.constant 0 : i32
          %dma_start3A_206 = tpu.memref_slice %arg2[%add3A_201, %dma_start3A_205] : memref<2559x128xi32, #tpu.memory_space<hbm>> -> memref<1x128xi32, #tpu.memory_space<hbm>>
          %dma_start3A_207 = tpu.memref_squeeze %dma_start3A_206 : memref<1x128xi32, #tpu.memory_space<hbm>> -> memref<128xi32, #tpu.memory_space<hbm>>
          tpu.enqueue_dma source(%dma_start3A_207 : memref<128xi32, #tpu.memory_space<hbm>>) target(%arg8 : memref<128xi32, #tpu.memory_space<vmem>>) target_semaphore(%arg34 : memref<!tpu.dma_semaphore, #tpu.memory_space<semaphore_mem>>)
        } else {
        }
      } else {
      }
      %mul3A_114 = arith.constant 6 : i32
      %mul3A_115 = arith.muli %while3A_90, %mul3A_114 : i32
      %add3A_116 = arith.constant 3 : i32
      %add3A_117 = arith.addi %mul3A_115, %add3A_116 : i32
      %lt3A_118 = arith.cmpi slt, %add3A_117, %select_n3A : i32
      %convert_element_type3A_119 = arith.extui %lt3A_118 : i1 to i32
      %cond3A_120 = arith.constant 0 : i32
      %cond3A_121 = arith.cmpi ne, %convert_element_type3A_119, %cond3A_120 : i32
      scf.if %cond3A_121 {
        %dma_wait3A = arith.constant 0 : i32
        %dma_wait3A_186 = arith.constant 0 : i32
        %dma_wait3A_187 = tpu.memref_slice %arg4[%dma_wait3A, %dma_wait3A_186] : memref<10000x64xf32, #tpu.memory_space<hbm>> -> memref<10000x64xf32, #tpu.memory_space<hbm>>
        tpu.wait_indirect_dma semaphore(%arg23 : memref<!tpu.dma_semaphore, #tpu.memory_space<semaphore_mem>>) src(%dma_wait3A_187 : memref<10000x64xf32, #tpu.memory_space<hbm>>) dst(%arg16 : memref<128x64xf32, #tpu.memory_space<vmem>>)
        %dma_start3A = arith.constant 0 : i32
        %dma_start3A_188 = tpu.memref_slice %arg12[%add3A_117, %dma_start3A] : memref<102x128xi32, #tpu.memory_space<vmem>> -> memref<1x128xi32, #tpu.memory_space<vmem>>
        %dma_start3A_189 = tpu.memref_squeeze %dma_start3A_188 : memref<1x128xi32, #tpu.memory_space<vmem>> -> memref<128xi32, #tpu.memory_space<vmem>>
        %dma_start3A_190 = arith.constant 0 : i32
        %dma_start3A_191 = arith.constant 0 : i32
        %dma_start3A_192 = tpu.memref_slice %arg19[%dma_start3A_190, %dma_start3A_191] : memref<10112x64xf32, #tpu.memory_space<vmem_shared>> -> memref<10112x64xf32, #tpu.memory_space<vmem_shared>>
        tpu.enqueue_indirect_dma source(%arg16 : memref<128x64xf32, #tpu.memory_space<vmem>>) target(%dma_start3A_192 : memref<10112x64xf32, #tpu.memory_space<vmem_shared>>) offsets(%dma_start3A_189 : memref<128xi32, #tpu.memory_space<vmem>>) semaphore(%arg29 : memref<!tpu.dma_semaphore, #tpu.memory_space<semaphore_mem>>) {add = true}
        %add3A_193 = arith.constant 6 : i32
        %add3A_194 = arith.addi %add3A_117, %add3A_193 : i32
        %lt3A_195 = arith.cmpi slt, %add3A_194, %select_n3A : i32
        %convert_element_type3A_196 = arith.extui %lt3A_195 : i1 to i32
        %cond3A_197 = arith.constant 0 : i32
        %cond3A_198 = arith.cmpi ne, %convert_element_type3A_196, %cond3A_197 : i32
        scf.if %cond3A_198 {
          %add3A_199 = arith.constant 6 : i32
          %add3A_200 = arith.addi %add3A_117, %add3A_199 : i32
          %add3A_201 = arith.addi %select_n3A_8, %add3A_200 : i32
          %dma_start3A_202 = arith.constant 0 : i32
          %dma_start3A_203 = tpu.memref_slice %arg2[%add3A_201, %dma_start3A_202] : memref<2559x128xi32, #tpu.memory_space<hbm>> -> memref<1x128xi32, #tpu.memory_space<hbm>>
          %dma_start3A_204 = tpu.memref_squeeze %dma_start3A_203 : memref<1x128xi32, #tpu.memory_space<hbm>> -> memref<128xi32, #tpu.memory_space<hbm>>
          %dma_start3A_205 = arith.constant 0 : i32
          %dma_start3A_206 = tpu.memref_slice %arg2[%add3A_201, %dma_start3A_205] : memref<2559x128xi32, #tpu.memory_space<hbm>> -> memref<1x128xi32, #tpu.memory_space<hbm>>
          %dma_start3A_207 = tpu.memref_squeeze %dma_start3A_206 : memref<1x128xi32, #tpu.memory_space<hbm>> -> memref<128xi32, #tpu.memory_space<hbm>>
          tpu.enqueue_dma source(%dma_start3A_207 : memref<128xi32, #tpu.memory_space<hbm>>) target(%arg9 : memref<128xi32, #tpu.memory_space<vmem>>) target_semaphore(%arg35 : memref<!tpu.dma_semaphore, #tpu.memory_space<semaphore_mem>>)
        } else {
        }
      } else {
      }
      %mul3A_122 = arith.constant 6 : i32
      %mul3A_123 = arith.muli %while3A_90, %mul3A_122 : i32
      %add3A_124 = arith.constant 4 : i32
      %add3A_125 = arith.addi %mul3A_123, %add3A_124 : i32
      %lt3A_126 = arith.cmpi slt, %add3A_125, %select_n3A : i32
      %convert_element_type3A_127 = arith.extui %lt3A_126 : i1 to i32
      %cond3A_128 = arith.constant 0 : i32
      %cond3A_129 = arith.cmpi ne, %convert_element_type3A_127, %cond3A_128 : i32
      scf.if %cond3A_129 {
        %dma_wait3A = arith.constant 0 : i32
        %dma_wait3A_186 = arith.constant 0 : i32
        %dma_wait3A_187 = tpu.memref_slice %arg4[%dma_wait3A, %dma_wait3A_186] : memref<10000x64xf32, #tpu.memory_space<hbm>> -> memref<10000x64xf32, #tpu.memory_space<hbm>>
        tpu.wait_indirect_dma semaphore(%arg24 : memref<!tpu.dma_semaphore, #tpu.memory_space<semaphore_mem>>) src(%dma_wait3A_187 : memref<10000x64xf32, #tpu.memory_space<hbm>>) dst(%arg17 : memref<128x64xf32, #tpu.memory_space<vmem>>)
        %dma_start3A = arith.constant 0 : i32
        %dma_start3A_188 = tpu.memref_slice %arg12[%add3A_125, %dma_start3A] : memref<102x128xi32, #tpu.memory_space<vmem>> -> memref<1x128xi32, #tpu.memory_space<vmem>>
        %dma_start3A_189 = tpu.memref_squeeze %dma_start3A_188 : memref<1x128xi32, #tpu.memory_space<vmem>> -> memref<128xi32, #tpu.memory_space<vmem>>
        %dma_start3A_190 = arith.constant 0 : i32
        %dma_start3A_191 = arith.constant 0 : i32
        %dma_start3A_192 = tpu.memref_slice %arg19[%dma_start3A_190, %dma_start3A_191] : memref<10112x64xf32, #tpu.memory_space<vmem_shared>> -> memref<10112x64xf32, #tpu.memory_space<vmem_shared>>
        tpu.enqueue_indirect_dma source(%arg17 : memref<128x64xf32, #tpu.memory_space<vmem>>) target(%dma_start3A_192 : memref<10112x64xf32, #tpu.memory_space<vmem_shared>>) offsets(%dma_start3A_189 : memref<128xi32, #tpu.memory_space<vmem>>) semaphore(%arg30 : memref<!tpu.dma_semaphore, #tpu.memory_space<semaphore_mem>>) {add = true}
        %add3A_193 = arith.constant 6 : i32
        %add3A_194 = arith.addi %add3A_125, %add3A_193 : i32
        %lt3A_195 = arith.cmpi slt, %add3A_194, %select_n3A : i32
        %convert_element_type3A_196 = arith.extui %lt3A_195 : i1 to i32
        %cond3A_197 = arith.constant 0 : i32
        %cond3A_198 = arith.cmpi ne, %convert_element_type3A_196, %cond3A_197 : i32
        scf.if %cond3A_198 {
          %add3A_199 = arith.constant 6 : i32
          %add3A_200 = arith.addi %add3A_125, %add3A_199 : i32
          %add3A_201 = arith.addi %select_n3A_8, %add3A_200 : i32
          %dma_start3A_202 = arith.constant 0 : i32
          %dma_start3A_203 = tpu.memref_slice %arg2[%add3A_201, %dma_start3A_202] : memref<2559x128xi32, #tpu.memory_space<hbm>> -> memref<1x128xi32, #tpu.memory_space<hbm>>
          %dma_start3A_204 = tpu.memref_squeeze %dma_start3A_203 : memref<1x128xi32, #tpu.memory_space<hbm>> -> memref<128xi32, #tpu.memory_space<hbm>>
          %dma_start3A_205 = arith.constant 0 : i32
          %dma_start3A_206 = tpu.memref_slice %arg2[%add3A_201, %dma_start3A_205] : memref<2559x128xi32, #tpu.memory_space<hbm>> -> memref<1x128xi32, #tpu.memory_space<hbm>>
          %dma_start3A_207 = tpu.memref_squeeze %dma_start3A_206 : memref<1x128xi32, #tpu.memory_space<hbm>> -> memref<128xi32, #tpu.memory_space<hbm>>
          tpu.enqueue_dma source(%dma_start3A_207 : memref<128xi32, #tpu.memory_space<hbm>>) target(%arg10 : memref<128xi32, #tpu.memory_space<vmem>>) target_semaphore(%arg36 : memref<!tpu.dma_semaphore, #tpu.memory_space<semaphore_mem>>)
        } else {
        }
      } else {
      }
      %mul3A_130 = arith.constant 6 : i32
      %mul3A_131 = arith.muli %while3A_90, %mul3A_130 : i32
      %add3A_132 = arith.constant 5 : i32
      %add3A_133 = arith.addi %mul3A_131, %add3A_132 : i32
      %lt3A_134 = arith.cmpi slt, %add3A_133, %select_n3A : i32
      %convert_element_type3A_135 = arith.extui %lt3A_134 : i1 to i32
      %cond3A_136 = arith.constant 0 : i32
      %cond3A_137 = arith.cmpi ne, %convert_element_type3A_135, %cond3A_136 : i32
      scf.if %cond3A_137 {
        %dma_wait3A = arith.constant 0 : i32
        %dma_wait3A_186 = arith.constant 0 : i32
        %dma_wait3A_187 = tpu.memref_slice %arg4[%dma_wait3A, %dma_wait3A_186] : memref<10000x64xf32, #tpu.memory_space<hbm>> -> memref<10000x64xf32, #tpu.memory_space<hbm>>
        tpu.wait_indirect_dma semaphore(%arg25 : memref<!tpu.dma_semaphore, #tpu.memory_space<semaphore_mem>>) src(%dma_wait3A_187 : memref<10000x64xf32, #tpu.memory_space<hbm>>) dst(%arg18 : memref<128x64xf32, #tpu.memory_space<vmem>>)
        %dma_start3A = arith.constant 0 : i32
        %dma_start3A_188 = tpu.memref_slice %arg12[%add3A_133, %dma_start3A] : memref<102x128xi32, #tpu.memory_space<vmem>> -> memref<1x128xi32, #tpu.memory_space<vmem>>
        %dma_start3A_189 = tpu.memref_squeeze %dma_start3A_188 : memref<1x128xi32, #tpu.memory_space<vmem>> -> memref<128xi32, #tpu.memory_space<vmem>>
        %dma_start3A_190 = arith.constant 0 : i32
        %dma_start3A_191 = arith.constant 0 : i32
        %dma_start3A_192 = tpu.memref_slice %arg19[%dma_start3A_190, %dma_start3A_191] : memref<10112x64xf32, #tpu.memory_space<vmem_shared>> -> memref<10112x64xf32, #tpu.memory_space<vmem_shared>>
        tpu.enqueue_indirect_dma source(%arg18 : memref<128x64xf32, #tpu.memory_space<vmem>>) target(%dma_start3A_192 : memref<10112x64xf32, #tpu.memory_space<vmem_shared>>) offsets(%dma_start3A_189 : memref<128xi32, #tpu.memory_space<vmem>>) semaphore(%arg31 : memref<!tpu.dma_semaphore, #tpu.memory_space<semaphore_mem>>) {add = true}
        %add3A_193 = arith.constant 6 : i32
        %add3A_194 = arith.addi %add3A_133, %add3A_193 : i32
        %lt3A_195 = arith.cmpi slt, %add3A_194, %select_n3A : i32
        %convert_element_type3A_196 = arith.extui %lt3A_195 : i1 to i32
        %cond3A_197 = arith.constant 0 : i32
        %cond3A_198 = arith.cmpi ne, %convert_element_type3A_196, %cond3A_197 : i32
        scf.if %cond3A_198 {
          %add3A_199 = arith.constant 6 : i32
          %add3A_200 = arith.addi %add3A_133, %add3A_199 : i32
          %add3A_201 = arith.addi %select_n3A_8, %add3A_200 : i32
          %dma_start3A_202 = arith.constant 0 : i32
          %dma_start3A_203 = tpu.memref_slice %arg2[%add3A_201, %dma_start3A_202] : memref<2559x128xi32, #tpu.memory_space<hbm>> -> memref<1x128xi32, #tpu.memory_space<hbm>>
          %dma_start3A_204 = tpu.memref_squeeze %dma_start3A_203 : memref<1x128xi32, #tpu.memory_space<hbm>> -> memref<128xi32, #tpu.memory_space<hbm>>
          %dma_start3A_205 = arith.constant 0 : i32
          %dma_start3A_206 = tpu.memref_slice %arg2[%add3A_201, %dma_start3A_205] : memref<2559x128xi32, #tpu.memory_space<hbm>> -> memref<1x128xi32, #tpu.memory_space<hbm>>
          %dma_start3A_207 = tpu.memref_squeeze %dma_start3A_206 : memref<1x128xi32, #tpu.memory_space<hbm>> -> memref<128xi32, #tpu.memory_space<hbm>>
          tpu.enqueue_dma source(%dma_start3A_207 : memref<128xi32, #tpu.memory_space<hbm>>) target(%arg11 : memref<128xi32, #tpu.memory_space<vmem>>) target_semaphore(%arg37 : memref<!tpu.dma_semaphore, #tpu.memory_space<semaphore_mem>>)
        } else {
        }
      } else {
      }
      %mul3A_138 = arith.constant 6 : i32
      %mul3A_139 = arith.muli %while3A_90, %mul3A_138 : i32
      %add3A_140 = arith.constant 0 : i32
      %add3A_141 = arith.addi %mul3A_139, %add3A_140 : i32
      %lt3A_142 = arith.cmpi slt, %add3A_141, %select_n3A : i32
      %convert_element_type3A_143 = arith.extui %lt3A_142 : i1 to i32
      %cond3A_144 = arith.constant 0 : i32
      %cond3A_145 = arith.cmpi ne, %convert_element_type3A_143, %cond3A_144 : i32
      scf.if %cond3A_145 {
        %dma_wait3A = arith.constant 0 : i32
        %dma_wait3A_186 = tpu.memref_slice %arg12[%add3A_141, %dma_wait3A] : memref<102x128xi32, #tpu.memory_space<vmem>> -> memref<1x128xi32, #tpu.memory_space<vmem>>
        %dma_wait3A_187 = tpu.memref_squeeze %dma_wait3A_186 : memref<1x128xi32, #tpu.memory_space<vmem>> -> memref<128xi32, #tpu.memory_space<vmem>>
        %dma_wait3A_188 = arith.constant 0 : i32
        %dma_wait3A_189 = arith.constant 0 : i32
        %dma_wait3A_190 = tpu.memref_slice %arg19[%dma_wait3A_188, %dma_wait3A_189] : memref<10112x64xf32, #tpu.memory_space<vmem_shared>> -> memref<10112x64xf32, #tpu.memory_space<vmem_shared>>
        tpu.wait_indirect_dma semaphore(%arg26 : memref<!tpu.dma_semaphore, #tpu.memory_space<semaphore_mem>>) src(%arg13 : memref<128x64xf32, #tpu.memory_space<vmem>>) dst(%dma_wait3A_190 : memref<10112x64xf32, #tpu.memory_space<vmem_shared>>)
        %add3A_191 = arith.constant 6 : i32
        %add3A_192 = arith.addi %add3A_141, %add3A_191 : i32
        %lt3A_193 = arith.cmpi slt, %add3A_192, %select_n3A : i32
        %convert_element_type3A_194 = arith.extui %lt3A_193 : i1 to i32
        %cond3A_195 = arith.constant 0 : i32
        %cond3A_196 = arith.cmpi ne, %convert_element_type3A_194, %cond3A_195 : i32
        scf.if %cond3A_196 {
          %add3A_197 = arith.constant 6 : i32
          %add3A_198 = arith.addi %add3A_141, %add3A_197 : i32
          %add3A_199 = arith.addi %select_n3A_8, %add3A_198 : i32
          %dma_wait3A_200 = arith.constant 0 : i32
          %dma_wait3A_201 = tpu.memref_slice %arg2[%add3A_199, %dma_wait3A_200] : memref<2559x128xi32, #tpu.memory_space<hbm>> -> memref<1x128xi32, #tpu.memory_space<hbm>>
          %dma_wait3A_202 = tpu.memref_squeeze %dma_wait3A_201 : memref<1x128xi32, #tpu.memory_space<hbm>> -> memref<128xi32, #tpu.memory_space<hbm>>
          %dma_wait3A_203 = arith.constant 0 : i32
          %dma_wait3A_204 = tpu.memref_slice %arg2[%add3A_199, %dma_wait3A_203] : memref<2559x128xi32, #tpu.memory_space<hbm>> -> memref<1x128xi32, #tpu.memory_space<hbm>>
          %dma_wait3A_205 = tpu.memref_squeeze %dma_wait3A_204 : memref<1x128xi32, #tpu.memory_space<hbm>> -> memref<128xi32, #tpu.memory_space<hbm>>
          tpu.wait_dma2 semaphore(%arg32 : memref<!tpu.dma_semaphore, #tpu.memory_space<semaphore_mem>>) src(%dma_wait3A_205 : memref<128xi32, #tpu.memory_space<hbm>>) dst(%arg6 : memref<128xi32, #tpu.memory_space<vmem>>)
          %dma_start3A = arith.constant 0 : i32
          %dma_start3A_206 = arith.constant 0 : i32
          %dma_start3A_207 = tpu.memref_slice %arg4[%dma_start3A, %dma_start3A_206] : memref<10000x64xf32, #tpu.memory_space<hbm>> -> memref<10000x64xf32, #tpu.memory_space<hbm>>
          tpu.enqueue_indirect_dma source(%dma_start3A_207 : memref<10000x64xf32, #tpu.memory_space<hbm>>) target(%arg13 : memref<128x64xf32, #tpu.memory_space<vmem>>) offsets(%arg6 : memref<128xi32, #tpu.memory_space<vmem>>) semaphore(%arg20 : memref<!tpu.dma_semaphore, #tpu.memory_space<semaphore_mem>>)
        } else {
        }
      } else {
      }
      %mul3A_146 = arith.constant 6 : i32
      %mul3A_147 = arith.muli %while3A_90, %mul3A_146 : i32
      %add3A_148 = arith.constant 1 : i32
      %add3A_149 = arith.addi %mul3A_147, %add3A_148 : i32
      %lt3A_150 = arith.cmpi slt, %add3A_149, %select_n3A : i32
      %convert_element_type3A_151 = arith.extui %lt3A_150 : i1 to i32
      %cond3A_152 = arith.constant 0 : i32
      %cond3A_153 = arith.cmpi ne, %convert_element_type3A_151, %cond3A_152 : i32
      scf.if %cond3A_153 {
        %dma_wait3A = arith.constant 0 : i32
        %dma_wait3A_186 = tpu.memref_slice %arg12[%add3A_149, %dma_wait3A] : memref<102x128xi32, #tpu.memory_space<vmem>> -> memref<1x128xi32, #tpu.memory_space<vmem>>
        %dma_wait3A_187 = tpu.memref_squeeze %dma_wait3A_186 : memref<1x128xi32, #tpu.memory_space<vmem>> -> memref<128xi32, #tpu.memory_space<vmem>>
        %dma_wait3A_188 = arith.constant 0 : i32
        %dma_wait3A_189 = arith.constant 0 : i32
        %dma_wait3A_190 = tpu.memref_slice %arg19[%dma_wait3A_188, %dma_wait3A_189] : memref<10112x64xf32, #tpu.memory_space<vmem_shared>> -> memref<10112x64xf32, #tpu.memory_space<vmem_shared>>
        tpu.wait_indirect_dma semaphore(%arg27 : memref<!tpu.dma_semaphore, #tpu.memory_space<semaphore_mem>>) src(%arg14 : memref<128x64xf32, #tpu.memory_space<vmem>>) dst(%dma_wait3A_190 : memref<10112x64xf32, #tpu.memory_space<vmem_shared>>)
        %add3A_191 = arith.constant 6 : i32
        %add3A_192 = arith.addi %add3A_149, %add3A_191 : i32
        %lt3A_193 = arith.cmpi slt, %add3A_192, %select_n3A : i32
        %convert_element_type3A_194 = arith.extui %lt3A_193 : i1 to i32
        %cond3A_195 = arith.constant 0 : i32
        %cond3A_196 = arith.cmpi ne, %convert_element_type3A_194, %cond3A_195 : i32
        scf.if %cond3A_196 {
          %add3A_197 = arith.constant 6 : i32
          %add3A_198 = arith.addi %add3A_149, %add3A_197 : i32
          %add3A_199 = arith.addi %select_n3A_8, %add3A_198 : i32
          %dma_wait3A_200 = arith.constant 0 : i32
          %dma_wait3A_201 = tpu.memref_slice %arg2[%add3A_199, %dma_wait3A_200] : memref<2559x128xi32, #tpu.memory_space<hbm>> -> memref<1x128xi32, #tpu.memory_space<hbm>>
          %dma_wait3A_202 = tpu.memref_squeeze %dma_wait3A_201 : memref<1x128xi32, #tpu.memory_space<hbm>> -> memref<128xi32, #tpu.memory_space<hbm>>
          %dma_wait3A_203 = arith.constant 0 : i32
          %dma_wait3A_204 = tpu.memref_slice %arg2[%add3A_199, %dma_wait3A_203] : memref<2559x128xi32, #tpu.memory_space<hbm>> -> memref<1x128xi32, #tpu.memory_space<hbm>>
          %dma_wait3A_205 = tpu.memref_squeeze %dma_wait3A_204 : memref<1x128xi32, #tpu.memory_space<hbm>> -> memref<128xi32, #tpu.memory_space<hbm>>
          tpu.wait_dma2 semaphore(%arg33 : memref<!tpu.dma_semaphore, #tpu.memory_space<semaphore_mem>>) src(%dma_wait3A_205 : memref<128xi32, #tpu.memory_space<hbm>>) dst(%arg7 : memref<128xi32, #tpu.memory_space<vmem>>)
          %dma_start3A = arith.constant 0 : i32
          %dma_start3A_206 = arith.constant 0 : i32
          %dma_start3A_207 = tpu.memref_slice %arg4[%dma_start3A, %dma_start3A_206] : memref<10000x64xf32, #tpu.memory_space<hbm>> -> memref<10000x64xf32, #tpu.memory_space<hbm>>
          tpu.enqueue_indirect_dma source(%dma_start3A_207 : memref<10000x64xf32, #tpu.memory_space<hbm>>) target(%arg14 : memref<128x64xf32, #tpu.memory_space<vmem>>) offsets(%arg7 : memref<128xi32, #tpu.memory_space<vmem>>) semaphore(%arg21 : memref<!tpu.dma_semaphore, #tpu.memory_space<semaphore_mem>>)
        } else {
        }
      } else {
      }
      %mul3A_154 = arith.constant 6 : i32
      %mul3A_155 = arith.muli %while3A_90, %mul3A_154 : i32
      %add3A_156 = arith.constant 2 : i32
      %add3A_157 = arith.addi %mul3A_155, %add3A_156 : i32
      %lt3A_158 = arith.cmpi slt, %add3A_157, %select_n3A : i32
      %convert_element_type3A_159 = arith.extui %lt3A_158 : i1 to i32
      %cond3A_160 = arith.constant 0 : i32
      %cond3A_161 = arith.cmpi ne, %convert_element_type3A_159, %cond3A_160 : i32
      scf.if %cond3A_161 {
        %dma_wait3A = arith.constant 0 : i32
        %dma_wait3A_186 = tpu.memref_slice %arg12[%add3A_157, %dma_wait3A] : memref<102x128xi32, #tpu.memory_space<vmem>> -> memref<1x128xi32, #tpu.memory_space<vmem>>
        %dma_wait3A_187 = tpu.memref_squeeze %dma_wait3A_186 : memref<1x128xi32, #tpu.memory_space<vmem>> -> memref<128xi32, #tpu.memory_space<vmem>>
        %dma_wait3A_188 = arith.constant 0 : i32
        %dma_wait3A_189 = arith.constant 0 : i32
        %dma_wait3A_190 = tpu.memref_slice %arg19[%dma_wait3A_188, %dma_wait3A_189] : memref<10112x64xf32, #tpu.memory_space<vmem_shared>> -> memref<10112x64xf32, #tpu.memory_space<vmem_shared>>
        tpu.wait_indirect_dma semaphore(%arg28 : memref<!tpu.dma_semaphore, #tpu.memory_space<semaphore_mem>>) src(%arg15 : memref<128x64xf32, #tpu.memory_space<vmem>>) dst(%dma_wait3A_190 : memref<10112x64xf32, #tpu.memory_space<vmem_shared>>)
        %add3A_191 = arith.constant 6 : i32
        %add3A_192 = arith.addi %add3A_157, %add3A_191 : i32
        %lt3A_193 = arith.cmpi slt, %add3A_192, %select_n3A : i32
        %convert_element_type3A_194 = arith.extui %lt3A_193 : i1 to i32
        %cond3A_195 = arith.constant 0 : i32
        %cond3A_196 = arith.cmpi ne, %convert_element_type3A_194, %cond3A_195 : i32
        scf.if %cond3A_196 {
          %add3A_197 = arith.constant 6 : i32
          %add3A_198 = arith.addi %add3A_157, %add3A_197 : i32
          %add3A_199 = arith.addi %select_n3A_8, %add3A_198 : i32
          %dma_wait3A_200 = arith.constant 0 : i32
          %dma_wait3A_201 = tpu.memref_slice %arg2[%add3A_199, %dma_wait3A_200] : memref<2559x128xi32, #tpu.memory_space<hbm>> -> memref<1x128xi32, #tpu.memory_space<hbm>>
          %dma_wait3A_202 = tpu.memref_squeeze %dma_wait3A_201 : memref<1x128xi32, #tpu.memory_space<hbm>> -> memref<128xi32, #tpu.memory_space<hbm>>
          %dma_wait3A_203 = arith.constant 0 : i32
          %dma_wait3A_204 = tpu.memref_slice %arg2[%add3A_199, %dma_wait3A_203] : memref<2559x128xi32, #tpu.memory_space<hbm>> -> memref<1x128xi32, #tpu.memory_space<hbm>>
          %dma_wait3A_205 = tpu.memref_squeeze %dma_wait3A_204 : memref<1x128xi32, #tpu.memory_space<hbm>> -> memref<128xi32, #tpu.memory_space<hbm>>
          tpu.wait_dma2 semaphore(%arg34 : memref<!tpu.dma_semaphore, #tpu.memory_space<semaphore_mem>>) src(%dma_wait3A_205 : memref<128xi32, #tpu.memory_space<hbm>>) dst(%arg8 : memref<128xi32, #tpu.memory_space<vmem>>)
          %dma_start3A = arith.constant 0 : i32
          %dma_start3A_206 = arith.constant 0 : i32
          %dma_start3A_207 = tpu.memref_slice %arg4[%dma_start3A, %dma_start3A_206] : memref<10000x64xf32, #tpu.memory_space<hbm>> -> memref<10000x64xf32, #tpu.memory_space<hbm>>
          tpu.enqueue_indirect_dma source(%dma_start3A_207 : memref<10000x64xf32, #tpu.memory_space<hbm>>) target(%arg15 : memref<128x64xf32, #tpu.memory_space<vmem>>) offsets(%arg8 : memref<128xi32, #tpu.memory_space<vmem>>) semaphore(%arg22 : memref<!tpu.dma_semaphore, #tpu.memory_space<semaphore_mem>>)
        } else {
        }
      } else {
      }
      %mul3A_162 = arith.constant 6 : i32
      %mul3A_163 = arith.muli %while3A_90, %mul3A_162 : i32
      %add3A_164 = arith.constant 3 : i32
      %add3A_165 = arith.addi %mul3A_163, %add3A_164 : i32
      %lt3A_166 = arith.cmpi slt, %add3A_165, %select_n3A : i32
      %convert_element_type3A_167 = arith.extui %lt3A_166 : i1 to i32
      %cond3A_168 = arith.constant 0 : i32
      %cond3A_169 = arith.cmpi ne, %convert_element_type3A_167, %cond3A_168 : i32
      scf.if %cond3A_169 {
        %dma_wait3A = arith.constant 0 : i32
        %dma_wait3A_186 = tpu.memref_slice %arg12[%add3A_165, %dma_wait3A] : memref<102x128xi32, #tpu.memory_space<vmem>> -> memref<1x128xi32, #tpu.memory_space<vmem>>
        %dma_wait3A_187 = tpu.memref_squeeze %dma_wait3A_186 : memref<1x128xi32, #tpu.memory_space<vmem>> -> memref<128xi32, #tpu.memory_space<vmem>>
        %dma_wait3A_188 = arith.constant 0 : i32
        %dma_wait3A_189 = arith.constant 0 : i32
        %dma_wait3A_190 = tpu.memref_slice %arg19[%dma_wait3A_188, %dma_wait3A_189] : memref<10112x64xf32, #tpu.memory_space<vmem_shared>> -> memref<10112x64xf32, #tpu.memory_space<vmem_shared>>
        tpu.wait_indirect_dma semaphore(%arg29 : memref<!tpu.dma_semaphore, #tpu.memory_space<semaphore_mem>>) src(%arg16 : memref<128x64xf32, #tpu.memory_space<vmem>>) dst(%dma_wait3A_190 : memref<10112x64xf32, #tpu.memory_space<vmem_shared>>)
        %add3A_191 = arith.constant 6 : i32
        %add3A_192 = arith.addi %add3A_165, %add3A_191 : i32
        %lt3A_193 = arith.cmpi slt, %add3A_192, %select_n3A : i32
        %convert_element_type3A_194 = arith.extui %lt3A_193 : i1 to i32
        %cond3A_195 = arith.constant 0 : i32
        %cond3A_196 = arith.cmpi ne, %convert_element_type3A_194, %cond3A_195 : i32
        scf.if %cond3A_196 {
          %add3A_197 = arith.constant 6 : i32
          %add3A_198 = arith.addi %add3A_165, %add3A_197 : i32
          %add3A_199 = arith.addi %select_n3A_8, %add3A_198 : i32
          %dma_wait3A_200 = arith.constant 0 : i32
          %dma_wait3A_201 = tpu.memref_slice %arg2[%add3A_199, %dma_wait3A_200] : memref<2559x128xi32, #tpu.memory_space<hbm>> -> memref<1x128xi32, #tpu.memory_space<hbm>>
          %dma_wait3A_202 = tpu.memref_squeeze %dma_wait3A_201 : memref<1x128xi32, #tpu.memory_space<hbm>> -> memref<128xi32, #tpu.memory_space<hbm>>
          %dma_wait3A_203 = arith.constant 0 : i32
          %dma_wait3A_204 = tpu.memref_slice %arg2[%add3A_199, %dma_wait3A_203] : memref<2559x128xi32, #tpu.memory_space<hbm>> -> memref<1x128xi32, #tpu.memory_space<hbm>>
          %dma_wait3A_205 = tpu.memref_squeeze %dma_wait3A_204 : memref<1x128xi32, #tpu.memory_space<hbm>> -> memref<128xi32, #tpu.memory_space<hbm>>
          tpu.wait_dma2 semaphore(%arg35 : memref<!tpu.dma_semaphore, #tpu.memory_space<semaphore_mem>>) src(%dma_wait3A_205 : memref<128xi32, #tpu.memory_space<hbm>>) dst(%arg9 : memref<128xi32, #tpu.memory_space<vmem>>)
          %dma_start3A = arith.constant 0 : i32
          %dma_start3A_206 = arith.constant 0 : i32
          %dma_start3A_207 = tpu.memref_slice %arg4[%dma_start3A, %dma_start3A_206] : memref<10000x64xf32, #tpu.memory_space<hbm>> -> memref<10000x64xf32, #tpu.memory_space<hbm>>
          tpu.enqueue_indirect_dma source(%dma_start3A_207 : memref<10000x64xf32, #tpu.memory_space<hbm>>) target(%arg16 : memref<128x64xf32, #tpu.memory_space<vmem>>) offsets(%arg9 : memref<128xi32, #tpu.memory_space<vmem>>) semaphore(%arg23 : memref<!tpu.dma_semaphore, #tpu.memory_space<semaphore_mem>>)
        } else {
        }
      } else {
      }
      %mul3A_170 = arith.constant 6 : i32
      %mul3A_171 = arith.muli %while3A_90, %mul3A_170 : i32
      %add3A_172 = arith.constant 4 : i32
      %add3A_173 = arith.addi %mul3A_171, %add3A_172 : i32
      %lt3A_174 = arith.cmpi slt, %add3A_173, %select_n3A : i32
      %convert_element_type3A_175 = arith.extui %lt3A_174 : i1 to i32
      %cond3A_176 = arith.constant 0 : i32
      %cond3A_177 = arith.cmpi ne, %convert_element_type3A_175, %cond3A_176 : i32
      scf.if %cond3A_177 {
        %dma_wait3A = arith.constant 0 : i32
        %dma_wait3A_186 = tpu.memref_slice %arg12[%add3A_173, %dma_wait3A] : memref<102x128xi32, #tpu.memory_space<vmem>> -> memref<1x128xi32, #tpu.memory_space<vmem>>
        %dma_wait3A_187 = tpu.memref_squeeze %dma_wait3A_186 : memref<1x128xi32, #tpu.memory_space<vmem>> -> memref<128xi32, #tpu.memory_space<vmem>>
        %dma_wait3A_188 = arith.constant 0 : i32
        %dma_wait3A_189 = arith.constant 0 : i32
        %dma_wait3A_190 = tpu.memref_slice %arg19[%dma_wait3A_188, %dma_wait3A_189] : memref<10112x64xf32, #tpu.memory_space<vmem_shared>> -> memref<10112x64xf32, #tpu.memory_space<vmem_shared>>
        tpu.wait_indirect_dma semaphore(%arg30 : memref<!tpu.dma_semaphore, #tpu.memory_space<semaphore_mem>>) src(%arg17 : memref<128x64xf32, #tpu.memory_space<vmem>>) dst(%dma_wait3A_190 : memref<10112x64xf32, #tpu.memory_space<vmem_shared>>)
        %add3A_191 = arith.constant 6 : i32
        %add3A_192 = arith.addi %add3A_173, %add3A_191 : i32
        %lt3A_193 = arith.cmpi slt, %add3A_192, %select_n3A : i32
        %convert_element_type3A_194 = arith.extui %lt3A_193 : i1 to i32
        %cond3A_195 = arith.constant 0 : i32
        %cond3A_196 = arith.cmpi ne, %convert_element_type3A_194, %cond3A_195 : i32
        scf.if %cond3A_196 {
          %add3A_197 = arith.constant 6 : i32
          %add3A_198 = arith.addi %add3A_173, %add3A_197 : i32
          %add3A_199 = arith.addi %select_n3A_8, %add3A_198 : i32
          %dma_wait3A_200 = arith.constant 0 : i32
          %dma_wait3A_201 = tpu.memref_slice %arg2[%add3A_199, %dma_wait3A_200] : memref<2559x128xi32, #tpu.memory_space<hbm>> -> memref<1x128xi32, #tpu.memory_space<hbm>>
          %dma_wait3A_202 = tpu.memref_squeeze %dma_wait3A_201 : memref<1x128xi32, #tpu.memory_space<hbm>> -> memref<128xi32, #tpu.memory_space<hbm>>
          %dma_wait3A_203 = arith.constant 0 : i32
          %dma_wait3A_204 = tpu.memref_slice %arg2[%add3A_199, %dma_wait3A_203] : memref<2559x128xi32, #tpu.memory_space<hbm>> -> memref<1x128xi32, #tpu.memory_space<hbm>>
          %dma_wait3A_205 = tpu.memref_squeeze %dma_wait3A_204 : memref<1x128xi32, #tpu.memory_space<hbm>> -> memref<128xi32, #tpu.memory_space<hbm>>
          tpu.wait_dma2 semaphore(%arg36 : memref<!tpu.dma_semaphore, #tpu.memory_space<semaphore_mem>>) src(%dma_wait3A_205 : memref<128xi32, #tpu.memory_space<hbm>>) dst(%arg10 : memref<128xi32, #tpu.memory_space<vmem>>)
          %dma_start3A = arith.constant 0 : i32
          %dma_start3A_206 = arith.constant 0 : i32
          %dma_start3A_207 = tpu.memref_slice %arg4[%dma_start3A, %dma_start3A_206] : memref<10000x64xf32, #tpu.memory_space<hbm>> -> memref<10000x64xf32, #tpu.memory_space<hbm>>
          tpu.enqueue_indirect_dma source(%dma_start3A_207 : memref<10000x64xf32, #tpu.memory_space<hbm>>) target(%arg17 : memref<128x64xf32, #tpu.memory_space<vmem>>) offsets(%arg10 : memref<128xi32, #tpu.memory_space<vmem>>) semaphore(%arg24 : memref<!tpu.dma_semaphore, #tpu.memory_space<semaphore_mem>>)
        } else {
        }
      } else {
      }
      %mul3A_178 = arith.constant 6 : i32
      %mul3A_179 = arith.muli %while3A_90, %mul3A_178 : i32
      %add3A_180 = arith.constant 5 : i32
      %add3A_181 = arith.addi %mul3A_179, %add3A_180 : i32
      %lt3A_182 = arith.cmpi slt, %add3A_181, %select_n3A : i32
      %convert_element_type3A_183 = arith.extui %lt3A_182 : i1 to i32
      %cond3A_184 = arith.constant 0 : i32
      %cond3A_185 = arith.cmpi ne, %convert_element_type3A_183, %cond3A_184 : i32
      scf.if %cond3A_185 {
        %dma_wait3A = arith.constant 0 : i32
        %dma_wait3A_186 = tpu.memref_slice %arg12[%add3A_181, %dma_wait3A] : memref<102x128xi32, #tpu.memory_space<vmem>> -> memref<1x128xi32, #tpu.memory_space<vmem>>
        %dma_wait3A_187 = tpu.memref_squeeze %dma_wait3A_186 : memref<1x128xi32, #tpu.memory_space<vmem>> -> memref<128xi32, #tpu.memory_space<vmem>>
        %dma_wait3A_188 = arith.constant 0 : i32
        %dma_wait3A_189 = arith.constant 0 : i32
        %dma_wait3A_190 = tpu.memref_slice %arg19[%dma_wait3A_188, %dma_wait3A_189] : memref<10112x64xf32, #tpu.memory_space<vmem_shared>> -> memref<10112x64xf32, #tpu.memory_space<vmem_shared>>
        tpu.wait_indirect_dma semaphore(%arg31 : memref<!tpu.dma_semaphore, #tpu.memory_space<semaphore_mem>>) src(%arg18 : memref<128x64xf32, #tpu.memory_space<vmem>>) dst(%dma_wait3A_190 : memref<10112x64xf32, #tpu.memory_space<vmem_shared>>)
        %add3A_191 = arith.constant 6 : i32
        %add3A_192 = arith.addi %add3A_181, %add3A_191 : i32
        %lt3A_193 = arith.cmpi slt, %add3A_192, %select_n3A : i32
        %convert_element_type3A_194 = arith.extui %lt3A_193 : i1 to i32
        %cond3A_195 = arith.constant 0 : i32
        %cond3A_196 = arith.cmpi ne, %convert_element_type3A_194, %cond3A_195 : i32
        scf.if %cond3A_196 {
          %add3A_197 = arith.constant 6 : i32
          %add3A_198 = arith.addi %add3A_181, %add3A_197 : i32
          %add3A_199 = arith.addi %select_n3A_8, %add3A_198 : i32
          %dma_wait3A_200 = arith.constant 0 : i32
          %dma_wait3A_201 = tpu.memref_slice %arg2[%add3A_199, %dma_wait3A_200] : memref<2559x128xi32, #tpu.memory_space<hbm>> -> memref<1x128xi32, #tpu.memory_space<hbm>>
          %dma_wait3A_202 = tpu.memref_squeeze %dma_wait3A_201 : memref<1x128xi32, #tpu.memory_space<hbm>> -> memref<128xi32, #tpu.memory_space<hbm>>
          %dma_wait3A_203 = arith.constant 0 : i32
          %dma_wait3A_204 = tpu.memref_slice %arg2[%add3A_199, %dma_wait3A_203] : memref<2559x128xi32, #tpu.memory_space<hbm>> -> memref<1x128xi32, #tpu.memory_space<hbm>>
          %dma_wait3A_205 = tpu.memref_squeeze %dma_wait3A_204 : memref<1x128xi32, #tpu.memory_space<hbm>> -> memref<128xi32, #tpu.memory_space<hbm>>
          tpu.wait_dma2 semaphore(%arg37 : memref<!tpu.dma_semaphore, #tpu.memory_space<semaphore_mem>>) src(%dma_wait3A_205 : memref<128xi32, #tpu.memory_space<hbm>>) dst(%arg11 : memref<128xi32, #tpu.memory_space<vmem>>)
          %dma_start3A = arith.constant 0 : i32
          %dma_start3A_206 = arith.constant 0 : i32
          %dma_start3A_207 = tpu.memref_slice %arg4[%dma_start3A, %dma_start3A_206] : memref<10000x64xf32, #tpu.memory_space<hbm>> -> memref<10000x64xf32, #tpu.memory_space<hbm>>
          tpu.enqueue_indirect_dma source(%dma_start3A_207 : memref<10000x64xf32, #tpu.memory_space<hbm>>) target(%arg18 : memref<128x64xf32, #tpu.memory_space<vmem>>) offsets(%arg11 : memref<128xi32, #tpu.memory_space<vmem>>) semaphore(%arg25 : memref<!tpu.dma_semaphore, #tpu.memory_space<semaphore_mem>>)
        } else {
        }
      } else {
      }
    }
    %while3A_81 = arith.constant 1 : i32
    scf.for %while3A_90 = %while3A_79 to %while3A_75 step %while3A_81  : i32 {
      %mul3A_91 = arith.constant 6 : i32
      %mul3A_92 = arith.muli %while3A_90, %mul3A_91 : i32
      %add3A_93 = arith.constant 0 : i32
      %add3A_94 = arith.addi %mul3A_92, %add3A_93 : i32
      %lt3A = arith.cmpi slt, %add3A_94, %select_n3A : i32
      %convert_element_type3A_95 = arith.extui %lt3A : i1 to i32
      %cond3A_96 = arith.constant 0 : i32
      %cond3A_97 = arith.cmpi ne, %convert_element_type3A_95, %cond3A_96 : i32
      scf.if %cond3A_97 {
        %dma_wait3A = arith.constant 0 : i32
        %dma_wait3A_186 = arith.constant 0 : i32
        %dma_wait3A_187 = tpu.memref_slice %arg4[%dma_wait3A, %dma_wait3A_186] : memref<10000x64xf32, #tpu.memory_space<hbm>> -> memref<10000x64xf32, #tpu.memory_space<hbm>>
        tpu.wait_indirect_dma semaphore(%arg20 : memref<!tpu.dma_semaphore, #tpu.memory_space<semaphore_mem>>) src(%dma_wait3A_187 : memref<10000x64xf32, #tpu.memory_space<hbm>>) dst(%arg13 : memref<128x64xf32, #tpu.memory_space<vmem>>)
        %dma_start3A = arith.constant 0 : i32
        %dma_start3A_188 = tpu.memref_slice %arg12[%add3A_94, %dma_start3A] : memref<102x128xi32, #tpu.memory_space<vmem>> -> memref<1x128xi32, #tpu.memory_space<vmem>>
        %dma_start3A_189 = tpu.memref_squeeze %dma_start3A_188 : memref<1x128xi32, #tpu.memory_space<vmem>> -> memref<128xi32, #tpu.memory_space<vmem>>
        %dma_start3A_190 = arith.constant 0 : i32
        %dma_start3A_191 = arith.constant 0 : i32
        %dma_start3A_192 = tpu.memref_slice %arg19[%dma_start3A_190, %dma_start3A_191] : memref<10112x64xf32, #tpu.memory_space<vmem_shared>> -> memref<10112x64xf32, #tpu.memory_space<vmem_shared>>
        tpu.enqueue_indirect_dma source(%arg13 : memref<128x64xf32, #tpu.memory_space<vmem>>) target(%dma_start3A_192 : memref<10112x64xf32, #tpu.memory_space<vmem_shared>>) offsets(%dma_start3A_189 : memref<128xi32, #tpu.memory_space<vmem>>) semaphore(%arg26 : memref<!tpu.dma_semaphore, #tpu.memory_space<semaphore_mem>>) {add = true}
        %add3A_193 = arith.constant 6 : i32
        %add3A_194 = arith.addi %add3A_94, %add3A_193 : i32
        %lt3A_195 = arith.cmpi slt, %add3A_194, %select_n3A : i32
        %convert_element_type3A_196 = arith.extui %lt3A_195 : i1 to i32
        %cond3A_197 = arith.constant 0 : i32
        %cond3A_198 = arith.cmpi ne, %convert_element_type3A_196, %cond3A_197 : i32
        scf.if %cond3A_198 {
          %add3A_199 = arith.constant 6 : i32
          %add3A_200 = arith.addi %add3A_94, %add3A_199 : i32
          %add3A_201 = arith.addi %select_n3A_8, %add3A_200 : i32
          %dma_start3A_202 = arith.constant 0 : i32
          %dma_start3A_203 = tpu.memref_slice %arg2[%add3A_201, %dma_start3A_202] : memref<2559x128xi32, #tpu.memory_space<hbm>> -> memref<1x128xi32, #tpu.memory_space<hbm>>
          %dma_start3A_204 = tpu.memref_squeeze %dma_start3A_203 : memref<1x128xi32, #tpu.memory_space<hbm>> -> memref<128xi32, #tpu.memory_space<hbm>>
          %dma_start3A_205 = arith.constant 0 : i32
          %dma_start3A_206 = tpu.memref_slice %arg2[%add3A_201, %dma_start3A_205] : memref<2559x128xi32, #tpu.memory_space<hbm>> -> memref<1x128xi32, #tpu.memory_space<hbm>>
          %dma_start3A_207 = tpu.memref_squeeze %dma_start3A_206 : memref<1x128xi32, #tpu.memory_space<hbm>> -> memref<128xi32, #tpu.memory_space<hbm>>
          tpu.enqueue_dma source(%dma_start3A_207 : memref<128xi32, #tpu.memory_space<hbm>>) target(%arg6 : memref<128xi32, #tpu.memory_space<vmem>>) target_semaphore(%arg32 : memref<!tpu.dma_semaphore, #tpu.memory_space<semaphore_mem>>)
        } else {
        }
      } else {
      }
      %mul3A_98 = arith.constant 6 : i32
      %mul3A_99 = arith.muli %while3A_90, %mul3A_98 : i32
      %add3A_100 = arith.constant 1 : i32
      %add3A_101 = arith.addi %mul3A_99, %add3A_100 : i32
      %lt3A_102 = arith.cmpi slt, %add3A_101, %select_n3A : i32
      %convert_element_type3A_103 = arith.extui %lt3A_102 : i1 to i32
      %cond3A_104 = arith.constant 0 : i32
      %cond3A_105 = arith.cmpi ne, %convert_element_type3A_103, %cond3A_104 : i32
      scf.if %cond3A_105 {
        %dma_wait3A = arith.constant 0 : i32
        %dma_wait3A_186 = arith.constant 0 : i32
        %dma_wait3A_187 = tpu.memref_slice %arg4[%dma_wait3A, %dma_wait3A_186] : memref<10000x64xf32, #tpu.memory_space<hbm>> -> memref<10000x64xf32, #tpu.memory_space<hbm>>
        tpu.wait_indirect_dma semaphore(%arg21 : memref<!tpu.dma_semaphore, #tpu.memory_space<semaphore_mem>>) src(%dma_wait3A_187 : memref<10000x64xf32, #tpu.memory_space<hbm>>) dst(%arg14 : memref<128x64xf32, #tpu.memory_space<vmem>>)
        %dma_start3A = arith.constant 0 : i32
        %dma_start3A_188 = tpu.memref_slice %arg12[%add3A_101, %dma_start3A] : memref<102x128xi32, #tpu.memory_space<vmem>> -> memref<1x128xi32, #tpu.memory_space<vmem>>
        %dma_start3A_189 = tpu.memref_squeeze %dma_start3A_188 : memref<1x128xi32, #tpu.memory_space<vmem>> -> memref<128xi32, #tpu.memory_space<vmem>>
        %dma_start3A_190 = arith.constant 0 : i32
        %dma_start3A_191 = arith.constant 0 : i32
        %dma_start3A_192 = tpu.memref_slice %arg19[%dma_start3A_190, %dma_start3A_191] : memref<10112x64xf32, #tpu.memory_space<vmem_shared>> -> memref<10112x64xf32, #tpu.memory_space<vmem_shared>>
        tpu.enqueue_indirect_dma source(%arg14 : memref<128x64xf32, #tpu.memory_space<vmem>>) target(%dma_start3A_192 : memref<10112x64xf32, #tpu.memory_space<vmem_shared>>) offsets(%dma_start3A_189 : memref<128xi32, #tpu.memory_space<vmem>>) semaphore(%arg27 : memref<!tpu.dma_semaphore, #tpu.memory_space<semaphore_mem>>) {add = true}
        %add3A_193 = arith.constant 6 : i32
        %add3A_194 = arith.addi %add3A_101, %add3A_193 : i32
        %lt3A_195 = arith.cmpi slt, %add3A_194, %select_n3A : i32
        %convert_element_type3A_196 = arith.extui %lt3A_195 : i1 to i32
        %cond3A_197 = arith.constant 0 : i32
        %cond3A_198 = arith.cmpi ne, %convert_element_type3A_196, %cond3A_197 : i32
        scf.if %cond3A_198 {
          %add3A_199 = arith.constant 6 : i32
          %add3A_200 = arith.addi %add3A_101, %add3A_199 : i32
          %add3A_201 = arith.addi %select_n3A_8, %add3A_200 : i32
          %dma_start3A_202 = arith.constant 0 : i32
          %dma_start3A_203 = tpu.memref_slice %arg2[%add3A_201, %dma_start3A_202] : memref<2559x128xi32, #tpu.memory_space<hbm>> -> memref<1x128xi32, #tpu.memory_space<hbm>>
          %dma_start3A_204 = tpu.memref_squeeze %dma_start3A_203 : memref<1x128xi32, #tpu.memory_space<hbm>> -> memref<128xi32, #tpu.memory_space<hbm>>
          %dma_start3A_205 = arith.constant 0 : i32
          %dma_start3A_206 = tpu.memref_slice %arg2[%add3A_201, %dma_start3A_205] : memref<2559x128xi32, #tpu.memory_space<hbm>> -> memref<1x128xi32, #tpu.memory_space<hbm>>
          %dma_start3A_207 = tpu.memref_squeeze %dma_start3A_206 : memref<1x128xi32, #tpu.memory_space<hbm>> -> memref<128xi32, #tpu.memory_space<hbm>>
          tpu.enqueue_dma source(%dma_start3A_207 : memref<128xi32, #tpu.memory_space<hbm>>) target(%arg7 : memref<128xi32, #tpu.memory_space<vmem>>) target_semaphore(%arg33 : memref<!tpu.dma_semaphore, #tpu.memory_space<semaphore_mem>>)
        } else {
        }
      } else {
      }
      %mul3A_106 = arith.constant 6 : i32
      %mul3A_107 = arith.muli %while3A_90, %mul3A_106 : i32
      %add3A_108 = arith.constant 2 : i32
      %add3A_109 = arith.addi %mul3A_107, %add3A_108 : i32
      %lt3A_110 = arith.cmpi slt, %add3A_109, %select_n3A : i32
      %convert_element_type3A_111 = arith.extui %lt3A_110 : i1 to i32
      %cond3A_112 = arith.constant 0 : i32
      %cond3A_113 = arith.cmpi ne, %convert_element_type3A_111, %cond3A_112 : i32
      scf.if %cond3A_113 {
        %dma_wait3A = arith.constant 0 : i32
        %dma_wait3A_186 = arith.constant 0 : i32
        %dma_wait3A_187 = tpu.memref_slice %arg4[%dma_wait3A, %dma_wait3A_186] : memref<10000x64xf32, #tpu.memory_space<hbm>> -> memref<10000x64xf32, #tpu.memory_space<hbm>>
        tpu.wait_indirect_dma semaphore(%arg22 : memref<!tpu.dma_semaphore, #tpu.memory_space<semaphore_mem>>) src(%dma_wait3A_187 : memref<10000x64xf32, #tpu.memory_space<hbm>>) dst(%arg15 : memref<128x64xf32, #tpu.memory_space<vmem>>)
        %dma_start3A = arith.constant 0 : i32
        %dma_start3A_188 = tpu.memref_slice %arg12[%add3A_109, %dma_start3A] : memref<102x128xi32, #tpu.memory_space<vmem>> -> memref<1x128xi32, #tpu.memory_space<vmem>>
        %dma_start3A_189 = tpu.memref_squeeze %dma_start3A_188 : memref<1x128xi32, #tpu.memory_space<vmem>> -> memref<128xi32, #tpu.memory_space<vmem>>
        %dma_start3A_190 = arith.constant 0 : i32
        %dma_start3A_191 = arith.constant 0 : i32
        %dma_start3A_192 = tpu.memref_slice %arg19[%dma_start3A_190, %dma_start3A_191] : memref<10112x64xf32, #tpu.memory_space<vmem_shared>> -> memref<10112x64xf32, #tpu.memory_space<vmem_shared>>
        tpu.enqueue_indirect_dma source(%arg15 : memref<128x64xf32, #tpu.memory_space<vmem>>) target(%dma_start3A_192 : memref<10112x64xf32, #tpu.memory_space<vmem_shared>>) offsets(%dma_start3A_189 : memref<128xi32, #tpu.memory_space<vmem>>) semaphore(%arg28 : memref<!tpu.dma_semaphore, #tpu.memory_space<semaphore_mem>>) {add = true}
        %add3A_193 = arith.constant 6 : i32
        %add3A_194 = arith.addi %add3A_109, %add3A_193 : i32
        %lt3A_195 = arith.cmpi slt, %add3A_194, %select_n3A : i32
        %convert_element_type3A_196 = arith.extui %lt3A_195 : i1 to i32
        %cond3A_197 = arith.constant 0 : i32
        %cond3A_198 = arith.cmpi ne, %convert_element_type3A_196, %cond3A_197 : i32
        scf.if %cond3A_198 {
          %add3A_199 = arith.constant 6 : i32
          %add3A_200 = arith.addi %add3A_109, %add3A_199 : i32
          %add3A_201 = arith.addi %select_n3A_8, %add3A_200 : i32
          %dma_start3A_202 = arith.constant 0 : i32
          %dma_start3A_203 = tpu.memref_slice %arg2[%add3A_201, %dma_start3A_202] : memref<2559x128xi32, #tpu.memory_space<hbm>> -> memref<1x128xi32, #tpu.memory_space<hbm>>
          %dma_start3A_204 = tpu.memref_squeeze %dma_start3A_203 : memref<1x128xi32, #tpu.memory_space<hbm>> -> memref<128xi32, #tpu.memory_space<hbm>>
          %dma_start3A_205 = arith.constant 0 : i32
          %dma_start3A_206 = tpu.memref_slice %arg2[%add3A_201, %dma_start3A_205] : memref<2559x128xi32, #tpu.memory_space<hbm>> -> memref<1x128xi32, #tpu.memory_space<hbm>>
          %dma_start3A_207 = tpu.memref_squeeze %dma_start3A_206 : memref<1x128xi32, #tpu.memory_space<hbm>> -> memref<128xi32, #tpu.memory_space<hbm>>
          tpu.enqueue_dma source(%dma_start3A_207 : memref<128xi32, #tpu.memory_space<hbm>>) target(%arg8 : memref<128xi32, #tpu.memory_space<vmem>>) target_semaphore(%arg34 : memref<!tpu.dma_semaphore, #tpu.memory_space<semaphore_mem>>)
        } else {
        }
      } else {
      }
      %mul3A_114 = arith.constant 6 : i32
      %mul3A_115 = arith.muli %while3A_90, %mul3A_114 : i32
      %add3A_116 = arith.constant 3 : i32
      %add3A_117 = arith.addi %mul3A_115, %add3A_116 : i32
      %lt3A_118 = arith.cmpi slt, %add3A_117, %select_n3A : i32
      %convert_element_type3A_119 = arith.extui %lt3A_118 : i1 to i32
      %cond3A_120 = arith.constant 0 : i32
      %cond3A_121 = arith.cmpi ne, %convert_element_type3A_119, %cond3A_120 : i32
      scf.if %cond3A_121 {
        %dma_wait3A = arith.constant 0 : i32
        %dma_wait3A_186 = arith.constant 0 : i32
        %dma_wait3A_187 = tpu.memref_slice %arg4[%dma_wait3A, %dma_wait3A_186] : memref<10000x64xf32, #tpu.memory_space<hbm>> -> memref<10000x64xf32, #tpu.memory_space<hbm>>
        tpu.wait_indirect_dma semaphore(%arg23 : memref<!tpu.dma_semaphore, #tpu.memory_space<semaphore_mem>>) src(%dma_wait3A_187 : memref<10000x64xf32, #tpu.memory_space<hbm>>) dst(%arg16 : memref<128x64xf32, #tpu.memory_space<vmem>>)
        %dma_start3A = arith.constant 0 : i32
        %dma_start3A_188 = tpu.memref_slice %arg12[%add3A_117, %dma_start3A] : memref<102x128xi32, #tpu.memory_space<vmem>> -> memref<1x128xi32, #tpu.memory_space<vmem>>
        %dma_start3A_189 = tpu.memref_squeeze %dma_start3A_188 : memref<1x128xi32, #tpu.memory_space<vmem>> -> memref<128xi32, #tpu.memory_space<vmem>>
        %dma_start3A_190 = arith.constant 0 : i32
        %dma_start3A_191 = arith.constant 0 : i32
        %dma_start3A_192 = tpu.memref_slice %arg19[%dma_start3A_190, %dma_start3A_191] : memref<10112x64xf32, #tpu.memory_space<vmem_shared>> -> memref<10112x64xf32, #tpu.memory_space<vmem_shared>>
        tpu.enqueue_indirect_dma source(%arg16 : memref<128x64xf32, #tpu.memory_space<vmem>>) target(%dma_start3A_192 : memref<10112x64xf32, #tpu.memory_space<vmem_shared>>) offsets(%dma_start3A_189 : memref<128xi32, #tpu.memory_space<vmem>>) semaphore(%arg29 : memref<!tpu.dma_semaphore, #tpu.memory_space<semaphore_mem>>) {add = true}
        %add3A_193 = arith.constant 6 : i32
        %add3A_194 = arith.addi %add3A_117, %add3A_193 : i32
        %lt3A_195 = arith.cmpi slt, %add3A_194, %select_n3A : i32
        %convert_element_type3A_196 = arith.extui %lt3A_195 : i1 to i32
        %cond3A_197 = arith.constant 0 : i32
        %cond3A_198 = arith.cmpi ne, %convert_element_type3A_196, %cond3A_197 : i32
        scf.if %cond3A_198 {
          %add3A_199 = arith.constant 6 : i32
          %add3A_200 = arith.addi %add3A_117, %add3A_199 : i32
          %add3A_201 = arith.addi %select_n3A_8, %add3A_200 : i32
          %dma_start3A_202 = arith.constant 0 : i32
          %dma_start3A_203 = tpu.memref_slice %arg2[%add3A_201, %dma_start3A_202] : memref<2559x128xi32, #tpu.memory_space<hbm>> -> memref<1x128xi32, #tpu.memory_space<hbm>>
          %dma_start3A_204 = tpu.memref_squeeze %dma_start3A_203 : memref<1x128xi32, #tpu.memory_space<hbm>> -> memref<128xi32, #tpu.memory_space<hbm>>
          %dma_start3A_205 = arith.constant 0 : i32
          %dma_start3A_206 = tpu.memref_slice %arg2[%add3A_201, %dma_start3A_205] : memref<2559x128xi32, #tpu.memory_space<hbm>> -> memref<1x128xi32, #tpu.memory_space<hbm>>
          %dma_start3A_207 = tpu.memref_squeeze %dma_start3A_206 : memref<1x128xi32, #tpu.memory_space<hbm>> -> memref<128xi32, #tpu.memory_space<hbm>>
          tpu.enqueue_dma source(%dma_start3A_207 : memref<128xi32, #tpu.memory_space<hbm>>) target(%arg9 : memref<128xi32, #tpu.memory_space<vmem>>) target_semaphore(%arg35 : memref<!tpu.dma_semaphore, #tpu.memory_space<semaphore_mem>>)
        } else {
        }
      } else {
      }
      %mul3A_122 = arith.constant 6 : i32
      %mul3A_123 = arith.muli %while3A_90, %mul3A_122 : i32
      %add3A_124 = arith.constant 4 : i32
      %add3A_125 = arith.addi %mul3A_123, %add3A_124 : i32
      %lt3A_126 = arith.cmpi slt, %add3A_125, %select_n3A : i32
      %convert_element_type3A_127 = arith.extui %lt3A_126 : i1 to i32
      %cond3A_128 = arith.constant 0 : i32
      %cond3A_129 = arith.cmpi ne, %convert_element_type3A_127, %cond3A_128 : i32
      scf.if %cond3A_129 {
        %dma_wait3A = arith.constant 0 : i32
        %dma_wait3A_186 = arith.constant 0 : i32
        %dma_wait3A_187 = tpu.memref_slice %arg4[%dma_wait3A, %dma_wait3A_186] : memref<10000x64xf32, #tpu.memory_space<hbm>> -> memref<10000x64xf32, #tpu.memory_space<hbm>>
        tpu.wait_indirect_dma semaphore(%arg24 : memref<!tpu.dma_semaphore, #tpu.memory_space<semaphore_mem>>) src(%dma_wait3A_187 : memref<10000x64xf32, #tpu.memory_space<hbm>>) dst(%arg17 : memref<128x64xf32, #tpu.memory_space<vmem>>)
        %dma_start3A = arith.constant 0 : i32
        %dma_start3A_188 = tpu.memref_slice %arg12[%add3A_125, %dma_start3A] : memref<102x128xi32, #tpu.memory_space<vmem>> -> memref<1x128xi32, #tpu.memory_space<vmem>>
        %dma_start3A_189 = tpu.memref_squeeze %dma_start3A_188 : memref<1x128xi32, #tpu.memory_space<vmem>> -> memref<128xi32, #tpu.memory_space<vmem>>
        %dma_start3A_190 = arith.constant 0 : i32
        %dma_start3A_191 = arith.constant 0 : i32
        %dma_start3A_192 = tpu.memref_slice %arg19[%dma_start3A_190, %dma_start3A_191] : memref<10112x64xf32, #tpu.memory_space<vmem_shared>> -> memref<10112x64xf32, #tpu.memory_space<vmem_shared>>
        tpu.enqueue_indirect_dma source(%arg17 : memref<128x64xf32, #tpu.memory_space<vmem>>) target(%dma_start3A_192 : memref<10112x64xf32, #tpu.memory_space<vmem_shared>>) offsets(%dma_start3A_189 : memref<128xi32, #tpu.memory_space<vmem>>) semaphore(%arg30 : memref<!tpu.dma_semaphore, #tpu.memory_space<semaphore_mem>>) {add = true}
        %add3A_193 = arith.constant 6 : i32
        %add3A_194 = arith.addi %add3A_125, %add3A_193 : i32
        %lt3A_195 = arith.cmpi slt, %add3A_194, %select_n3A : i32
        %convert_element_type3A_196 = arith.extui %lt3A_195 : i1 to i32
        %cond3A_197 = arith.constant 0 : i32
        %cond3A_198 = arith.cmpi ne, %convert_element_type3A_196, %cond3A_197 : i32
        scf.if %cond3A_198 {
          %add3A_199 = arith.constant 6 : i32
          %add3A_200 = arith.addi %add3A_125, %add3A_199 : i32
          %add3A_201 = arith.addi %select_n3A_8, %add3A_200 : i32
          %dma_start3A_202 = arith.constant 0 : i32
          %dma_start3A_203 = tpu.memref_slice %arg2[%add3A_201, %dma_start3A_202] : memref<2559x128xi32, #tpu.memory_space<hbm>> -> memref<1x128xi32, #tpu.memory_space<hbm>>
          %dma_start3A_204 = tpu.memref_squeeze %dma_start3A_203 : memref<1x128xi32, #tpu.memory_space<hbm>> -> memref<128xi32, #tpu.memory_space<hbm>>
          %dma_start3A_205 = arith.constant 0 : i32
          %dma_start3A_206 = tpu.memref_slice %arg2[%add3A_201, %dma_start3A_205] : memref<2559x128xi32, #tpu.memory_space<hbm>> -> memref<1x128xi32, #tpu.memory_space<hbm>>
          %dma_start3A_207 = tpu.memref_squeeze %dma_start3A_206 : memref<1x128xi32, #tpu.memory_space<hbm>> -> memref<128xi32, #tpu.memory_space<hbm>>
          tpu.enqueue_dma source(%dma_start3A_207 : memref<128xi32, #tpu.memory_space<hbm>>) target(%arg10 : memref<128xi32, #tpu.memory_space<vmem>>) target_semaphore(%arg36 : memref<!tpu.dma_semaphore, #tpu.memory_space<semaphore_mem>>)
        } else {
        }
      } else {
      }
      %mul3A_130 = arith.constant 6 : i32
      %mul3A_131 = arith.muli %while3A_90, %mul3A_130 : i32
      %add3A_132 = arith.constant 5 : i32
      %add3A_133 = arith.addi %mul3A_131, %add3A_132 : i32
      %lt3A_134 = arith.cmpi slt, %add3A_133, %select_n3A : i32
      %convert_element_type3A_135 = arith.extui %lt3A_134 : i1 to i32
      %cond3A_136 = arith.constant 0 : i32
      %cond3A_137 = arith.cmpi ne, %convert_element_type3A_135, %cond3A_136 : i32
      scf.if %cond3A_137 {
        %dma_wait3A = arith.constant 0 : i32
        %dma_wait3A_186 = arith.constant 0 : i32
        %dma_wait3A_187 = tpu.memref_slice %arg4[%dma_wait3A, %dma_wait3A_186] : memref<10000x64xf32, #tpu.memory_space<hbm>> -> memref<10000x64xf32, #tpu.memory_space<hbm>>
        tpu.wait_indirect_dma semaphore(%arg25 : memref<!tpu.dma_semaphore, #tpu.memory_space<semaphore_mem>>) src(%dma_wait3A_187 : memref<10000x64xf32, #tpu.memory_space<hbm>>) dst(%arg18 : memref<128x64xf32, #tpu.memory_space<vmem>>)
        %dma_start3A = arith.constant 0 : i32
        %dma_start3A_188 = tpu.memref_slice %arg12[%add3A_133, %dma_start3A] : memref<102x128xi32, #tpu.memory_space<vmem>> -> memref<1x128xi32, #tpu.memory_space<vmem>>
        %dma_start3A_189 = tpu.memref_squeeze %dma_start3A_188 : memref<1x128xi32, #tpu.memory_space<vmem>> -> memref<128xi32, #tpu.memory_space<vmem>>
        %dma_start3A_190 = arith.constant 0 : i32
        %dma_start3A_191 = arith.constant 0 : i32
        %dma_start3A_192 = tpu.memref_slice %arg19[%dma_start3A_190, %dma_start3A_191] : memref<10112x64xf32, #tpu.memory_space<vmem_shared>> -> memref<10112x64xf32, #tpu.memory_space<vmem_shared>>
        tpu.enqueue_indirect_dma source(%arg18 : memref<128x64xf32, #tpu.memory_space<vmem>>) target(%dma_start3A_192 : memref<10112x64xf32, #tpu.memory_space<vmem_shared>>) offsets(%dma_start3A_189 : memref<128xi32, #tpu.memory_space<vmem>>) semaphore(%arg31 : memref<!tpu.dma_semaphore, #tpu.memory_space<semaphore_mem>>) {add = true}
        %add3A_193 = arith.constant 6 : i32
        %add3A_194 = arith.addi %add3A_133, %add3A_193 : i32
        %lt3A_195 = arith.cmpi slt, %add3A_194, %select_n3A : i32
        %convert_element_type3A_196 = arith.extui %lt3A_195 : i1 to i32
        %cond3A_197 = arith.constant 0 : i32
        %cond3A_198 = arith.cmpi ne, %convert_element_type3A_196, %cond3A_197 : i32
        scf.if %cond3A_198 {
          %add3A_199 = arith.constant 6 : i32
          %add3A_200 = arith.addi %add3A_133, %add3A_199 : i32
          %add3A_201 = arith.addi %select_n3A_8, %add3A_200 : i32
          %dma_start3A_202 = arith.constant 0 : i32
          %dma_start3A_203 = tpu.memref_slice %arg2[%add3A_201, %dma_start3A_202] : memref<2559x128xi32, #tpu.memory_space<hbm>> -> memref<1x128xi32, #tpu.memory_space<hbm>>
          %dma_start3A_204 = tpu.memref_squeeze %dma_start3A_203 : memref<1x128xi32, #tpu.memory_space<hbm>> -> memref<128xi32, #tpu.memory_space<hbm>>
          %dma_start3A_205 = arith.constant 0 : i32
          %dma_start3A_206 = tpu.memref_slice %arg2[%add3A_201, %dma_start3A_205] : memref<2559x128xi32, #tpu.memory_space<hbm>> -> memref<1x128xi32, #tpu.memory_space<hbm>>
          %dma_start3A_207 = tpu.memref_squeeze %dma_start3A_206 : memref<1x128xi32, #tpu.memory_space<hbm>> -> memref<128xi32, #tpu.memory_space<hbm>>
          tpu.enqueue_dma source(%dma_start3A_207 : memref<128xi32, #tpu.memory_space<hbm>>) target(%arg11 : memref<128xi32, #tpu.memory_space<vmem>>) target_semaphore(%arg37 : memref<!tpu.dma_semaphore, #tpu.memory_space<semaphore_mem>>)
        } else {
        }
      } else {
      }
      %mul3A_138 = arith.constant 6 : i32
      %mul3A_139 = arith.muli %while3A_90, %mul3A_138 : i32
      %add3A_140 = arith.constant 0 : i32
      %add3A_141 = arith.addi %mul3A_139, %add3A_140 : i32
      %lt3A_142 = arith.cmpi slt, %add3A_141, %select_n3A : i32
      %convert_element_type3A_143 = arith.extui %lt3A_142 : i1 to i32
      %cond3A_144 = arith.constant 0 : i32
      %cond3A_145 = arith.cmpi ne, %convert_element_type3A_143, %cond3A_144 : i32
      scf.if %cond3A_145 {
        %dma_wait3A = arith.constant 0 : i32
        %dma_wait3A_186 = tpu.memref_slice %arg12[%add3A_141, %dma_wait3A] : memref<102x128xi32, #tpu.memory_space<vmem>> -> memref<1x128xi32, #tpu.memory_space<vmem>>
        %dma_wait3A_187 = tpu.memref_squeeze %dma_wait3A_186 : memref<1x128xi32, #tpu.memory_space<vmem>> -> memref<128xi32, #tpu.memory_space<vmem>>
        %dma_wait3A_188 = arith.constant 0 : i32
        %dma_wait3A_189 = arith.constant 0 : i32
        %dma_wait3A_190 = tpu.memref_slice %arg19[%dma_wait3A_188, %dma_wait3A_189] : memref<10112x64xf32, #tpu.memory_space<vmem_shared>> -> memref<10112x64xf32, #tpu.memory_space<vmem_shared>>
        tpu.wait_indirect_dma semaphore(%arg26 : memref<!tpu.dma_semaphore, #tpu.memory_space<semaphore_mem>>) src(%arg13 : memref<128x64xf32, #tpu.memory_space<vmem>>) dst(%dma_wait3A_190 : memref<10112x64xf32, #tpu.memory_space<vmem_shared>>)
        %add3A_191 = arith.constant 6 : i32
        %add3A_192 = arith.addi %add3A_141, %add3A_191 : i32
        %lt3A_193 = arith.cmpi slt, %add3A_192, %select_n3A : i32
        %convert_element_type3A_194 = arith.extui %lt3A_193 : i1 to i32
        %cond3A_195 = arith.constant 0 : i32
        %cond3A_196 = arith.cmpi ne, %convert_element_type3A_194, %cond3A_195 : i32
        scf.if %cond3A_196 {
          %add3A_197 = arith.constant 6 : i32
          %add3A_198 = arith.addi %add3A_141, %add3A_197 : i32
          %add3A_199 = arith.addi %select_n3A_8, %add3A_198 : i32
          %dma_wait3A_200 = arith.constant 0 : i32
          %dma_wait3A_201 = tpu.memref_slice %arg2[%add3A_199, %dma_wait3A_200] : memref<2559x128xi32, #tpu.memory_space<hbm>> -> memref<1x128xi32, #tpu.memory_space<hbm>>
          %dma_wait3A_202 = tpu.memref_squeeze %dma_wait3A_201 : memref<1x128xi32, #tpu.memory_space<hbm>> -> memref<128xi32, #tpu.memory_space<hbm>>
          %dma_wait3A_203 = arith.constant 0 : i32
          %dma_wait3A_204 = tpu.memref_slice %arg2[%add3A_199, %dma_wait3A_203] : memref<2559x128xi32, #tpu.memory_space<hbm>> -> memref<1x128xi32, #tpu.memory_space<hbm>>
          %dma_wait3A_205 = tpu.memref_squeeze %dma_wait3A_204 : memref<1x128xi32, #tpu.memory_space<hbm>> -> memref<128xi32, #tpu.memory_space<hbm>>
          tpu.wait_dma2 semaphore(%arg32 : memref<!tpu.dma_semaphore, #tpu.memory_space<semaphore_mem>>) src(%dma_wait3A_205 : memref<128xi32, #tpu.memory_space<hbm>>) dst(%arg6 : memref<128xi32, #tpu.memory_space<vmem>>)
          %dma_start3A = arith.constant 0 : i32
          %dma_start3A_206 = arith.constant 0 : i32
          %dma_start3A_207 = tpu.memref_slice %arg4[%dma_start3A, %dma_start3A_206] : memref<10000x64xf32, #tpu.memory_space<hbm>> -> memref<10000x64xf32, #tpu.memory_space<hbm>>
          tpu.enqueue_indirect_dma source(%dma_start3A_207 : memref<10000x64xf32, #tpu.memory_space<hbm>>) target(%arg13 : memref<128x64xf32, #tpu.memory_space<vmem>>) offsets(%arg6 : memref<128xi32, #tpu.memory_space<vmem>>) semaphore(%arg20 : memref<!tpu.dma_semaphore, #tpu.memory_space<semaphore_mem>>)
        } else {
        }
      } else {
      }
      %mul3A_146 = arith.constant 6 : i32
      %mul3A_147 = arith.muli %while3A_90, %mul3A_146 : i32
      %add3A_148 = arith.constant 1 : i32
      %add3A_149 = arith.addi %mul3A_147, %add3A_148 : i32
      %lt3A_150 = arith.cmpi slt, %add3A_149, %select_n3A : i32
      %convert_element_type3A_151 = arith.extui %lt3A_150 : i1 to i32
      %cond3A_152 = arith.constant 0 : i32
      %cond3A_153 = arith.cmpi ne, %convert_element_type3A_151, %cond3A_152 : i32
      scf.if %cond3A_153 {
        %dma_wait3A = arith.constant 0 : i32
        %dma_wait3A_186 = tpu.memref_slice %arg12[%add3A_149, %dma_wait3A] : memref<102x128xi32, #tpu.memory_space<vmem>> -> memref<1x128xi32, #tpu.memory_space<vmem>>
        %dma_wait3A_187 = tpu.memref_squeeze %dma_wait3A_186 : memref<1x128xi32, #tpu.memory_space<vmem>> -> memref<128xi32, #tpu.memory_space<vmem>>
        %dma_wait3A_188 = arith.constant 0 : i32
        %dma_wait3A_189 = arith.constant 0 : i32
        %dma_wait3A_190 = tpu.memref_slice %arg19[%dma_wait3A_188, %dma_wait3A_189] : memref<10112x64xf32, #tpu.memory_space<vmem_shared>> -> memref<10112x64xf32, #tpu.memory_space<vmem_shared>>
        tpu.wait_indirect_dma semaphore(%arg27 : memref<!tpu.dma_semaphore, #tpu.memory_space<semaphore_mem>>) src(%arg14 : memref<128x64xf32, #tpu.memory_space<vmem>>) dst(%dma_wait3A_190 : memref<10112x64xf32, #tpu.memory_space<vmem_shared>>)
        %add3A_191 = arith.constant 6 : i32
        %add3A_192 = arith.addi %add3A_149, %add3A_191 : i32
        %lt3A_193 = arith.cmpi slt, %add3A_192, %select_n3A : i32
        %convert_element_type3A_194 = arith.extui %lt3A_193 : i1 to i32
        %cond3A_195 = arith.constant 0 : i32
        %cond3A_196 = arith.cmpi ne, %convert_element_type3A_194, %cond3A_195 : i32
        scf.if %cond3A_196 {
          %add3A_197 = arith.constant 6 : i32
          %add3A_198 = arith.addi %add3A_149, %add3A_197 : i32
          %add3A_199 = arith.addi %select_n3A_8, %add3A_198 : i32
          %dma_wait3A_200 = arith.constant 0 : i32
          %dma_wait3A_201 = tpu.memref_slice %arg2[%add3A_199, %dma_wait3A_200] : memref<2559x128xi32, #tpu.memory_space<hbm>> -> memref<1x128xi32, #tpu.memory_space<hbm>>
          %dma_wait3A_202 = tpu.memref_squeeze %dma_wait3A_201 : memref<1x128xi32, #tpu.memory_space<hbm>> -> memref<128xi32, #tpu.memory_space<hbm>>
          %dma_wait3A_203 = arith.constant 0 : i32
          %dma_wait3A_204 = tpu.memref_slice %arg2[%add3A_199, %dma_wait3A_203] : memref<2559x128xi32, #tpu.memory_space<hbm>> -> memref<1x128xi32, #tpu.memory_space<hbm>>
          %dma_wait3A_205 = tpu.memref_squeeze %dma_wait3A_204 : memref<1x128xi32, #tpu.memory_space<hbm>> -> memref<128xi32, #tpu.memory_space<hbm>>
          tpu.wait_dma2 semaphore(%arg33 : memref<!tpu.dma_semaphore, #tpu.memory_space<semaphore_mem>>) src(%dma_wait3A_205 : memref<128xi32, #tpu.memory_space<hbm>>) dst(%arg7 : memref<128xi32, #tpu.memory_space<vmem>>)
          %dma_start3A = arith.constant 0 : i32
          %dma_start3A_206 = arith.constant 0 : i32
          %dma_start3A_207 = tpu.memref_slice %arg4[%dma_start3A, %dma_start3A_206] : memref<10000x64xf32, #tpu.memory_space<hbm>> -> memref<10000x64xf32, #tpu.memory_space<hbm>>
          tpu.enqueue_indirect_dma source(%dma_start3A_207 : memref<10000x64xf32, #tpu.memory_space<hbm>>) target(%arg14 : memref<128x64xf32, #tpu.memory_space<vmem>>) offsets(%arg7 : memref<128xi32, #tpu.memory_space<vmem>>) semaphore(%arg21 : memref<!tpu.dma_semaphore, #tpu.memory_space<semaphore_mem>>)
        } else {
        }
      } else {
      }
      %mul3A_154 = arith.constant 6 : i32
      %mul3A_155 = arith.muli %while3A_90, %mul3A_154 : i32
      %add3A_156 = arith.constant 2 : i32
      %add3A_157 = arith.addi %mul3A_155, %add3A_156 : i32
      %lt3A_158 = arith.cmpi slt, %add3A_157, %select_n3A : i32
      %convert_element_type3A_159 = arith.extui %lt3A_158 : i1 to i32
      %cond3A_160 = arith.constant 0 : i32
      %cond3A_161 = arith.cmpi ne, %convert_element_type3A_159, %cond3A_160 : i32
      scf.if %cond3A_161 {
        %dma_wait3A = arith.constant 0 : i32
        %dma_wait3A_186 = tpu.memref_slice %arg12[%add3A_157, %dma_wait3A] : memref<102x128xi32, #tpu.memory_space<vmem>> -> memref<1x128xi32, #tpu.memory_space<vmem>>
        %dma_wait3A_187 = tpu.memref_squeeze %dma_wait3A_186 : memref<1x128xi32, #tpu.memory_space<vmem>> -> memref<128xi32, #tpu.memory_space<vmem>>
        %dma_wait3A_188 = arith.constant 0 : i32
        %dma_wait3A_189 = arith.constant 0 : i32
        %dma_wait3A_190 = tpu.memref_slice %arg19[%dma_wait3A_188, %dma_wait3A_189] : memref<10112x64xf32, #tpu.memory_space<vmem_shared>> -> memref<10112x64xf32, #tpu.memory_space<vmem_shared>>
        tpu.wait_indirect_dma semaphore(%arg28 : memref<!tpu.dma_semaphore, #tpu.memory_space<semaphore_mem>>) src(%arg15 : memref<128x64xf32, #tpu.memory_space<vmem>>) dst(%dma_wait3A_190 : memref<10112x64xf32, #tpu.memory_space<vmem_shared>>)
        %add3A_191 = arith.constant 6 : i32
        %add3A_192 = arith.addi %add3A_157, %add3A_191 : i32
        %lt3A_193 = arith.cmpi slt, %add3A_192, %select_n3A : i32
        %convert_element_type3A_194 = arith.extui %lt3A_193 : i1 to i32
        %cond3A_195 = arith.constant 0 : i32
        %cond3A_196 = arith.cmpi ne, %convert_element_type3A_194, %cond3A_195 : i32
        scf.if %cond3A_196 {
          %add3A_197 = arith.constant 6 : i32
          %add3A_198 = arith.addi %add3A_157, %add3A_197 : i32
          %add3A_199 = arith.addi %select_n3A_8, %add3A_198 : i32
          %dma_wait3A_200 = arith.constant 0 : i32
          %dma_wait3A_201 = tpu.memref_slice %arg2[%add3A_199, %dma_wait3A_200] : memref<2559x128xi32, #tpu.memory_space<hbm>> -> memref<1x128xi32, #tpu.memory_space<hbm>>
          %dma_wait3A_202 = tpu.memref_squeeze %dma_wait3A_201 : memref<1x128xi32, #tpu.memory_space<hbm>> -> memref<128xi32, #tpu.memory_space<hbm>>
          %dma_wait3A_203 = arith.constant 0 : i32
          %dma_wait3A_204 = tpu.memref_slice %arg2[%add3A_199, %dma_wait3A_203] : memref<2559x128xi32, #tpu.memory_space<hbm>> -> memref<1x128xi32, #tpu.memory_space<hbm>>
          %dma_wait3A_205 = tpu.memref_squeeze %dma_wait3A_204 : memref<1x128xi32, #tpu.memory_space<hbm>> -> memref<128xi32, #tpu.memory_space<hbm>>
          tpu.wait_dma2 semaphore(%arg34 : memref<!tpu.dma_semaphore, #tpu.memory_space<semaphore_mem>>) src(%dma_wait3A_205 : memref<128xi32, #tpu.memory_space<hbm>>) dst(%arg8 : memref<128xi32, #tpu.memory_space<vmem>>)
          %dma_start3A = arith.constant 0 : i32
          %dma_start3A_206 = arith.constant 0 : i32
          %dma_start3A_207 = tpu.memref_slice %arg4[%dma_start3A, %dma_start3A_206] : memref<10000x64xf32, #tpu.memory_space<hbm>> -> memref<10000x64xf32, #tpu.memory_space<hbm>>
          tpu.enqueue_indirect_dma source(%dma_start3A_207 : memref<10000x64xf32, #tpu.memory_space<hbm>>) target(%arg15 : memref<128x64xf32, #tpu.memory_space<vmem>>) offsets(%arg8 : memref<128xi32, #tpu.memory_space<vmem>>) semaphore(%arg22 : memref<!tpu.dma_semaphore, #tpu.memory_space<semaphore_mem>>)
        } else {
        }
      } else {
      }
      %mul3A_162 = arith.constant 6 : i32
      %mul3A_163 = arith.muli %while3A_90, %mul3A_162 : i32
      %add3A_164 = arith.constant 3 : i32
      %add3A_165 = arith.addi %mul3A_163, %add3A_164 : i32
      %lt3A_166 = arith.cmpi slt, %add3A_165, %select_n3A : i32
      %convert_element_type3A_167 = arith.extui %lt3A_166 : i1 to i32
      %cond3A_168 = arith.constant 0 : i32
      %cond3A_169 = arith.cmpi ne, %convert_element_type3A_167, %cond3A_168 : i32
      scf.if %cond3A_169 {
        %dma_wait3A = arith.constant 0 : i32
        %dma_wait3A_186 = tpu.memref_slice %arg12[%add3A_165, %dma_wait3A] : memref<102x128xi32, #tpu.memory_space<vmem>> -> memref<1x128xi32, #tpu.memory_space<vmem>>
        %dma_wait3A_187 = tpu.memref_squeeze %dma_wait3A_186 : memref<1x128xi32, #tpu.memory_space<vmem>> -> memref<128xi32, #tpu.memory_space<vmem>>
        %dma_wait3A_188 = arith.constant 0 : i32
        %dma_wait3A_189 = arith.constant 0 : i32
        %dma_wait3A_190 = tpu.memref_slice %arg19[%dma_wait3A_188, %dma_wait3A_189] : memref<10112x64xf32, #tpu.memory_space<vmem_shared>> -> memref<10112x64xf32, #tpu.memory_space<vmem_shared>>
        tpu.wait_indirect_dma semaphore(%arg29 : memref<!tpu.dma_semaphore, #tpu.memory_space<semaphore_mem>>) src(%arg16 : memref<128x64xf32, #tpu.memory_space<vmem>>) dst(%dma_wait3A_190 : memref<10112x64xf32, #tpu.memory_space<vmem_shared>>)
        %add3A_191 = arith.constant 6 : i32
        %add3A_192 = arith.addi %add3A_165, %add3A_191 : i32
        %lt3A_193 = arith.cmpi slt, %add3A_192, %select_n3A : i32
        %convert_element_type3A_194 = arith.extui %lt3A_193 : i1 to i32
        %cond3A_195 = arith.constant 0 : i32
        %cond3A_196 = arith.cmpi ne, %convert_element_type3A_194, %cond3A_195 : i32
        scf.if %cond3A_196 {
          %add3A_197 = arith.constant 6 : i32
          %add3A_198 = arith.addi %add3A_165, %add3A_197 : i32
          %add3A_199 = arith.addi %select_n3A_8, %add3A_198 : i32
          %dma_wait3A_200 = arith.constant 0 : i32
          %dma_wait3A_201 = tpu.memref_slice %arg2[%add3A_199, %dma_wait3A_200] : memref<2559x128xi32, #tpu.memory_space<hbm>> -> memref<1x128xi32, #tpu.memory_space<hbm>>
          %dma_wait3A_202 = tpu.memref_squeeze %dma_wait3A_201 : memref<1x128xi32, #tpu.memory_space<hbm>> -> memref<128xi32, #tpu.memory_space<hbm>>
          %dma_wait3A_203 = arith.constant 0 : i32
          %dma_wait3A_204 = tpu.memref_slice %arg2[%add3A_199, %dma_wait3A_203] : memref<2559x128xi32, #tpu.memory_space<hbm>> -> memref<1x128xi32, #tpu.memory_space<hbm>>
          %dma_wait3A_205 = tpu.memref_squeeze %dma_wait3A_204 : memref<1x128xi32, #tpu.memory_space<hbm>> -> memref<128xi32, #tpu.memory_space<hbm>>
          tpu.wait_dma2 semaphore(%arg35 : memref<!tpu.dma_semaphore, #tpu.memory_space<semaphore_mem>>) src(%dma_wait3A_205 : memref<128xi32, #tpu.memory_space<hbm>>) dst(%arg9 : memref<128xi32, #tpu.memory_space<vmem>>)
          %dma_start3A = arith.constant 0 : i32
          %dma_start3A_206 = arith.constant 0 : i32
          %dma_start3A_207 = tpu.memref_slice %arg4[%dma_start3A, %dma_start3A_206] : memref<10000x64xf32, #tpu.memory_space<hbm>> -> memref<10000x64xf32, #tpu.memory_space<hbm>>
          tpu.enqueue_indirect_dma source(%dma_start3A_207 : memref<10000x64xf32, #tpu.memory_space<hbm>>) target(%arg16 : memref<128x64xf32, #tpu.memory_space<vmem>>) offsets(%arg9 : memref<128xi32, #tpu.memory_space<vmem>>) semaphore(%arg23 : memref<!tpu.dma_semaphore, #tpu.memory_space<semaphore_mem>>)
        } else {
        }
      } else {
      }
      %mul3A_170 = arith.constant 6 : i32
      %mul3A_171 = arith.muli %while3A_90, %mul3A_170 : i32
      %add3A_172 = arith.constant 4 : i32
      %add3A_173 = arith.addi %mul3A_171, %add3A_172 : i32
      %lt3A_174 = arith.cmpi slt, %add3A_173, %select_n3A : i32
      %convert_element_type3A_175 = arith.extui %lt3A_174 : i1 to i32
      %cond3A_176 = arith.constant 0 : i32
      %cond3A_177 = arith.cmpi ne, %convert_element_type3A_175, %cond3A_176 : i32
      scf.if %cond3A_177 {
        %dma_wait3A = arith.constant 0 : i32
        %dma_wait3A_186 = tpu.memref_slice %arg12[%add3A_173, %dma_wait3A] : memref<102x128xi32, #tpu.memory_space<vmem>> -> memref<1x128xi32, #tpu.memory_space<vmem>>
        %dma_wait3A_187 = tpu.memref_squeeze %dma_wait3A_186 : memref<1x128xi32, #tpu.memory_space<vmem>> -> memref<128xi32, #tpu.memory_space<vmem>>
        %dma_wait3A_188 = arith.constant 0 : i32
        %dma_wait3A_189 = arith.constant 0 : i32
        %dma_wait3A_190 = tpu.memref_slice %arg19[%dma_wait3A_188, %dma_wait3A_189] : memref<10112x64xf32, #tpu.memory_space<vmem_shared>> -> memref<10112x64xf32, #tpu.memory_space<vmem_shared>>
        tpu.wait_indirect_dma semaphore(%arg30 : memref<!tpu.dma_semaphore, #tpu.memory_space<semaphore_mem>>) src(%arg17 : memref<128x64xf32, #tpu.memory_space<vmem>>) dst(%dma_wait3A_190 : memref<10112x64xf32, #tpu.memory_space<vmem_shared>>)
        %add3A_191 = arith.constant 6 : i32
        %add3A_192 = arith.addi %add3A_173, %add3A_191 : i32
        %lt3A_193 = arith.cmpi slt, %add3A_192, %select_n3A : i32
        %convert_element_type3A_194 = arith.extui %lt3A_193 : i1 to i32
        %cond3A_195 = arith.constant 0 : i32
        %cond3A_196 = arith.cmpi ne, %convert_element_type3A_194, %cond3A_195 : i32
        scf.if %cond3A_196 {
          %add3A_197 = arith.constant 6 : i32
          %add3A_198 = arith.addi %add3A_173, %add3A_197 : i32
          %add3A_199 = arith.addi %select_n3A_8, %add3A_198 : i32
          %dma_wait3A_200 = arith.constant 0 : i32
          %dma_wait3A_201 = tpu.memref_slice %arg2[%add3A_199, %dma_wait3A_200] : memref<2559x128xi32, #tpu.memory_space<hbm>> -> memref<1x128xi32, #tpu.memory_space<hbm>>
          %dma_wait3A_202 = tpu.memref_squeeze %dma_wait3A_201 : memref<1x128xi32, #tpu.memory_space<hbm>> -> memref<128xi32, #tpu.memory_space<hbm>>
          %dma_wait3A_203 = arith.constant 0 : i32
          %dma_wait3A_204 = tpu.memref_slice %arg2[%add3A_199, %dma_wait3A_203] : memref<2559x128xi32, #tpu.memory_space<hbm>> -> memref<1x128xi32, #tpu.memory_space<hbm>>
          %dma_wait3A_205 = tpu.memref_squeeze %dma_wait3A_204 : memref<1x128xi32, #tpu.memory_space<hbm>> -> memref<128xi32, #tpu.memory_space<hbm>>
          tpu.wait_dma2 semaphore(%arg36 : memref<!tpu.dma_semaphore, #tpu.memory_space<semaphore_mem>>) src(%dma_wait3A_205 : memref<128xi32, #tpu.memory_space<hbm>>) dst(%arg10 : memref<128xi32, #tpu.memory_space<vmem>>)
          %dma_start3A = arith.constant 0 : i32
          %dma_start3A_206 = arith.constant 0 : i32
          %dma_start3A_207 = tpu.memref_slice %arg4[%dma_start3A, %dma_start3A_206] : memref<10000x64xf32, #tpu.memory_space<hbm>> -> memref<10000x64xf32, #tpu.memory_space<hbm>>
          tpu.enqueue_indirect_dma source(%dma_start3A_207 : memref<10000x64xf32, #tpu.memory_space<hbm>>) target(%arg17 : memref<128x64xf32, #tpu.memory_space<vmem>>) offsets(%arg10 : memref<128xi32, #tpu.memory_space<vmem>>) semaphore(%arg24 : memref<!tpu.dma_semaphore, #tpu.memory_space<semaphore_mem>>)
        } else {
        }
      } else {
      }
      %mul3A_178 = arith.constant 6 : i32
      %mul3A_179 = arith.muli %while3A_90, %mul3A_178 : i32
      %add3A_180 = arith.constant 5 : i32
      %add3A_181 = arith.addi %mul3A_179, %add3A_180 : i32
      %lt3A_182 = arith.cmpi slt, %add3A_181, %select_n3A : i32
      %convert_element_type3A_183 = arith.extui %lt3A_182 : i1 to i32
      %cond3A_184 = arith.constant 0 : i32
      %cond3A_185 = arith.cmpi ne, %convert_element_type3A_183, %cond3A_184 : i32
      scf.if %cond3A_185 {
        %dma_wait3A = arith.constant 0 : i32
        %dma_wait3A_186 = tpu.memref_slice %arg12[%add3A_181, %dma_wait3A] : memref<102x128xi32, #tpu.memory_space<vmem>> -> memref<1x128xi32, #tpu.memory_space<vmem>>
        %dma_wait3A_187 = tpu.memref_squeeze %dma_wait3A_186 : memref<1x128xi32, #tpu.memory_space<vmem>> -> memref<128xi32, #tpu.memory_space<vmem>>
        %dma_wait3A_188 = arith.constant 0 : i32
        %dma_wait3A_189 = arith.constant 0 : i32
        %dma_wait3A_190 = tpu.memref_slice %arg19[%dma_wait3A_188, %dma_wait3A_189] : memref<10112x64xf32, #tpu.memory_space<vmem_shared>> -> memref<10112x64xf32, #tpu.memory_space<vmem_shared>>
        tpu.wait_indirect_dma semaphore(%arg31 : memref<!tpu.dma_semaphore, #tpu.memory_space<semaphore_mem>>) src(%arg18 : memref<128x64xf32, #tpu.memory_space<vmem>>) dst(%dma_wait3A_190 : memref<10112x64xf32, #tpu.memory_space<vmem_shared>>)
        %add3A_191 = arith.constant 6 : i32
        %add3A_192 = arith.addi %add3A_181, %add3A_191 : i32
        %lt3A_193 = arith.cmpi slt, %add3A_192, %select_n3A : i32
        %convert_element_type3A_194 = arith.extui %lt3A_193 : i1 to i32
        %cond3A_195 = arith.constant 0 : i32
        %cond3A_196 = arith.cmpi ne, %convert_element_type3A_194, %cond3A_195 : i32
        scf.if %cond3A_196 {
          %add3A_197 = arith.constant 6 : i32
          %add3A_198 = arith.addi %add3A_181, %add3A_197 : i32
          %add3A_199 = arith.addi %select_n3A_8, %add3A_198 : i32
          %dma_wait3A_200 = arith.constant 0 : i32
          %dma_wait3A_201 = tpu.memref_slice %arg2[%add3A_199, %dma_wait3A_200] : memref<2559x128xi32, #tpu.memory_space<hbm>> -> memref<1x128xi32, #tpu.memory_space<hbm>>
          %dma_wait3A_202 = tpu.memref_squeeze %dma_wait3A_201 : memref<1x128xi32, #tpu.memory_space<hbm>> -> memref<128xi32, #tpu.memory_space<hbm>>
          %dma_wait3A_203 = arith.constant 0 : i32
          %dma_wait3A_204 = tpu.memref_slice %arg2[%add3A_199, %dma_wait3A_203] : memref<2559x128xi32, #tpu.memory_space<hbm>> -> memref<1x128xi32, #tpu.memory_space<hbm>>
          %dma_wait3A_205 = tpu.memref_squeeze %dma_wait3A_204 : memref<1x128xi32, #tpu.memory_space<hbm>> -> memref<128xi32, #tpu.memory_space<hbm>>
          tpu.wait_dma2 semaphore(%arg37 : memref<!tpu.dma_semaphore, #tpu.memory_space<semaphore_mem>>) src(%dma_wait3A_205 : memref<128xi32, #tpu.memory_space<hbm>>) dst(%arg11 : memref<128xi32, #tpu.memory_space<vmem>>)
          %dma_start3A = arith.constant 0 : i32
          %dma_start3A_206 = arith.constant 0 : i32
          %dma_start3A_207 = tpu.memref_slice %arg4[%dma_start3A, %dma_start3A_206] : memref<10000x64xf32, #tpu.memory_space<hbm>> -> memref<10000x64xf32, #tpu.memory_space<hbm>>
          tpu.enqueue_indirect_dma source(%dma_start3A_207 : memref<10000x64xf32, #tpu.memory_space<hbm>>) target(%arg18 : memref<128x64xf32, #tpu.memory_space<vmem>>) offsets(%arg11 : memref<128xi32, #tpu.memory_space<vmem>>) semaphore(%arg25 : memref<!tpu.dma_semaphore, #tpu.memory_space<semaphore_mem>>)
        } else {
        }
      } else {
      }
    }
    %barrier3A_82 = arith.constant 0 : index
    tpu.barrier barrier_id(%barrier3A_82)
    %mul3A_83 = arith.constant 632 : i32
    %mul3A_84 = arith.muli %arg1, %mul3A_83 : i32
    %mul3A_85 = arith.constant 10112 : i32
    %mul3A_86 = arith.muli %arg0, %mul3A_85 : i32
    %mul3A_87 = arith.constant 632 : i32
    %mul3A_88 = arith.muli %arg1, %mul3A_87 : i32
    %add3A_89 = arith.addi %mul3A_86, %mul3A_88 : i32
    "tpu.region"() ({
      %run_scoped3A = tpu.sem_alloc : memref<!tpu.dma_semaphore, #tpu.memory_space<semaphore_mem>>
      %dma_start3A = arith.constant 0 : i32
      %dma_start3A_90 = tpu.memref_slice %arg5[%add3A_89, %dma_start3A] : memref<20224x64xf32, #tpu.memory_space<hbm>> -> memref<632x64xf32, #tpu.memory_space<hbm>>
      %dma_start3A_91 = arith.constant 0 : i32
      %dma_start3A_92 = tpu.memref_slice %arg19[%mul3A_84, %dma_start3A_91] : memref<10112x64xf32, #tpu.memory_space<vmem_shared>> -> memref<632x64xf32, #tpu.memory_space<vmem_shared>>
      tpu.enqueue_dma source(%dma_start3A_92 : memref<632x64xf32, #tpu.memory_space<vmem_shared>>) target(%dma_start3A_90 : memref<632x64xf32, #tpu.memory_space<hbm>>) target_semaphore(%run_scoped3A : memref<!tpu.dma_semaphore, #tpu.memory_space<semaphore_mem>>)
      %dma_wait3A = arith.constant 0 : i32
      %dma_wait3A_93 = tpu.memref_slice %arg5[%add3A_89, %dma_wait3A] : memref<20224x64xf32, #tpu.memory_space<hbm>> -> memref<632x64xf32, #tpu.memory_space<hbm>>
      %dma_wait3A_94 = arith.constant 0 : i32
      %dma_wait3A_95 = tpu.memref_slice %arg19[%mul3A_84, %dma_wait3A_94] : memref<10112x64xf32, #tpu.memory_space<vmem_shared>> -> memref<632x64xf32, #tpu.memory_space<vmem_shared>>
      tpu.wait_dma2 semaphore(%run_scoped3A : memref<!tpu.dma_semaphore, #tpu.memory_space<semaphore_mem>>) src(%dma_wait3A_95 : memref<632x64xf32, #tpu.memory_space<vmem_shared>>) dst(%dma_wait3A_93 : memref<632x64xf32, #tpu.memory_space<hbm>>)
      tpu.yield
    }) : () -> ()
    return
  }
}

#map = affine_map<(d0, d1) -> (0, 0)>
module attributes {stable_mosaic.version = 14 : i64} {
  func.func @agg_kernel(%arg0: i32, %arg1: i32, %arg2: memref<5071x64xi32, #tpu.memory_space<hbm>>, %arg3: memref<5071x64xi32, #tpu.memory_space<hbm>>, %arg4: memref<10000x128xf32, #tpu.memory_space<hbm>>, %arg5: memref<20224x128xf32, #tpu.memory_space<hbm>>, %arg6: memref<64xi32, #tpu.memory_space<vmem>>, %arg7: memref<64xi32, #tpu.memory_space<vmem>>, %arg8: memref<64xi32, #tpu.memory_space<vmem>>, %arg9: memref<64xi32, #tpu.memory_space<vmem>>, %arg10: memref<188x64xi32, #tpu.memory_space<vmem>>, %arg11: memref<64x128xf32, #tpu.memory_space<vmem>>, %arg12: memref<64x128xf32, #tpu.memory_space<vmem>>, %arg13: memref<64x128xf32, #tpu.memory_space<vmem>>, %arg14: memref<64x128xf32, #tpu.memory_space<vmem>>, %arg15: memref<10112x128xf32, #tpu.memory_space<vmem_shared>>, %arg16: memref<!tpu.dma_semaphore, #tpu.memory_space<semaphore_mem>>, %arg17: memref<!tpu.dma_semaphore, #tpu.memory_space<semaphore_mem>>, %arg18: memref<!tpu.dma_semaphore, #tpu.memory_space<semaphore_mem>>, %arg19: memref<!tpu.dma_semaphore, #tpu.memory_space<semaphore_mem>>, %arg20: memref<!tpu.dma_semaphore, #tpu.memory_space<semaphore_mem>>, %arg21: memref<!tpu.dma_semaphore, #tpu.memory_space<semaphore_mem>>, %arg22: memref<!tpu.dma_semaphore, #tpu.memory_space<semaphore_mem>>, %arg23: memref<!tpu.dma_semaphore, #tpu.memory_space<semaphore_mem>>, %arg24: memref<!tpu.dma_semaphore, #tpu.memory_space<semaphore_mem>>, %arg25: memref<!tpu.dma_semaphore, #tpu.memory_space<semaphore_mem>>, %arg26: memref<!tpu.dma_semaphore, #tpu.memory_space<semaphore_mem>>, %arg27: memref<!tpu.dma_semaphore, #tpu.memory_space<semaphore_mem>>) attributes {dimension_semantics = [#tpu.dimension_semantics<core_parallel>, #tpu.dimension_semantics<subcore_parallel>], iteration_bounds = array<i64: 2, 16>, scalar_prefetch = 0 : i64, scratch_operands = 22 : i64, tpu.core_type = #tpu.core_type<sc_vector_subcore>, window_params = [{transform_indices = #map}, {transform_indices = #map}, {transform_indices = #map}, {transform_indices = #map}]} {
    %eq3A = arith.constant 0 : i32
    %eq3A_0 = arith.cmpi eq, %arg0, %eq3A : i32
    %jit3A = arith.constant 188 : i32
    %jit3A_1 = arith.constant 125 : i32
    %select_n3A = arith.select %eq3A_0, %jit3A, %jit3A_1 : i32
    %eq3A_2 = arith.constant 0 : i32
    %eq3A_3 = arith.cmpi eq, %arg0, %eq3A_2 : i32
    %mul3A = arith.constant 188 : i32
    %mul3A_4 = arith.muli %arg1, %mul3A : i32
    %mul3A_5 = arith.constant 125 : i32
    %mul3A_6 = arith.muli %arg1, %mul3A_5 : i32
    %add3A = arith.constant 3008 : i32
    %add3A_7 = arith.addi %add3A, %mul3A_6 : i32
    %select_n3A_8 = arith.select %eq3A_3, %mul3A_4, %add3A_7 : i32
    %scan3A = arith.constant 0 : i32
    %scan3A_9 = arith.constant 0 : i32
    %scan3A_10 = arith.constant 512 : i32
    %scan3A_11 = arith.addi %scan3A_9, %scan3A_10 : i32
    %scan3A_12 = arith.constant 1 : i32
    scf.for %scan3A_80 = %scan3A_9 to %scan3A_11 step %scan3A_12  : i32 {
      %jit3A_81 = arith.constant 8 : i32
      %div3A_82 = arith.divsi %scan3A_80, %jit3A_81 : i32
      %sign3A_83 = arith.constant 0 : i32
      %sign3A_84 = arith.cmpi sgt, %scan3A_80, %sign3A_83 : i32
      %sign3A_85 = arith.extui %sign3A_84 : i1 to i32
      %sign3A_86 = arith.constant 0 : i32
      %sign3A_87 = arith.cmpi slt, %scan3A_80, %sign3A_86 : i32
      %sign3A_88 = arith.extui %sign3A_87 : i1 to i32
      %sign3A_89 = arith.subi %sign3A_85, %sign3A_88 : i32
      %sign3A_90 = arith.constant 0 : i32
      %sign3A_91 = arith.cmpi sgt, %jit3A_81, %sign3A_90 : i32
      %sign3A_92 = arith.extui %sign3A_91 : i1 to i32
      %sign3A_93 = arith.constant 0 : i32
      %sign3A_94 = arith.cmpi slt, %jit3A_81, %sign3A_93 : i32
      %sign3A_95 = arith.extui %sign3A_94 : i1 to i32
      %sign3A_96 = arith.subi %sign3A_92, %sign3A_95 : i32
      %ne3A_97 = arith.cmpi ne, %sign3A_89, %sign3A_96 : i32
      %rem3A_98 = arith.remsi %scan3A_80, %jit3A_81 : i32
      %ne3A_99 = arith.constant 0 : i32
      %ne3A_100 = arith.cmpi ne, %rem3A_98, %ne3A_99 : i32
      %and3A_101 = arith.andi %ne3A_97, %ne3A_100 : i1
      %sub3A_102 = arith.constant 1 : i32
      %sub3A_103 = arith.subi %div3A_82, %sub3A_102 : i32
      %select_n3A_104 = arith.select %and3A_101, %sub3A_103, %div3A_82 : i32
      %jit3A_105 = arith.constant 8 : i32
      %eq3A_106 = arith.constant 0 : i32
      %eq3A_107 = arith.cmpi eq, %jit3A_105, %eq3A_106 : i32
      %jit3A_108 = arith.constant 1 : i32
      %select_n3A_109 = arith.select %eq3A_107, %jit3A_108, %jit3A_105 : i32
      %rem3A_110 = arith.remsi %scan3A_80, %select_n3A_109 : i32
      %ne3A_111 = arith.constant 0 : i32
      %ne3A_112 = arith.cmpi ne, %rem3A_110, %ne3A_111 : i32
      %lt3A = arith.constant 0 : i32
      %lt3A_113 = arith.cmpi slt, %rem3A_110, %lt3A : i32
      %lt3A_114 = arith.constant 0 : i32
      %lt3A_115 = arith.cmpi slt, %select_n3A_109, %lt3A_114 : i32
      %ne3A_116 = arith.xori %lt3A_113, %lt3A_115 : i1
      %and3A_117 = arith.andi %ne3A_116, %ne3A_112 : i1
      %add3A_118 = arith.addi %rem3A_110, %select_n3A_109 : i32
      %select_n3A_119 = arith.select %and3A_117, %add3A_118, %rem3A_110 : i32
      %broadcast_in_dim3A = arith.constant 0.000000e+00 : f32
      %broadcast_in_dim3A_120 = vector.broadcast %broadcast_in_dim3A : f32 to vector<16xf32>
      %mul3A_121 = arith.constant 16 : i32
      %mul3A_122 = arith.muli %select_n3A_119, %mul3A_121 : i32
      %swap3A = arith.index_cast %select_n3A_104 : i32 to index
      %swap3A_123 = arith.index_cast %mul3A_122 : i32 to index
      %swap3A_124 = tpu.vector_load %arg11[%swap3A, %swap3A_123] {strides = array<i32>} : memref<64x128xf32, #tpu.memory_space<vmem>>, vector<1x16xf32>,
      %swap3A_125 = vector.shape_cast %swap3A_124 : vector<1x16xf32> to vector<16xf32>
      %swap3A_126 = vector.shape_cast %broadcast_in_dim3A_120 : vector<16xf32> to vector<1x16xf32>
      tpu.vector_store %arg11[%swap3A, %swap3A_123], %swap3A_126 {strides = array<i32>} : memref<64x128xf32, #tpu.memory_space<vmem>>, vector<1x16xf32>,
    }
    %scan3A_13 = arith.constant 512 : i32
    %scan3A_14 = arith.constant 0 : i32
    %scan3A_15 = arith.constant 0 : i32
    %scan3A_16 = arith.constant 9 : i32
    %scan3A_17 = arith.addi %scan3A_15, %scan3A_16 : i32
    %scan3A_18 = arith.constant 1 : i32
    scf.for %scan3A_80 = %scan3A_15 to %scan3A_17 step %scan3A_18  : i32 {
      %mul3A_81 = arith.constant 632 : i32
      %mul3A_82 = arith.muli %arg1, %mul3A_81 : i32
      %mul3A_83 = arith.constant 64 : i32
      %mul3A_84 = arith.muli %scan3A_80, %mul3A_83 : i32
      %add3A_85 = arith.addi %mul3A_82, %mul3A_84 : i32
      "tpu.region"() ({
        %run_scoped3A = tpu.sem_alloc : memref<!tpu.dma_semaphore, #tpu.memory_space<semaphore_mem>>
        %dma_start3A = arith.constant 0 : i32
        %dma_start3A_86 = tpu.memref_slice %arg15[%add3A_85, %dma_start3A] : memref<10112x128xf32, #tpu.memory_space<vmem_shared>> -> memref<64x128xf32, #tpu.memory_space<vmem_shared>>
        %dma_start3A_87 = arith.constant 0 : i32
        %dma_start3A_88 = tpu.memref_slice %arg15[%add3A_85, %dma_start3A_87] : memref<10112x128xf32, #tpu.memory_space<vmem_shared>> -> memref<64x128xf32, #tpu.memory_space<vmem_shared>>
        tpu.enqueue_dma source(%arg11 : memref<64x128xf32, #tpu.memory_space<vmem>>) target(%dma_start3A_88 : memref<64x128xf32, #tpu.memory_space<vmem_shared>>) target_semaphore(%run_scoped3A : memref<!tpu.dma_semaphore, #tpu.memory_space<semaphore_mem>>)
        %dma_wait3A = arith.constant 0 : i32
        %dma_wait3A_89 = tpu.memref_slice %arg15[%add3A_85, %dma_wait3A] : memref<10112x128xf32, #tpu.memory_space<vmem_shared>> -> memref<64x128xf32, #tpu.memory_space<vmem_shared>>
        %dma_wait3A_90 = arith.constant 0 : i32
        %dma_wait3A_91 = tpu.memref_slice %arg15[%add3A_85, %dma_wait3A_90] : memref<10112x128xf32, #tpu.memory_space<vmem_shared>> -> memref<64x128xf32, #tpu.memory_space<vmem_shared>>
        tpu.wait_dma2 semaphore(%run_scoped3A : memref<!tpu.dma_semaphore, #tpu.memory_space<semaphore_mem>>) src(%arg11 : memref<64x128xf32, #tpu.memory_space<vmem>>) dst(%dma_wait3A_91 : memref<64x128xf32, #tpu.memory_space<vmem_shared>>)
        tpu.yield
      }) : () -> ()
    }
    %scan3A_19 = arith.constant 9 : i32
    %mul3A_20 = arith.constant 632 : i32
    %mul3A_21 = arith.muli %arg1, %mul3A_20 : i32
    %add3A_22 = arith.constant 576 : i32
    %add3A_23 = arith.addi %mul3A_21, %add3A_22 : i32
    "tpu.region"() ({
      %run_scoped3A = tpu.sem_alloc : memref<!tpu.dma_semaphore, #tpu.memory_space<semaphore_mem>>
      %dma_start3A = arith.constant 0 : i32
      %dma_start3A_80 = arith.constant 0 : i32
      %dma_start3A_81 = tpu.memref_slice %arg11[%dma_start3A, %dma_start3A_80] : memref<64x128xf32, #tpu.memory_space<vmem>> -> memref<56x128xf32, #tpu.memory_space<vmem>>
      %dma_start3A_82 = arith.constant 0 : i32
      %dma_start3A_83 = tpu.memref_slice %arg15[%add3A_23, %dma_start3A_82] : memref<10112x128xf32, #tpu.memory_space<vmem_shared>> -> memref<56x128xf32, #tpu.memory_space<vmem_shared>>
      %dma_start3A_84 = arith.constant 0 : i32
      %dma_start3A_85 = tpu.memref_slice %arg15[%add3A_23, %dma_start3A_84] : memref<10112x128xf32, #tpu.memory_space<vmem_shared>> -> memref<56x128xf32, #tpu.memory_space<vmem_shared>>
      %dma_start3A_86 = arith.constant 0 : i32
      %dma_start3A_87 = arith.constant 0 : i32
      %dma_start3A_88 = tpu.memref_slice %arg11[%dma_start3A_86, %dma_start3A_87] : memref<64x128xf32, #tpu.memory_space<vmem>> -> memref<56x128xf32, #tpu.memory_space<vmem>>
      tpu.enqueue_dma source(%dma_start3A_88 : memref<56x128xf32, #tpu.memory_space<vmem>>) target(%dma_start3A_85 : memref<56x128xf32, #tpu.memory_space<vmem_shared>>) target_semaphore(%run_scoped3A : memref<!tpu.dma_semaphore, #tpu.memory_space<semaphore_mem>>)
      %dma_wait3A = arith.constant 0 : i32
      %dma_wait3A_89 = arith.constant 0 : i32
      %dma_wait3A_90 = tpu.memref_slice %arg11[%dma_wait3A, %dma_wait3A_89] : memref<64x128xf32, #tpu.memory_space<vmem>> -> memref<56x128xf32, #tpu.memory_space<vmem>>
      %dma_wait3A_91 = arith.constant 0 : i32
      %dma_wait3A_92 = tpu.memref_slice %arg15[%add3A_23, %dma_wait3A_91] : memref<10112x128xf32, #tpu.memory_space<vmem_shared>> -> memref<56x128xf32, #tpu.memory_space<vmem_shared>>
      %dma_wait3A_93 = arith.constant 0 : i32
      %dma_wait3A_94 = tpu.memref_slice %arg15[%add3A_23, %dma_wait3A_93] : memref<10112x128xf32, #tpu.memory_space<vmem_shared>> -> memref<56x128xf32, #tpu.memory_space<vmem_shared>>
      %dma_wait3A_95 = arith.constant 0 : i32
      %dma_wait3A_96 = arith.constant 0 : i32
      %dma_wait3A_97 = tpu.memref_slice %arg11[%dma_wait3A_95, %dma_wait3A_96] : memref<64x128xf32, #tpu.memory_space<vmem>> -> memref<56x128xf32, #tpu.memory_space<vmem>>
      tpu.wait_dma2 semaphore(%run_scoped3A : memref<!tpu.dma_semaphore, #tpu.memory_space<semaphore_mem>>) src(%dma_wait3A_97 : memref<56x128xf32, #tpu.memory_space<vmem>>) dst(%dma_wait3A_94 : memref<56x128xf32, #tpu.memory_space<vmem_shared>>)
      tpu.yield
    }) : () -> ()
    "tpu.region"() ({
      %run_scoped3A = tpu.sem_alloc : memref<!tpu.dma_semaphore, #tpu.memory_space<semaphore_mem>>
      %dma_start3A = arith.constant 0 : i32
      %dma_start3A_80 = tpu.memref_slice %arg3[%select_n3A_8, %dma_start3A] : memref<5071x64xi32, #tpu.memory_space<hbm>> -> memref<188x64xi32, #tpu.memory_space<hbm>>
      %dma_start3A_81 = arith.constant 0 : i32
      %dma_start3A_82 = tpu.memref_slice %arg3[%select_n3A_8, %dma_start3A_81] : memref<5071x64xi32, #tpu.memory_space<hbm>> -> memref<188x64xi32, #tpu.memory_space<hbm>>
      tpu.enqueue_dma source(%dma_start3A_82 : memref<188x64xi32, #tpu.memory_space<hbm>>) target(%arg10 : memref<188x64xi32, #tpu.memory_space<vmem>>) target_semaphore(%run_scoped3A : memref<!tpu.dma_semaphore, #tpu.memory_space<semaphore_mem>>)
      %dma_wait3A = arith.constant 0 : i32
      %dma_wait3A_83 = tpu.memref_slice %arg3[%select_n3A_8, %dma_wait3A] : memref<5071x64xi32, #tpu.memory_space<hbm>> -> memref<188x64xi32, #tpu.memory_space<hbm>>
      %dma_wait3A_84 = arith.constant 0 : i32
      %dma_wait3A_85 = tpu.memref_slice %arg3[%select_n3A_8, %dma_wait3A_84] : memref<5071x64xi32, #tpu.memory_space<hbm>> -> memref<188x64xi32, #tpu.memory_space<hbm>>
      tpu.wait_dma2 semaphore(%run_scoped3A : memref<!tpu.dma_semaphore, #tpu.memory_space<semaphore_mem>>) src(%dma_wait3A_85 : memref<188x64xi32, #tpu.memory_space<hbm>>) dst(%arg10 : memref<188x64xi32, #tpu.memory_space<vmem>>)
      tpu.yield
    }) : () -> ()
    %barrier3A = arith.constant 0 : index
    tpu.barrier barrier_id(%barrier3A)
    %gt3A = arith.constant 0 : i32
    %gt3A_24 = arith.cmpi sgt, %select_n3A, %gt3A : i32
    %convert_element_type3A = arith.extui %gt3A_24 : i1 to i32
    %cond3A = arith.constant 0 : i32
    %cond3A_25 = arith.cmpi ne, %convert_element_type3A, %cond3A : i32
    scf.if %cond3A_25 {
      %add3A_80 = arith.constant 0 : i32
      %add3A_81 = arith.addi %select_n3A_8, %add3A_80 : i32
      %dma_start3A = arith.constant 0 : i32
      %dma_start3A_82 = tpu.memref_slice %arg2[%add3A_81, %dma_start3A] : memref<5071x64xi32, #tpu.memory_space<hbm>> -> memref<1x64xi32, #tpu.memory_space<hbm>>
      %dma_start3A_83 = tpu.memref_squeeze %dma_start3A_82 : memref<1x64xi32, #tpu.memory_space<hbm>> -> memref<64xi32, #tpu.memory_space<hbm>>
      %dma_start3A_84 = arith.constant 0 : i32
      %dma_start3A_85 = tpu.memref_slice %arg2[%add3A_81, %dma_start3A_84] : memref<5071x64xi32, #tpu.memory_space<hbm>> -> memref<1x64xi32, #tpu.memory_space<hbm>>
      %dma_start3A_86 = tpu.memref_squeeze %dma_start3A_85 : memref<1x64xi32, #tpu.memory_space<hbm>> -> memref<64xi32, #tpu.memory_space<hbm>>
      tpu.enqueue_dma source(%dma_start3A_86 : memref<64xi32, #tpu.memory_space<hbm>>) target(%arg6 : memref<64xi32, #tpu.memory_space<vmem>>) target_semaphore(%arg24 : memref<!tpu.dma_semaphore, #tpu.memory_space<semaphore_mem>>)
      %add3A_87 = arith.constant 0 : i32
      %add3A_88 = arith.addi %select_n3A_8, %add3A_87 : i32
      %dma_wait3A = arith.constant 0 : i32
      %dma_wait3A_89 = tpu.memref_slice %arg2[%add3A_88, %dma_wait3A] : memref<5071x64xi32, #tpu.memory_space<hbm>> -> memref<1x64xi32, #tpu.memory_space<hbm>>
      %dma_wait3A_90 = tpu.memref_squeeze %dma_wait3A_89 : memref<1x64xi32, #tpu.memory_space<hbm>> -> memref<64xi32, #tpu.memory_space<hbm>>
      %dma_wait3A_91 = arith.constant 0 : i32
      %dma_wait3A_92 = tpu.memref_slice %arg2[%add3A_88, %dma_wait3A_91] : memref<5071x64xi32, #tpu.memory_space<hbm>> -> memref<1x64xi32, #tpu.memory_space<hbm>>
      %dma_wait3A_93 = tpu.memref_squeeze %dma_wait3A_92 : memref<1x64xi32, #tpu.memory_space<hbm>> -> memref<64xi32, #tpu.memory_space<hbm>>
      tpu.wait_dma2 semaphore(%arg24 : memref<!tpu.dma_semaphore, #tpu.memory_space<semaphore_mem>>) src(%dma_wait3A_93 : memref<64xi32, #tpu.memory_space<hbm>>) dst(%arg6 : memref<64xi32, #tpu.memory_space<vmem>>)
      %dma_start3A_94 = arith.constant 0 : i32
      %dma_start3A_95 = arith.constant 0 : i32
      %dma_start3A_96 = tpu.memref_slice %arg4[%dma_start3A_94, %dma_start3A_95] : memref<10000x128xf32, #tpu.memory_space<hbm>> -> memref<10000x128xf32, #tpu.memory_space<hbm>>
      tpu.enqueue_indirect_dma source(%dma_start3A_96 : memref<10000x128xf32, #tpu.memory_space<hbm>>) target(%arg11 : memref<64x128xf32, #tpu.memory_space<vmem>>) offsets(%arg6 : memref<64xi32, #tpu.memory_space<vmem>>) semaphore(%arg16 : memref<!tpu.dma_semaphore, #tpu.memory_space<semaphore_mem>>)
    } else {
    }
    %gt3A_26 = arith.constant 1 : i32
    %gt3A_27 = arith.cmpi sgt, %select_n3A, %gt3A_26 : i32
    %convert_element_type3A_28 = arith.extui %gt3A_27 : i1 to i32
    %cond3A_29 = arith.constant 0 : i32
    %cond3A_30 = arith.cmpi ne, %convert_element_type3A_28, %cond3A_29 : i32
    scf.if %cond3A_30 {
      %add3A_80 = arith.constant 1 : i32
      %add3A_81 = arith.addi %select_n3A_8, %add3A_80 : i32
      %dma_start3A = arith.constant 0 : i32
      %dma_start3A_82 = tpu.memref_slice %arg2[%add3A_81, %dma_start3A] : memref<5071x64xi32, #tpu.memory_space<hbm>> -> memref<1x64xi32, #tpu.memory_space<hbm>>
      %dma_start3A_83 = tpu.memref_squeeze %dma_start3A_82 : memref<1x64xi32, #tpu.memory_space<hbm>> -> memref<64xi32, #tpu.memory_space<hbm>>
      %dma_start3A_84 = arith.constant 0 : i32
      %dma_start3A_85 = tpu.memref_slice %arg2[%add3A_81, %dma_start3A_84] : memref<5071x64xi32, #tpu.memory_space<hbm>> -> memref<1x64xi32, #tpu.memory_space<hbm>>
      %dma_start3A_86 = tpu.memref_squeeze %dma_start3A_85 : memref<1x64xi32, #tpu.memory_space<hbm>> -> memref<64xi32, #tpu.memory_space<hbm>>
      tpu.enqueue_dma source(%dma_start3A_86 : memref<64xi32, #tpu.memory_space<hbm>>) target(%arg7 : memref<64xi32, #tpu.memory_space<vmem>>) target_semaphore(%arg25 : memref<!tpu.dma_semaphore, #tpu.memory_space<semaphore_mem>>)
      %add3A_87 = arith.constant 1 : i32
      %add3A_88 = arith.addi %select_n3A_8, %add3A_87 : i32
      %dma_wait3A = arith.constant 0 : i32
      %dma_wait3A_89 = tpu.memref_slice %arg2[%add3A_88, %dma_wait3A] : memref<5071x64xi32, #tpu.memory_space<hbm>> -> memref<1x64xi32, #tpu.memory_space<hbm>>
      %dma_wait3A_90 = tpu.memref_squeeze %dma_wait3A_89 : memref<1x64xi32, #tpu.memory_space<hbm>> -> memref<64xi32, #tpu.memory_space<hbm>>
      %dma_wait3A_91 = arith.constant 0 : i32
      %dma_wait3A_92 = tpu.memref_slice %arg2[%add3A_88, %dma_wait3A_91] : memref<5071x64xi32, #tpu.memory_space<hbm>> -> memref<1x64xi32, #tpu.memory_space<hbm>>
      %dma_wait3A_93 = tpu.memref_squeeze %dma_wait3A_92 : memref<1x64xi32, #tpu.memory_space<hbm>> -> memref<64xi32, #tpu.memory_space<hbm>>
      tpu.wait_dma2 semaphore(%arg25 : memref<!tpu.dma_semaphore, #tpu.memory_space<semaphore_mem>>) src(%dma_wait3A_93 : memref<64xi32, #tpu.memory_space<hbm>>) dst(%arg7 : memref<64xi32, #tpu.memory_space<vmem>>)
      %dma_start3A_94 = arith.constant 0 : i32
      %dma_start3A_95 = arith.constant 0 : i32
      %dma_start3A_96 = tpu.memref_slice %arg4[%dma_start3A_94, %dma_start3A_95] : memref<10000x128xf32, #tpu.memory_space<hbm>> -> memref<10000x128xf32, #tpu.memory_space<hbm>>
      tpu.enqueue_indirect_dma source(%dma_start3A_96 : memref<10000x128xf32, #tpu.memory_space<hbm>>) target(%arg12 : memref<64x128xf32, #tpu.memory_space<vmem>>) offsets(%arg7 : memref<64xi32, #tpu.memory_space<vmem>>) semaphore(%arg17 : memref<!tpu.dma_semaphore, #tpu.memory_space<semaphore_mem>>)
    } else {
    }
    %gt3A_31 = arith.constant 2 : i32
    %gt3A_32 = arith.cmpi sgt, %select_n3A, %gt3A_31 : i32
    %convert_element_type3A_33 = arith.extui %gt3A_32 : i1 to i32
    %cond3A_34 = arith.constant 0 : i32
    %cond3A_35 = arith.cmpi ne, %convert_element_type3A_33, %cond3A_34 : i32
    scf.if %cond3A_35 {
      %add3A_80 = arith.constant 2 : i32
      %add3A_81 = arith.addi %select_n3A_8, %add3A_80 : i32
      %dma_start3A = arith.constant 0 : i32
      %dma_start3A_82 = tpu.memref_slice %arg2[%add3A_81, %dma_start3A] : memref<5071x64xi32, #tpu.memory_space<hbm>> -> memref<1x64xi32, #tpu.memory_space<hbm>>
      %dma_start3A_83 = tpu.memref_squeeze %dma_start3A_82 : memref<1x64xi32, #tpu.memory_space<hbm>> -> memref<64xi32, #tpu.memory_space<hbm>>
      %dma_start3A_84 = arith.constant 0 : i32
      %dma_start3A_85 = tpu.memref_slice %arg2[%add3A_81, %dma_start3A_84] : memref<5071x64xi32, #tpu.memory_space<hbm>> -> memref<1x64xi32, #tpu.memory_space<hbm>>
      %dma_start3A_86 = tpu.memref_squeeze %dma_start3A_85 : memref<1x64xi32, #tpu.memory_space<hbm>> -> memref<64xi32, #tpu.memory_space<hbm>>
      tpu.enqueue_dma source(%dma_start3A_86 : memref<64xi32, #tpu.memory_space<hbm>>) target(%arg8 : memref<64xi32, #tpu.memory_space<vmem>>) target_semaphore(%arg26 : memref<!tpu.dma_semaphore, #tpu.memory_space<semaphore_mem>>)
      %add3A_87 = arith.constant 2 : i32
      %add3A_88 = arith.addi %select_n3A_8, %add3A_87 : i32
      %dma_wait3A = arith.constant 0 : i32
      %dma_wait3A_89 = tpu.memref_slice %arg2[%add3A_88, %dma_wait3A] : memref<5071x64xi32, #tpu.memory_space<hbm>> -> memref<1x64xi32, #tpu.memory_space<hbm>>
      %dma_wait3A_90 = tpu.memref_squeeze %dma_wait3A_89 : memref<1x64xi32, #tpu.memory_space<hbm>> -> memref<64xi32, #tpu.memory_space<hbm>>
      %dma_wait3A_91 = arith.constant 0 : i32
      %dma_wait3A_92 = tpu.memref_slice %arg2[%add3A_88, %dma_wait3A_91] : memref<5071x64xi32, #tpu.memory_space<hbm>> -> memref<1x64xi32, #tpu.memory_space<hbm>>
      %dma_wait3A_93 = tpu.memref_squeeze %dma_wait3A_92 : memref<1x64xi32, #tpu.memory_space<hbm>> -> memref<64xi32, #tpu.memory_space<hbm>>
      tpu.wait_dma2 semaphore(%arg26 : memref<!tpu.dma_semaphore, #tpu.memory_space<semaphore_mem>>) src(%dma_wait3A_93 : memref<64xi32, #tpu.memory_space<hbm>>) dst(%arg8 : memref<64xi32, #tpu.memory_space<vmem>>)
      %dma_start3A_94 = arith.constant 0 : i32
      %dma_start3A_95 = arith.constant 0 : i32
      %dma_start3A_96 = tpu.memref_slice %arg4[%dma_start3A_94, %dma_start3A_95] : memref<10000x128xf32, #tpu.memory_space<hbm>> -> memref<10000x128xf32, #tpu.memory_space<hbm>>
      tpu.enqueue_indirect_dma source(%dma_start3A_96 : memref<10000x128xf32, #tpu.memory_space<hbm>>) target(%arg13 : memref<64x128xf32, #tpu.memory_space<vmem>>) offsets(%arg8 : memref<64xi32, #tpu.memory_space<vmem>>) semaphore(%arg18 : memref<!tpu.dma_semaphore, #tpu.memory_space<semaphore_mem>>)
    } else {
    }
    %gt3A_36 = arith.constant 3 : i32
    %gt3A_37 = arith.cmpi sgt, %select_n3A, %gt3A_36 : i32
    %convert_element_type3A_38 = arith.extui %gt3A_37 : i1 to i32
    %cond3A_39 = arith.constant 0 : i32
    %cond3A_40 = arith.cmpi ne, %convert_element_type3A_38, %cond3A_39 : i32
    scf.if %cond3A_40 {
      %add3A_80 = arith.constant 3 : i32
      %add3A_81 = arith.addi %select_n3A_8, %add3A_80 : i32
      %dma_start3A = arith.constant 0 : i32
      %dma_start3A_82 = tpu.memref_slice %arg2[%add3A_81, %dma_start3A] : memref<5071x64xi32, #tpu.memory_space<hbm>> -> memref<1x64xi32, #tpu.memory_space<hbm>>
      %dma_start3A_83 = tpu.memref_squeeze %dma_start3A_82 : memref<1x64xi32, #tpu.memory_space<hbm>> -> memref<64xi32, #tpu.memory_space<hbm>>
      %dma_start3A_84 = arith.constant 0 : i32
      %dma_start3A_85 = tpu.memref_slice %arg2[%add3A_81, %dma_start3A_84] : memref<5071x64xi32, #tpu.memory_space<hbm>> -> memref<1x64xi32, #tpu.memory_space<hbm>>
      %dma_start3A_86 = tpu.memref_squeeze %dma_start3A_85 : memref<1x64xi32, #tpu.memory_space<hbm>> -> memref<64xi32, #tpu.memory_space<hbm>>
      tpu.enqueue_dma source(%dma_start3A_86 : memref<64xi32, #tpu.memory_space<hbm>>) target(%arg9 : memref<64xi32, #tpu.memory_space<vmem>>) target_semaphore(%arg27 : memref<!tpu.dma_semaphore, #tpu.memory_space<semaphore_mem>>)
      %add3A_87 = arith.constant 3 : i32
      %add3A_88 = arith.addi %select_n3A_8, %add3A_87 : i32
      %dma_wait3A = arith.constant 0 : i32
      %dma_wait3A_89 = tpu.memref_slice %arg2[%add3A_88, %dma_wait3A] : memref<5071x64xi32, #tpu.memory_space<hbm>> -> memref<1x64xi32, #tpu.memory_space<hbm>>
      %dma_wait3A_90 = tpu.memref_squeeze %dma_wait3A_89 : memref<1x64xi32, #tpu.memory_space<hbm>> -> memref<64xi32, #tpu.memory_space<hbm>>
      %dma_wait3A_91 = arith.constant 0 : i32
      %dma_wait3A_92 = tpu.memref_slice %arg2[%add3A_88, %dma_wait3A_91] : memref<5071x64xi32, #tpu.memory_space<hbm>> -> memref<1x64xi32, #tpu.memory_space<hbm>>
      %dma_wait3A_93 = tpu.memref_squeeze %dma_wait3A_92 : memref<1x64xi32, #tpu.memory_space<hbm>> -> memref<64xi32, #tpu.memory_space<hbm>>
      tpu.wait_dma2 semaphore(%arg27 : memref<!tpu.dma_semaphore, #tpu.memory_space<semaphore_mem>>) src(%dma_wait3A_93 : memref<64xi32, #tpu.memory_space<hbm>>) dst(%arg9 : memref<64xi32, #tpu.memory_space<vmem>>)
      %dma_start3A_94 = arith.constant 0 : i32
      %dma_start3A_95 = arith.constant 0 : i32
      %dma_start3A_96 = tpu.memref_slice %arg4[%dma_start3A_94, %dma_start3A_95] : memref<10000x128xf32, #tpu.memory_space<hbm>> -> memref<10000x128xf32, #tpu.memory_space<hbm>>
      tpu.enqueue_indirect_dma source(%dma_start3A_96 : memref<10000x128xf32, #tpu.memory_space<hbm>>) target(%arg14 : memref<64x128xf32, #tpu.memory_space<vmem>>) offsets(%arg9 : memref<64xi32, #tpu.memory_space<vmem>>) semaphore(%arg19 : memref<!tpu.dma_semaphore, #tpu.memory_space<semaphore_mem>>)
    } else {
    }
    %add3A_41 = arith.constant 4 : i32
    %add3A_42 = arith.addi %select_n3A, %add3A_41 : i32
    %sub3A = arith.constant 1 : i32
    %sub3A_43 = arith.subi %add3A_42, %sub3A : i32
    %jit3A_44 = arith.constant 4 : i32
    %div3A = arith.divsi %sub3A_43, %jit3A_44 : i32
    %sign3A = arith.constant 0 : i32
    %sign3A_45 = arith.cmpi sgt, %sub3A_43, %sign3A : i32
    %sign3A_46 = arith.extui %sign3A_45 : i1 to i32
    %sign3A_47 = arith.constant 0 : i32
    %sign3A_48 = arith.cmpi slt, %sub3A_43, %sign3A_47 : i32
    %sign3A_49 = arith.extui %sign3A_48 : i1 to i32
    %sign3A_50 = arith.subi %sign3A_46, %sign3A_49 : i32
    %sign3A_51 = arith.constant 0 : i32
    %sign3A_52 = arith.cmpi sgt, %jit3A_44, %sign3A_51 : i32
    %sign3A_53 = arith.extui %sign3A_52 : i1 to i32
    %sign3A_54 = arith.constant 0 : i32
    %sign3A_55 = arith.cmpi slt, %jit3A_44, %sign3A_54 : i32
    %sign3A_56 = arith.extui %sign3A_55 : i1 to i32
    %sign3A_57 = arith.subi %sign3A_53, %sign3A_56 : i32
    %ne3A = arith.cmpi ne, %sign3A_50, %sign3A_57 : i32
    %rem3A = arith.remsi %sub3A_43, %jit3A_44 : i32
    %ne3A_58 = arith.constant 0 : i32
    %ne3A_59 = arith.cmpi ne, %rem3A, %ne3A_58 : i32
    %and3A = arith.andi %ne3A, %ne3A_59 : i1
    %sub3A_60 = arith.constant 1 : i32
    %sub3A_61 = arith.subi %div3A, %sub3A_60 : i32
    %select_n3A_62 = arith.select %and3A, %sub3A_61, %div3A : i32
    %while3A = arith.constant 0 : i32
    %while3A_63 = arith.constant 0 : i32
    %while3A_64 = arith.subi %select_n3A_62, %while3A_63 : i32
    %while3A_65 = arith.addi %while3A_63, %while3A_64 : i32
    %while3A_66 = arith.constant 1 : i32
    %while3A_67 = arith.divsi %while3A_64, %while3A_66 : i32
    %while3A_68 = arith.muli %while3A_67, %while3A_66 : i32
    %while3A_69 = arith.addi %while3A_63, %while3A_68 : i32
    %while3A_70 = arith.constant 1 : i32
    scf.for %while3A_80 = %while3A_63 to %while3A_69 step %while3A_70  : i32 {
      %mul3A_81 = arith.constant 4 : i32
      %mul3A_82 = arith.muli %while3A_80, %mul3A_81 : i32
      %add3A_83 = arith.constant 0 : i32
      %add3A_84 = arith.addi %mul3A_82, %add3A_83 : i32
      %lt3A = arith.cmpi slt, %add3A_84, %select_n3A : i32
      %convert_element_type3A_85 = arith.extui %lt3A : i1 to i32
      %cond3A_86 = arith.constant 0 : i32
      %cond3A_87 = arith.cmpi ne, %convert_element_type3A_85, %cond3A_86 : i32
      scf.if %cond3A_87 {
        %dma_wait3A = arith.constant 0 : i32
        %dma_wait3A_144 = arith.constant 0 : i32
        %dma_wait3A_145 = tpu.memref_slice %arg4[%dma_wait3A, %dma_wait3A_144] : memref<10000x128xf32, #tpu.memory_space<hbm>> -> memref<10000x128xf32, #tpu.memory_space<hbm>>
        tpu.wait_indirect_dma semaphore(%arg16 : memref<!tpu.dma_semaphore, #tpu.memory_space<semaphore_mem>>) src(%dma_wait3A_145 : memref<10000x128xf32, #tpu.memory_space<hbm>>) dst(%arg11 : memref<64x128xf32, #tpu.memory_space<vmem>>)
        %dma_start3A = arith.constant 0 : i32
        %dma_start3A_146 = tpu.memref_slice %arg10[%add3A_84, %dma_start3A] : memref<188x64xi32, #tpu.memory_space<vmem>> -> memref<1x64xi32, #tpu.memory_space<vmem>>
        %dma_start3A_147 = tpu.memref_squeeze %dma_start3A_146 : memref<1x64xi32, #tpu.memory_space<vmem>> -> memref<64xi32, #tpu.memory_space<vmem>>
        %dma_start3A_148 = arith.constant 0 : i32
        %dma_start3A_149 = arith.constant 0 : i32
        %dma_start3A_150 = tpu.memref_slice %arg15[%dma_start3A_148, %dma_start3A_149] : memref<10112x128xf32, #tpu.memory_space<vmem_shared>> -> memref<10112x128xf32, #tpu.memory_space<vmem_shared>>
        tpu.enqueue_indirect_dma source(%arg11 : memref<64x128xf32, #tpu.memory_space<vmem>>) target(%dma_start3A_150 : memref<10112x128xf32, #tpu.memory_space<vmem_shared>>) offsets(%dma_start3A_147 : memref<64xi32, #tpu.memory_space<vmem>>) semaphore(%arg20 : memref<!tpu.dma_semaphore, #tpu.memory_space<semaphore_mem>>) {add = true}
        %add3A_151 = arith.constant 4 : i32
        %add3A_152 = arith.addi %add3A_84, %add3A_151 : i32
        %lt3A_153 = arith.cmpi slt, %add3A_152, %select_n3A : i32
        %convert_element_type3A_154 = arith.extui %lt3A_153 : i1 to i32
        %cond3A_155 = arith.constant 0 : i32
        %cond3A_156 = arith.cmpi ne, %convert_element_type3A_154, %cond3A_155 : i32
        scf.if %cond3A_156 {
          %add3A_157 = arith.constant 4 : i32
          %add3A_158 = arith.addi %add3A_84, %add3A_157 : i32
          %add3A_159 = arith.addi %select_n3A_8, %add3A_158 : i32
          %dma_start3A_160 = arith.constant 0 : i32
          %dma_start3A_161 = tpu.memref_slice %arg2[%add3A_159, %dma_start3A_160] : memref<5071x64xi32, #tpu.memory_space<hbm>> -> memref<1x64xi32, #tpu.memory_space<hbm>>
          %dma_start3A_162 = tpu.memref_squeeze %dma_start3A_161 : memref<1x64xi32, #tpu.memory_space<hbm>> -> memref<64xi32, #tpu.memory_space<hbm>>
          %dma_start3A_163 = arith.constant 0 : i32
          %dma_start3A_164 = tpu.memref_slice %arg2[%add3A_159, %dma_start3A_163] : memref<5071x64xi32, #tpu.memory_space<hbm>> -> memref<1x64xi32, #tpu.memory_space<hbm>>
          %dma_start3A_165 = tpu.memref_squeeze %dma_start3A_164 : memref<1x64xi32, #tpu.memory_space<hbm>> -> memref<64xi32, #tpu.memory_space<hbm>>
          tpu.enqueue_dma source(%dma_start3A_165 : memref<64xi32, #tpu.memory_space<hbm>>) target(%arg6 : memref<64xi32, #tpu.memory_space<vmem>>) target_semaphore(%arg24 : memref<!tpu.dma_semaphore, #tpu.memory_space<semaphore_mem>>)
        } else {
        }
      } else {
      }
      %mul3A_88 = arith.constant 4 : i32
      %mul3A_89 = arith.muli %while3A_80, %mul3A_88 : i32
      %add3A_90 = arith.constant 1 : i32
      %add3A_91 = arith.addi %mul3A_89, %add3A_90 : i32
      %lt3A_92 = arith.cmpi slt, %add3A_91, %select_n3A : i32
      %convert_element_type3A_93 = arith.extui %lt3A_92 : i1 to i32
      %cond3A_94 = arith.constant 0 : i32
      %cond3A_95 = arith.cmpi ne, %convert_element_type3A_93, %cond3A_94 : i32
      scf.if %cond3A_95 {
        %dma_wait3A = arith.constant 0 : i32
        %dma_wait3A_144 = arith.constant 0 : i32
        %dma_wait3A_145 = tpu.memref_slice %arg4[%dma_wait3A, %dma_wait3A_144] : memref<10000x128xf32, #tpu.memory_space<hbm>> -> memref<10000x128xf32, #tpu.memory_space<hbm>>
        tpu.wait_indirect_dma semaphore(%arg17 : memref<!tpu.dma_semaphore, #tpu.memory_space<semaphore_mem>>) src(%dma_wait3A_145 : memref<10000x128xf32, #tpu.memory_space<hbm>>) dst(%arg12 : memref<64x128xf32, #tpu.memory_space<vmem>>)
        %dma_start3A = arith.constant 0 : i32
        %dma_start3A_146 = tpu.memref_slice %arg10[%add3A_91, %dma_start3A] : memref<188x64xi32, #tpu.memory_space<vmem>> -> memref<1x64xi32, #tpu.memory_space<vmem>>
        %dma_start3A_147 = tpu.memref_squeeze %dma_start3A_146 : memref<1x64xi32, #tpu.memory_space<vmem>> -> memref<64xi32, #tpu.memory_space<vmem>>
        %dma_start3A_148 = arith.constant 0 : i32
        %dma_start3A_149 = arith.constant 0 : i32
        %dma_start3A_150 = tpu.memref_slice %arg15[%dma_start3A_148, %dma_start3A_149] : memref<10112x128xf32, #tpu.memory_space<vmem_shared>> -> memref<10112x128xf32, #tpu.memory_space<vmem_shared>>
        tpu.enqueue_indirect_dma source(%arg12 : memref<64x128xf32, #tpu.memory_space<vmem>>) target(%dma_start3A_150 : memref<10112x128xf32, #tpu.memory_space<vmem_shared>>) offsets(%dma_start3A_147 : memref<64xi32, #tpu.memory_space<vmem>>) semaphore(%arg21 : memref<!tpu.dma_semaphore, #tpu.memory_space<semaphore_mem>>) {add = true}
        %add3A_151 = arith.constant 4 : i32
        %add3A_152 = arith.addi %add3A_91, %add3A_151 : i32
        %lt3A_153 = arith.cmpi slt, %add3A_152, %select_n3A : i32
        %convert_element_type3A_154 = arith.extui %lt3A_153 : i1 to i32
        %cond3A_155 = arith.constant 0 : i32
        %cond3A_156 = arith.cmpi ne, %convert_element_type3A_154, %cond3A_155 : i32
        scf.if %cond3A_156 {
          %add3A_157 = arith.constant 4 : i32
          %add3A_158 = arith.addi %add3A_91, %add3A_157 : i32
          %add3A_159 = arith.addi %select_n3A_8, %add3A_158 : i32
          %dma_start3A_160 = arith.constant 0 : i32
          %dma_start3A_161 = tpu.memref_slice %arg2[%add3A_159, %dma_start3A_160] : memref<5071x64xi32, #tpu.memory_space<hbm>> -> memref<1x64xi32, #tpu.memory_space<hbm>>
          %dma_start3A_162 = tpu.memref_squeeze %dma_start3A_161 : memref<1x64xi32, #tpu.memory_space<hbm>> -> memref<64xi32, #tpu.memory_space<hbm>>
          %dma_start3A_163 = arith.constant 0 : i32
          %dma_start3A_164 = tpu.memref_slice %arg2[%add3A_159, %dma_start3A_163] : memref<5071x64xi32, #tpu.memory_space<hbm>> -> memref<1x64xi32, #tpu.memory_space<hbm>>
          %dma_start3A_165 = tpu.memref_squeeze %dma_start3A_164 : memref<1x64xi32, #tpu.memory_space<hbm>> -> memref<64xi32, #tpu.memory_space<hbm>>
          tpu.enqueue_dma source(%dma_start3A_165 : memref<64xi32, #tpu.memory_space<hbm>>) target(%arg7 : memref<64xi32, #tpu.memory_space<vmem>>) target_semaphore(%arg25 : memref<!tpu.dma_semaphore, #tpu.memory_space<semaphore_mem>>)
        } else {
        }
      } else {
      }
      %mul3A_96 = arith.constant 4 : i32
      %mul3A_97 = arith.muli %while3A_80, %mul3A_96 : i32
      %add3A_98 = arith.constant 2 : i32
      %add3A_99 = arith.addi %mul3A_97, %add3A_98 : i32
      %lt3A_100 = arith.cmpi slt, %add3A_99, %select_n3A : i32
      %convert_element_type3A_101 = arith.extui %lt3A_100 : i1 to i32
      %cond3A_102 = arith.constant 0 : i32
      %cond3A_103 = arith.cmpi ne, %convert_element_type3A_101, %cond3A_102 : i32
      scf.if %cond3A_103 {
        %dma_wait3A = arith.constant 0 : i32
        %dma_wait3A_144 = arith.constant 0 : i32
        %dma_wait3A_145 = tpu.memref_slice %arg4[%dma_wait3A, %dma_wait3A_144] : memref<10000x128xf32, #tpu.memory_space<hbm>> -> memref<10000x128xf32, #tpu.memory_space<hbm>>
        tpu.wait_indirect_dma semaphore(%arg18 : memref<!tpu.dma_semaphore, #tpu.memory_space<semaphore_mem>>) src(%dma_wait3A_145 : memref<10000x128xf32, #tpu.memory_space<hbm>>) dst(%arg13 : memref<64x128xf32, #tpu.memory_space<vmem>>)
        %dma_start3A = arith.constant 0 : i32
        %dma_start3A_146 = tpu.memref_slice %arg10[%add3A_99, %dma_start3A] : memref<188x64xi32, #tpu.memory_space<vmem>> -> memref<1x64xi32, #tpu.memory_space<vmem>>
        %dma_start3A_147 = tpu.memref_squeeze %dma_start3A_146 : memref<1x64xi32, #tpu.memory_space<vmem>> -> memref<64xi32, #tpu.memory_space<vmem>>
        %dma_start3A_148 = arith.constant 0 : i32
        %dma_start3A_149 = arith.constant 0 : i32
        %dma_start3A_150 = tpu.memref_slice %arg15[%dma_start3A_148, %dma_start3A_149] : memref<10112x128xf32, #tpu.memory_space<vmem_shared>> -> memref<10112x128xf32, #tpu.memory_space<vmem_shared>>
        tpu.enqueue_indirect_dma source(%arg13 : memref<64x128xf32, #tpu.memory_space<vmem>>) target(%dma_start3A_150 : memref<10112x128xf32, #tpu.memory_space<vmem_shared>>) offsets(%dma_start3A_147 : memref<64xi32, #tpu.memory_space<vmem>>) semaphore(%arg22 : memref<!tpu.dma_semaphore, #tpu.memory_space<semaphore_mem>>) {add = true}
        %add3A_151 = arith.constant 4 : i32
        %add3A_152 = arith.addi %add3A_99, %add3A_151 : i32
        %lt3A_153 = arith.cmpi slt, %add3A_152, %select_n3A : i32
        %convert_element_type3A_154 = arith.extui %lt3A_153 : i1 to i32
        %cond3A_155 = arith.constant 0 : i32
        %cond3A_156 = arith.cmpi ne, %convert_element_type3A_154, %cond3A_155 : i32
        scf.if %cond3A_156 {
          %add3A_157 = arith.constant 4 : i32
          %add3A_158 = arith.addi %add3A_99, %add3A_157 : i32
          %add3A_159 = arith.addi %select_n3A_8, %add3A_158 : i32
          %dma_start3A_160 = arith.constant 0 : i32
          %dma_start3A_161 = tpu.memref_slice %arg2[%add3A_159, %dma_start3A_160] : memref<5071x64xi32, #tpu.memory_space<hbm>> -> memref<1x64xi32, #tpu.memory_space<hbm>>
          %dma_start3A_162 = tpu.memref_squeeze %dma_start3A_161 : memref<1x64xi32, #tpu.memory_space<hbm>> -> memref<64xi32, #tpu.memory_space<hbm>>
          %dma_start3A_163 = arith.constant 0 : i32
          %dma_start3A_164 = tpu.memref_slice %arg2[%add3A_159, %dma_start3A_163] : memref<5071x64xi32, #tpu.memory_space<hbm>> -> memref<1x64xi32, #tpu.memory_space<hbm>>
          %dma_start3A_165 = tpu.memref_squeeze %dma_start3A_164 : memref<1x64xi32, #tpu.memory_space<hbm>> -> memref<64xi32, #tpu.memory_space<hbm>>
          tpu.enqueue_dma source(%dma_start3A_165 : memref<64xi32, #tpu.memory_space<hbm>>) target(%arg8 : memref<64xi32, #tpu.memory_space<vmem>>) target_semaphore(%arg26 : memref<!tpu.dma_semaphore, #tpu.memory_space<semaphore_mem>>)
        } else {
        }
      } else {
      }
      %mul3A_104 = arith.constant 4 : i32
      %mul3A_105 = arith.muli %while3A_80, %mul3A_104 : i32
      %add3A_106 = arith.constant 3 : i32
      %add3A_107 = arith.addi %mul3A_105, %add3A_106 : i32
      %lt3A_108 = arith.cmpi slt, %add3A_107, %select_n3A : i32
      %convert_element_type3A_109 = arith.extui %lt3A_108 : i1 to i32
      %cond3A_110 = arith.constant 0 : i32
      %cond3A_111 = arith.cmpi ne, %convert_element_type3A_109, %cond3A_110 : i32
      scf.if %cond3A_111 {
        %dma_wait3A = arith.constant 0 : i32
        %dma_wait3A_144 = arith.constant 0 : i32
        %dma_wait3A_145 = tpu.memref_slice %arg4[%dma_wait3A, %dma_wait3A_144] : memref<10000x128xf32, #tpu.memory_space<hbm>> -> memref<10000x128xf32, #tpu.memory_space<hbm>>
        tpu.wait_indirect_dma semaphore(%arg19 : memref<!tpu.dma_semaphore, #tpu.memory_space<semaphore_mem>>) src(%dma_wait3A_145 : memref<10000x128xf32, #tpu.memory_space<hbm>>) dst(%arg14 : memref<64x128xf32, #tpu.memory_space<vmem>>)
        %dma_start3A = arith.constant 0 : i32
        %dma_start3A_146 = tpu.memref_slice %arg10[%add3A_107, %dma_start3A] : memref<188x64xi32, #tpu.memory_space<vmem>> -> memref<1x64xi32, #tpu.memory_space<vmem>>
        %dma_start3A_147 = tpu.memref_squeeze %dma_start3A_146 : memref<1x64xi32, #tpu.memory_space<vmem>> -> memref<64xi32, #tpu.memory_space<vmem>>
        %dma_start3A_148 = arith.constant 0 : i32
        %dma_start3A_149 = arith.constant 0 : i32
        %dma_start3A_150 = tpu.memref_slice %arg15[%dma_start3A_148, %dma_start3A_149] : memref<10112x128xf32, #tpu.memory_space<vmem_shared>> -> memref<10112x128xf32, #tpu.memory_space<vmem_shared>>
        tpu.enqueue_indirect_dma source(%arg14 : memref<64x128xf32, #tpu.memory_space<vmem>>) target(%dma_start3A_150 : memref<10112x128xf32, #tpu.memory_space<vmem_shared>>) offsets(%dma_start3A_147 : memref<64xi32, #tpu.memory_space<vmem>>) semaphore(%arg23 : memref<!tpu.dma_semaphore, #tpu.memory_space<semaphore_mem>>) {add = true}
        %add3A_151 = arith.constant 4 : i32
        %add3A_152 = arith.addi %add3A_107, %add3A_151 : i32
        %lt3A_153 = arith.cmpi slt, %add3A_152, %select_n3A : i32
        %convert_element_type3A_154 = arith.extui %lt3A_153 : i1 to i32
        %cond3A_155 = arith.constant 0 : i32
        %cond3A_156 = arith.cmpi ne, %convert_element_type3A_154, %cond3A_155 : i32
        scf.if %cond3A_156 {
          %add3A_157 = arith.constant 4 : i32
          %add3A_158 = arith.addi %add3A_107, %add3A_157 : i32
          %add3A_159 = arith.addi %select_n3A_8, %add3A_158 : i32
          %dma_start3A_160 = arith.constant 0 : i32
          %dma_start3A_161 = tpu.memref_slice %arg2[%add3A_159, %dma_start3A_160] : memref<5071x64xi32, #tpu.memory_space<hbm>> -> memref<1x64xi32, #tpu.memory_space<hbm>>
          %dma_start3A_162 = tpu.memref_squeeze %dma_start3A_161 : memref<1x64xi32, #tpu.memory_space<hbm>> -> memref<64xi32, #tpu.memory_space<hbm>>
          %dma_start3A_163 = arith.constant 0 : i32
          %dma_start3A_164 = tpu.memref_slice %arg2[%add3A_159, %dma_start3A_163] : memref<5071x64xi32, #tpu.memory_space<hbm>> -> memref<1x64xi32, #tpu.memory_space<hbm>>
          %dma_start3A_165 = tpu.memref_squeeze %dma_start3A_164 : memref<1x64xi32, #tpu.memory_space<hbm>> -> memref<64xi32, #tpu.memory_space<hbm>>
          tpu.enqueue_dma source(%dma_start3A_165 : memref<64xi32, #tpu.memory_space<hbm>>) target(%arg9 : memref<64xi32, #tpu.memory_space<vmem>>) target_semaphore(%arg27 : memref<!tpu.dma_semaphore, #tpu.memory_space<semaphore_mem>>)
        } else {
        }
      } else {
      }
      %mul3A_112 = arith.constant 4 : i32
      %mul3A_113 = arith.muli %while3A_80, %mul3A_112 : i32
      %add3A_114 = arith.constant 0 : i32
      %add3A_115 = arith.addi %mul3A_113, %add3A_114 : i32
      %lt3A_116 = arith.cmpi slt, %add3A_115, %select_n3A : i32
      %convert_element_type3A_117 = arith.extui %lt3A_116 : i1 to i32
      %cond3A_118 = arith.constant 0 : i32
      %cond3A_119 = arith.cmpi ne, %convert_element_type3A_117, %cond3A_118 : i32
      scf.if %cond3A_119 {
        %dma_wait3A = arith.constant 0 : i32
        %dma_wait3A_144 = tpu.memref_slice %arg10[%add3A_115, %dma_wait3A] : memref<188x64xi32, #tpu.memory_space<vmem>> -> memref<1x64xi32, #tpu.memory_space<vmem>>
        %dma_wait3A_145 = tpu.memref_squeeze %dma_wait3A_144 : memref<1x64xi32, #tpu.memory_space<vmem>> -> memref<64xi32, #tpu.memory_space<vmem>>
        %dma_wait3A_146 = arith.constant 0 : i32
        %dma_wait3A_147 = arith.constant 0 : i32
        %dma_wait3A_148 = tpu.memref_slice %arg15[%dma_wait3A_146, %dma_wait3A_147] : memref<10112x128xf32, #tpu.memory_space<vmem_shared>> -> memref<10112x128xf32, #tpu.memory_space<vmem_shared>>
        tpu.wait_indirect_dma semaphore(%arg20 : memref<!tpu.dma_semaphore, #tpu.memory_space<semaphore_mem>>) src(%arg11 : memref<64x128xf32, #tpu.memory_space<vmem>>) dst(%dma_wait3A_148 : memref<10112x128xf32, #tpu.memory_space<vmem_shared>>)
        %add3A_149 = arith.constant 4 : i32
        %add3A_150 = arith.addi %add3A_115, %add3A_149 : i32
        %lt3A_151 = arith.cmpi slt, %add3A_150, %select_n3A : i32
        %convert_element_type3A_152 = arith.extui %lt3A_151 : i1 to i32
        %cond3A_153 = arith.constant 0 : i32
        %cond3A_154 = arith.cmpi ne, %convert_element_type3A_152, %cond3A_153 : i32
        scf.if %cond3A_154 {
          %add3A_155 = arith.constant 4 : i32
          %add3A_156 = arith.addi %add3A_115, %add3A_155 : i32
          %add3A_157 = arith.addi %select_n3A_8, %add3A_156 : i32
          %dma_wait3A_158 = arith.constant 0 : i32
          %dma_wait3A_159 = tpu.memref_slice %arg2[%add3A_157, %dma_wait3A_158] : memref<5071x64xi32, #tpu.memory_space<hbm>> -> memref<1x64xi32, #tpu.memory_space<hbm>>
          %dma_wait3A_160 = tpu.memref_squeeze %dma_wait3A_159 : memref<1x64xi32, #tpu.memory_space<hbm>> -> memref<64xi32, #tpu.memory_space<hbm>>
          %dma_wait3A_161 = arith.constant 0 : i32
          %dma_wait3A_162 = tpu.memref_slice %arg2[%add3A_157, %dma_wait3A_161] : memref<5071x64xi32, #tpu.memory_space<hbm>> -> memref<1x64xi32, #tpu.memory_space<hbm>>
          %dma_wait3A_163 = tpu.memref_squeeze %dma_wait3A_162 : memref<1x64xi32, #tpu.memory_space<hbm>> -> memref<64xi32, #tpu.memory_space<hbm>>
          tpu.wait_dma2 semaphore(%arg24 : memref<!tpu.dma_semaphore, #tpu.memory_space<semaphore_mem>>) src(%dma_wait3A_163 : memref<64xi32, #tpu.memory_space<hbm>>) dst(%arg6 : memref<64xi32, #tpu.memory_space<vmem>>)
          %dma_start3A = arith.constant 0 : i32
          %dma_start3A_164 = arith.constant 0 : i32
          %dma_start3A_165 = tpu.memref_slice %arg4[%dma_start3A, %dma_start3A_164] : memref<10000x128xf32, #tpu.memory_space<hbm>> -> memref<10000x128xf32, #tpu.memory_space<hbm>>
          tpu.enqueue_indirect_dma source(%dma_start3A_165 : memref<10000x128xf32, #tpu.memory_space<hbm>>) target(%arg11 : memref<64x128xf32, #tpu.memory_space<vmem>>) offsets(%arg6 : memref<64xi32, #tpu.memory_space<vmem>>) semaphore(%arg16 : memref<!tpu.dma_semaphore, #tpu.memory_space<semaphore_mem>>)
        } else {
        }
      } else {
      }
      %mul3A_120 = arith.constant 4 : i32
      %mul3A_121 = arith.muli %while3A_80, %mul3A_120 : i32
      %add3A_122 = arith.constant 1 : i32
      %add3A_123 = arith.addi %mul3A_121, %add3A_122 : i32
      %lt3A_124 = arith.cmpi slt, %add3A_123, %select_n3A : i32
      %convert_element_type3A_125 = arith.extui %lt3A_124 : i1 to i32
      %cond3A_126 = arith.constant 0 : i32
      %cond3A_127 = arith.cmpi ne, %convert_element_type3A_125, %cond3A_126 : i32
      scf.if %cond3A_127 {
        %dma_wait3A = arith.constant 0 : i32
        %dma_wait3A_144 = tpu.memref_slice %arg10[%add3A_123, %dma_wait3A] : memref<188x64xi32, #tpu.memory_space<vmem>> -> memref<1x64xi32, #tpu.memory_space<vmem>>
        %dma_wait3A_145 = tpu.memref_squeeze %dma_wait3A_144 : memref<1x64xi32, #tpu.memory_space<vmem>> -> memref<64xi32, #tpu.memory_space<vmem>>
        %dma_wait3A_146 = arith.constant 0 : i32
        %dma_wait3A_147 = arith.constant 0 : i32
        %dma_wait3A_148 = tpu.memref_slice %arg15[%dma_wait3A_146, %dma_wait3A_147] : memref<10112x128xf32, #tpu.memory_space<vmem_shared>> -> memref<10112x128xf32, #tpu.memory_space<vmem_shared>>
        tpu.wait_indirect_dma semaphore(%arg21 : memref<!tpu.dma_semaphore, #tpu.memory_space<semaphore_mem>>) src(%arg12 : memref<64x128xf32, #tpu.memory_space<vmem>>) dst(%dma_wait3A_148 : memref<10112x128xf32, #tpu.memory_space<vmem_shared>>)
        %add3A_149 = arith.constant 4 : i32
        %add3A_150 = arith.addi %add3A_123, %add3A_149 : i32
        %lt3A_151 = arith.cmpi slt, %add3A_150, %select_n3A : i32
        %convert_element_type3A_152 = arith.extui %lt3A_151 : i1 to i32
        %cond3A_153 = arith.constant 0 : i32
        %cond3A_154 = arith.cmpi ne, %convert_element_type3A_152, %cond3A_153 : i32
        scf.if %cond3A_154 {
          %add3A_155 = arith.constant 4 : i32
          %add3A_156 = arith.addi %add3A_123, %add3A_155 : i32
          %add3A_157 = arith.addi %select_n3A_8, %add3A_156 : i32
          %dma_wait3A_158 = arith.constant 0 : i32
          %dma_wait3A_159 = tpu.memref_slice %arg2[%add3A_157, %dma_wait3A_158] : memref<5071x64xi32, #tpu.memory_space<hbm>> -> memref<1x64xi32, #tpu.memory_space<hbm>>
          %dma_wait3A_160 = tpu.memref_squeeze %dma_wait3A_159 : memref<1x64xi32, #tpu.memory_space<hbm>> -> memref<64xi32, #tpu.memory_space<hbm>>
          %dma_wait3A_161 = arith.constant 0 : i32
          %dma_wait3A_162 = tpu.memref_slice %arg2[%add3A_157, %dma_wait3A_161] : memref<5071x64xi32, #tpu.memory_space<hbm>> -> memref<1x64xi32, #tpu.memory_space<hbm>>
          %dma_wait3A_163 = tpu.memref_squeeze %dma_wait3A_162 : memref<1x64xi32, #tpu.memory_space<hbm>> -> memref<64xi32, #tpu.memory_space<hbm>>
          tpu.wait_dma2 semaphore(%arg25 : memref<!tpu.dma_semaphore, #tpu.memory_space<semaphore_mem>>) src(%dma_wait3A_163 : memref<64xi32, #tpu.memory_space<hbm>>) dst(%arg7 : memref<64xi32, #tpu.memory_space<vmem>>)
          %dma_start3A = arith.constant 0 : i32
          %dma_start3A_164 = arith.constant 0 : i32
          %dma_start3A_165 = tpu.memref_slice %arg4[%dma_start3A, %dma_start3A_164] : memref<10000x128xf32, #tpu.memory_space<hbm>> -> memref<10000x128xf32, #tpu.memory_space<hbm>>
          tpu.enqueue_indirect_dma source(%dma_start3A_165 : memref<10000x128xf32, #tpu.memory_space<hbm>>) target(%arg12 : memref<64x128xf32, #tpu.memory_space<vmem>>) offsets(%arg7 : memref<64xi32, #tpu.memory_space<vmem>>) semaphore(%arg17 : memref<!tpu.dma_semaphore, #tpu.memory_space<semaphore_mem>>)
        } else {
        }
      } else {
      }
      %mul3A_128 = arith.constant 4 : i32
      %mul3A_129 = arith.muli %while3A_80, %mul3A_128 : i32
      %add3A_130 = arith.constant 2 : i32
      %add3A_131 = arith.addi %mul3A_129, %add3A_130 : i32
      %lt3A_132 = arith.cmpi slt, %add3A_131, %select_n3A : i32
      %convert_element_type3A_133 = arith.extui %lt3A_132 : i1 to i32
      %cond3A_134 = arith.constant 0 : i32
      %cond3A_135 = arith.cmpi ne, %convert_element_type3A_133, %cond3A_134 : i32
      scf.if %cond3A_135 {
        %dma_wait3A = arith.constant 0 : i32
        %dma_wait3A_144 = tpu.memref_slice %arg10[%add3A_131, %dma_wait3A] : memref<188x64xi32, #tpu.memory_space<vmem>> -> memref<1x64xi32, #tpu.memory_space<vmem>>
        %dma_wait3A_145 = tpu.memref_squeeze %dma_wait3A_144 : memref<1x64xi32, #tpu.memory_space<vmem>> -> memref<64xi32, #tpu.memory_space<vmem>>
        %dma_wait3A_146 = arith.constant 0 : i32
        %dma_wait3A_147 = arith.constant 0 : i32
        %dma_wait3A_148 = tpu.memref_slice %arg15[%dma_wait3A_146, %dma_wait3A_147] : memref<10112x128xf32, #tpu.memory_space<vmem_shared>> -> memref<10112x128xf32, #tpu.memory_space<vmem_shared>>
        tpu.wait_indirect_dma semaphore(%arg22 : memref<!tpu.dma_semaphore, #tpu.memory_space<semaphore_mem>>) src(%arg13 : memref<64x128xf32, #tpu.memory_space<vmem>>) dst(%dma_wait3A_148 : memref<10112x128xf32, #tpu.memory_space<vmem_shared>>)
        %add3A_149 = arith.constant 4 : i32
        %add3A_150 = arith.addi %add3A_131, %add3A_149 : i32
        %lt3A_151 = arith.cmpi slt, %add3A_150, %select_n3A : i32
        %convert_element_type3A_152 = arith.extui %lt3A_151 : i1 to i32
        %cond3A_153 = arith.constant 0 : i32
        %cond3A_154 = arith.cmpi ne, %convert_element_type3A_152, %cond3A_153 : i32
        scf.if %cond3A_154 {
          %add3A_155 = arith.constant 4 : i32
          %add3A_156 = arith.addi %add3A_131, %add3A_155 : i32
          %add3A_157 = arith.addi %select_n3A_8, %add3A_156 : i32
          %dma_wait3A_158 = arith.constant 0 : i32
          %dma_wait3A_159 = tpu.memref_slice %arg2[%add3A_157, %dma_wait3A_158] : memref<5071x64xi32, #tpu.memory_space<hbm>> -> memref<1x64xi32, #tpu.memory_space<hbm>>
          %dma_wait3A_160 = tpu.memref_squeeze %dma_wait3A_159 : memref<1x64xi32, #tpu.memory_space<hbm>> -> memref<64xi32, #tpu.memory_space<hbm>>
          %dma_wait3A_161 = arith.constant 0 : i32
          %dma_wait3A_162 = tpu.memref_slice %arg2[%add3A_157, %dma_wait3A_161] : memref<5071x64xi32, #tpu.memory_space<hbm>> -> memref<1x64xi32, #tpu.memory_space<hbm>>
          %dma_wait3A_163 = tpu.memref_squeeze %dma_wait3A_162 : memref<1x64xi32, #tpu.memory_space<hbm>> -> memref<64xi32, #tpu.memory_space<hbm>>
          tpu.wait_dma2 semaphore(%arg26 : memref<!tpu.dma_semaphore, #tpu.memory_space<semaphore_mem>>) src(%dma_wait3A_163 : memref<64xi32, #tpu.memory_space<hbm>>) dst(%arg8 : memref<64xi32, #tpu.memory_space<vmem>>)
          %dma_start3A = arith.constant 0 : i32
          %dma_start3A_164 = arith.constant 0 : i32
          %dma_start3A_165 = tpu.memref_slice %arg4[%dma_start3A, %dma_start3A_164] : memref<10000x128xf32, #tpu.memory_space<hbm>> -> memref<10000x128xf32, #tpu.memory_space<hbm>>
          tpu.enqueue_indirect_dma source(%dma_start3A_165 : memref<10000x128xf32, #tpu.memory_space<hbm>>) target(%arg13 : memref<64x128xf32, #tpu.memory_space<vmem>>) offsets(%arg8 : memref<64xi32, #tpu.memory_space<vmem>>) semaphore(%arg18 : memref<!tpu.dma_semaphore, #tpu.memory_space<semaphore_mem>>)
        } else {
        }
      } else {
      }
      %mul3A_136 = arith.constant 4 : i32
      %mul3A_137 = arith.muli %while3A_80, %mul3A_136 : i32
      %add3A_138 = arith.constant 3 : i32
      %add3A_139 = arith.addi %mul3A_137, %add3A_138 : i32
      %lt3A_140 = arith.cmpi slt, %add3A_139, %select_n3A : i32
      %convert_element_type3A_141 = arith.extui %lt3A_140 : i1 to i32
      %cond3A_142 = arith.constant 0 : i32
      %cond3A_143 = arith.cmpi ne, %convert_element_type3A_141, %cond3A_142 : i32
      scf.if %cond3A_143 {
        %dma_wait3A = arith.constant 0 : i32
        %dma_wait3A_144 = tpu.memref_slice %arg10[%add3A_139, %dma_wait3A] : memref<188x64xi32, #tpu.memory_space<vmem>> -> memref<1x64xi32, #tpu.memory_space<vmem>>
        %dma_wait3A_145 = tpu.memref_squeeze %dma_wait3A_144 : memref<1x64xi32, #tpu.memory_space<vmem>> -> memref<64xi32, #tpu.memory_space<vmem>>
        %dma_wait3A_146 = arith.constant 0 : i32
        %dma_wait3A_147 = arith.constant 0 : i32
        %dma_wait3A_148 = tpu.memref_slice %arg15[%dma_wait3A_146, %dma_wait3A_147] : memref<10112x128xf32, #tpu.memory_space<vmem_shared>> -> memref<10112x128xf32, #tpu.memory_space<vmem_shared>>
        tpu.wait_indirect_dma semaphore(%arg23 : memref<!tpu.dma_semaphore, #tpu.memory_space<semaphore_mem>>) src(%arg14 : memref<64x128xf32, #tpu.memory_space<vmem>>) dst(%dma_wait3A_148 : memref<10112x128xf32, #tpu.memory_space<vmem_shared>>)
        %add3A_149 = arith.constant 4 : i32
        %add3A_150 = arith.addi %add3A_139, %add3A_149 : i32
        %lt3A_151 = arith.cmpi slt, %add3A_150, %select_n3A : i32
        %convert_element_type3A_152 = arith.extui %lt3A_151 : i1 to i32
        %cond3A_153 = arith.constant 0 : i32
        %cond3A_154 = arith.cmpi ne, %convert_element_type3A_152, %cond3A_153 : i32
        scf.if %cond3A_154 {
          %add3A_155 = arith.constant 4 : i32
          %add3A_156 = arith.addi %add3A_139, %add3A_155 : i32
          %add3A_157 = arith.addi %select_n3A_8, %add3A_156 : i32
          %dma_wait3A_158 = arith.constant 0 : i32
          %dma_wait3A_159 = tpu.memref_slice %arg2[%add3A_157, %dma_wait3A_158] : memref<5071x64xi32, #tpu.memory_space<hbm>> -> memref<1x64xi32, #tpu.memory_space<hbm>>
          %dma_wait3A_160 = tpu.memref_squeeze %dma_wait3A_159 : memref<1x64xi32, #tpu.memory_space<hbm>> -> memref<64xi32, #tpu.memory_space<hbm>>
          %dma_wait3A_161 = arith.constant 0 : i32
          %dma_wait3A_162 = tpu.memref_slice %arg2[%add3A_157, %dma_wait3A_161] : memref<5071x64xi32, #tpu.memory_space<hbm>> -> memref<1x64xi32, #tpu.memory_space<hbm>>
          %dma_wait3A_163 = tpu.memref_squeeze %dma_wait3A_162 : memref<1x64xi32, #tpu.memory_space<hbm>> -> memref<64xi32, #tpu.memory_space<hbm>>
          tpu.wait_dma2 semaphore(%arg27 : memref<!tpu.dma_semaphore, #tpu.memory_space<semaphore_mem>>) src(%dma_wait3A_163 : memref<64xi32, #tpu.memory_space<hbm>>) dst(%arg9 : memref<64xi32, #tpu.memory_space<vmem>>)
          %dma_start3A = arith.constant 0 : i32
          %dma_start3A_164 = arith.constant 0 : i32
          %dma_start3A_165 = tpu.memref_slice %arg4[%dma_start3A, %dma_start3A_164] : memref<10000x128xf32, #tpu.memory_space<hbm>> -> memref<10000x128xf32, #tpu.memory_space<hbm>>
          tpu.enqueue_indirect_dma source(%dma_start3A_165 : memref<10000x128xf32, #tpu.memory_space<hbm>>) target(%arg14 : memref<64x128xf32, #tpu.memory_space<vmem>>) offsets(%arg9 : memref<64xi32, #tpu.memory_space<vmem>>) semaphore(%arg19 : memref<!tpu.dma_semaphore, #tpu.memory_space<semaphore_mem>>)
        } else {
        }
      } else {
      }
    }
    %while3A_71 = arith.constant 1 : i32
    scf.for %while3A_80 = %while3A_69 to %while3A_65 step %while3A_71  : i32 {
      %mul3A_81 = arith.constant 4 : i32
      %mul3A_82 = arith.muli %while3A_80, %mul3A_81 : i32
      %add3A_83 = arith.constant 0 : i32
      %add3A_84 = arith.addi %mul3A_82, %add3A_83 : i32
      %lt3A = arith.cmpi slt, %add3A_84, %select_n3A : i32
      %convert_element_type3A_85 = arith.extui %lt3A : i1 to i32
      %cond3A_86 = arith.constant 0 : i32
      %cond3A_87 = arith.cmpi ne, %convert_element_type3A_85, %cond3A_86 : i32
      scf.if %cond3A_87 {
        %dma_wait3A = arith.constant 0 : i32
        %dma_wait3A_144 = arith.constant 0 : i32
        %dma_wait3A_145 = tpu.memref_slice %arg4[%dma_wait3A, %dma_wait3A_144] : memref<10000x128xf32, #tpu.memory_space<hbm>> -> memref<10000x128xf32, #tpu.memory_space<hbm>>
        tpu.wait_indirect_dma semaphore(%arg16 : memref<!tpu.dma_semaphore, #tpu.memory_space<semaphore_mem>>) src(%dma_wait3A_145 : memref<10000x128xf32, #tpu.memory_space<hbm>>) dst(%arg11 : memref<64x128xf32, #tpu.memory_space<vmem>>)
        %dma_start3A = arith.constant 0 : i32
        %dma_start3A_146 = tpu.memref_slice %arg10[%add3A_84, %dma_start3A] : memref<188x64xi32, #tpu.memory_space<vmem>> -> memref<1x64xi32, #tpu.memory_space<vmem>>
        %dma_start3A_147 = tpu.memref_squeeze %dma_start3A_146 : memref<1x64xi32, #tpu.memory_space<vmem>> -> memref<64xi32, #tpu.memory_space<vmem>>
        %dma_start3A_148 = arith.constant 0 : i32
        %dma_start3A_149 = arith.constant 0 : i32
        %dma_start3A_150 = tpu.memref_slice %arg15[%dma_start3A_148, %dma_start3A_149] : memref<10112x128xf32, #tpu.memory_space<vmem_shared>> -> memref<10112x128xf32, #tpu.memory_space<vmem_shared>>
        tpu.enqueue_indirect_dma source(%arg11 : memref<64x128xf32, #tpu.memory_space<vmem>>) target(%dma_start3A_150 : memref<10112x128xf32, #tpu.memory_space<vmem_shared>>) offsets(%dma_start3A_147 : memref<64xi32, #tpu.memory_space<vmem>>) semaphore(%arg20 : memref<!tpu.dma_semaphore, #tpu.memory_space<semaphore_mem>>) {add = true}
        %add3A_151 = arith.constant 4 : i32
        %add3A_152 = arith.addi %add3A_84, %add3A_151 : i32
        %lt3A_153 = arith.cmpi slt, %add3A_152, %select_n3A : i32
        %convert_element_type3A_154 = arith.extui %lt3A_153 : i1 to i32
        %cond3A_155 = arith.constant 0 : i32
        %cond3A_156 = arith.cmpi ne, %convert_element_type3A_154, %cond3A_155 : i32
        scf.if %cond3A_156 {
          %add3A_157 = arith.constant 4 : i32
          %add3A_158 = arith.addi %add3A_84, %add3A_157 : i32
          %add3A_159 = arith.addi %select_n3A_8, %add3A_158 : i32
          %dma_start3A_160 = arith.constant 0 : i32
          %dma_start3A_161 = tpu.memref_slice %arg2[%add3A_159, %dma_start3A_160] : memref<5071x64xi32, #tpu.memory_space<hbm>> -> memref<1x64xi32, #tpu.memory_space<hbm>>
          %dma_start3A_162 = tpu.memref_squeeze %dma_start3A_161 : memref<1x64xi32, #tpu.memory_space<hbm>> -> memref<64xi32, #tpu.memory_space<hbm>>
          %dma_start3A_163 = arith.constant 0 : i32
          %dma_start3A_164 = tpu.memref_slice %arg2[%add3A_159, %dma_start3A_163] : memref<5071x64xi32, #tpu.memory_space<hbm>> -> memref<1x64xi32, #tpu.memory_space<hbm>>
          %dma_start3A_165 = tpu.memref_squeeze %dma_start3A_164 : memref<1x64xi32, #tpu.memory_space<hbm>> -> memref<64xi32, #tpu.memory_space<hbm>>
          tpu.enqueue_dma source(%dma_start3A_165 : memref<64xi32, #tpu.memory_space<hbm>>) target(%arg6 : memref<64xi32, #tpu.memory_space<vmem>>) target_semaphore(%arg24 : memref<!tpu.dma_semaphore, #tpu.memory_space<semaphore_mem>>)
        } else {
        }
      } else {
      }
      %mul3A_88 = arith.constant 4 : i32
      %mul3A_89 = arith.muli %while3A_80, %mul3A_88 : i32
      %add3A_90 = arith.constant 1 : i32
      %add3A_91 = arith.addi %mul3A_89, %add3A_90 : i32
      %lt3A_92 = arith.cmpi slt, %add3A_91, %select_n3A : i32
      %convert_element_type3A_93 = arith.extui %lt3A_92 : i1 to i32
      %cond3A_94 = arith.constant 0 : i32
      %cond3A_95 = arith.cmpi ne, %convert_element_type3A_93, %cond3A_94 : i32
      scf.if %cond3A_95 {
        %dma_wait3A = arith.constant 0 : i32
        %dma_wait3A_144 = arith.constant 0 : i32
        %dma_wait3A_145 = tpu.memref_slice %arg4[%dma_wait3A, %dma_wait3A_144] : memref<10000x128xf32, #tpu.memory_space<hbm>> -> memref<10000x128xf32, #tpu.memory_space<hbm>>
        tpu.wait_indirect_dma semaphore(%arg17 : memref<!tpu.dma_semaphore, #tpu.memory_space<semaphore_mem>>) src(%dma_wait3A_145 : memref<10000x128xf32, #tpu.memory_space<hbm>>) dst(%arg12 : memref<64x128xf32, #tpu.memory_space<vmem>>)
        %dma_start3A = arith.constant 0 : i32
        %dma_start3A_146 = tpu.memref_slice %arg10[%add3A_91, %dma_start3A] : memref<188x64xi32, #tpu.memory_space<vmem>> -> memref<1x64xi32, #tpu.memory_space<vmem>>
        %dma_start3A_147 = tpu.memref_squeeze %dma_start3A_146 : memref<1x64xi32, #tpu.memory_space<vmem>> -> memref<64xi32, #tpu.memory_space<vmem>>
        %dma_start3A_148 = arith.constant 0 : i32
        %dma_start3A_149 = arith.constant 0 : i32
        %dma_start3A_150 = tpu.memref_slice %arg15[%dma_start3A_148, %dma_start3A_149] : memref<10112x128xf32, #tpu.memory_space<vmem_shared>> -> memref<10112x128xf32, #tpu.memory_space<vmem_shared>>
        tpu.enqueue_indirect_dma source(%arg12 : memref<64x128xf32, #tpu.memory_space<vmem>>) target(%dma_start3A_150 : memref<10112x128xf32, #tpu.memory_space<vmem_shared>>) offsets(%dma_start3A_147 : memref<64xi32, #tpu.memory_space<vmem>>) semaphore(%arg21 : memref<!tpu.dma_semaphore, #tpu.memory_space<semaphore_mem>>) {add = true}
        %add3A_151 = arith.constant 4 : i32
        %add3A_152 = arith.addi %add3A_91, %add3A_151 : i32
        %lt3A_153 = arith.cmpi slt, %add3A_152, %select_n3A : i32
        %convert_element_type3A_154 = arith.extui %lt3A_153 : i1 to i32
        %cond3A_155 = arith.constant 0 : i32
        %cond3A_156 = arith.cmpi ne, %convert_element_type3A_154, %cond3A_155 : i32
        scf.if %cond3A_156 {
          %add3A_157 = arith.constant 4 : i32
          %add3A_158 = arith.addi %add3A_91, %add3A_157 : i32
          %add3A_159 = arith.addi %select_n3A_8, %add3A_158 : i32
          %dma_start3A_160 = arith.constant 0 : i32
          %dma_start3A_161 = tpu.memref_slice %arg2[%add3A_159, %dma_start3A_160] : memref<5071x64xi32, #tpu.memory_space<hbm>> -> memref<1x64xi32, #tpu.memory_space<hbm>>
          %dma_start3A_162 = tpu.memref_squeeze %dma_start3A_161 : memref<1x64xi32, #tpu.memory_space<hbm>> -> memref<64xi32, #tpu.memory_space<hbm>>
          %dma_start3A_163 = arith.constant 0 : i32
          %dma_start3A_164 = tpu.memref_slice %arg2[%add3A_159, %dma_start3A_163] : memref<5071x64xi32, #tpu.memory_space<hbm>> -> memref<1x64xi32, #tpu.memory_space<hbm>>
          %dma_start3A_165 = tpu.memref_squeeze %dma_start3A_164 : memref<1x64xi32, #tpu.memory_space<hbm>> -> memref<64xi32, #tpu.memory_space<hbm>>
          tpu.enqueue_dma source(%dma_start3A_165 : memref<64xi32, #tpu.memory_space<hbm>>) target(%arg7 : memref<64xi32, #tpu.memory_space<vmem>>) target_semaphore(%arg25 : memref<!tpu.dma_semaphore, #tpu.memory_space<semaphore_mem>>)
        } else {
        }
      } else {
      }
      %mul3A_96 = arith.constant 4 : i32
      %mul3A_97 = arith.muli %while3A_80, %mul3A_96 : i32
      %add3A_98 = arith.constant 2 : i32
      %add3A_99 = arith.addi %mul3A_97, %add3A_98 : i32
      %lt3A_100 = arith.cmpi slt, %add3A_99, %select_n3A : i32
      %convert_element_type3A_101 = arith.extui %lt3A_100 : i1 to i32
      %cond3A_102 = arith.constant 0 : i32
      %cond3A_103 = arith.cmpi ne, %convert_element_type3A_101, %cond3A_102 : i32
      scf.if %cond3A_103 {
        %dma_wait3A = arith.constant 0 : i32
        %dma_wait3A_144 = arith.constant 0 : i32
        %dma_wait3A_145 = tpu.memref_slice %arg4[%dma_wait3A, %dma_wait3A_144] : memref<10000x128xf32, #tpu.memory_space<hbm>> -> memref<10000x128xf32, #tpu.memory_space<hbm>>
        tpu.wait_indirect_dma semaphore(%arg18 : memref<!tpu.dma_semaphore, #tpu.memory_space<semaphore_mem>>) src(%dma_wait3A_145 : memref<10000x128xf32, #tpu.memory_space<hbm>>) dst(%arg13 : memref<64x128xf32, #tpu.memory_space<vmem>>)
        %dma_start3A = arith.constant 0 : i32
        %dma_start3A_146 = tpu.memref_slice %arg10[%add3A_99, %dma_start3A] : memref<188x64xi32, #tpu.memory_space<vmem>> -> memref<1x64xi32, #tpu.memory_space<vmem>>
        %dma_start3A_147 = tpu.memref_squeeze %dma_start3A_146 : memref<1x64xi32, #tpu.memory_space<vmem>> -> memref<64xi32, #tpu.memory_space<vmem>>
        %dma_start3A_148 = arith.constant 0 : i32
        %dma_start3A_149 = arith.constant 0 : i32
        %dma_start3A_150 = tpu.memref_slice %arg15[%dma_start3A_148, %dma_start3A_149] : memref<10112x128xf32, #tpu.memory_space<vmem_shared>> -> memref<10112x128xf32, #tpu.memory_space<vmem_shared>>
        tpu.enqueue_indirect_dma source(%arg13 : memref<64x128xf32, #tpu.memory_space<vmem>>) target(%dma_start3A_150 : memref<10112x128xf32, #tpu.memory_space<vmem_shared>>) offsets(%dma_start3A_147 : memref<64xi32, #tpu.memory_space<vmem>>) semaphore(%arg22 : memref<!tpu.dma_semaphore, #tpu.memory_space<semaphore_mem>>) {add = true}
        %add3A_151 = arith.constant 4 : i32
        %add3A_152 = arith.addi %add3A_99, %add3A_151 : i32
        %lt3A_153 = arith.cmpi slt, %add3A_152, %select_n3A : i32
        %convert_element_type3A_154 = arith.extui %lt3A_153 : i1 to i32
        %cond3A_155 = arith.constant 0 : i32
        %cond3A_156 = arith.cmpi ne, %convert_element_type3A_154, %cond3A_155 : i32
        scf.if %cond3A_156 {
          %add3A_157 = arith.constant 4 : i32
          %add3A_158 = arith.addi %add3A_99, %add3A_157 : i32
          %add3A_159 = arith.addi %select_n3A_8, %add3A_158 : i32
          %dma_start3A_160 = arith.constant 0 : i32
          %dma_start3A_161 = tpu.memref_slice %arg2[%add3A_159, %dma_start3A_160] : memref<5071x64xi32, #tpu.memory_space<hbm>> -> memref<1x64xi32, #tpu.memory_space<hbm>>
          %dma_start3A_162 = tpu.memref_squeeze %dma_start3A_161 : memref<1x64xi32, #tpu.memory_space<hbm>> -> memref<64xi32, #tpu.memory_space<hbm>>
          %dma_start3A_163 = arith.constant 0 : i32
          %dma_start3A_164 = tpu.memref_slice %arg2[%add3A_159, %dma_start3A_163] : memref<5071x64xi32, #tpu.memory_space<hbm>> -> memref<1x64xi32, #tpu.memory_space<hbm>>
          %dma_start3A_165 = tpu.memref_squeeze %dma_start3A_164 : memref<1x64xi32, #tpu.memory_space<hbm>> -> memref<64xi32, #tpu.memory_space<hbm>>
          tpu.enqueue_dma source(%dma_start3A_165 : memref<64xi32, #tpu.memory_space<hbm>>) target(%arg8 : memref<64xi32, #tpu.memory_space<vmem>>) target_semaphore(%arg26 : memref<!tpu.dma_semaphore, #tpu.memory_space<semaphore_mem>>)
        } else {
        }
      } else {
      }
      %mul3A_104 = arith.constant 4 : i32
      %mul3A_105 = arith.muli %while3A_80, %mul3A_104 : i32
      %add3A_106 = arith.constant 3 : i32
      %add3A_107 = arith.addi %mul3A_105, %add3A_106 : i32
      %lt3A_108 = arith.cmpi slt, %add3A_107, %select_n3A : i32
      %convert_element_type3A_109 = arith.extui %lt3A_108 : i1 to i32
      %cond3A_110 = arith.constant 0 : i32
      %cond3A_111 = arith.cmpi ne, %convert_element_type3A_109, %cond3A_110 : i32
      scf.if %cond3A_111 {
        %dma_wait3A = arith.constant 0 : i32
        %dma_wait3A_144 = arith.constant 0 : i32
        %dma_wait3A_145 = tpu.memref_slice %arg4[%dma_wait3A, %dma_wait3A_144] : memref<10000x128xf32, #tpu.memory_space<hbm>> -> memref<10000x128xf32, #tpu.memory_space<hbm>>
        tpu.wait_indirect_dma semaphore(%arg19 : memref<!tpu.dma_semaphore, #tpu.memory_space<semaphore_mem>>) src(%dma_wait3A_145 : memref<10000x128xf32, #tpu.memory_space<hbm>>) dst(%arg14 : memref<64x128xf32, #tpu.memory_space<vmem>>)
        %dma_start3A = arith.constant 0 : i32
        %dma_start3A_146 = tpu.memref_slice %arg10[%add3A_107, %dma_start3A] : memref<188x64xi32, #tpu.memory_space<vmem>> -> memref<1x64xi32, #tpu.memory_space<vmem>>
        %dma_start3A_147 = tpu.memref_squeeze %dma_start3A_146 : memref<1x64xi32, #tpu.memory_space<vmem>> -> memref<64xi32, #tpu.memory_space<vmem>>
        %dma_start3A_148 = arith.constant 0 : i32
        %dma_start3A_149 = arith.constant 0 : i32
        %dma_start3A_150 = tpu.memref_slice %arg15[%dma_start3A_148, %dma_start3A_149] : memref<10112x128xf32, #tpu.memory_space<vmem_shared>> -> memref<10112x128xf32, #tpu.memory_space<vmem_shared>>
        tpu.enqueue_indirect_dma source(%arg14 : memref<64x128xf32, #tpu.memory_space<vmem>>) target(%dma_start3A_150 : memref<10112x128xf32, #tpu.memory_space<vmem_shared>>) offsets(%dma_start3A_147 : memref<64xi32, #tpu.memory_space<vmem>>) semaphore(%arg23 : memref<!tpu.dma_semaphore, #tpu.memory_space<semaphore_mem>>) {add = true}
        %add3A_151 = arith.constant 4 : i32
        %add3A_152 = arith.addi %add3A_107, %add3A_151 : i32
        %lt3A_153 = arith.cmpi slt, %add3A_152, %select_n3A : i32
        %convert_element_type3A_154 = arith.extui %lt3A_153 : i1 to i32
        %cond3A_155 = arith.constant 0 : i32
        %cond3A_156 = arith.cmpi ne, %convert_element_type3A_154, %cond3A_155 : i32
        scf.if %cond3A_156 {
          %add3A_157 = arith.constant 4 : i32
          %add3A_158 = arith.addi %add3A_107, %add3A_157 : i32
          %add3A_159 = arith.addi %select_n3A_8, %add3A_158 : i32
          %dma_start3A_160 = arith.constant 0 : i32
          %dma_start3A_161 = tpu.memref_slice %arg2[%add3A_159, %dma_start3A_160] : memref<5071x64xi32, #tpu.memory_space<hbm>> -> memref<1x64xi32, #tpu.memory_space<hbm>>
          %dma_start3A_162 = tpu.memref_squeeze %dma_start3A_161 : memref<1x64xi32, #tpu.memory_space<hbm>> -> memref<64xi32, #tpu.memory_space<hbm>>
          %dma_start3A_163 = arith.constant 0 : i32
          %dma_start3A_164 = tpu.memref_slice %arg2[%add3A_159, %dma_start3A_163] : memref<5071x64xi32, #tpu.memory_space<hbm>> -> memref<1x64xi32, #tpu.memory_space<hbm>>
          %dma_start3A_165 = tpu.memref_squeeze %dma_start3A_164 : memref<1x64xi32, #tpu.memory_space<hbm>> -> memref<64xi32, #tpu.memory_space<hbm>>
          tpu.enqueue_dma source(%dma_start3A_165 : memref<64xi32, #tpu.memory_space<hbm>>) target(%arg9 : memref<64xi32, #tpu.memory_space<vmem>>) target_semaphore(%arg27 : memref<!tpu.dma_semaphore, #tpu.memory_space<semaphore_mem>>)
        } else {
        }
      } else {
      }
      %mul3A_112 = arith.constant 4 : i32
      %mul3A_113 = arith.muli %while3A_80, %mul3A_112 : i32
      %add3A_114 = arith.constant 0 : i32
      %add3A_115 = arith.addi %mul3A_113, %add3A_114 : i32
      %lt3A_116 = arith.cmpi slt, %add3A_115, %select_n3A : i32
      %convert_element_type3A_117 = arith.extui %lt3A_116 : i1 to i32
      %cond3A_118 = arith.constant 0 : i32
      %cond3A_119 = arith.cmpi ne, %convert_element_type3A_117, %cond3A_118 : i32
      scf.if %cond3A_119 {
        %dma_wait3A = arith.constant 0 : i32
        %dma_wait3A_144 = tpu.memref_slice %arg10[%add3A_115, %dma_wait3A] : memref<188x64xi32, #tpu.memory_space<vmem>> -> memref<1x64xi32, #tpu.memory_space<vmem>>
        %dma_wait3A_145 = tpu.memref_squeeze %dma_wait3A_144 : memref<1x64xi32, #tpu.memory_space<vmem>> -> memref<64xi32, #tpu.memory_space<vmem>>
        %dma_wait3A_146 = arith.constant 0 : i32
        %dma_wait3A_147 = arith.constant 0 : i32
        %dma_wait3A_148 = tpu.memref_slice %arg15[%dma_wait3A_146, %dma_wait3A_147] : memref<10112x128xf32, #tpu.memory_space<vmem_shared>> -> memref<10112x128xf32, #tpu.memory_space<vmem_shared>>
        tpu.wait_indirect_dma semaphore(%arg20 : memref<!tpu.dma_semaphore, #tpu.memory_space<semaphore_mem>>) src(%arg11 : memref<64x128xf32, #tpu.memory_space<vmem>>) dst(%dma_wait3A_148 : memref<10112x128xf32, #tpu.memory_space<vmem_shared>>)
        %add3A_149 = arith.constant 4 : i32
        %add3A_150 = arith.addi %add3A_115, %add3A_149 : i32
        %lt3A_151 = arith.cmpi slt, %add3A_150, %select_n3A : i32
        %convert_element_type3A_152 = arith.extui %lt3A_151 : i1 to i32
        %cond3A_153 = arith.constant 0 : i32
        %cond3A_154 = arith.cmpi ne, %convert_element_type3A_152, %cond3A_153 : i32
        scf.if %cond3A_154 {
          %add3A_155 = arith.constant 4 : i32
          %add3A_156 = arith.addi %add3A_115, %add3A_155 : i32
          %add3A_157 = arith.addi %select_n3A_8, %add3A_156 : i32
          %dma_wait3A_158 = arith.constant 0 : i32
          %dma_wait3A_159 = tpu.memref_slice %arg2[%add3A_157, %dma_wait3A_158] : memref<5071x64xi32, #tpu.memory_space<hbm>> -> memref<1x64xi32, #tpu.memory_space<hbm>>
          %dma_wait3A_160 = tpu.memref_squeeze %dma_wait3A_159 : memref<1x64xi32, #tpu.memory_space<hbm>> -> memref<64xi32, #tpu.memory_space<hbm>>
          %dma_wait3A_161 = arith.constant 0 : i32
          %dma_wait3A_162 = tpu.memref_slice %arg2[%add3A_157, %dma_wait3A_161] : memref<5071x64xi32, #tpu.memory_space<hbm>> -> memref<1x64xi32, #tpu.memory_space<hbm>>
          %dma_wait3A_163 = tpu.memref_squeeze %dma_wait3A_162 : memref<1x64xi32, #tpu.memory_space<hbm>> -> memref<64xi32, #tpu.memory_space<hbm>>
          tpu.wait_dma2 semaphore(%arg24 : memref<!tpu.dma_semaphore, #tpu.memory_space<semaphore_mem>>) src(%dma_wait3A_163 : memref<64xi32, #tpu.memory_space<hbm>>) dst(%arg6 : memref<64xi32, #tpu.memory_space<vmem>>)
          %dma_start3A = arith.constant 0 : i32
          %dma_start3A_164 = arith.constant 0 : i32
          %dma_start3A_165 = tpu.memref_slice %arg4[%dma_start3A, %dma_start3A_164] : memref<10000x128xf32, #tpu.memory_space<hbm>> -> memref<10000x128xf32, #tpu.memory_space<hbm>>
          tpu.enqueue_indirect_dma source(%dma_start3A_165 : memref<10000x128xf32, #tpu.memory_space<hbm>>) target(%arg11 : memref<64x128xf32, #tpu.memory_space<vmem>>) offsets(%arg6 : memref<64xi32, #tpu.memory_space<vmem>>) semaphore(%arg16 : memref<!tpu.dma_semaphore, #tpu.memory_space<semaphore_mem>>)
        } else {
        }
      } else {
      }
      %mul3A_120 = arith.constant 4 : i32
      %mul3A_121 = arith.muli %while3A_80, %mul3A_120 : i32
      %add3A_122 = arith.constant 1 : i32
      %add3A_123 = arith.addi %mul3A_121, %add3A_122 : i32
      %lt3A_124 = arith.cmpi slt, %add3A_123, %select_n3A : i32
      %convert_element_type3A_125 = arith.extui %lt3A_124 : i1 to i32
      %cond3A_126 = arith.constant 0 : i32
      %cond3A_127 = arith.cmpi ne, %convert_element_type3A_125, %cond3A_126 : i32
      scf.if %cond3A_127 {
        %dma_wait3A = arith.constant 0 : i32
        %dma_wait3A_144 = tpu.memref_slice %arg10[%add3A_123, %dma_wait3A] : memref<188x64xi32, #tpu.memory_space<vmem>> -> memref<1x64xi32, #tpu.memory_space<vmem>>
        %dma_wait3A_145 = tpu.memref_squeeze %dma_wait3A_144 : memref<1x64xi32, #tpu.memory_space<vmem>> -> memref<64xi32, #tpu.memory_space<vmem>>
        %dma_wait3A_146 = arith.constant 0 : i32
        %dma_wait3A_147 = arith.constant 0 : i32
        %dma_wait3A_148 = tpu.memref_slice %arg15[%dma_wait3A_146, %dma_wait3A_147] : memref<10112x128xf32, #tpu.memory_space<vmem_shared>> -> memref<10112x128xf32, #tpu.memory_space<vmem_shared>>
        tpu.wait_indirect_dma semaphore(%arg21 : memref<!tpu.dma_semaphore, #tpu.memory_space<semaphore_mem>>) src(%arg12 : memref<64x128xf32, #tpu.memory_space<vmem>>) dst(%dma_wait3A_148 : memref<10112x128xf32, #tpu.memory_space<vmem_shared>>)
        %add3A_149 = arith.constant 4 : i32
        %add3A_150 = arith.addi %add3A_123, %add3A_149 : i32
        %lt3A_151 = arith.cmpi slt, %add3A_150, %select_n3A : i32
        %convert_element_type3A_152 = arith.extui %lt3A_151 : i1 to i32
        %cond3A_153 = arith.constant 0 : i32
        %cond3A_154 = arith.cmpi ne, %convert_element_type3A_152, %cond3A_153 : i32
        scf.if %cond3A_154 {
          %add3A_155 = arith.constant 4 : i32
          %add3A_156 = arith.addi %add3A_123, %add3A_155 : i32
          %add3A_157 = arith.addi %select_n3A_8, %add3A_156 : i32
          %dma_wait3A_158 = arith.constant 0 : i32
          %dma_wait3A_159 = tpu.memref_slice %arg2[%add3A_157, %dma_wait3A_158] : memref<5071x64xi32, #tpu.memory_space<hbm>> -> memref<1x64xi32, #tpu.memory_space<hbm>>
          %dma_wait3A_160 = tpu.memref_squeeze %dma_wait3A_159 : memref<1x64xi32, #tpu.memory_space<hbm>> -> memref<64xi32, #tpu.memory_space<hbm>>
          %dma_wait3A_161 = arith.constant 0 : i32
          %dma_wait3A_162 = tpu.memref_slice %arg2[%add3A_157, %dma_wait3A_161] : memref<5071x64xi32, #tpu.memory_space<hbm>> -> memref<1x64xi32, #tpu.memory_space<hbm>>
          %dma_wait3A_163 = tpu.memref_squeeze %dma_wait3A_162 : memref<1x64xi32, #tpu.memory_space<hbm>> -> memref<64xi32, #tpu.memory_space<hbm>>
          tpu.wait_dma2 semaphore(%arg25 : memref<!tpu.dma_semaphore, #tpu.memory_space<semaphore_mem>>) src(%dma_wait3A_163 : memref<64xi32, #tpu.memory_space<hbm>>) dst(%arg7 : memref<64xi32, #tpu.memory_space<vmem>>)
          %dma_start3A = arith.constant 0 : i32
          %dma_start3A_164 = arith.constant 0 : i32
          %dma_start3A_165 = tpu.memref_slice %arg4[%dma_start3A, %dma_start3A_164] : memref<10000x128xf32, #tpu.memory_space<hbm>> -> memref<10000x128xf32, #tpu.memory_space<hbm>>
          tpu.enqueue_indirect_dma source(%dma_start3A_165 : memref<10000x128xf32, #tpu.memory_space<hbm>>) target(%arg12 : memref<64x128xf32, #tpu.memory_space<vmem>>) offsets(%arg7 : memref<64xi32, #tpu.memory_space<vmem>>) semaphore(%arg17 : memref<!tpu.dma_semaphore, #tpu.memory_space<semaphore_mem>>)
        } else {
        }
      } else {
      }
      %mul3A_128 = arith.constant 4 : i32
      %mul3A_129 = arith.muli %while3A_80, %mul3A_128 : i32
      %add3A_130 = arith.constant 2 : i32
      %add3A_131 = arith.addi %mul3A_129, %add3A_130 : i32
      %lt3A_132 = arith.cmpi slt, %add3A_131, %select_n3A : i32
      %convert_element_type3A_133 = arith.extui %lt3A_132 : i1 to i32
      %cond3A_134 = arith.constant 0 : i32
      %cond3A_135 = arith.cmpi ne, %convert_element_type3A_133, %cond3A_134 : i32
      scf.if %cond3A_135 {
        %dma_wait3A = arith.constant 0 : i32
        %dma_wait3A_144 = tpu.memref_slice %arg10[%add3A_131, %dma_wait3A] : memref<188x64xi32, #tpu.memory_space<vmem>> -> memref<1x64xi32, #tpu.memory_space<vmem>>
        %dma_wait3A_145 = tpu.memref_squeeze %dma_wait3A_144 : memref<1x64xi32, #tpu.memory_space<vmem>> -> memref<64xi32, #tpu.memory_space<vmem>>
        %dma_wait3A_146 = arith.constant 0 : i32
        %dma_wait3A_147 = arith.constant 0 : i32
        %dma_wait3A_148 = tpu.memref_slice %arg15[%dma_wait3A_146, %dma_wait3A_147] : memref<10112x128xf32, #tpu.memory_space<vmem_shared>> -> memref<10112x128xf32, #tpu.memory_space<vmem_shared>>
        tpu.wait_indirect_dma semaphore(%arg22 : memref<!tpu.dma_semaphore, #tpu.memory_space<semaphore_mem>>) src(%arg13 : memref<64x128xf32, #tpu.memory_space<vmem>>) dst(%dma_wait3A_148 : memref<10112x128xf32, #tpu.memory_space<vmem_shared>>)
        %add3A_149 = arith.constant 4 : i32
        %add3A_150 = arith.addi %add3A_131, %add3A_149 : i32
        %lt3A_151 = arith.cmpi slt, %add3A_150, %select_n3A : i32
        %convert_element_type3A_152 = arith.extui %lt3A_151 : i1 to i32
        %cond3A_153 = arith.constant 0 : i32
        %cond3A_154 = arith.cmpi ne, %convert_element_type3A_152, %cond3A_153 : i32
        scf.if %cond3A_154 {
          %add3A_155 = arith.constant 4 : i32
          %add3A_156 = arith.addi %add3A_131, %add3A_155 : i32
          %add3A_157 = arith.addi %select_n3A_8, %add3A_156 : i32
          %dma_wait3A_158 = arith.constant 0 : i32
          %dma_wait3A_159 = tpu.memref_slice %arg2[%add3A_157, %dma_wait3A_158] : memref<5071x64xi32, #tpu.memory_space<hbm>> -> memref<1x64xi32, #tpu.memory_space<hbm>>
          %dma_wait3A_160 = tpu.memref_squeeze %dma_wait3A_159 : memref<1x64xi32, #tpu.memory_space<hbm>> -> memref<64xi32, #tpu.memory_space<hbm>>
          %dma_wait3A_161 = arith.constant 0 : i32
          %dma_wait3A_162 = tpu.memref_slice %arg2[%add3A_157, %dma_wait3A_161] : memref<5071x64xi32, #tpu.memory_space<hbm>> -> memref<1x64xi32, #tpu.memory_space<hbm>>
          %dma_wait3A_163 = tpu.memref_squeeze %dma_wait3A_162 : memref<1x64xi32, #tpu.memory_space<hbm>> -> memref<64xi32, #tpu.memory_space<hbm>>
          tpu.wait_dma2 semaphore(%arg26 : memref<!tpu.dma_semaphore, #tpu.memory_space<semaphore_mem>>) src(%dma_wait3A_163 : memref<64xi32, #tpu.memory_space<hbm>>) dst(%arg8 : memref<64xi32, #tpu.memory_space<vmem>>)
          %dma_start3A = arith.constant 0 : i32
          %dma_start3A_164 = arith.constant 0 : i32
          %dma_start3A_165 = tpu.memref_slice %arg4[%dma_start3A, %dma_start3A_164] : memref<10000x128xf32, #tpu.memory_space<hbm>> -> memref<10000x128xf32, #tpu.memory_space<hbm>>
          tpu.enqueue_indirect_dma source(%dma_start3A_165 : memref<10000x128xf32, #tpu.memory_space<hbm>>) target(%arg13 : memref<64x128xf32, #tpu.memory_space<vmem>>) offsets(%arg8 : memref<64xi32, #tpu.memory_space<vmem>>) semaphore(%arg18 : memref<!tpu.dma_semaphore, #tpu.memory_space<semaphore_mem>>)
        } else {
        }
      } else {
      }
      %mul3A_136 = arith.constant 4 : i32
      %mul3A_137 = arith.muli %while3A_80, %mul3A_136 : i32
      %add3A_138 = arith.constant 3 : i32
      %add3A_139 = arith.addi %mul3A_137, %add3A_138 : i32
      %lt3A_140 = arith.cmpi slt, %add3A_139, %select_n3A : i32
      %convert_element_type3A_141 = arith.extui %lt3A_140 : i1 to i32
      %cond3A_142 = arith.constant 0 : i32
      %cond3A_143 = arith.cmpi ne, %convert_element_type3A_141, %cond3A_142 : i32
      scf.if %cond3A_143 {
        %dma_wait3A = arith.constant 0 : i32
        %dma_wait3A_144 = tpu.memref_slice %arg10[%add3A_139, %dma_wait3A] : memref<188x64xi32, #tpu.memory_space<vmem>> -> memref<1x64xi32, #tpu.memory_space<vmem>>
        %dma_wait3A_145 = tpu.memref_squeeze %dma_wait3A_144 : memref<1x64xi32, #tpu.memory_space<vmem>> -> memref<64xi32, #tpu.memory_space<vmem>>
        %dma_wait3A_146 = arith.constant 0 : i32
        %dma_wait3A_147 = arith.constant 0 : i32
        %dma_wait3A_148 = tpu.memref_slice %arg15[%dma_wait3A_146, %dma_wait3A_147] : memref<10112x128xf32, #tpu.memory_space<vmem_shared>> -> memref<10112x128xf32, #tpu.memory_space<vmem_shared>>
        tpu.wait_indirect_dma semaphore(%arg23 : memref<!tpu.dma_semaphore, #tpu.memory_space<semaphore_mem>>) src(%arg14 : memref<64x128xf32, #tpu.memory_space<vmem>>) dst(%dma_wait3A_148 : memref<10112x128xf32, #tpu.memory_space<vmem_shared>>)
        %add3A_149 = arith.constant 4 : i32
        %add3A_150 = arith.addi %add3A_139, %add3A_149 : i32
        %lt3A_151 = arith.cmpi slt, %add3A_150, %select_n3A : i32
        %convert_element_type3A_152 = arith.extui %lt3A_151 : i1 to i32
        %cond3A_153 = arith.constant 0 : i32
        %cond3A_154 = arith.cmpi ne, %convert_element_type3A_152, %cond3A_153 : i32
        scf.if %cond3A_154 {
          %add3A_155 = arith.constant 4 : i32
          %add3A_156 = arith.addi %add3A_139, %add3A_155 : i32
          %add3A_157 = arith.addi %select_n3A_8, %add3A_156 : i32
          %dma_wait3A_158 = arith.constant 0 : i32
          %dma_wait3A_159 = tpu.memref_slice %arg2[%add3A_157, %dma_wait3A_158] : memref<5071x64xi32, #tpu.memory_space<hbm>> -> memref<1x64xi32, #tpu.memory_space<hbm>>
          %dma_wait3A_160 = tpu.memref_squeeze %dma_wait3A_159 : memref<1x64xi32, #tpu.memory_space<hbm>> -> memref<64xi32, #tpu.memory_space<hbm>>
          %dma_wait3A_161 = arith.constant 0 : i32
          %dma_wait3A_162 = tpu.memref_slice %arg2[%add3A_157, %dma_wait3A_161] : memref<5071x64xi32, #tpu.memory_space<hbm>> -> memref<1x64xi32, #tpu.memory_space<hbm>>
          %dma_wait3A_163 = tpu.memref_squeeze %dma_wait3A_162 : memref<1x64xi32, #tpu.memory_space<hbm>> -> memref<64xi32, #tpu.memory_space<hbm>>
          tpu.wait_dma2 semaphore(%arg27 : memref<!tpu.dma_semaphore, #tpu.memory_space<semaphore_mem>>) src(%dma_wait3A_163 : memref<64xi32, #tpu.memory_space<hbm>>) dst(%arg9 : memref<64xi32, #tpu.memory_space<vmem>>)
          %dma_start3A = arith.constant 0 : i32
          %dma_start3A_164 = arith.constant 0 : i32
          %dma_start3A_165 = tpu.memref_slice %arg4[%dma_start3A, %dma_start3A_164] : memref<10000x128xf32, #tpu.memory_space<hbm>> -> memref<10000x128xf32, #tpu.memory_space<hbm>>
          tpu.enqueue_indirect_dma source(%dma_start3A_165 : memref<10000x128xf32, #tpu.memory_space<hbm>>) target(%arg14 : memref<64x128xf32, #tpu.memory_space<vmem>>) offsets(%arg9 : memref<64xi32, #tpu.memory_space<vmem>>) semaphore(%arg19 : memref<!tpu.dma_semaphore, #tpu.memory_space<semaphore_mem>>)
        } else {
        }
      } else {
      }
    }
    %barrier3A_72 = arith.constant 0 : index
    tpu.barrier barrier_id(%barrier3A_72)
    %mul3A_73 = arith.constant 632 : i32
    %mul3A_74 = arith.muli %arg1, %mul3A_73 : i32
    %mul3A_75 = arith.constant 10112 : i32
    %mul3A_76 = arith.muli %arg0, %mul3A_75 : i32
    %mul3A_77 = arith.constant 632 : i32
    %mul3A_78 = arith.muli %arg1, %mul3A_77 : i32
    %add3A_79 = arith.addi %mul3A_76, %mul3A_78 : i32
    "tpu.region"() ({
      %run_scoped3A = tpu.sem_alloc : memref<!tpu.dma_semaphore, #tpu.memory_space<semaphore_mem>>
      %dma_start3A = arith.constant 0 : i32
      %dma_start3A_80 = tpu.memref_slice %arg5[%add3A_79, %dma_start3A] : memref<20224x128xf32, #tpu.memory_space<hbm>> -> memref<632x128xf32, #tpu.memory_space<hbm>>
      %dma_start3A_81 = arith.constant 0 : i32
      %dma_start3A_82 = tpu.memref_slice %arg15[%mul3A_74, %dma_start3A_81] : memref<10112x128xf32, #tpu.memory_space<vmem_shared>> -> memref<632x128xf32, #tpu.memory_space<vmem_shared>>
      tpu.enqueue_dma source(%dma_start3A_82 : memref<632x128xf32, #tpu.memory_space<vmem_shared>>) target(%dma_start3A_80 : memref<632x128xf32, #tpu.memory_space<hbm>>) target_semaphore(%run_scoped3A : memref<!tpu.dma_semaphore, #tpu.memory_space<semaphore_mem>>)
      %dma_wait3A = arith.constant 0 : i32
      %dma_wait3A_83 = tpu.memref_slice %arg5[%add3A_79, %dma_wait3A] : memref<20224x128xf32, #tpu.memory_space<hbm>> -> memref<632x128xf32, #tpu.memory_space<hbm>>
      %dma_wait3A_84 = arith.constant 0 : i32
      %dma_wait3A_85 = tpu.memref_slice %arg15[%mul3A_74, %dma_wait3A_84] : memref<10112x128xf32, #tpu.memory_space<vmem_shared>> -> memref<632x128xf32, #tpu.memory_space<vmem_shared>>
      tpu.wait_dma2 semaphore(%run_scoped3A : memref<!tpu.dma_semaphore, #tpu.memory_space<semaphore_mem>>) src(%dma_wait3A_85 : memref<632x128xf32, #tpu.memory_space<vmem_shared>>) dst(%dma_wait3A_83 : memref<632x128xf32, #tpu.memory_space<hbm>>)
      tpu.yield
    }) : () -> ()
    return
  }
}

module attributes {stable_mosaic.version = 14 : i64} {
  func.func @body(%arg0: memref<10000x128xf32, #tpu.memory_space<vmem>>, %arg1: memref<128x128xf32, #tpu.memory_space<vmem>>, %arg2: memref<10000x1xf32, #tpu.memory_space<vmem>>, %arg3: memref<10000x1xf32, #tpu.memory_space<vmem>>, %arg4: memref<10000x128xf32, #tpu.memory_space<vmem>>, %arg5: memref<10000x1xf32, #tpu.memory_space<vmem>>) attributes {dimension_semantics = [], scalar_prefetch = 0 : i64, scratch_operands = 0 : i64, tpu.core_type = #tpu.core_type<tc>} {
    %get3A = arith.constant 0 : index
    %get3A_0 = arith.constant 0 : index
    %get3A_1 = vector.load %arg2[%get3A, %get3A_0] : memref<10000x1xf32, #tpu.memory_space<vmem>>, vector<10000x1xf32>
    %get3A_2 = arith.constant 0 : index
    %get3A_3 = arith.constant 0 : index
    %get3A_4 = vector.load %arg3[%get3A_2, %get3A_3] : memref<10000x1xf32, #tpu.memory_space<vmem>>, vector<10000x1xf32>
    %add3A = arith.addf %get3A_1, %get3A_4 : vector<10000x1xf32>
    %add3A_5 = arith.constant 1.000000e+00 : f32
    %add3A_6 = vector.broadcast %add3A_5 : f32 to vector<10000x1xf32>
    %add3A_7 = arith.addf %add3A, %add3A_6 : vector<10000x1xf32>
    %rsqrt3A = math.rsqrt %add3A_7 : vector<10000x1xf32>
    %swap3A = arith.constant 0 : index
    %swap3A_8 = arith.constant 0 : index
    %swap3A_9 = vector.load %arg5[%swap3A, %swap3A_8] : memref<10000x1xf32, #tpu.memory_space<vmem>>, vector<10000x1xf32>
    tpu.vector_store %arg5[%swap3A, %swap3A_8], %rsqrt3A {strides = array<i32>} : memref<10000x1xf32, #tpu.memory_space<vmem>>, vector<10000x1xf32>,
    %get3A_10 = arith.constant 0 : index
    %get3A_11 = arith.constant 0 : index
    %get3A_12 = vector.load %arg0[%get3A_10, %get3A_11] : memref<10000x128xf32, #tpu.memory_space<vmem>>, vector<10000x128xf32>
    %get3A_13 = arith.constant 0 : index
    %get3A_14 = arith.constant 0 : index
    %get3A_15 = vector.load %arg1[%get3A_13, %get3A_14] : memref<128x128xf32, #tpu.memory_space<vmem>>, vector<128x128xf32>
    %dot_general3A = arith.constant dense<0.000000e+00> : vector<10000x128xf32>
    %dot_general3A_16 = tpu.matmul %get3A_12, %get3A_15, %dot_general3A {dimension_numbers = #tpu.dot_dimension_numbers<[1], [0], [0], [1], [0, 0, 1, 1], [], []>, transpose_lhs_hint = false} : vector<10000x128xf32>, vector<128x128xf32>, vector<10000x128xf32> -> vector<10000x128xf32>
    %mul3A = vector.broadcast %rsqrt3A : vector<10000x1xf32> to vector<10000x128xf32>
    %mul3A_17 = arith.mulf %dot_general3A_16, %mul3A : vector<10000x128xf32>
    %swap3A_18 = arith.constant 0 : index
    %swap3A_19 = arith.constant 0 : index
    %swap3A_20 = vector.load %arg4[%swap3A_18, %swap3A_19] : memref<10000x128xf32, #tpu.memory_space<vmem>>, vector<10000x128xf32>
    tpu.vector_store %arg4[%swap3A_18, %swap3A_19], %mul3A_17 {strides = array<i32>} : memref<10000x128xf32, #tpu.memory_space<vmem>>, vector<10000x128xf32>,
    return
  }
}

module attributes {stable_mosaic.version = 14 : i64} {
  func.func @body(%arg0: memref<20224x128xf32, #tpu.memory_space<vmem>>, %arg1: memref<10000x128xf32, #tpu.memory_space<vmem>>, %arg2: memref<10000x1xf32, #tpu.memory_space<vmem>>, %arg3: memref<1x128xf32, #tpu.memory_space<vmem>>, %arg4: memref<128x64xf32, #tpu.memory_space<vmem>>, %arg5: memref<10000x64xf32, #tpu.memory_space<vmem>>) attributes {dimension_semantics = [], scalar_prefetch = 0 : i64, scratch_operands = 0 : i64, tpu.core_type = #tpu.core_type<tc>} {
    %get3A = arith.constant 0 : index
    %get3A_0 = arith.constant 0 : index
    %get3A_1 = vector.load %arg0[%get3A, %get3A_0] : memref<20224x128xf32, #tpu.memory_space<vmem>>, vector<10000x128xf32>
    %get3A_2 = arith.constant 10112 : index
    %get3A_3 = arith.constant 0 : index
    %get3A_4 = vector.load %arg0[%get3A_2, %get3A_3] : memref<20224x128xf32, #tpu.memory_space<vmem>>, vector<10000x128xf32>
    %add3A = arith.addf %get3A_1, %get3A_4 : vector<10000x128xf32>
    %get3A_5 = arith.constant 0 : index
    %get3A_6 = arith.constant 0 : index
    %get3A_7 = vector.load %arg1[%get3A_5, %get3A_6] : memref<10000x128xf32, #tpu.memory_space<vmem>>, vector<10000x128xf32>
    %add3A_8 = arith.addf %add3A, %get3A_7 : vector<10000x128xf32>
    %get3A_9 = arith.constant 0 : index
    %get3A_10 = arith.constant 0 : index
    %get3A_11 = vector.load %arg2[%get3A_9, %get3A_10] : memref<10000x1xf32, #tpu.memory_space<vmem>>, vector<10000x1xf32>
    %mul3A = vector.broadcast %get3A_11 : vector<10000x1xf32> to vector<10000x128xf32>
    %mul3A_12 = arith.mulf %add3A_8, %mul3A : vector<10000x128xf32>
    %get3A_13 = arith.constant 0 : index
    %get3A_14 = arith.constant 0 : index
    %get3A_15 = vector.load %arg3[%get3A_13, %get3A_14] : memref<1x128xf32, #tpu.memory_space<vmem>>, vector<1x128xf32>
    %add3A_16 = vector.broadcast %get3A_15 : vector<1x128xf32> to vector<10000x128xf32>
    %add3A_17 = arith.addf %mul3A_12, %add3A_16 : vector<10000x128xf32>
    %max3A = arith.constant 0.000000e+00 : f32
    %max3A_18 = vector.broadcast %max3A : f32 to vector<10000x128xf32>
    %max3A_19 = arith.maximumf %add3A_17, %max3A_18 : vector<10000x128xf32>
    %get3A_20 = arith.constant 0 : index
    %get3A_21 = arith.constant 0 : index
    %get3A_22 = vector.load %arg4[%get3A_20, %get3A_21] : memref<128x64xf32, #tpu.memory_space<vmem>>, vector<128x64xf32>
    %dot_general3A = arith.constant dense<0.000000e+00> : vector<10000x64xf32>
    %dot_general3A_23 = tpu.matmul %max3A_19, %get3A_22, %dot_general3A {dimension_numbers = #tpu.dot_dimension_numbers<[1], [0], [0], [1], [0, 0, 1, 1], [], []>, transpose_lhs_hint = false} : vector<10000x128xf32>, vector<128x64xf32>, vector<10000x64xf32> -> vector<10000x64xf32>
    %get3A_24 = arith.constant 0 : index
    %get3A_25 = arith.constant 0 : index
    %get3A_26 = vector.load %arg2[%get3A_24, %get3A_25] : memref<10000x1xf32, #tpu.memory_space<vmem>>, vector<10000x1xf32>
    %mul3A_27 = vector.broadcast %get3A_26 : vector<10000x1xf32> to vector<10000x64xf32>
    %mul3A_28 = arith.mulf %dot_general3A_23, %mul3A_27 : vector<10000x64xf32>
    %swap3A = arith.constant 0 : index
    %swap3A_29 = arith.constant 0 : index
    %swap3A_30 = vector.load %arg5[%swap3A, %swap3A_29] : memref<10000x64xf32, #tpu.memory_space<vmem>>, vector<10000x64xf32>
    tpu.vector_store %arg5[%swap3A, %swap3A_29], %mul3A_28 {strides = array<i32>} : memref<10000x64xf32, #tpu.memory_space<vmem>>, vector<10000x64xf32>,
    return
  }
}

module attributes {stable_mosaic.version = 14 : i64} {
  func.func @body(%arg0: memref<20224x64xf32, #tpu.memory_space<vmem>>, %arg1: memref<10000x64xf32, #tpu.memory_space<vmem>>, %arg2: memref<10000x1xf32, #tpu.memory_space<vmem>>, %arg3: memref<1x64xf32, #tpu.memory_space<vmem>>, %arg4: memref<10000x64xf32, #tpu.memory_space<vmem>>) attributes {dimension_semantics = [], scalar_prefetch = 0 : i64, scratch_operands = 0 : i64, tpu.core_type = #tpu.core_type<tc>} {
    %get3A = arith.constant 0 : index
    %get3A_0 = arith.constant 0 : index
    %get3A_1 = vector.load %arg0[%get3A, %get3A_0] : memref<20224x64xf32, #tpu.memory_space<vmem>>, vector<10000x64xf32>
    %get3A_2 = arith.constant 10112 : index
    %get3A_3 = arith.constant 0 : index
    %get3A_4 = vector.load %arg0[%get3A_2, %get3A_3] : memref<20224x64xf32, #tpu.memory_space<vmem>>, vector<10000x64xf32>
    %add3A = arith.addf %get3A_1, %get3A_4 : vector<10000x64xf32>
    %get3A_5 = arith.constant 0 : index
    %get3A_6 = arith.constant 0 : index
    %get3A_7 = vector.load %arg1[%get3A_5, %get3A_6] : memref<10000x64xf32, #tpu.memory_space<vmem>>, vector<10000x64xf32>
    %add3A_8 = arith.addf %add3A, %get3A_7 : vector<10000x64xf32>
    %get3A_9 = arith.constant 0 : index
    %get3A_10 = arith.constant 0 : index
    %get3A_11 = vector.load %arg2[%get3A_9, %get3A_10] : memref<10000x1xf32, #tpu.memory_space<vmem>>, vector<10000x1xf32>
    %mul3A = vector.broadcast %get3A_11 : vector<10000x1xf32> to vector<10000x64xf32>
    %mul3A_12 = arith.mulf %add3A_8, %mul3A : vector<10000x64xf32>
    %get3A_13 = arith.constant 0 : index
    %get3A_14 = arith.constant 0 : index
    %get3A_15 = vector.load %arg3[%get3A_13, %get3A_14] : memref<1x64xf32, #tpu.memory_space<vmem>>, vector<1x64xf32>
    %add3A_16 = vector.broadcast %get3A_15 : vector<1x64xf32> to vector<10000x64xf32>
    %add3A_17 = arith.addf %mul3A_12, %add3A_16 : vector<10000x64xf32>
    %swap3A = arith.constant 0 : index
    %swap3A_18 = arith.constant 0 : index
    %swap3A_19 = vector.load %arg4[%swap3A, %swap3A_18] : memref<10000x64xf32, #tpu.memory_space<vmem>>, vector<10000x64xf32>
    tpu.vector_store %arg4[%swap3A, %swap3A_18], %add3A_17 {strides = array<i32>} : memref<10000x64xf32, #tpu.memory_space<vmem>>, vector<10000x64xf32>,
    return
  }
}

</mosaic_0001>

<sc_bundles>
// kernel: kernel.11.cloned.1.call-start
scs
__scs_entry_jumppad:
0x0: {  	(pc) =	sbr.rel $0x88, $3  }
0x1: {  	(tag) =	ssettag $0x0;
	lr =	simm.s32 $0x1  }
0x2: {  	[smem:$0x3F9B] =	sst lr;
	_ =	strace $0xD0000000  }
0x3: {  	_ = 	snop  }
0x4: {  	_ = 	snop  }
0x5: {  	_ = 	snop  }
0x6: {  	_ = 	snop  }
0x7: {  	_ = 	snop  }
__scs_overlays_trampoline_lowered:
0x8: {  	[smem:$0x3FAA] =	sst s0  }
0x9: {  	[smem:$0x3FAB] =	sst s1  }
0xa: {  	[smem:$0x3FAC] =	sst s2  }
0xb: {  	[smem:$0x3FAD] =	sst s3  }
0xc: {  	[smem:$0x3FAE] =	sst s4  }
0xd: {  	[smem:$0x3FAF] =	sst s5  }
0xe: {  	[smem:$0x3FB0] =	sst s6  }
0xf: {  	[smem:$0x3FB1] =	sst s7  }
0x10: {  	[smem:$0x3FB2] =	sst s8  }
0x11: {  	[smem:$0x3FB3] =	sst s9;
	s0 =	simm.s32 @!p0 $0x0  }
0x12: {  	s1 =	sld [smem:$0x3F99];
	s0 =	simm.s32 @p0 $0x1  }
0x13: {  	[smem:$0x3FB4] =	sst s0;
	s0 =	simm.s32 @!p1 $0x0  }
0x14: {  	s2 =	sld [smem:$0x3F98];
	s0 =	simm.s32 @p1 $0x1  }
0x15: {  	[smem:$0x3FB5] =	sst s0;
	s0 =	simm.s32 @!p2 $0x0  }
0x16: {  	s3 =	sld [smem:$0x3FDB];
	s0 =	simm.s32 @p2 $0x1  }
0x17: {  	s4 =	simm.s32 $0x1BF5;
	[smem:$0x3FB7] =	sst s0  }
0x18: {  	s0 =	sld [smem:$0x3F9A];
	_ =	swait.ge [sflag:s4], $0x0  }
0x19: {  	s7 =	sld [smem:$0x3F9B]  }
0x1a: {  	s8 =	sadd.s32 $0xFFFFE003, lr  }
0x1b: {  	s9 =	sadd.s32 $0xFFFFFEF7, lr;
	s5 =	simm.s32 $0xFFFFFFFF;
	p2 =	slt.u32 s8, $0xFFFFF086  }
0x1c: {  	p1 =	slt.u32 s9, $0xF7A;
	s5 =	simm.s32 @!p2 $0x0  }
0x1d: {  	s5 =	simm.s32 @p1 $0x1;
	p0 =	seq.s32 s7, s2  }
0x1e: {  	s7 =	smul.u32 @!p0 $0xF7A, s2;
	p2 =	seq.s32 @!p0 s5, $0x0  }
0x1f: {  	s9 =	smul.u32 $0xF7A, s1;
	s8 =	simm.s32 @!p0 $0x1BF5;
	p2 =	por !p2, p0  }
0x20: {  	[sflag:s8] =	ssyncset.s32 @!p0 $0xFFFFF086;
	s6 =	sadd.s32 @!p0 s3, s7;
	s7 =	simm.s32 @!p0 $0x108  }
0x21: {  	s3 =	sadd.s32 s3, s9;
	s6 =	sadd.s32 @!p0 $0x88, s6;
	s7 =	simm.s32 @p2 $0x1082  }
0x22: {  	[simem:s7], [sflag:s8] =	dma.local @!p0 [hbm:s6], $0xF7A  }
0x23: {  	s9 =	sor.u32 $0xD0000000, s2;
	s6 =	simm.s32 $0x108;
	_ =	swait.ge @!p0 [sflag:s8], $0x0  }
0x24: {  	s3 =	sadd.s32 $0x88, s3;
	s6 =	simm.s32 @!p1 $0x1082;
	[sflag:s4] =	ssyncset.s32 $0xFFFFF086  }
0x25: {  	[simem:s6], [sflag:s4] =	dma.local [hbm:s3], $0xF7A  }
0x26: {  	[smem:$0x3F9B] =	sst s1;
	(tag) =	ssettag s2;
	_ =	strace s9  }
0x27: {  	s1 =	sld [smem:$0x3FAB]  }
0x28: {  	s2 =	sld [smem:$0x3FAC]  }
0x29: {  	s4 =	sld [smem:$0x3FAE]  }
0x2a: {  	p0 =	seq.s32 s5, $0x0;
	s5 =	sld [smem:$0x3FAF]  }
0x2b: {  	s6 =	sld [smem:$0x3FB0]  }
0x2c: {  	s7 =	sld [smem:$0x3FB1]  }
0x2d: {  	s3 =	simm.s32 $0x108;
	s8 =	sld [smem:$0x3FB2]  }
0x2e: {  	s3 =	simm.s32 @!p0 $0x1082;
	s9 =	sld [smem:$0x3FB3]  }
0x2f: {  	lr =	sadd.s32 s0, s3;
	s0 =	sld [smem:$0x3FAA]  }
0x30: {  	s3 =	sld [smem:$0x3FAD]  }
0x31: {  	[smem:$0x3FB6] =	sst s10  }
0x32: {  	s10 =	sld [smem:$0x3FB4];
	_ =	sdelay $0x3  }
0x33: {  	p0 =	seq.s32 s10, $0x1;
	s10 =	sld [smem:$0x3FB6];
	_ =	sdelay $0x3  }
0x34: {  	[smem:$0x3FB6] =	sst s10  }
0x35: {  	s10 =	sld [smem:$0x3FB5];
	_ =	sdelay $0x3  }
0x36: {  	p1 =	seq.s32 s10, $0x1;
	s10 =	sld [smem:$0x3FB6];
	_ =	sdelay $0x3  }
0x37: {  	[smem:$0x3FB6] =	sst s10  }
0x38: {  	s10 =	sld [smem:$0x3FB7]  }
0x39: {  	_ = 	snop;
	(pc) =	sbr.ind lr, $3  }
0x3a: {  	_ = 	snop  }
0x3b: {  	_ = 	snop  }
0x3c: {  	p2 =	seq.s32 s10, $0x1;
	s10 =	sld [smem:$0x3FB6]  }
0x3d: {  	_ =	shalt  }
0x3e: {  	_ =	shalt  }
0x3f: {  	_ =	shalt  }
0x40: {  	_ =	shalt  }
0x41: {  	_ =	shalt  }
0x42: {  	_ =	shalt  }
0x43: {  	_ =	shalt  }
0x44: {  	_ =	shalt  }
0x45: {  	_ =	shalt  }
0x46: {  	_ =	shalt  }
0x47: {  	_ =	shalt  }
0x48: {  	_ =	shalt  }
0x49: {  	_ =	shalt  }
0x4a: {  	_ =	shalt  }
0x4b: {  	_ =	shalt  }
0x4c: {  	_ =	shalt  }
0x4d: {  	_ =	shalt  }
0x4e: {  	_ =	shalt  }
0x4f: {  	_ =	shalt  }
0x50: {  	_ =	shalt  }
0x51: {  	_ =	shalt  }
0x52: {  	_ =	shalt  }
0x53: {  	_ =	shalt  }
0x54: {  	_ =	shalt  }
0x55: {  	_ =	shalt  }
0x56: {  	_ =	shalt  }
0x57: {  	_ =	shalt  }
0x58: {  	_ =	shalt  }
0x59: {  	_ =	shalt  }
0x5a: {  	_ =	shalt  }
0x5b: {  	_ =	shalt  }
0x5c: {  	_ =	shalt  }
0x5d: {  	_ =	shalt  }
0x5e: {  	_ =	shalt  }
0x5f: {  	_ =	shalt  }
0x60: {  	_ =	shalt  }
0x61: {  	_ =	shalt  }
0x62: {  	_ =	shalt  }
0x63: {  	_ =	shalt  }
0x64: {  	_ =	shalt  }
0x65: {  	_ =	shalt  }
0x66: {  	_ =	shalt  }
0x67: {  	_ =	shalt  }
0x68: {  	_ =	shalt  }
0x69: {  	_ =	shalt  }
0x6a: {  	_ =	shalt  }
0x6b: {  	_ =	shalt  }
0x6c: {  	_ =	shalt  }
0x6d: {  	_ =	shalt  }
0x6e: {  	_ =	shalt  }
0x6f: {  	_ =	shalt  }
0x70: {  	_ =	shalt  }
0x71: {  	_ =	shalt  }
0x72: {  	_ =	shalt  }
0x73: {  	_ =	shalt  }
0x74: {  	_ =	shalt  }
0x75: {  	_ =	shalt  }
0x76: {  	_ =	shalt  }
0x77: {  	_ =	shalt  }
0x78: {  	_ =	shalt  }
0x79: {  	_ =	shalt  }
0x7a: {  	_ =	shalt  }
0x7b: {  	_ =	shalt  }
0x7c: {  	_ =	shalt  }
0x7d: {  	_ =	shalt  }
0x7e: {  	_ =	shalt  }
0x7f: {  	_ =	shalt  }
0x80: {  	_ =	shalt  }
0x81: {  	_ =	shalt  }
0x82: {  	_ =	shalt  }
0x83: {  	_ =	shalt  }
0x84: {  	_ =	shalt  }
0x85: {  	_ =	shalt  }
0x86: {  	_ =	shalt  }
0x87: {  	_ =	shalt  }
.Lfunc_end0:
.L_simem_size_0:
called_computation.1_lowered:
.L_overlay_start_0:
0x88: {  	s2 =	sld [smem:$0x3FD9]  }
0x89: {  	s3 =	sld [smem:$0x3FFE];
	_ =	sdelay $0x1  }
0x8a: {  	s1 =	srdreg.scid  }
0x8b: {  	s0 =	sand.u32 $0x1, s1  }
0x8c: {  	s17 =	sshll.u32 s0, $0xA;
	s2 =	sadd.s32 s3, s2  }
0x8d: {  	s2 =	sadd.s32 s2, s17  }
0x8e: {  	[smem:$0x3FC2] =	sst s2  }
0x8f: {  	_ = 	snop  }
0x90: {  	s2 =	sld [smem:$0x3FD0];
	(tm) =	ssettm $0x1  }
0x91: {  	s18 =	sld [smem:$0x3FFB];
	_ =	sdelay $0x3  }
0x92: {  	_ =	strace s18  }
0x93: {  	s3 =	sld [smem:$0x3FFC];
	_ =	sdelay $0x3  }
0x94: {  	_ =	strace s3  }
0x95: {  	s3 =	sld [smem:$0x3FFD];
	_ =	sdelay $0x3  }
0x96: {  	_ =	strace s3  }
0x97: {  	_ =	strace $0x8FFFFFFF  }
0x98: {  	s19 =	sld [smem:$0x3FDB];
	_ =	sdelay $0x1  }
0x99: {  	s4 =	simm.s32 $_scs_section_size  }
0x9a: {  	s5 =	simm.s32 $_size__tile_overlayer_lowered;
	s6 =	simm.s32 $_tile_overlayer_lowered  }
0x9b: {  	s22 =	simm.s32 $0x1BFF;
	s21 =	sshll.u32 s6, $0x1;
	s3 =	sadd.s32 s4, s19  }
0x9c: {  	s7 =	simm.s32 $0x0;
	s20 =	sshll.u32 s5, $0x1;
	s5 =	sadd.s32 s21, s3  }
0x9d: {  	[timem:s7], [sflag:s22] =	dma.local [hbm:s5], s20  }
0x9e: {  	_ =	swait.ge [sflag:s22], s20  }
0x9f: {  	s4 =	ssub.s32 $0x0, s20;
	[sflag:s22] =	ssyncset.done $0x0  }
0xa0: {  	[sflag:s22] =	ssyncadd.s32 s4;
	_ =	sdelay $0x1  }
0xa1: {  	s23 =	simm.s32 $0x1B8B  }
0xa2: {  	_ =	swait.ge [sflag:s23], $0x1  }
0xa3: {  	[sflag:s23] =	ssyncset.done $0x0  }
0xa4: {  	s25 =	simm.s32 $0x1B8E;
	s24 =	sld [smem:$0x3FFE];
	[sflag:s23] =	ssyncadd.s32 $0xFFFFFFFF  }
0xa5: {  	s26 =	simm.s32 $execute0_lowered;
	[smem:$0x3FD2] =	sst s25  }
0xa6: {  	s5 =	sshll.u32 s26, $0x1;
	_ =	strace $0x80000049;
	[dreg:$0x1] =	wrdreg $0xFFFFFFFF  }
0xa7: {  	s28 =	simm.s32 $_size_execute0_lowered;
	s3 =	sadd.s32 s3, s5;
	[dreg:$0x0] =	wrdreg $0x0  }
0xa8: {  	s5 =	sshll.u32 s28, $0x1;
	[dreg:$0x2] =	wrdreg s3  }
0xa9: {  	[dreg:$0x3] =	wrdreg s5  }
0xaa: {  	[dreg:$0x4] =	wrdreg $0xC0  }
0xab: {  	_ =	task [dreg:s7], $0x5FFFF  }
0xac: {  	[dreg:$0x1] =	wrdreg $0xFFFFFFFF  }
0xad: {  	[dreg:$0x0] =	wrdreg $0x60  }
0xae: {  	[dreg:$0x2] =	wrdreg s2  }
0xaf: {  	[dreg:$0x3] =	wrdreg s24  }
0xb0: {  	[dreg:$0x4] =	wrdreg $0xB0000  }
0xb1: {  	[dreg:$0x5] =	wrdreg $0x9  }
0xb2: {  	_ =	task.clear_ibuf [dreg:s7], $0x6FFFF;
	_ =	strace $0x90000049  }
0xb3: {  	s29 =	simm.s32 $0x9;
	_ =	strace $0x8000004B  }
0xb4: {  	_ =	swait.ge [sflag:s29], $0x1  }
0xb5: {  	[sflag:s29] =	ssyncadd.s32 $0xFFFFFFFF  }
0xb6: {  	_ =	strace $0x9000004B  }
0xb7: {  	_ =	sfence  }
0xb8: {  	s30 =	sld [smem:$0x0];
	_ =	sdelay $0x2  }
0xb9: {  	s31 =	sshll.u32 s1, $0xD;
	s1 =	sshrl.u32 s1, $0x2  }
0xba: {  	s3 =	sand.u32 $0x4000, s31;
	s1 =	sadd.s32 s1, s30  }
0xbb: {  	s0 =	sor.u32 s3, s0;
	s1 =	sshll.u32 s1, $0x11  }
0xbc: {  	s0 =	sor.u32 s1, s0  }
0xbd: {  	s0 =	sadd.s32 $0x8F2B, s0  }
0xbe: {  	[sflag:s0] =	ssyncadd.remote.s32 $0x1  }
0xbf: {  	_ =	sfence.sel $0xFFFF  }
0xc0: {  	[dreg:$0x0] =	wrdreg $0xFFFFFFFF;
	(pc) =	sbr.abs _section_cstart, $3  }
0xc1: {  	[dreg:$0x1] =	wrdreg $0xFFFFFFFF  }
0xc2: {  	_ =	task.clear_ibuf [dreg:s7], $0x2FFFF;
	_ =	strace $0x9FFFFFFF  }
0xc3: {  	(tm) =	ssettm $0x7FFFFFFF  }
tec
execute0_lowered:
.L_overlay_start_1:
0x0: {  	(tag) =	ssettag $0x1  }
0x1: {  	s0 =	rddreg [dreg:$0x0]  }
0x2: {  	s1 =	rddreg [dreg:$0x1];
	s8 =	stileid.u32  }
0x3: {  	s3 =	srdreg.scid;
	s2 =	rddreg [dreg:$0x2]  }
0x4: {  	s6 =	simm.s32 $0x0;
	s28 =	simm.s32 $0x40;
	s4 =	smul.u32 $0x7D, s8  }
0x5: {  	s29 =	simm.s32 $0xA;
	s31 =	simm.s32 $0x80;
	s5 =	smul.u32 $0xBC, s8  }
0x6: {  	s30 =	simm.s32 $0xC0;
	s3 =	sand.u32 $0x1, s3;
	s22 =	smul.u32 $0x2780, s8  }
0x7: {  	[smem:$0x7FF] =	sst s6;
	s8 =	smul.u32 $0x4F000, s8;
	p0 =	seq.s32 s3, $0x0  }
0x8: {  	s23 =	smul.u32 $0x27800, s3;
	_ =	strace $0x8000004A;
	s3 =	ssub.s32 $0x2, s3  }
0x9: {  	s4 =	sadd.s32 $0xBC0, s4;
	s24 =	sshrl.u32 s3, $0x1;
	s25 =	sshrl.u32 s8, $0x2  }
0xa: {  	s4 =	smov.u32 @p0 s5;
	s5 =	sadd.s32 s22, s23;
	s3 =	ssub.s32 s3, s24  }
0xb: {  	s6 =	sadd.s32 s25, s2;
	s7 =	sshll.u32 s4, $0x3;
	s4 =	sadd.s32 $0x16C00, s1  }
0xc: {  	s26 =	sadd.s32 $0x12000, s6;
	s23 =	smax.u32 s3, $0x1;
	s15 =	sadd.s32 $0x2000, s6  }
0xd: {  	s16 =	sadd.s32 $0x4000, s6;
	s17 =	sadd.s32 $0x6000, s6;
	s18 =	sadd.s32 $0x8000, s6  }
0xe: {  	s19 =	sadd.s32 $0xA000, s6;
	s9 =	sadd.s32 s7, s1;
	[dreg:$0x9] =	wrdreg s26  }
0xf: {  	s8 =	sadd.s32 s0, s7;
	[dreg:$0xf] =	wrdreg s23;
	s10 =	sadd.s32 $0xCC00, s9  }
0x10: {  	s20 =	sadd.s32 $0xC000, s6;
	s11 =	sadd.s32 $0x8, s8;
	[dreg:$0xa] =	wrdreg s10  }
0x11: {  	s1 =	sadd.s32 s5, s1;
	s12 =	sadd.s32 $0x10, s8;
	[dreg:$0xb] =	wrdreg s11  }
0x12: {  	s5 =	simm.s32 $0xBC;
	s13 =	sadd.s32 $0x18, s8;
	[dreg:$0xc] =	wrdreg s12  }
0x13: {  	s5 =	simm.s32 @!p0 $0x7D;
	s1 =	sadd.s32 $0x3DE00, s1;
	[dreg:$0xd] =	wrdreg s13  }
0x14: {  	s21 =	sadd.s32 $0xE000, s6;
	s22 =	sadd.s32 $0xFFFFFFFC, s5;
	[dreg:$0xe] =	wrdreg s1  }
0x15: {  	s3 =	simm.s32 $0x0;
	s24 =	sadd.s32 $0xFFFFFFFB, s5;
	[dreg:$0x4] =	wrdreg s22  }
0x16: {  	s14 =	sadd.s32 $0x3, s5;
	s25 =	sadd.s32 $0xFFFFFFFA, s5;
	[dreg:$0x5] =	wrdreg s24  }
0x17: {  	s26 =	sadd.s32 $0xFFFFFFF9, s5;
	s10 =	sadd.s32 $0x20, s8;
	[dreg:$0x6] =	wrdreg s25  }
0x18: {  	s1 =	simm.s32 $0xB;
	s22 =	sadd.s32 $0x10000, s6;
	[dreg:$0x7] =	wrdreg s26  }
0x19: {  	s0 =	sand.u32 $0x1FC, s14;
	s24 =	simm.s32 $0x3000;
	s25 =	simm.s32 $0xD  }
0x1a: {  	v0 =	vimm.f32 $0.0e+00;
	s26 =	simm.s32 $0x9;
	[dreg:$0x8] =	wrdreg s0;
	s0 =	simm.s32 $0xC  }
.LBB2_1:
0x1b: {  	s9 =	simm.s32 $0x0  }
0x1c: {  	s7 =	sand.u32 $0x7E00, s9  }
0x1d: {  	s9 =	sand.u32 $0x70, s9;
	s23 =	sshrl.u32 s7, $0x2  }
0x1e: {  	s7 =	simm.s32 $0x40;
	s23 =	sor.u32 s9, s23;
	s9 =	simm.s32 $0x0  }
.LBB2_2:
0x1f: {  	p0 =	sne.s32 s7, $0x7FC0  }
0x20: {  	[tilespmem:s23+$0x3000] =	vst v0;
	s9 =	sadd.s32 $0x10, s9;
	s23 =	smov.u32 s7;
	s7 =	sadd.s32 $0x40, s7  }
.Ltmp0:
0x21: {  	(pc) =	sbr.rel @p0 .LBB2_2-.Ltmp0, $4  }
0x22: {  	_ = 	snop  }
0x23: {  	s23 =	sand.u32 $0x7E00, s23  }
0x24: {  	s11 =	sand.u32 $0x70, s9;
	s23 =	sshrl.u32 s23, $0x2  }
0x25: {  	s23 =	sor.u32 s11, s23  }
0x26: {  	[tilespmem:s23+$0x3000] =	vst v0  }
0x27: {  	[spmem:s6] =	stream.linear.scatter [tilespmem:s24], [sflag:$0xD], $0x2000, $0x38;
	[tilespmem:$0x1EC00] =	vst v63  }
0x28: {  	_ =	swait.ge [sflag:s25], $0x2000  }
0x29: {  	[sflag:s25] =	ssyncset.done $0x0  }
0x2a: {  	[sflag:s25] =	ssyncadd.s32 $0xFFFFE000  }
0x2b: {  	[spmem:s15] =	stream.linear.scatter [tilespmem:s24], [sflag:$0xD], $0x2000, $0x38;
	[tilespmem:$0x1EC00] =	vst v63  }
0x2c: {  	_ =	swait.ge [sflag:s25], $0x2000  }
0x2d: {  	[sflag:s25] =	ssyncset.done $0x0  }
0x2e: {  	[sflag:s25] =	ssyncadd.s32 $0xFFFFE000  }
0x2f: {  	[spmem:s16] =	stream.linear.scatter [tilespmem:s24], [sflag:$0xD], $0x2000, $0x38;
	[tilespmem:$0x1EC00] =	vst v63  }
0x30: {  	_ =	swait.ge [sflag:s25], $0x2000  }
0x31: {  	[sflag:s25] =	ssyncset.done $0x0  }
0x32: {  	[sflag:s25] =	ssyncadd.s32 $0xFFFFE000  }
0x33: {  	[spmem:s17] =	stream.linear.scatter [tilespmem:s24], [sflag:$0xD], $0x2000, $0x38;
	[tilespmem:$0x1EC00] =	vst v63  }
0x34: {  	_ =	swait.ge [sflag:s25], $0x2000  }
0x35: {  	[sflag:s25] =	ssyncset.done $0x0  }
0x36: {  	[sflag:s25] =	ssyncadd.s32 $0xFFFFE000  }
0x37: {  	[spmem:s18] =	stream.linear.scatter [tilespmem:s24], [sflag:$0xD], $0x2000, $0x38;
	[tilespmem:$0x1EC00] =	vst v63  }
0x38: {  	_ =	swait.ge [sflag:s25], $0x2000  }
0x39: {  	[sflag:s25] =	ssyncset.done $0x0  }
0x3a: {  	[sflag:s25] =	ssyncadd.s32 $0xFFFFE000  }
0x3b: {  	[spmem:s19] =	stream.linear.scatter [tilespmem:s24], [sflag:$0xD], $0x2000, $0x38;
	[tilespmem:$0x1EC00] =	vst v63  }
0x3c: {  	_ =	swait.ge [sflag:s25], $0x2000  }
0x3d: {  	[sflag:s25] =	ssyncset.done $0x0  }
0x3e: {  	[sflag:s25] =	ssyncadd.s32 $0xFFFFE000  }
0x3f: {  	[spmem:s20] =	stream.linear.scatter [tilespmem:s24], [sflag:$0xD], $0x2000, $0x38;
	[tilespmem:$0x1EC00] =	vst v63  }
0x40: {  	_ =	swait.ge [sflag:s25], $0x2000  }
0x41: {  	[sflag:s25] =	ssyncset.done $0x0  }
0x42: {  	[sflag:s25] =	ssyncadd.s32 $0xFFFFE000  }
0x43: {  	[spmem:s21] =	stream.linear.scatter [tilespmem:s24], [sflag:$0xD], $0x2000, $0x38;
	[tilespmem:$0x1EC00] =	vst v63  }
0x44: {  	_ =	swait.ge [sflag:s25], $0x2000  }
0x45: {  	[sflag:s25] =	ssyncset.done $0x0  }
0x46: {  	[sflag:s25] =	ssyncadd.s32 $0xFFFFE000  }
0x47: {  	[spmem:s22] =	stream.linear.scatter [tilespmem:s24], [sflag:$0xD], $0x2000, $0x38;
	[tilespmem:$0x1EC00] =	vst v63  }
0x48: {  	_ =	swait.ge [sflag:s25], $0x2000  }
0x49: {  	[sflag:s25] =	ssyncset.done $0x0  }
0x4a: {  	s7 =	rddreg [dreg:$0x9];
	[sflag:s25] =	ssyncadd.s32 $0xFFFFE000  }
0x4b: {  	[spmem:s7] =	stream.linear.scatter [tilespmem:s24], [sflag:$0xD], $0x1C00, $0x38;
	[tilespmem:$0x1EC00] =	vst v63  }
0x4c: {  	_ =	swait.ge [sflag:s25], $0x1C00  }
0x4d: {  	s9 =	simm.s32 $0x100;
	[sflag:s25] =	ssyncset.done $0x0  }
0x4e: {  	s7 =	simm.s32 $0x0;
	s11 =	rddreg [dreg:$0xa];
	[sflag:s25] =	ssyncadd.s32 $0xFFFFE400  }
0x4f: {  	[tilespmem:s9], [sflag:$0xD] =	stream.linear.gather [hbm4b:s11+s7], $0x2F00, $0x38;
	[tilespmem:$0x1EC00] =	vst v63  }
0x50: {  	_ =	swait.ge [sflag:s25], $0x2F00  }
0x51: {  	[sflag:s25] =	ssyncset.done $0x0  }
0x52: {  	[sflag:s25] =	ssyncadd.s32 $0xFFFFD100  }
0x53: {  	[bflag:$0x0] =	sbarrier.arrive $0xFFFF  }
0x54: {  	[tilespmem:s7], [sflag:$0x9] =	stream.linear.gather [hbm4b:s8+s7], $0x40, $0x38;
	[tilespmem:$0x1EC00] =	vst v63  }
0x55: {  	_ =	swait.ge [sflag:s26], $0x40  }
0x56: {  	[sflag:s26] =	ssyncset.done $0x0  }
0x57: {  	[sflag:s26] =	ssyncadd.s32 $0xFFFFFFC0  }
0x58: {  	[tilespmem:s24], [sflag:$0x1] =	stream.indirect.gather [hbm4b:s4+s28], $0x80, s7, s28, $0xb8;
	[tilespmem:$0x1EC00] =	vst v63  }
0x59: {  	s14 =	rddreg [dreg:$0xb]  }
0x5a: {  	[tilespmem:s28], [sflag:$0xA] =	stream.linear.gather [hbm4b:s14+s7], $0x40, $0x38;
	[tilespmem:$0x1EC00] =	vst v63  }
0x5b: {  	_ =	swait.ge [sflag:s29], $0x40  }
0x5c: {  	[sflag:s29] =	ssyncset.done $0x0  }
0x5d: {  	s23 =	simm.s32 $0x5000;
	[sflag:s29] =	ssyncadd.s32 $0xFFFFFFC0  }
0x5e: {  	[tilespmem:s23], [sflag:$0x2] =	stream.indirect.gather [hbm4b:s4+s28], $0x80, s28, s28, $0xb8;
	[tilespmem:$0x1EC00] =	vst v63  }
0x5f: {  	s12 =	rddreg [dreg:$0xc]  }
0x60: {  	[tilespmem:s31], [sflag:$0xB] =	stream.linear.gather [hbm4b:s12+s7], $0x40, $0x38;
	[tilespmem:$0x1EC00] =	vst v63  }
0x61: {  	_ =	swait.ge [sflag:s1], $0x40  }
0x62: {  	[sflag:s1] =	ssyncset.done $0x0  }
0x63: {  	s13 =	simm.s32 $0x7000;
	[sflag:s1] =	ssyncadd.s32 $0xFFFFFFC0  }
0x64: {  	[tilespmem:s13], [sflag:$0x3] =	stream.indirect.gather [hbm4b:s4+s28], $0x80, s31, s28, $0xb8;
	[tilespmem:$0x1EC00] =	vst v63  }
0x65: {  	s14 =	rddreg [dreg:$0xd]  }
0x66: {  	[tilespmem:s30], [sflag:$0xC] =	stream.linear.gather [hbm4b:s14+s7], $0x40, $0x38;
	[tilespmem:$0x1EC00] =	vst v63  }
0x67: {  	_ =	swait.ge [sflag:s0], $0x40  }
0x68: {  	[sflag:s0] =	ssyncset.done $0x0  }
0x69: {  	s23 =	simm.s32 $0x9000;
	[sflag:s0] =	ssyncadd.s32 $0xFFFFFFC0  }
0x6a: {  	[tilespmem:s23], [sflag:$0x4] =	stream.indirect.gather [hbm4b:s4+s28], $0x80, s30, s28, $0xb8;
	[tilespmem:$0x1EC00] =	vst v63  }
0x6b: {  	s23 =	smov.u32 s10  }
.LBB2_4:
0x6c: {  	p1 =	sge.u32 s7, s5  }
0x6d: {  	s11 =	simm.s32 @!p1 $0x1  }
0x6e: {  	_ =	swait.ge @!p1 [sflag:s11], $0x2000  }
0x6f: {  	[sflag:s11] =	ssyncset.done @!p1 $0x0  }
0x70: {  	s12 =	simm.s32 @!p1 $0x3000;
	[sflag:s11] =	ssyncadd.s32 @!p1 $0xFFFFE000;
	s11 =	simm.s32 @!p1 $0x40  }
0x71: {  	[spmem:s2] =	stream.indirect.scatter.add.f32 @!p1 [tilespmem:s12], [sflag:$0x5], $0x80, s9, s11, $0xb8;
	[tilespmem:$0x1EC00] =	vst v63  }
0x72: {  	s11 =	sadd.s32 @!p1 $0x4, s7  }
0x73: {  	p0 =	sge.u32 @!p1 s11, s5  }
0x74: {  	p0 =	por p0, p1  }
0x75: {  	s12 =	sadd.s32 $0x1, s7;
	s11 =	simm.s32 @!p0 $0x0  }
0x76: {  	[tilespmem:s11], [sflag:$0x9] =	stream.linear.gather @!p0 [hbm4b:s23+s11], $0x40, $0x38;
	[tilespmem:$0x1EC00] =	vst v63  }
0x77: {  	p0 =	sge.u32 s12, s5  }
0x78: {  	s11 =	simm.s32 @!p0 $0x2  }
0x79: {  	_ =	swait.ge @!p0 [sflag:s11], $0x2000  }
0x7a: {  	s12 =	simm.s32 @!p0 $0x40;
	[sflag:s11] =	ssyncset.done @!p0 $0x0  }
0x7b: {  	s13 =	simm.s32 @!p0 $0x5000;
	[sflag:s11] =	ssyncadd.s32 @!p0 $0xFFFFE000;
	s11 =	sadd.s32 @!p0 $0x40, s9  }
0x7c: {  	[spmem:s2] =	stream.indirect.scatter.add.f32 @!p0 [tilespmem:s13], [sflag:$0x6], $0x80, s11, s12, $0xb8;
	[tilespmem:$0x1EC00] =	vst v63  }
0x7d: {  	s11 =	sadd.s32 @!p0 $0x5, s7  }
0x7e: {  	p2 =	sge.u32 @!p0 s11, s5  }
0x7f: {  	p2 =	por p2, p0  }
0x80: {  	s11 =	sadd.s32 @!p2 $0x8, s23;
	s12 =	simm.s32 @!p2 $0x0;
	s13 =	simm.s32 @!p2 $0x40  }
0x81: {  	[tilespmem:s13], [sflag:$0xA] =	stream.linear.gather @!p2 [hbm4b:s11+s12], $0x40, $0x38;
	[tilespmem:$0x1EC00] =	vst v63  }
0x82: {  	s13 =	sadd.s32 $0x2, s7  }
0x83: {  	p2 =	sge.u32 s13, s5  }
0x84: {  	s11 =	simm.s32 @!p2 $0x3  }
0x85: {  	_ =	swait.ge @!p2 [sflag:s11], $0x2000  }
0x86: {  	s12 =	simm.s32 @!p2 $0x40;
	[sflag:s11] =	ssyncset.done @!p2 $0x0  }
0x87: {  	s13 =	simm.s32 @!p2 $0x7000;
	[sflag:s11] =	ssyncadd.s32 @!p2 $0xFFFFE000;
	s11 =	sadd.s32 @!p2 $0x80, s9  }
0x88: {  	[spmem:s2] =	stream.indirect.scatter.add.f32 @!p2 [tilespmem:s13], [sflag:$0x7], $0x80, s11, s12, $0xb8;
	[tilespmem:$0x1EC00] =	vst v63  }
0x89: {  	s11 =	sadd.s32 @!p2 $0x6, s7  }
0x8a: {  	p3 =	sge.u32 @!p2 s11, s5  }
0x8b: {  	s14 =	sadd.s32 $0x3, s7;
	p3 =	por p3, p2  }
0x8c: {  	s11 =	sadd.s32 @!p3 $0x10, s23;
	s12 =	simm.s32 @!p3 $0x0;
	s13 =	simm.s32 @!p3 $0x80  }
0x8d: {  	[tilespmem:s13], [sflag:$0xB] =	stream.linear.gather @!p3 [hbm4b:s11+s12], $0x40, $0x38;
	[tilespmem:$0x1EC00] =	vst v63  }
0x8e: {  	p3 =	sge.u32 s14, s5  }
0x8f: {  	s11 =	simm.s32 @!p3 $0x4  }
0x90: {  	_ =	swait.ge @!p3 [sflag:s11], $0x2000  }
0x91: {  	s12 =	simm.s32 @!p3 $0x40;
	[sflag:s11] =	ssyncset.done @!p3 $0x0  }
0x92: {  	s13 =	simm.s32 @!p3 $0x9000;
	[sflag:s11] =	ssyncadd.s32 @!p3 $0xFFFFE000;
	s11 =	sadd.s32 @!p3 $0xC0, s9  }
0x93: {  	[spmem:s2] =	stream.indirect.scatter.add.f32 @!p3 [tilespmem:s13], [sflag:$0x8], $0x80, s11, s12, $0xb8;
	[tilespmem:$0x1EC00] =	vst v63  }
0x94: {  	s11 =	sadd.s32 @!p3 $0x7, s7  }
0x95: {  	p4 =	sge.u32 @!p3 s11, s5  }
0x96: {  	p4 =	por p4, p3  }
0x97: {  	s11 =	sadd.s32 @!p4 $0x18, s23;
	s12 =	simm.s32 @!p4 $0x0;
	s13 =	simm.s32 @!p4 $0xC0  }
0x98: {  	[tilespmem:s13], [sflag:$0xC] =	stream.linear.gather @!p4 [hbm4b:s11+s12], $0x40, $0x38;
	[tilespmem:$0x1EC00] =	vst v63  }
0x99: {  	s11 =	simm.s32 @!p1 $0x5  }
0x9a: {  	_ =	swait.ge @!p1 [sflag:s11], $0x2000  }
0x9b: {  	s12 =	rddreg [dreg:$0x4]  }
0x9c: {  	p4 =	sge.u32 @!p1 s7, s12  }
0x9d: {  	[sflag:s11] =	ssyncset.done @!p1 $0x0;
	p4 =	por p4, p1  }
0x9e: {  	[sflag:s11] =	ssyncadd.s32 @!p1 $0xFFFFE000;
	s11 =	simm.s32 @!p4 $0x9  }
0x9f: {  	_ =	swait.ge @!p4 [sflag:s11], $0x40  }
0xa0: {  	s12 =	simm.s32 @!p4 $0x0;
	[sflag:s11] =	ssyncset.done @!p4 $0x0  }
0xa1: {  	s13 =	simm.s32 @!p4 $0x3000;
	[sflag:s11] =	ssyncadd.s32 @!p4 $0xFFFFFFC0;
	s11 =	simm.s32 @!p4 $0x40  }
0xa2: {  	[tilespmem:s13], [sflag:$0x1] =	stream.indirect.gather @!p4 [hbm4b:s4+s11], $0x80, s12, s11, $0xb8;
	[tilespmem:$0x1EC00] =	vst v63  }
0xa3: {  	s11 =	simm.s32 @!p0 $0x6  }
0xa4: {  	_ =	swait.ge @!p0 [sflag:s11], $0x2000  }
0xa5: {  	s12 =	rddreg [dreg:$0x5]  }
0xa6: {  	p1 =	sge.u32 @!p0 s7, s12  }
0xa7: {  	[sflag:s11] =	ssyncset.done @!p0 $0x0;
	p1 =	por p1, p0  }
0xa8: {  	[sflag:s11] =	ssyncadd.s32 @!p0 $0xFFFFE000;
	s11 =	simm.s32 @!p1 $0xA  }
0xa9: {  	_ =	swait.ge @!p1 [sflag:s11], $0x40  }
0xaa: {  	[sflag:s11] =	ssyncset.done @!p1 $0x0  }
0xab: {  	s12 =	simm.s32 @!p1 $0x5000;
	[sflag:s11] =	ssyncadd.s32 @!p1 $0xFFFFFFC0;
	s11 =	simm.s32 @!p1 $0x40  }
0xac: {  	[tilespmem:s12], [sflag:$0x2] =	stream.indirect.gather @!p1 [hbm4b:s4+s11], $0x80, s11, s11, $0xb8;
	[tilespmem:$0x1EC00] =	vst v63  }
0xad: {  	s11 =	simm.s32 @!p2 $0x7  }
0xae: {  	_ =	swait.ge @!p2 [sflag:s11], $0x2000  }
0xaf: {  	s12 =	rddreg [dreg:$0x6]  }
0xb0: {  	p0 =	sge.u32 @!p2 s7, s12  }
0xb1: {  	[sflag:s11] =	ssyncset.done @!p2 $0x0;
	p0 =	por p0, p2  }
0xb2: {  	[sflag:s11] =	ssyncadd.s32 @!p2 $0xFFFFE000;
	s11 =	simm.s32 @!p0 $0xB  }
0xb3: {  	_ =	swait.ge @!p0 [sflag:s11], $0x40  }
0xb4: {  	s12 =	simm.s32 @!p0 $0x80;
	[sflag:s11] =	ssyncset.done @!p0 $0x0  }
0xb5: {  	s13 =	simm.s32 @!p0 $0x7000;
	[sflag:s11] =	ssyncadd.s32 @!p0 $0xFFFFFFC0;
	s11 =	simm.s32 @!p0 $0x40  }
0xb6: {  	[tilespmem:s13], [sflag:$0x3] =	stream.indirect.gather @!p0 [hbm4b:s4+s11], $0x80, s12, s11, $0xb8;
	[tilespmem:$0x1EC00] =	vst v63  }
0xb7: {  	s11 =	simm.s32 @!p3 $0x8  }
0xb8: {  	_ =	swait.ge @!p3 [sflag:s11], $0x2000  }
0xb9: {  	s12 =	rddreg [dreg:$0x7]  }
0xba: {  	p0 =	sge.u32 @!p3 s7, s12  }
0xbb: {  	[sflag:s11] =	ssyncset.done @!p3 $0x0;
	p0 =	por p0, p3  }
0xbc: {  	[sflag:s11] =	ssyncadd.s32 @!p3 $0xFFFFE000;
	s11 =	simm.s32 @!p0 $0xC  }
0xbd: {  	s7 =	sadd.s32 $0x4, s7;
	_ =	swait.ge @!p0 [sflag:s11], $0x40  }
0xbe: {  	s12 =	simm.s32 @!p0 $0xC0;
	s13 =	simm.s32 @!p0 $0x9000;
	[sflag:s11] =	ssyncset.done @!p0 $0x0  }
0xbf: {  	s14 =	rddreg [dreg:$0x8];
	[sflag:s11] =	ssyncadd.s32 @!p0 $0xFFFFFFC0;
	s11 =	simm.s32 @!p0 $0x40  }
0xc0: {  	[tilespmem:s13], [sflag:$0x4] =	stream.indirect.gather @!p0 [hbm4b:s4+s11], $0x80, s12, s11, $0xb8;
	[tilespmem:$0x1EC00] =	vst v63  }
0xc1: {  	p0 =	sne.s32 s14, s7  }
.Ltmp1:
0xc2: {  	_ = 	snop;
	(pc) =	sbr.rel @p0 .LBB2_4-.Ltmp1, $2  }
0xc3: {  	_ =	sdelay $0x2  }
0xc4: {  	s9 =	sadd.s32 $0x100, s9;
	s23 =	sadd.s32 $0x20, s23  }
0xc5: {  	s7 =	stileid.u32  }
0xc6: {  	[bflag:$0x0] =	sbarrier.arrive $0xFFFF;
	s7 =	sshll.u32 s7, $0x6  }
0xc7: {  	s9 =	sshrl.u32 s6, $0x3;
	s11 =	rddreg [dreg:$0xe];
	s7 =	sor.u32 $0x1C0D, s7  }
0xc8: {  	[hbm:s11], [sflag:s7] =	dma.local [spmem:s9], $0x2780  }
0xc9: {  	_ =	swait.ge [sflag:s25], $0x2780  }
0xca: {  	s3 =	sadd.s32 $0x1, s3;
	s23 =	rddreg [dreg:$0xf]  }
0xcb: {  	p0 =	sne.s32 s3, s23  }
.Ltmp2:
0xcc: {  	_ = 	snop;
	(pc) =	sbr.rel @p0 .LBB2_1-.Ltmp2, $3  }
0xcd: {  	_ =	sdelay $0x1  }
0xce: {  	[sflag:s25] =	ssyncset.done $0x0  }
0xcf: {  	[sflag:s25] =	ssyncadd.s32 $0xFFFFD880  }
0xd0: {  	_ =	sfence.sel $0x180000  }
0xd1: {  	[bflag:$0x0] =	sbarrier.arrive $0xFFFF  }
0xd2: {  	_ =	strace $0x9000004A  }
0xd3: {  	s0 =	stileid.u32;
	[bflag:$0x2] =	sbarrier.arrive $0xFFFF  }
0xd4: {  	p0 =	sne.s32 s0, $0x0;
	s0 =	rddreg [dreg:$0x3]  }
0xd5: {  	s0 =	sadd.s32 @!p0 $0x100000, s0  }
0xd6: {  	[sflag:s0] =	ssyncadd.tile.s32 @!p0 $0x1;
	_ =	shalt  }
.Lfunc_end2:
_tile_overlayer_lowered:
.L_overlay_start_2:
0xd7: {  	(tag) =	ssettag $0x2  }
0xd8: {  	s0 =	rddreg [dreg:$0x0];
	s2 =	stileid.u32  }
0xd9: {  	s1 =	rddreg [dreg:$0x1];
	p0 =	sne.s32 s2, $0x0  }
0xda: {  	s3 =	rddreg [dreg:$0x2];
	[bflag:$0x3] =	sbarrier.arrive $0xFFFF;
	s2 =	simm.s32 @!p0 $0x1C0D  }
0xdb: {  	[timem:s3], [sflag:s2] =	dma.local @!p0 [hbm:s0], s1  }
0xdc: {  	s0 =	simm.s32 @!p0 $0xD  }
0xdd: {  	_ =	swait.ge @!p0 [sflag:s0], s1  }
0xde: {  	s1 =	ssub.s32 @!p0 $0x0, s1;
	[sflag:s0] =	ssyncset.done @!p0 $0x0  }
0xdf: {  	[sflag:s0] =	ssyncadd.s32 @!p0 s1  }
0xe0: {  	[bflag:$0x3] =	sbarrier.arrive $0xFFFF  }
0xe1: {  	_ =	shalt  }

// kernel: kernel.14.cloned.1.call-start
scs
__scs_entry_jumppad:
0x0: {  	(pc) =	sbr.rel $0x88, $3  }
0x1: {  	(tag) =	ssettag $0x0;
	lr =	simm.s32 $0x1  }
0x2: {  	[smem:$0x3F9B] =	sst lr;
	_ =	strace $0xD0000000  }
0x3: {  	_ = 	snop  }
0x4: {  	_ = 	snop  }
0x5: {  	_ = 	snop  }
0x6: {  	_ = 	snop  }
0x7: {  	_ = 	snop  }
__scs_overlays_trampoline_lowered:
0x8: {  	[smem:$0x3FAA] =	sst s0  }
0x9: {  	[smem:$0x3FAB] =	sst s1  }
0xa: {  	[smem:$0x3FAC] =	sst s2  }
0xb: {  	[smem:$0x3FAD] =	sst s3  }
0xc: {  	[smem:$0x3FAE] =	sst s4  }
0xd: {  	[smem:$0x3FAF] =	sst s5  }
0xe: {  	[smem:$0x3FB0] =	sst s6  }
0xf: {  	[smem:$0x3FB1] =	sst s7  }
0x10: {  	[smem:$0x3FB2] =	sst s8  }
0x11: {  	[smem:$0x3FB3] =	sst s9;
	s0 =	simm.s32 @!p0 $0x0  }
0x12: {  	s1 =	sld [smem:$0x3F99];
	s0 =	simm.s32 @p0 $0x1  }
0x13: {  	[smem:$0x3FB4] =	sst s0;
	s0 =	simm.s32 @!p1 $0x0  }
0x14: {  	s2 =	sld [smem:$0x3F98];
	s0 =	simm.s32 @p1 $0x1  }
0x15: {  	[smem:$0x3FB5] =	sst s0;
	s0 =	simm.s32 @!p2 $0x0  }
0x16: {  	s3 =	sld [smem:$0x3FDB];
	s0 =	simm.s32 @p2 $0x1  }
0x17: {  	s4 =	simm.s32 $0x1BF5;
	[smem:$0x3FB7] =	sst s0  }
0x18: {  	s0 =	sld [smem:$0x3F9A];
	_ =	swait.ge [sflag:s4], $0x0  }
0x19: {  	s7 =	sld [smem:$0x3F9B]  }
0x1a: {  	s8 =	sadd.s32 $0xFFFFE003, lr  }
0x1b: {  	s9 =	sadd.s32 $0xFFFFFEF7, lr;
	s5 =	simm.s32 $0xFFFFFFFF;
	p2 =	slt.u32 s8, $0xFFFFF086  }
0x1c: {  	p1 =	slt.u32 s9, $0xF7A;
	s5 =	simm.s32 @!p2 $0x0  }
0x1d: {  	s5 =	simm.s32 @p1 $0x1;
	p0 =	seq.s32 s7, s2  }
0x1e: {  	s7 =	smul.u32 @!p0 $0xF7A, s2;
	p2 =	seq.s32 @!p0 s5, $0x0  }
0x1f: {  	s9 =	smul.u32 $0xF7A, s1;
	s8 =	simm.s32 @!p0 $0x1BF5;
	p2 =	por !p2, p0  }
0x20: {  	[sflag:s8] =	ssyncset.s32 @!p0 $0xFFFFF086;
	s6 =	sadd.s32 @!p0 s3, s7;
	s7 =	simm.s32 @!p0 $0x108  }
0x21: {  	s3 =	sadd.s32 s3, s9;
	s6 =	sadd.s32 @!p0 $0x88, s6;
	s7 =	simm.s32 @p2 $0x1082  }
0x22: {  	[simem:s7], [sflag:s8] =	dma.local @!p0 [hbm:s6], $0xF7A  }
0x23: {  	s9 =	sor.u32 $0xD0000000, s2;
	s6 =	simm.s32 $0x108;
	_ =	swait.ge @!p0 [sflag:s8], $0x0  }
0x24: {  	s3 =	sadd.s32 $0x88, s3;
	s6 =	simm.s32 @!p1 $0x1082;
	[sflag:s4] =	ssyncset.s32 $0xFFFFF086  }
0x25: {  	[simem:s6], [sflag:s4] =	dma.local [hbm:s3], $0xF7A  }
0x26: {  	[smem:$0x3F9B] =	sst s1;
	(tag) =	ssettag s2;
	_ =	strace s9  }
0x27: {  	s1 =	sld [smem:$0x3FAB]  }
0x28: {  	s2 =	sld [smem:$0x3FAC]  }
0x29: {  	s4 =	sld [smem:$0x3FAE]  }
0x2a: {  	p0 =	seq.s32 s5, $0x0;
	s5 =	sld [smem:$0x3FAF]  }
0x2b: {  	s6 =	sld [smem:$0x3FB0]  }
0x2c: {  	s7 =	sld [smem:$0x3FB1]  }
0x2d: {  	s3 =	simm.s32 $0x108;
	s8 =	sld [smem:$0x3FB2]  }
0x2e: {  	s3 =	simm.s32 @!p0 $0x1082;
	s9 =	sld [smem:$0x3FB3]  }
0x2f: {  	lr =	sadd.s32 s0, s3;
	s0 =	sld [smem:$0x3FAA]  }
0x30: {  	s3 =	sld [smem:$0x3FAD]  }
0x31: {  	[smem:$0x3FB6] =	sst s10  }
0x32: {  	s10 =	sld [smem:$0x3FB4];
	_ =	sdelay $0x3  }
0x33: {  	p0 =	seq.s32 s10, $0x1;
	s10 =	sld [smem:$0x3FB6];
	_ =	sdelay $0x3  }
0x34: {  	[smem:$0x3FB6] =	sst s10  }
0x35: {  	s10 =	sld [smem:$0x3FB5];
	_ =	sdelay $0x3  }
0x36: {  	p1 =	seq.s32 s10, $0x1;
	s10 =	sld [smem:$0x3FB6];
	_ =	sdelay $0x3  }
0x37: {  	[smem:$0x3FB6] =	sst s10  }
0x38: {  	s10 =	sld [smem:$0x3FB7]  }
0x39: {  	_ = 	snop;
	(pc) =	sbr.ind lr, $3  }
0x3a: {  	_ = 	snop  }
0x3b: {  	_ = 	snop  }
0x3c: {  	p2 =	seq.s32 s10, $0x1;
	s10 =	sld [smem:$0x3FB6]  }
0x3d: {  	_ =	shalt  }
0x3e: {  	_ =	shalt  }
0x3f: {  	_ =	shalt  }
0x40: {  	_ =	shalt  }
0x41: {  	_ =	shalt  }
0x42: {  	_ =	shalt  }
0x43: {  	_ =	shalt  }
0x44: {  	_ =	shalt  }
0x45: {  	_ =	shalt  }
0x46: {  	_ =	shalt  }
0x47: {  	_ =	shalt  }
0x48: {  	_ =	shalt  }
0x49: {  	_ =	shalt  }
0x4a: {  	_ =	shalt  }
0x4b: {  	_ =	shalt  }
0x4c: {  	_ =	shalt  }
0x4d: {  	_ =	shalt  }
0x4e: {  	_ =	shalt  }
0x4f: {  	_ =	shalt  }
0x50: {  	_ =	shalt  }
0x51: {  	_ =	shalt  }
0x52: {  	_ =	shalt  }
0x53: {  	_ =	shalt  }
0x54: {  	_ =	shalt  }
0x55: {  	_ =	shalt  }
0x56: {  	_ =	shalt  }
0x57: {  	_ =	shalt  }
0x58: {  	_ =	shalt  }
0x59: {  	_ =	shalt  }
0x5a: {  	_ =	shalt  }
0x5b: {  	_ =	shalt  }
0x5c: {  	_ =	shalt  }
0x5d: {  	_ =	shalt  }
0x5e: {  	_ =	shalt  }
0x5f: {  	_ =	shalt  }
0x60: {  	_ =	shalt  }
0x61: {  	_ =	shalt  }
0x62: {  	_ =	shalt  }
0x63: {  	_ =	shalt  }
0x64: {  	_ =	shalt  }
0x65: {  	_ =	shalt  }
0x66: {  	_ =	shalt  }
0x67: {  	_ =	shalt  }
0x68: {  	_ =	shalt  }
0x69: {  	_ =	shalt  }
0x6a: {  	_ =	shalt  }
0x6b: {  	_ =	shalt  }
0x6c: {  	_ =	shalt  }
0x6d: {  	_ =	shalt  }
0x6e: {  	_ =	shalt  }
0x6f: {  	_ =	shalt  }
0x70: {  	_ =	shalt  }
0x71: {  	_ =	shalt  }
0x72: {  	_ =	shalt  }
0x73: {  	_ =	shalt  }
0x74: {  	_ =	shalt  }
0x75: {  	_ =	shalt  }
0x76: {  	_ =	shalt  }
0x77: {  	_ =	shalt  }
0x78: {  	_ =	shalt  }
0x79: {  	_ =	shalt  }
0x7a: {  	_ =	shalt  }
0x7b: {  	_ =	shalt  }
0x7c: {  	_ =	shalt  }
0x7d: {  	_ =	shalt  }
0x7e: {  	_ =	shalt  }
0x7f: {  	_ =	shalt  }
0x80: {  	_ =	shalt  }
0x81: {  	_ =	shalt  }
0x82: {  	_ =	shalt  }
0x83: {  	_ =	shalt  }
0x84: {  	_ =	shalt  }
0x85: {  	_ =	shalt  }
0x86: {  	_ =	shalt  }
0x87: {  	_ =	shalt  }
.Lfunc_end0:
.L_simem_size_0:
called_computation.2_lowered:
.L_overlay_start_0:
0x88: {  	s2 =	sld [smem:$0x3FD9]  }
0x89: {  	s3 =	sld [smem:$0x3FFE];
	_ =	sdelay $0x1  }
0x8a: {  	s1 =	srdreg.scid  }
0x8b: {  	s0 =	sand.u32 $0x1, s1  }
0x8c: {  	s17 =	sshll.u32 s0, $0xA;
	s2 =	sadd.s32 s3, s2  }
0x8d: {  	s2 =	sadd.s32 s2, s17  }
0x8e: {  	[smem:$0x3FC2] =	sst s2  }
0x8f: {  	_ = 	snop  }
0x90: {  	s2 =	sld [smem:$0x3FD0];
	(tm) =	ssettm $0x1  }
0x91: {  	s18 =	sld [smem:$0x3FFB];
	_ =	sdelay $0x3  }
0x92: {  	_ =	strace s18  }
0x93: {  	s3 =	sld [smem:$0x3FFC];
	_ =	sdelay $0x3  }
0x94: {  	_ =	strace s3  }
0x95: {  	s3 =	sld [smem:$0x3FFD];
	_ =	sdelay $0x3  }
0x96: {  	_ =	strace s3  }
0x97: {  	_ =	strace $0x8FFFFFFF  }
0x98: {  	s19 =	sld [smem:$0x3FDB];
	_ =	sdelay $0x1  }
0x99: {  	s4 =	simm.s32 $_scs_section_size  }
0x9a: {  	s5 =	simm.s32 $_size__tile_overlayer_lowered;
	s6 =	simm.s32 $_tile_overlayer_lowered  }
0x9b: {  	s22 =	simm.s32 $0x1BFF;
	s21 =	sshll.u32 s6, $0x1;
	s3 =	sadd.s32 s4, s19  }
0x9c: {  	s7 =	simm.s32 $0x0;
	s20 =	sshll.u32 s5, $0x1;
	s5 =	sadd.s32 s21, s3  }
0x9d: {  	[timem:s7], [sflag:s22] =	dma.local [hbm:s5], s20  }
0x9e: {  	_ =	swait.ge [sflag:s22], s20  }
0x9f: {  	s4 =	ssub.s32 $0x0, s20;
	[sflag:s22] =	ssyncset.done $0x0  }
0xa0: {  	[sflag:s22] =	ssyncadd.s32 s4;
	_ =	sdelay $0x1  }
0xa1: {  	s23 =	simm.s32 $0x1B8B  }
0xa2: {  	_ =	swait.ge [sflag:s23], $0x1  }
0xa3: {  	[sflag:s23] =	ssyncset.done $0x0  }
0xa4: {  	s25 =	simm.s32 $0x1B8E;
	s24 =	sld [smem:$0x3FFE];
	[sflag:s23] =	ssyncadd.s32 $0xFFFFFFFF  }
0xa5: {  	s26 =	simm.s32 $execute0_lowered;
	[smem:$0x3FD2] =	sst s25  }
0xa6: {  	s5 =	sshll.u32 s26, $0x1;
	_ =	strace $0x8000004C;
	[dreg:$0x1] =	wrdreg $0xFFFFFFFF  }
0xa7: {  	s28 =	simm.s32 $_size_execute0_lowered;
	s3 =	sadd.s32 s3, s5;
	[dreg:$0x0] =	wrdreg $0x0  }
0xa8: {  	s5 =	sshll.u32 s28, $0x1;
	[dreg:$0x2] =	wrdreg s3  }
0xa9: {  	[dreg:$0x3] =	wrdreg s5  }
0xaa: {  	[dreg:$0x4] =	wrdreg $0xC0  }
0xab: {  	_ =	task [dreg:s7], $0x5FFFF  }
0xac: {  	[dreg:$0x1] =	wrdreg $0xFFFFFFFF  }
0xad: {  	[dreg:$0x0] =	wrdreg $0x60  }
0xae: {  	[dreg:$0x2] =	wrdreg s24  }
0xaf: {  	[dreg:$0x3] =	wrdreg s2  }
0xb0: {  	[dreg:$0x4] =	wrdreg $0xF6000  }
0xb1: {  	[dreg:$0x5] =	wrdreg $0x9  }
0xb2: {  	_ =	task.clear_ibuf [dreg:s7], $0x6FFFF;
	_ =	strace $0x9000004C  }
0xb3: {  	s29 =	simm.s32 $0x9;
	_ =	strace $0x8000004E  }
0xb4: {  	_ =	swait.ge [sflag:s29], $0x1  }
0xb5: {  	[sflag:s29] =	ssyncadd.s32 $0xFFFFFFFF  }
0xb6: {  	_ =	strace $0x9000004E  }
0xb7: {  	_ =	sfence  }
0xb8: {  	s30 =	sld [smem:$0x0];
	_ =	sdelay $0x2  }
0xb9: {  	s31 =	sshll.u32 s1, $0xD;
	s1 =	sshrl.u32 s1, $0x2  }
0xba: {  	s3 =	sand.u32 $0x4000, s31;
	s1 =	sadd.s32 s1, s30  }
0xbb: {  	s0 =	sor.u32 s3, s0;
	s1 =	sshll.u32 s1, $0x11  }
0xbc: {  	s0 =	sor.u32 s1, s0  }
0xbd: {  	s0 =	sadd.s32 $0x8F2B, s0  }
0xbe: {  	[sflag:s0] =	ssyncadd.remote.s32 $0x1  }
0xbf: {  	_ =	sfence.sel $0xFFFF  }
0xc0: {  	[dreg:$0x0] =	wrdreg $0xFFFFFFFF;
	(pc) =	sbr.abs _section_cstart, $3  }
0xc1: {  	[dreg:$0x1] =	wrdreg $0xFFFFFFFF  }
0xc2: {  	_ =	task.clear_ibuf [dreg:s7], $0x2FFFF;
	_ =	strace $0x9FFFFFFF  }
0xc3: {  	(tm) =	ssettm $0x7FFFFFFF  }
tec
execute0_lowered:
.L_overlay_start_1:
0x0: {  	(tag) =	ssettag $0x1  }
0x1: {  	s0 =	rddreg [dreg:$0x0]  }
0x2: {  	s2 =	rddreg [dreg:$0x1]  }
0x3: {  	s3 =	rddreg [dreg:$0x2];
	s7 =	stileid.u32  }
0x4: {  	s5 =	simm.s32 $0x0;
	s1 =	srdreg.scid;
	s4 =	smul.u32 $0x37, s7  }
0x5: {  	[smem:$0x7FF] =	sst s5;
	s5 =	smul.u32 $0x66, s7  }
0x6: {  	s28 =	simm.s32 $0x100;
	s29 =	simm.s32 $0xF;
	s6 =	smul.u32 $0x13C0, s7  }
0x7: {  	s31 =	simm.s32 $0x180;
	s1 =	sand.u32 $0x1, s1;
	s7 =	smul.u32 $0x27800, s7  }
0x8: {  	p0 =	seq.s32 s1, $0x0;
	s9 =	smul.u32 $0x13C00, s1;
	s4 =	sadd.s32 $0x660, s4  }
0x9: {  	s30 =	simm.s32 $0x11;
	s11 =	sshrl.u32 s7, $0x2;
	s4 =	smov.u32 @p0 s5  }
0xa: {  	s5 =	sadd.s32 s6, s9;
	s6 =	sadd.s32 s11, s3;
	s4 =	sshll.u32 s4, $0x4  }
0xb: {  	_ =	strace $0x8000004D;
	s12 =	sadd.s32 $0x8000, s6;
	s4 =	sadd.s32 s4, s0  }
0xc: {  	s1 =	ssub.s32 $0x2, s1;
	[dreg:$0xb] =	wrdreg s12;
	s13 =	sadd.s32 $0x2200, s4  }
0xd: {  	s10 =	sshrl.u32 s1, $0x1;
	s14 =	sadd.s32 $0x8CE00, s4;
	[dreg:$0xc] =	wrdreg s13  }
0xe: {  	s1 =	ssub.s32 s1, s10;
	s15 =	sadd.s32 $0x8CE10, s4;
	[dreg:$0xd] =	wrdreg s14  }
0xf: {  	s0 =	sadd.s32 s5, s0;
	s8 =	sadd.s32 $0x8CE20, s4;
	[dreg:$0xe] =	wrdreg s15  }
0x10: {  	s5 =	simm.s32 $0x66;
	s17 =	sadd.s32 $0x8CE30, s4;
	[dreg:$0xf] =	wrdreg s8  }
0x11: {  	s5 =	simm.s32 @!p0 $0x37;
	s18 =	sadd.s32 $0x8CE40, s4;
	[dreg:$0x10] =	wrdreg s17  }
0x12: {  	s19 =	sadd.s32 $0x8CE50, s4;
	s10 =	sadd.s32 $0x8CE60, s4;
	[dreg:$0x11] =	wrdreg s18  }
0x13: {  	s4 =	simm.s32 $0x12;
	[dreg:$0x12] =	wrdreg s19;
	s20 =	sadd.s32 $0xFFFFFFFA, s5  }
0x14: {  	s16 =	smul.u32 $0x2B, s5;
	s21 =	sadd.s32 $0xFFFFFFF9, s5;
	[dreg:$0x4] =	wrdreg s20  }
0x15: {  	s15 =	sadd.s32 $0xC200, s0;
	s22 =	sadd.s32 $0xFFFFFFF8, s5;
	[dreg:$0x5] =	wrdreg s21  }
0x16: {  	s23 =	sadd.s32 $0xFFFFFFF7, s5;
	s17 =	sadd.s32 $0x2000, s6;
	[dreg:$0x6] =	wrdreg s22  }
0x17: {  	s24 =	sadd.s32 $0xFFFFFFF6, s5;
	s25 =	sadd.s32 $0xFFFFFFF5, s5;
	[dreg:$0x7] =	wrdreg s23  }
0x18: {  	s18 =	sadd.s32 $0x4000, s6;
	s19 =	sadd.s32 $0x6000, s6;
	[dreg:$0x8] =	wrdreg s24  }
0x19: {  	s0 =	simm.s32 $0x10;
	[dreg:$0x9] =	wrdreg s25;
	s7 =	sadd.s32 $0xD7, s16  }
0x1a: {  	s21 =	simm.s32 $0x3600;
	s22 =	simm.s32 $0x13;
	s7 =	sshrl.u32 s7, $0x8  }
0x1b: {  	s23 =	simm.s32 $0xD;
	s24 =	simm.s32 $0x80;
	s26 =	smul.u32 $0x6, s7  }
0x1c: {  	s25 =	simm.s32 $0xE;
	s16 =	smax.u32 s1, $0x1;
	s1 =	simm.s32 $0x280  }
0x1d: {  	v0 =	vimm.f32 $0.0e+00;
	s7 =	simm.s32 $0x0;
	[dreg:$0xa] =	wrdreg s26;
	s26 =	simm.s32 $0x200  }
.LBB2_1:
0x1e: {  	s9 =	simm.s32 $0x0  }
0x1f: {  	s8 =	sand.u32 $0x7F00, s9  }
0x20: {  	s9 =	sand.u32 $0x30, s9;
	s20 =	sshrl.u32 s8, $0x2  }
0x21: {  	s8 =	simm.s32 $0x40;
	s20 =	sor.u32 s9, s20;
	s9 =	simm.s32 $0x0  }
.LBB2_2:
0x22: {  	p0 =	sne.s32 s8, $0x7FC0  }
0x23: {  	[tilespmem:s20+$0x3600] =	vst v0;
	s9 =	sadd.s32 $0x10, s9;
	s20 =	smov.u32 s8;
	s8 =	sadd.s32 $0x40, s8  }
.Ltmp0:
0x24: {  	(pc) =	sbr.rel @p0 .LBB2_2-.Ltmp0, $4  }
0x25: {  	_ = 	snop  }
0x26: {  	s20 =	sand.u32 $0x7F00, s20  }
0x27: {  	s11 =	sand.u32 $0x30, s9;
	s20 =	sshrl.u32 s20, $0x2  }
0x28: {  	s20 =	sor.u32 s11, s20  }
0x29: {  	[tilespmem:s20+$0x3600] =	vst v0  }
0x2a: {  	[spmem:s6] =	stream.linear.scatter [tilespmem:s21], [sflag:$0x13], $0x2000, $0x38;
	[tilespmem:$0x19400] =	vst v63  }
0x2b: {  	_ =	swait.ge [sflag:s22], $0x2000  }
0x2c: {  	[sflag:s22] =	ssyncset.done $0x0  }
0x2d: {  	[sflag:s22] =	ssyncadd.s32 $0xFFFFE000  }
0x2e: {  	[spmem:s17] =	stream.linear.scatter [tilespmem:s21], [sflag:$0x13], $0x2000, $0x38;
	[tilespmem:$0x19400] =	vst v63  }
0x2f: {  	_ =	swait.ge [sflag:s22], $0x2000  }
0x30: {  	[sflag:s22] =	ssyncset.done $0x0  }
0x31: {  	[sflag:s22] =	ssyncadd.s32 $0xFFFFE000  }
0x32: {  	[spmem:s18] =	stream.linear.scatter [tilespmem:s21], [sflag:$0x13], $0x2000, $0x38;
	[tilespmem:$0x19400] =	vst v63  }
0x33: {  	_ =	swait.ge [sflag:s22], $0x2000  }
0x34: {  	[sflag:s22] =	ssyncset.done $0x0  }
0x35: {  	[sflag:s22] =	ssyncadd.s32 $0xFFFFE000  }
0x36: {  	[spmem:s19] =	stream.linear.scatter [tilespmem:s21], [sflag:$0x13], $0x2000, $0x38;
	[tilespmem:$0x19400] =	vst v63  }
0x37: {  	_ =	swait.ge [sflag:s22], $0x2000  }
0x38: {  	[sflag:s22] =	ssyncset.done $0x0  }
0x39: {  	s8 =	rddreg [dreg:$0xb];
	[sflag:s22] =	ssyncadd.s32 $0xFFFFE000  }
0x3a: {  	[spmem:s8] =	stream.linear.scatter [tilespmem:s21], [sflag:$0x13], $0x1E00, $0x38;
	[tilespmem:$0x19400] =	vst v63  }
0x3b: {  	_ =	swait.ge [sflag:s22], $0x1E00  }
0x3c: {  	s9 =	simm.s32 $0x300;
	[sflag:s22] =	ssyncset.done $0x0  }
0x3d: {  	s8 =	simm.s32 $0x0;
	s11 =	rddreg [dreg:$0xc];
	[sflag:s22] =	ssyncadd.s32 $0xFFFFE200  }
0x3e: {  	[tilespmem:s9], [sflag:$0x13] =	stream.linear.gather [hbm4b:s11+s8], $0x3300, $0x38;
	[tilespmem:$0x19400] =	vst v63  }
0x3f: {  	_ =	swait.ge [sflag:s22], $0x3300  }
0x40: {  	[sflag:s22] =	ssyncset.done $0x0  }
0x41: {  	[sflag:s22] =	ssyncadd.s32 $0xFFFFCD00  }
0x42: {  	[bflag:$0x0] =	sbarrier.arrive $0xFFFF  }
0x43: {  	s13 =	rddreg [dreg:$0xd]  }
0x44: {  	[tilespmem:s8], [sflag:$0xD] =	stream.linear.gather [hbm4b:s13+s8], $0x80, $0x38;
	[tilespmem:$0x19400] =	vst v63  }
0x45: {  	_ =	swait.ge [sflag:s23], $0x80  }
0x46: {  	[sflag:s23] =	ssyncset.done $0x0  }
0x47: {  	[sflag:s23] =	ssyncadd.s32 $0xFFFFFF80  }
0x48: {  	[tilespmem:s21], [sflag:$0x1] =	stream.indirect.gather [hbm4b:s2+s24], $0x40, s8, s24, $0xb8;
	[tilespmem:$0x19400] =	vst v63  }
0x49: {  	s14 =	rddreg [dreg:$0xe]  }
0x4a: {  	[tilespmem:s24], [sflag:$0xE] =	stream.linear.gather [hbm4b:s14+s8], $0x80, $0x38;
	[tilespmem:$0x19400] =	vst v63  }
0x4b: {  	_ =	swait.ge [sflag:s25], $0x80  }
0x4c: {  	[sflag:s25] =	ssyncset.done $0x0  }
0x4d: {  	s20 =	simm.s32 $0x5600;
	[sflag:s25] =	ssyncadd.s32 $0xFFFFFF80  }
0x4e: {  	[tilespmem:s20], [sflag:$0x2] =	stream.indirect.gather [hbm4b:s2+s24], $0x40, s24, s24, $0xb8;
	[tilespmem:$0x19400] =	vst v63  }
0x4f: {  	s12 =	rddreg [dreg:$0xf]  }
0x50: {  	[tilespmem:s28], [sflag:$0xF] =	stream.linear.gather [hbm4b:s12+s8], $0x80, $0x38;
	[tilespmem:$0x19400] =	vst v63  }
0x51: {  	_ =	swait.ge [sflag:s29], $0x80  }
0x52: {  	[sflag:s29] =	ssyncset.done $0x0  }
0x53: {  	s13 =	simm.s32 $0x7600;
	[sflag:s29] =	ssyncadd.s32 $0xFFFFFF80  }
0x54: {  	[tilespmem:s13], [sflag:$0x3] =	stream.indirect.gather [hbm4b:s2+s24], $0x40, s28, s24, $0xb8;
	[tilespmem:$0x19400] =	vst v63  }
0x55: {  	s14 =	rddreg [dreg:$0x10]  }
0x56: {  	[tilespmem:s31], [sflag:$0x10] =	stream.linear.gather [hbm4b:s14+s8], $0x80, $0x38;
	[tilespmem:$0x19400] =	vst v63  }
0x57: {  	_ =	swait.ge [sflag:s0], $0x80  }
0x58: {  	[sflag:s0] =	ssyncset.done $0x0  }
0x59: {  	s20 =	simm.s32 $0x9600;
	[sflag:s0] =	ssyncadd.s32 $0xFFFFFF80  }
0x5a: {  	[tilespmem:s20], [sflag:$0x4] =	stream.indirect.gather [hbm4b:s2+s24], $0x40, s31, s24, $0xb8;
	[tilespmem:$0x19400] =	vst v63  }
0x5b: {  	s12 =	rddreg [dreg:$0x11]  }
0x5c: {  	[tilespmem:s26], [sflag:$0x11] =	stream.linear.gather [hbm4b:s12+s8], $0x80, $0x38;
	[tilespmem:$0x19400] =	vst v63  }
0x5d: {  	_ =	swait.ge [sflag:s30], $0x80  }
0x5e: {  	[sflag:s30] =	ssyncset.done $0x0  }
0x5f: {  	s13 =	simm.s32 $0xB600;
	[sflag:s30] =	ssyncadd.s32 $0xFFFFFF80  }
0x60: {  	[tilespmem:s13], [sflag:$0x5] =	stream.indirect.gather [hbm4b:s2+s24], $0x40, s26, s24, $0xb8;
	[tilespmem:$0x19400] =	vst v63  }
0x61: {  	s14 =	rddreg [dreg:$0x12]  }
0x62: {  	[tilespmem:s1], [sflag:$0x12] =	stream.linear.gather [hbm4b:s14+s8], $0x80, $0x38;
	[tilespmem:$0x19400] =	vst v63  }
0x63: {  	_ =	swait.ge [sflag:s4], $0x80  }
0x64: {  	[sflag:s4] =	ssyncset.done $0x0  }
0x65: {  	s20 =	simm.s32 $0xD600;
	[sflag:s4] =	ssyncadd.s32 $0xFFFFFF80  }
0x66: {  	[tilespmem:s20], [sflag:$0x6] =	stream.indirect.gather [hbm4b:s2+s24], $0x40, s1, s24, $0xb8;
	[tilespmem:$0x19400] =	vst v63  }
0x67: {  	s20 =	smov.u32 s10  }
.LBB2_4:
0x68: {  	p1 =	sge.u32 s8, s5  }
0x69: {  	s11 =	simm.s32 @!p1 $0x1  }
0x6a: {  	_ =	swait.ge @!p1 [sflag:s11], $0x2000  }
0x6b: {  	[sflag:s11] =	ssyncset.done @!p1 $0x0  }
0x6c: {  	s12 =	simm.s32 @!p1 $0x3600;
	[sflag:s11] =	ssyncadd.s32 @!p1 $0xFFFFE000;
	s11 =	simm.s32 @!p1 $0x80  }
0x6d: {  	[spmem:s3] =	stream.indirect.scatter.add.f32 @!p1 [tilespmem:s12], [sflag:$0x7], $0x40, s9, s11, $0xb8;
	[tilespmem:$0x19400] =	vst v63  }
0x6e: {  	s11 =	sadd.s32 @!p1 $0x6, s8  }
0x6f: {  	p0 =	sge.u32 @!p1 s11, s5  }
0x70: {  	p0 =	por p0, p1  }
0x71: {  	s13 =	sadd.s32 $0x1, s8;
	s11 =	simm.s32 @!p0 $0x0  }
0x72: {  	[tilespmem:s11], [sflag:$0xD] =	stream.linear.gather @!p0 [hbm4b:s20+s11], $0x80, $0x38;
	[tilespmem:$0x19400] =	vst v63  }
0x73: {  	p0 =	sge.u32 s13, s5  }
0x74: {  	s11 =	simm.s32 @!p0 $0x2  }
0x75: {  	_ =	swait.ge @!p0 [sflag:s11], $0x2000  }
0x76: {  	s12 =	simm.s32 @!p0 $0x80;
	[sflag:s11] =	ssyncset.done @!p0 $0x0  }
0x77: {  	s13 =	simm.s32 @!p0 $0x5600;
	[sflag:s11] =	ssyncadd.s32 @!p0 $0xFFFFE000;
	s11 =	sadd.s32 @!p0 $0x80, s9  }
0x78: {  	[spmem:s3] =	stream.indirect.scatter.add.f32 @!p0 [tilespmem:s13], [sflag:$0x8], $0x40, s11, s12, $0xb8;
	[tilespmem:$0x19400] =	vst v63  }
0x79: {  	s11 =	sadd.s32 @!p0 $0x7, s8  }
0x7a: {  	p2 =	sge.u32 @!p0 s11, s5  }
0x7b: {  	s14 =	sadd.s32 $0x2, s8;
	p2 =	por p2, p0  }
0x7c: {  	s11 =	sadd.s32 @!p2 $0x10, s20;
	s12 =	simm.s32 @!p2 $0x0;
	s13 =	simm.s32 @!p2 $0x80  }
0x7d: {  	[tilespmem:s13], [sflag:$0xE] =	stream.linear.gather @!p2 [hbm4b:s11+s12], $0x80, $0x38;
	[tilespmem:$0x19400] =	vst v63  }
0x7e: {  	p2 =	sge.u32 s14, s5  }
0x7f: {  	s11 =	simm.s32 @!p2 $0x3  }
0x80: {  	_ =	swait.ge @!p2 [sflag:s11], $0x2000  }
0x81: {  	s12 =	simm.s32 @!p2 $0x80;
	[sflag:s11] =	ssyncset.done @!p2 $0x0  }
0x82: {  	s13 =	simm.s32 @!p2 $0x7600;
	[sflag:s11] =	ssyncadd.s32 @!p2 $0xFFFFE000;
	s11 =	sadd.s32 @!p2 $0x100, s9  }
0x83: {  	[spmem:s3] =	stream.indirect.scatter.add.f32 @!p2 [tilespmem:s13], [sflag:$0x9], $0x40, s11, s12, $0xb8;
	[tilespmem:$0x19400] =	vst v63  }
0x84: {  	s11 =	sadd.s32 @!p2 $0x8, s8  }
0x85: {  	p3 =	sge.u32 @!p2 s11, s5  }
0x86: {  	p3 =	por p3, p2  }
0x87: {  	s11 =	sadd.s32 @!p3 $0x20, s20;
	s12 =	simm.s32 @!p3 $0x0;
	s13 =	simm.s32 @!p3 $0x100  }
0x88: {  	[tilespmem:s13], [sflag:$0xF] =	stream.linear.gather @!p3 [hbm4b:s11+s12], $0x80, $0x38;
	[tilespmem:$0x19400] =	vst v63  }
0x89: {  	s12 =	sadd.s32 $0x3, s8  }
0x8a: {  	p3 =	sge.u32 s12, s5  }
0x8b: {  	s11 =	simm.s32 @!p3 $0x4  }
0x8c: {  	_ =	swait.ge @!p3 [sflag:s11], $0x2000  }
0x8d: {  	s12 =	simm.s32 @!p3 $0x80;
	[sflag:s11] =	ssyncset.done @!p3 $0x0  }
0x8e: {  	s13 =	simm.s32 @!p3 $0x9600;
	[sflag:s11] =	ssyncadd.s32 @!p3 $0xFFFFE000;
	s11 =	sadd.s32 @!p3 $0x180, s9  }
0x8f: {  	[spmem:s3] =	stream.indirect.scatter.add.f32 @!p3 [tilespmem:s13], [sflag:$0xA], $0x40, s11, s12, $0xb8;
	[tilespmem:$0x19400] =	vst v63  }
0x90: {  	s11 =	sadd.s32 @!p3 $0x9, s8  }
0x91: {  	p4 =	sge.u32 @!p3 s11, s5  }
0x92: {  	p4 =	por p4, p3  }
0x93: {  	s11 =	sadd.s32 @!p4 $0x30, s20;
	s12 =	simm.s32 @!p4 $0x0;
	s13 =	simm.s32 @!p4 $0x180  }
0x94: {  	[tilespmem:s13], [sflag:$0x10] =	stream.linear.gather @!p4 [hbm4b:s11+s12], $0x80, $0x38;
	[tilespmem:$0x19400] =	vst v63  }
0x95: {  	s13 =	sadd.s32 $0x4, s8  }
0x96: {  	p4 =	sge.u32 s13, s5  }
0x97: {  	s11 =	simm.s32 @!p4 $0x5  }
0x98: {  	_ =	swait.ge @!p4 [sflag:s11], $0x2000  }
0x99: {  	s12 =	simm.s32 @!p4 $0x80;
	[sflag:s11] =	ssyncset.done @!p4 $0x0  }
0x9a: {  	s13 =	simm.s32 @!p4 $0xB600;
	[sflag:s11] =	ssyncadd.s32 @!p4 $0xFFFFE000;
	s11 =	sadd.s32 @!p4 $0x200, s9  }
0x9b: {  	[spmem:s3] =	stream.indirect.scatter.add.f32 @!p4 [tilespmem:s13], [sflag:$0xB], $0x40, s11, s12, $0xb8;
	[tilespmem:$0x19400] =	vst v63  }
0x9c: {  	s11 =	sadd.s32 @!p4 $0xA, s8  }
0x9d: {  	p5 =	sge.u32 @!p4 s11, s5  }
0x9e: {  	s14 =	sadd.s32 $0x5, s8;
	p5 =	por p5, p4  }
0x9f: {  	s11 =	sadd.s32 @!p5 $0x40, s20;
	s12 =	simm.s32 @!p5 $0x0;
	s13 =	simm.s32 @!p5 $0x200  }
0xa0: {  	[tilespmem:s13], [sflag:$0x11] =	stream.linear.gather @!p5 [hbm4b:s11+s12], $0x80, $0x38;
	[tilespmem:$0x19400] =	vst v63  }
0xa1: {  	p5 =	sge.u32 s14, s5  }
0xa2: {  	s11 =	simm.s32 @!p5 $0x6  }
0xa3: {  	_ =	swait.ge @!p5 [sflag:s11], $0x2000  }
0xa4: {  	s12 =	simm.s32 @!p5 $0x80;
	[sflag:s11] =	ssyncset.done @!p5 $0x0  }
0xa5: {  	s13 =	simm.s32 @!p5 $0xD600;
	[sflag:s11] =	ssyncadd.s32 @!p5 $0xFFFFE000;
	s11 =	sadd.s32 @!p5 $0x280, s9  }
0xa6: {  	[spmem:s3] =	stream.indirect.scatter.add.f32 @!p5 [tilespmem:s13], [sflag:$0xC], $0x40, s11, s12, $0xb8;
	[tilespmem:$0x19400] =	vst v63  }
0xa7: {  	s11 =	sadd.s32 @!p5 $0xB, s8  }
0xa8: {  	p6 =	sge.u32 @!p5 s11, s5  }
0xa9: {  	p6 =	por p6, p5  }
0xaa: {  	s11 =	sadd.s32 @!p6 $0x50, s20;
	s12 =	simm.s32 @!p6 $0x0;
	s13 =	simm.s32 @!p6 $0x280  }
0xab: {  	[tilespmem:s13], [sflag:$0x12] =	stream.linear.gather @!p6 [hbm4b:s11+s12], $0x80, $0x38;
	[tilespmem:$0x19400] =	vst v63  }
0xac: {  	s11 =	simm.s32 @!p1 $0x7  }
0xad: {  	_ =	swait.ge @!p1 [sflag:s11], $0x2000  }
0xae: {  	s12 =	rddreg [dreg:$0x4]  }
0xaf: {  	p6 =	sge.u32 @!p1 s8, s12  }
0xb0: {  	[sflag:s11] =	ssyncset.done @!p1 $0x0;
	p6 =	por p6, p1  }
0xb1: {  	[sflag:s11] =	ssyncadd.s32 @!p1 $0xFFFFE000;
	s11 =	simm.s32 @!p6 $0xD  }
0xb2: {  	_ =	swait.ge @!p6 [sflag:s11], $0x80  }
0xb3: {  	s12 =	simm.s32 @!p6 $0x0;
	[sflag:s11] =	ssyncset.done @!p6 $0x0  }
0xb4: {  	s13 =	simm.s32 @!p6 $0x3600;
	[sflag:s11] =	ssyncadd.s32 @!p6 $0xFFFFFF80;
	s11 =	simm.s32 @!p6 $0x80  }
0xb5: {  	[tilespmem:s13], [sflag:$0x1] =	stream.indirect.gather @!p6 [hbm4b:s2+s11], $0x40, s12, s11, $0xb8;
	[tilespmem:$0x19400] =	vst v63  }
0xb6: {  	s11 =	simm.s32 @!p0 $0x8  }
0xb7: {  	_ =	swait.ge @!p0 [sflag:s11], $0x2000  }
0xb8: {  	s12 =	rddreg [dreg:$0x5]  }
0xb9: {  	p1 =	sge.u32 @!p0 s8, s12  }
0xba: {  	[sflag:s11] =	ssyncset.done @!p0 $0x0;
	p1 =	por p1, p0  }
0xbb: {  	[sflag:s11] =	ssyncadd.s32 @!p0 $0xFFFFE000;
	s11 =	simm.s32 @!p1 $0xE  }
0xbc: {  	_ =	swait.ge @!p1 [sflag:s11], $0x80  }
0xbd: {  	[sflag:s11] =	ssyncset.done @!p1 $0x0  }
0xbe: {  	s12 =	simm.s32 @!p1 $0x5600;
	[sflag:s11] =	ssyncadd.s32 @!p1 $0xFFFFFF80;
	s11 =	simm.s32 @!p1 $0x80  }
0xbf: {  	[tilespmem:s12], [sflag:$0x2] =	stream.indirect.gather @!p1 [hbm4b:s2+s11], $0x40, s11, s11, $0xb8;
	[tilespmem:$0x19400] =	vst v63  }
0xc0: {  	s11 =	simm.s32 @!p2 $0x9  }
0xc1: {  	_ =	swait.ge @!p2 [sflag:s11], $0x2000  }
0xc2: {  	s12 =	rddreg [dreg:$0x6]  }
0xc3: {  	p0 =	sge.u32 @!p2 s8, s12  }
0xc4: {  	[sflag:s11] =	ssyncset.done @!p2 $0x0;
	p0 =	por p0, p2  }
0xc5: {  	[sflag:s11] =	ssyncadd.s32 @!p2 $0xFFFFE000;
	s11 =	simm.s32 @!p0 $0xF  }
0xc6: {  	_ =	swait.ge @!p0 [sflag:s11], $0x80  }
0xc7: {  	s12 =	simm.s32 @!p0 $0x100;
	[sflag:s11] =	ssyncset.done @!p0 $0x0  }
0xc8: {  	s13 =	simm.s32 @!p0 $0x7600;
	[sflag:s11] =	ssyncadd.s32 @!p0 $0xFFFFFF80;
	s11 =	simm.s32 @!p0 $0x80  }
0xc9: {  	[tilespmem:s13], [sflag:$0x3] =	stream.indirect.gather @!p0 [hbm4b:s2+s11], $0x40, s12, s11, $0xb8;
	[tilespmem:$0x19400] =	vst v63  }
0xca: {  	s11 =	simm.s32 @!p3 $0xA  }
0xcb: {  	_ =	swait.ge @!p3 [sflag:s11], $0x2000  }
0xcc: {  	s12 =	rddreg [dreg:$0x7]  }
0xcd: {  	p0 =	sge.u32 @!p3 s8, s12  }
0xce: {  	[sflag:s11] =	ssyncset.done @!p3 $0x0;
	p0 =	por p0, p3  }
0xcf: {  	[sflag:s11] =	ssyncadd.s32 @!p3 $0xFFFFE000;
	s11 =	simm.s32 @!p0 $0x10  }
0xd0: {  	_ =	swait.ge @!p0 [sflag:s11], $0x80  }
0xd1: {  	s12 =	simm.s32 @!p0 $0x180;
	[sflag:s11] =	ssyncset.done @!p0 $0x0  }
0xd2: {  	s13 =	simm.s32 @!p0 $0x9600;
	[sflag:s11] =	ssyncadd.s32 @!p0 $0xFFFFFF80;
	s11 =	simm.s32 @!p0 $0x80  }
0xd3: {  	[tilespmem:s13], [sflag:$0x4] =	stream.indirect.gather @!p0 [hbm4b:s2+s11], $0x40, s12, s11, $0xb8;
	[tilespmem:$0x19400] =	vst v63  }
0xd4: {  	s11 =	simm.s32 @!p4 $0xB  }
0xd5: {  	_ =	swait.ge @!p4 [sflag:s11], $0x2000  }
0xd6: {  	s12 =	rddreg [dreg:$0x8]  }
0xd7: {  	p0 =	sge.u32 @!p4 s8, s12  }
0xd8: {  	[sflag:s11] =	ssyncset.done @!p4 $0x0;
	p0 =	por p0, p4  }
0xd9: {  	[sflag:s11] =	ssyncadd.s32 @!p4 $0xFFFFE000;
	s11 =	simm.s32 @!p0 $0x11  }
0xda: {  	_ =	swait.ge @!p0 [sflag:s11], $0x80  }
0xdb: {  	s12 =	simm.s32 @!p0 $0x200;
	[sflag:s11] =	ssyncset.done @!p0 $0x0  }
0xdc: {  	s13 =	simm.s32 @!p0 $0xB600;
	[sflag:s11] =	ssyncadd.s32 @!p0 $0xFFFFFF80;
	s11 =	simm.s32 @!p0 $0x80  }
0xdd: {  	[tilespmem:s13], [sflag:$0x5] =	stream.indirect.gather @!p0 [hbm4b:s2+s11], $0x40, s12, s11, $0xb8;
	[tilespmem:$0x19400] =	vst v63  }
0xde: {  	s11 =	simm.s32 @!p5 $0xC  }
0xdf: {  	_ =	swait.ge @!p5 [sflag:s11], $0x2000  }
0xe0: {  	s12 =	rddreg [dreg:$0x9]  }
0xe1: {  	p0 =	sge.u32 @!p5 s8, s12  }
0xe2: {  	[sflag:s11] =	ssyncset.done @!p5 $0x0;
	p0 =	por p0, p5  }
0xe3: {  	[sflag:s11] =	ssyncadd.s32 @!p5 $0xFFFFE000;
	s11 =	simm.s32 @!p0 $0x12  }
0xe4: {  	s8 =	sadd.s32 $0x6, s8;
	_ =	swait.ge @!p0 [sflag:s11], $0x80  }
0xe5: {  	s12 =	simm.s32 @!p0 $0x280;
	s13 =	simm.s32 @!p0 $0xD600;
	[sflag:s11] =	ssyncset.done @!p0 $0x0  }
0xe6: {  	s14 =	rddreg [dreg:$0xa];
	[sflag:s11] =	ssyncadd.s32 @!p0 $0xFFFFFF80;
	s11 =	simm.s32 @!p0 $0x80  }
0xe7: {  	[tilespmem:s13], [sflag:$0x6] =	stream.indirect.gather @!p0 [hbm4b:s2+s11], $0x40, s12, s11, $0xb8;
	[tilespmem:$0x19400] =	vst v63  }
0xe8: {  	p0 =	sne.s32 s14, s8  }
.Ltmp1:
0xe9: {  	_ = 	snop;
	(pc) =	sbr.rel @p0 .LBB2_4-.Ltmp1, $2  }
0xea: {  	_ =	sdelay $0x2  }
0xeb: {  	s9 =	sadd.s32 $0x300, s9;
	s20 =	sadd.s32 $0x60, s20  }
0xec: {  	s8 =	stileid.u32;
	s7 =	sadd.s32 $0x1, s7  }
0xed: {  	[bflag:$0x0] =	sbarrier.arrive $0xFFFF;
	s8 =	sshll.u32 s8, $0x6;
	p0 =	sne.s32 s7, s16  }
.Ltmp2:
0xee: {  	s9 =	sshrl.u32 s6, $0x3;
	s8 =	sor.u32 $0x1C13, s8;
	(pc) =	sbr.rel @p0 .LBB2_1-.Ltmp2, $4  }
0xef: {  	[hbm:s15], [sflag:s8] =	dma.local [spmem:s9], $0x13C0  }
0xf0: {  	_ =	swait.ge [sflag:s22], $0x13C0  }
0xf1: {  	[sflag:s22] =	ssyncset.done $0x0  }
0xf2: {  	[sflag:s22] =	ssyncadd.s32 $0xFFFFEC40  }
0xf3: {  	_ =	sfence.sel $0x180000  }
0xf4: {  	[bflag:$0x0] =	sbarrier.arrive $0xFFFF  }
0xf5: {  	_ =	strace $0x9000004D  }
0xf6: {  	s0 =	stileid.u32;
	[bflag:$0x2] =	sbarrier.arrive $0xFFFF  }
0xf7: {  	p0 =	sne.s32 s0, $0x0;
	s0 =	rddreg [dreg:$0x3]  }
0xf8: {  	s0 =	sadd.s32 @!p0 $0x100000, s0  }
0xf9: {  	[sflag:s0] =	ssyncadd.tile.s32 @!p0 $0x1;
	_ =	shalt  }
.Lfunc_end2:
_tile_overlayer_lowered:
.L_overlay_start_2:
0xfa: {  	(tag) =	ssettag $0x2  }
0xfb: {  	s0 =	rddreg [dreg:$0x0];
	s2 =	stileid.u32  }
0xfc: {  	s1 =	rddreg [dreg:$0x1];
	p0 =	sne.s32 s2, $0x0  }
0xfd: {  	s3 =	rddreg [dreg:$0x2];
	[bflag:$0x3] =	sbarrier.arrive $0xFFFF;
	s2 =	simm.s32 @!p0 $0x1C13  }
0xfe: {  	[timem:s3], [sflag:s2] =	dma.local @!p0 [hbm:s0], s1  }
0xff: {  	s0 =	simm.s32 @!p0 $0x13  }
0x100: {  	_ =	swait.ge @!p0 [sflag:s0], s1  }
0x101: {  	s1 =	ssub.s32 @!p0 $0x0, s1;
	[sflag:s0] =	ssyncset.done @!p0 $0x0  }
0x102: {  	[sflag:s0] =	ssyncadd.s32 @!p0 s1  }
0x103: {  	[bflag:$0x3] =	sbarrier.arrive $0xFFFF  }
0x104: {  	_ =	shalt  }

// kernel: kernel.8.cloned.1.call-start
scs
__scs_entry_jumppad:
0x0: {  	(pc) =	sbr.rel $0x88, $3  }
0x1: {  	(tag) =	ssettag $0x0;
	lr =	simm.s32 $0x1  }
0x2: {  	[smem:$0x3F9B] =	sst lr;
	_ =	strace $0xD0000000  }
0x3: {  	_ = 	snop  }
0x4: {  	_ = 	snop  }
0x5: {  	_ = 	snop  }
0x6: {  	_ = 	snop  }
0x7: {  	_ = 	snop  }
__scs_overlays_trampoline_lowered:
0x8: {  	[smem:$0x3FAA] =	sst s0  }
0x9: {  	[smem:$0x3FAB] =	sst s1  }
0xa: {  	[smem:$0x3FAC] =	sst s2  }
0xb: {  	[smem:$0x3FAD] =	sst s3  }
0xc: {  	[smem:$0x3FAE] =	sst s4  }
0xd: {  	[smem:$0x3FAF] =	sst s5  }
0xe: {  	[smem:$0x3FB0] =	sst s6  }
0xf: {  	[smem:$0x3FB1] =	sst s7  }
0x10: {  	[smem:$0x3FB2] =	sst s8  }
0x11: {  	[smem:$0x3FB3] =	sst s9;
	s0 =	simm.s32 @!p0 $0x0  }
0x12: {  	s1 =	sld [smem:$0x3F99];
	s0 =	simm.s32 @p0 $0x1  }
0x13: {  	[smem:$0x3FB4] =	sst s0;
	s0 =	simm.s32 @!p1 $0x0  }
0x14: {  	s2 =	sld [smem:$0x3F98];
	s0 =	simm.s32 @p1 $0x1  }
0x15: {  	[smem:$0x3FB5] =	sst s0;
	s0 =	simm.s32 @!p2 $0x0  }
0x16: {  	s3 =	sld [smem:$0x3FDB];
	s0 =	simm.s32 @p2 $0x1  }
0x17: {  	s4 =	simm.s32 $0x1BF5;
	[smem:$0x3FB7] =	sst s0  }
0x18: {  	s0 =	sld [smem:$0x3F9A];
	_ =	swait.ge [sflag:s4], $0x0  }
0x19: {  	s7 =	sld [smem:$0x3F9B]  }
0x1a: {  	s8 =	sadd.s32 $0xFFFFE003, lr  }
0x1b: {  	s9 =	sadd.s32 $0xFFFFFEF7, lr;
	s5 =	simm.s32 $0xFFFFFFFF;
	p2 =	slt.u32 s8, $0xFFFFF086  }
0x1c: {  	p1 =	slt.u32 s9, $0xF7A;
	s5 =	simm.s32 @!p2 $0x0  }
0x1d: {  	s5 =	simm.s32 @p1 $0x1;
	p0 =	seq.s32 s7, s2  }
0x1e: {  	s7 =	smul.u32 @!p0 $0xF7A, s2;
	p2 =	seq.s32 @!p0 s5, $0x0  }
0x1f: {  	s9 =	smul.u32 $0xF7A, s1;
	s8 =	simm.s32 @!p0 $0x1BF5;
	p2 =	por !p2, p0  }
0x20: {  	[sflag:s8] =	ssyncset.s32 @!p0 $0xFFFFF086;
	s6 =	sadd.s32 @!p0 s3, s7;
	s7 =	simm.s32 @!p0 $0x108  }
0x21: {  	s3 =	sadd.s32 s3, s9;
	s6 =	sadd.s32 @!p0 $0x88, s6;
	s7 =	simm.s32 @p2 $0x1082  }
0x22: {  	[simem:s7], [sflag:s8] =	dma.local @!p0 [hbm:s6], $0xF7A  }
0x23: {  	s9 =	sor.u32 $0xD0000000, s2;
	s6 =	simm.s32 $0x108;
	_ =	swait.ge @!p0 [sflag:s8], $0x0  }
0x24: {  	s3 =	sadd.s32 $0x88, s3;
	s6 =	simm.s32 @!p1 $0x1082;
	[sflag:s4] =	ssyncset.s32 $0xFFFFF086  }
0x25: {  	[simem:s6], [sflag:s4] =	dma.local [hbm:s3], $0xF7A  }
0x26: {  	[smem:$0x3F9B] =	sst s1;
	(tag) =	ssettag s2;
	_ =	strace s9  }
0x27: {  	s1 =	sld [smem:$0x3FAB]  }
0x28: {  	s2 =	sld [smem:$0x3FAC]  }
0x29: {  	s4 =	sld [smem:$0x3FAE]  }
0x2a: {  	p0 =	seq.s32 s5, $0x0;
	s5 =	sld [smem:$0x3FAF]  }
0x2b: {  	s6 =	sld [smem:$0x3FB0]  }
0x2c: {  	s7 =	sld [smem:$0x3FB1]  }
0x2d: {  	s3 =	simm.s32 $0x108;
	s8 =	sld [smem:$0x3FB2]  }
0x2e: {  	s3 =	simm.s32 @!p0 $0x1082;
	s9 =	sld [smem:$0x3FB3]  }
0x2f: {  	lr =	sadd.s32 s0, s3;
	s0 =	sld [smem:$0x3FAA]  }
0x30: {  	s3 =	sld [smem:$0x3FAD]  }
0x31: {  	[smem:$0x3FB6] =	sst s10  }
0x32: {  	s10 =	sld [smem:$0x3FB4];
	_ =	sdelay $0x3  }
0x33: {  	p0 =	seq.s32 s10, $0x1;
	s10 =	sld [smem:$0x3FB6];
	_ =	sdelay $0x3  }
0x34: {  	[smem:$0x3FB6] =	sst s10  }
0x35: {  	s10 =	sld [smem:$0x3FB5];
	_ =	sdelay $0x3  }
0x36: {  	p1 =	seq.s32 s10, $0x1;
	s10 =	sld [smem:$0x3FB6];
	_ =	sdelay $0x3  }
0x37: {  	[smem:$0x3FB6] =	sst s10  }
0x38: {  	s10 =	sld [smem:$0x3FB7]  }
0x39: {  	_ = 	snop;
	(pc) =	sbr.ind lr, $3  }
0x3a: {  	_ = 	snop  }
0x3b: {  	_ = 	snop  }
0x3c: {  	p2 =	seq.s32 s10, $0x1;
	s10 =	sld [smem:$0x3FB6]  }
0x3d: {  	_ =	shalt  }
0x3e: {  	_ =	shalt  }
0x3f: {  	_ =	shalt  }
0x40: {  	_ =	shalt  }
0x41: {  	_ =	shalt  }
0x42: {  	_ =	shalt  }
0x43: {  	_ =	shalt  }
0x44: {  	_ =	shalt  }
0x45: {  	_ =	shalt  }
0x46: {  	_ =	shalt  }
0x47: {  	_ =	shalt  }
0x48: {  	_ =	shalt  }
0x49: {  	_ =	shalt  }
0x4a: {  	_ =	shalt  }
0x4b: {  	_ =	shalt  }
0x4c: {  	_ =	shalt  }
0x4d: {  	_ =	shalt  }
0x4e: {  	_ =	shalt  }
0x4f: {  	_ =	shalt  }
0x50: {  	_ =	shalt  }
0x51: {  	_ =	shalt  }
0x52: {  	_ =	shalt  }
0x53: {  	_ =	shalt  }
0x54: {  	_ =	shalt  }
0x55: {  	_ =	shalt  }
0x56: {  	_ =	shalt  }
0x57: {  	_ =	shalt  }
0x58: {  	_ =	shalt  }
0x59: {  	_ =	shalt  }
0x5a: {  	_ =	shalt  }
0x5b: {  	_ =	shalt  }
0x5c: {  	_ =	shalt  }
0x5d: {  	_ =	shalt  }
0x5e: {  	_ =	shalt  }
0x5f: {  	_ =	shalt  }
0x60: {  	_ =	shalt  }
0x61: {  	_ =	shalt  }
0x62: {  	_ =	shalt  }
0x63: {  	_ =	shalt  }
0x64: {  	_ =	shalt  }
0x65: {  	_ =	shalt  }
0x66: {  	_ =	shalt  }
0x67: {  	_ =	shalt  }
0x68: {  	_ =	shalt  }
0x69: {  	_ =	shalt  }
0x6a: {  	_ =	shalt  }
0x6b: {  	_ =	shalt  }
0x6c: {  	_ =	shalt  }
0x6d: {  	_ =	shalt  }
0x6e: {  	_ =	shalt  }
0x6f: {  	_ =	shalt  }
0x70: {  	_ =	shalt  }
0x71: {  	_ =	shalt  }
0x72: {  	_ =	shalt  }
0x73: {  	_ =	shalt  }
0x74: {  	_ =	shalt  }
0x75: {  	_ =	shalt  }
0x76: {  	_ =	shalt  }
0x77: {  	_ =	shalt  }
0x78: {  	_ =	shalt  }
0x79: {  	_ =	shalt  }
0x7a: {  	_ =	shalt  }
0x7b: {  	_ =	shalt  }
0x7c: {  	_ =	shalt  }
0x7d: {  	_ =	shalt  }
0x7e: {  	_ =	shalt  }
0x7f: {  	_ =	shalt  }
0x80: {  	_ =	shalt  }
0x81: {  	_ =	shalt  }
0x82: {  	_ =	shalt  }
0x83: {  	_ =	shalt  }
0x84: {  	_ =	shalt  }
0x85: {  	_ =	shalt  }
0x86: {  	_ =	shalt  }
0x87: {  	_ =	shalt  }
.Lfunc_end0:
.L_simem_size_0:
called_computation_lowered:
.L_overlay_start_0:
0x88: {  	s2 =	sld [smem:$0x3FD9]  }
0x89: {  	s3 =	sld [smem:$0x3FFE];
	_ =	sdelay $0x1  }
0x8a: {  	s1 =	srdreg.scid  }
0x8b: {  	s0 =	sand.u32 $0x1, s1  }
0x8c: {  	s16 =	sshll.u32 s0, $0xA;
	s2 =	sadd.s32 s3, s2  }
0x8d: {  	s2 =	sadd.s32 s2, s16  }
0x8e: {  	[smem:$0x3FC2] =	sst s2  }
0x8f: {  	_ = 	snop  }
0x90: {  	(tm) =	ssettm $0x1  }
0x91: {  	s17 =	sld [smem:$0x3FFB];
	_ =	sdelay $0x3  }
0x92: {  	_ =	strace s17  }
0x93: {  	s2 =	sld [smem:$0x3FFC];
	_ =	sdelay $0x3  }
0x94: {  	_ =	strace s2  }
0x95: {  	s2 =	sld [smem:$0x3FFD];
	_ =	sdelay $0x3  }
0x96: {  	_ =	strace s2  }
0x97: {  	_ =	strace $0x8FFFFFFF  }
0x98: {  	s18 =	sld [smem:$0x3FDB];
	_ =	sdelay $0x1  }
0x99: {  	s19 =	simm.s32 $_scs_section_size  }
0x9a: {  	s4 =	simm.s32 $_size__tile_overlayer_lowered;
	s5 =	simm.s32 $_tile_overlayer_lowered  }
0x9b: {  	s22 =	simm.s32 $0x1BFF;
	s21 =	sshll.u32 s5, $0x1;
	s2 =	sadd.s32 s19, s18  }
0x9c: {  	s6 =	simm.s32 $0x0;
	s20 =	sshll.u32 s4, $0x1;
	s4 =	sadd.s32 s21, s2  }
0x9d: {  	[timem:s6], [sflag:s22] =	dma.local [hbm:s4], s20  }
0x9e: {  	_ =	swait.ge [sflag:s22], s20  }
0x9f: {  	s3 =	ssub.s32 $0x0, s20;
	[sflag:s22] =	ssyncset.done $0x0  }
0xa0: {  	[sflag:s22] =	ssyncadd.s32 s3;
	_ =	sdelay $0x1  }
0xa1: {  	s23 =	simm.s32 $0x1B8B  }
0xa2: {  	_ =	swait.ge [sflag:s23], $0x1  }
0xa3: {  	[sflag:s23] =	ssyncset.done $0x0  }
0xa4: {  	s25 =	simm.s32 $0x1B8E;
	s24 =	sld [smem:$0x3FFE];
	[sflag:s23] =	ssyncadd.s32 $0xFFFFFFFF  }
0xa5: {  	s26 =	simm.s32 $execute0_lowered;
	[smem:$0x3FD2] =	sst s25  }
0xa6: {  	s4 =	sshll.u32 s26, $0x1;
	_ =	strace $0x80000046;
	[dreg:$0x1] =	wrdreg $0xFFFFFFFF  }
0xa7: {  	s28 =	simm.s32 $_size_execute0_lowered;
	s2 =	sadd.s32 s2, s4;
	[dreg:$0x0] =	wrdreg $0x0  }
0xa8: {  	s4 =	sshll.u32 s28, $0x1;
	[dreg:$0x2] =	wrdreg s2  }
0xa9: {  	[dreg:$0x3] =	wrdreg s4  }
0xaa: {  	[dreg:$0x4] =	wrdreg $0xC0  }
0xab: {  	_ =	task [dreg:s6], $0x5FFFF  }
0xac: {  	[dreg:$0x1] =	wrdreg $0xFFFFFFFF  }
0xad: {  	[dreg:$0x0] =	wrdreg $0x60  }
0xae: {  	[dreg:$0x2] =	wrdreg s24  }
0xaf: {  	[dreg:$0x3] =	wrdreg $0x36000  }
0xb0: {  	[dreg:$0x4] =	wrdreg $0x9  }
0xb1: {  	_ =	task.clear_ibuf [dreg:s6], $0x5FFFF;
	_ =	strace $0x90000046  }
0xb2: {  	s29 =	simm.s32 $0x9;
	_ =	strace $0x80000048  }
0xb3: {  	_ =	swait.ge [sflag:s29], $0x1  }
0xb4: {  	[sflag:s29] =	ssyncadd.s32 $0xFFFFFFFF  }
0xb5: {  	_ =	strace $0x90000048  }
0xb6: {  	_ =	sfence  }
0xb7: {  	s30 =	sld [smem:$0x0];
	_ =	sdelay $0x2  }
0xb8: {  	s31 =	sshll.u32 s1, $0xD;
	s1 =	sshrl.u32 s1, $0x2  }
0xb9: {  	s3 =	sand.u32 $0x4000, s31;
	s1 =	sadd.s32 s1, s30  }
0xba: {  	s0 =	sor.u32 s3, s0;
	s1 =	sshll.u32 s1, $0x11  }
0xbb: {  	s0 =	sor.u32 s1, s0  }
0xbc: {  	s0 =	sadd.s32 $0x8F2B, s0  }
0xbd: {  	[sflag:s0] =	ssyncadd.remote.s32 $0x1  }
0xbe: {  	_ =	sfence.sel $0xFFFF  }
0xbf: {  	[dreg:$0x0] =	wrdreg $0xFFFFFFFF;
	(pc) =	sbr.abs _section_cstart, $3  }
0xc0: {  	[dreg:$0x1] =	wrdreg $0xFFFFFFFF  }
0xc1: {  	_ =	task.clear_ibuf [dreg:s6], $0x2FFFF;
	_ =	strace $0x9FFFFFFF  }
0xc2: {  	(tm) =	ssettm $0x7FFFFFFF  }
0xc3: {  	_ =	shalt  }
tec
execute0_lowered:
.L_overlay_start_1:
0x0: {  	(tag) =	ssettag $0x1  }
0x1: {  	s5 =	rddreg [dreg:$0x0];
	s0 =	stileid.u32  }
0x2: {  	s1 =	srdreg.scid;
	s3 =	smul.u32 $0x37, s0  }
0x3: {  	s2 =	rddreg [dreg:$0x1];
	s6 =	smul.u32 $0x66, s0  }
0x4: {  	s11 =	simm.s32 $0x0;
	s4 =	sand.u32 $0x1, s1;
	s30 =	smul.u32 $0x278, s0  }
0x5: {  	s1 =	rddreg [dreg:$0x2];
	p0 =	seq.s32 s4, $0x0;
	s8 =	smul.u32 $0x2780, s4  }
0x6: {  	s9 =	ssub.s32 $0x2, s4;
	s4 =	simm.s32 $0x66;
	s7 =	sadd.s32 $0x660, s3  }
0x7: {  	s3 =	simm.s32 $0x0;
	s10 =	sshrl.u32 s9, $0x1;
	s4 =	simm.s32 @!p0 $0x37  }
0x8: {  	s7 =	smov.u32 @p0 s6;
	[smem:$0x7FF] =	sst s3;
	s8 =	sadd.s32 s30, s8  }
0x9: {  	s9 =	ssub.s32 s9, s10;
	s31 =	sadd.s32 $0x7, s4;
	s7 =	sshll.u32 s7, $0x4  }
0xa: {  	_ =	strace $0x80000047;
	s8 =	sshrl.u32 s8, $0x3;
	s10 =	sand.u32 $0x78, s31  }
0xb: {  	s7 =	sadd.s32 s7, s5;
	s8 =	sadd.s32 s8, s5;
	s5 =	sadd.s32 s30, s2  }
0xc: {  	[dreg:$0x3] =	wrdreg s10;
	s10 =	simm.s32 $0x2;
	s6 =	sadd.s32 $0x2200, s7  }
0xd: {  	v0 =	vimm.f32 $1.000000000e+00;
	v1 =	vimm.f32 $0.0e+00;
	s7 =	sadd.s32 $0xC200, s8;
	s8 =	smax.u32 s9, $0x1;
	s9 =	simm.s32 $0x3380  }
.LBB2_1:
0xe: {  	[tilespmem:$0x3300] =	vst v0  }
0xf: {  	[tilespmem:$0x3310] =	vst v0  }
0x10: {  	[tilespmem:$0x3320] =	vst v0  }
0x11: {  	[tilespmem:$0x3330] =	vst v0  }
0x12: {  	[tilespmem:$0x3340] =	vst v0  }
0x13: {  	[tilespmem:$0x3350] =	vst v0  }
0x14: {  	[tilespmem:$0x3360] =	vst v0  }
0x15: {  	[tilespmem:$0x3370] =	vst v0  }
0x16: {  	[tilespmem:$0x3380] =	vst v1  }
0x17: {  	[tilespmem:$0x3390] =	vst v1  }
0x18: {  	[tilespmem:$0x33A0] =	vst v1  }
0x19: {  	[tilespmem:$0x33B0] =	vst v1  }
0x1a: {  	[tilespmem:$0x33C0] =	vst v1  }
0x1b: {  	[tilespmem:$0x33D0] =	vst v1  }
0x1c: {  	[tilespmem:$0x33E0] =	vst v1  }
0x1d: {  	[tilespmem:$0x33F0] =	vst v1  }
0x1e: {  	[tilespmem:$0x3400] =	vst v1  }
0x1f: {  	[tilespmem:$0x3410] =	vst v1  }
0x20: {  	[tilespmem:$0x3420] =	vst v1  }
0x21: {  	[tilespmem:$0x3430] =	vst v1  }
0x22: {  	[tilespmem:$0x3440] =	vst v1  }
0x23: {  	[tilespmem:$0x3450] =	vst v1  }
0x24: {  	[tilespmem:$0x3460] =	vst v1  }
0x25: {  	[tilespmem:$0x3470] =	vst v1  }
0x26: {  	[tilespmem:$0x3480] =	vst v1  }
0x27: {  	[tilespmem:$0x3490] =	vst v1  }
0x28: {  	[tilespmem:$0x34A0] =	vst v1  }
0x29: {  	[tilespmem:$0x34B0] =	vst v1  }
0x2a: {  	[tilespmem:$0x34C0] =	vst v1  }
0x2b: {  	[tilespmem:$0x34D0] =	vst v1  }
0x2c: {  	[tilespmem:$0x34E0] =	vst v1  }
0x2d: {  	[tilespmem:$0x34F0] =	vst v1  }
0x2e: {  	[tilespmem:$0x3500] =	vst v1  }
0x2f: {  	[tilespmem:$0x3510] =	vst v1  }
0x30: {  	[tilespmem:$0x3520] =	vst v1  }
0x31: {  	[tilespmem:$0x3530] =	vst v1  }
0x32: {  	[tilespmem:$0x3540] =	vst v1  }
0x33: {  	[tilespmem:$0x3550] =	vst v1  }
0x34: {  	[tilespmem:$0x3560] =	vst v1  }
0x35: {  	[tilespmem:$0x3570] =	vst v1  }
0x36: {  	[tilespmem:$0x3580] =	vst v1  }
0x37: {  	[tilespmem:$0x3590] =	vst v1  }
0x38: {  	[tilespmem:$0x35A0] =	vst v1  }
0x39: {  	[tilespmem:$0x35B0] =	vst v1  }
0x3a: {  	[tilespmem:$0x35C0] =	vst v1  }
0x3b: {  	[tilespmem:$0x35D0] =	vst v1  }
0x3c: {  	[tilespmem:$0x35E0] =	vst v1  }
0x3d: {  	[tilespmem:$0x35F0] =	vst v1  }
0x3e: {  	[spmem:s5] =	stream.linear.scatter [tilespmem:s9], [sflag:$0x2], $0x278, $0x38;
	[tilespmem:$0x3878] =	vst v63  }
0x3f: {  	_ =	swait.ge [sflag:s10], $0x278  }
0x40: {  	[sflag:s10] =	ssyncset.done $0x0  }
0x41: {  	[sflag:s10] =	ssyncadd.s32 $0xFFFFFD88  }
0x42: {  	[tilespmem:s3], [sflag:$0x2] =	stream.linear.gather [hbm4b:s6+s3], $0x3300, $0x38;
	[tilespmem:$0x3878] =	vst v63  }
0x43: {  	_ =	swait.ge [sflag:s10], $0x3300  }
0x44: {  	[sflag:s10] =	ssyncset.done $0x0  }
0x45: {  	[sflag:s10] =	ssyncadd.s32 $0xFFFFCD00  }
0x46: {  	s12 =	simm.s32 $0x0;
	s13 =	simm.s32 $0x0;
	[bflag:$0x0] =	sbarrier.arrive $0xFFFF  }
.LBB2_2:
0x47: {  	p0 =	sge.u32 s13, s4  }
0x48: {  	s21 =	sadd.s32 $0x1, s13;
	s22 =	sadd.s32 $0x2, s13;
	s23 =	sadd.s32 $0x3, s13  }
0x49: {  	s24 =	sadd.s32 $0x4, s13;
	s25 =	sadd.s32 $0x5, s13;
	s14 =	simm.s32 @!p0 $0x0  }
0x4a: {  	s26 =	sadd.s32 $0x6, s13;
	s28 =	sadd.s32 $0x7, s13;
	s14 =	simm.s32 @p0 $0x1  }
0x4b: {  	s15 =	simm.s32 @!p0 $0x3300;
	[smem:$0x7FC] =	sst s14;
	s14 =	simm.s32 @!p0 $0x80  }
0x4c: {  	[spmem:s2] =	stream.indirect.scatter.add.f32 @!p0 [tilespmem:s15], [sflag:$0x1], $0x1, s12, s14, $0xb8;
	[tilespmem:$0x3878] =	vst v63  }
0x4d: {  	p2 =	sge.u32 s22, s4;
	p3 =	sge.u32 s23, s4;
	p0 =	sge.u32 s21, s4  }
0x4e: {  	p4 =	sge.u32 s24, s4;
	p5 =	sge.u32 s25, s4;
	s14 =	simm.s32 @!p0 $0x0  }
0x4f: {  	s29 =	sld [smem:$0x7FC];
	s15 =	simm.s32 @!p0 $0x80;
	s14 =	simm.s32 @p0 $0x1  }
0x50: {  	s16 =	simm.s32 @!p0 $0x3300;
	[smem:$0x7FD] =	sst s14;
	s14 =	sadd.s32 @!p0 $0x80, s12  }
0x51: {  	[spmem:s2] =	stream.indirect.scatter.add.f32 @!p0 [tilespmem:s16], [sflag:$0x1], $0x1, s14, s15, $0xb8;
	[tilespmem:$0x3878] =	vst v63  }
0x52: {  	p1 =	sge.u32 s26, s4;
	p6 =	sge.u32 s28, s4;
	s14 =	sadd.s32 @!p2 $0x100, s12  }
0x53: {  	s15 =	simm.s32 @!p2 $0x80;
	s16 =	simm.s32 @!p2 $0x3300;
	p0 =	seq.s32 s29, $0x1  }
0x54: {  	[spmem:s2] =	stream.indirect.scatter.add.f32 @!p2 [tilespmem:s16], [sflag:$0x1], $0x1, s14, s15, $0xb8;
	[tilespmem:$0x3878] =	vst v63  }
0x55: {  	s14 =	sadd.s32 @!p3 $0x180, s12;
	s15 =	simm.s32 @!p3 $0x80;
	s16 =	simm.s32 @!p3 $0x3300  }
0x56: {  	[spmem:s2] =	stream.indirect.scatter.add.f32 @!p3 [tilespmem:s16], [sflag:$0x1], $0x1, s14, s15, $0xb8;
	[tilespmem:$0x3878] =	vst v63  }
0x57: {  	s14 =	sadd.s32 @!p4 $0x200, s12;
	s15 =	simm.s32 @!p4 $0x80;
	s16 =	simm.s32 @!p4 $0x3300  }
0x58: {  	[spmem:s2] =	stream.indirect.scatter.add.f32 @!p4 [tilespmem:s16], [sflag:$0x1], $0x1, s14, s15, $0xb8;
	[tilespmem:$0x3878] =	vst v63  }
0x59: {  	s14 =	sadd.s32 @!p5 $0x280, s12;
	s15 =	simm.s32 @!p5 $0x80;
	s16 =	simm.s32 @!p5 $0x3300  }
0x5a: {  	[spmem:s2] =	stream.indirect.scatter.add.f32 @!p5 [tilespmem:s16], [sflag:$0x1], $0x1, s14, s15, $0xb8;
	[tilespmem:$0x3878] =	vst v63  }
0x5b: {  	s14 =	sadd.s32 @!p1 $0x300, s12;
	s15 =	simm.s32 @!p1 $0x80;
	s16 =	simm.s32 @!p1 $0x3300  }
0x5c: {  	[spmem:s2] =	stream.indirect.scatter.add.f32 @!p1 [tilespmem:s16], [sflag:$0x1], $0x1, s14, s15, $0xb8;
	[tilespmem:$0x3878] =	vst v63  }
0x5d: {  	s14 =	sadd.s32 @!p6 $0x380, s12;
	s15 =	simm.s32 @!p6 $0x80;
	s16 =	simm.s32 @!p6 $0x3300  }
0x5e: {  	[spmem:s2] =	stream.indirect.scatter.add.f32 @!p6 [tilespmem:s16], [sflag:$0x1], $0x1, s14, s15, $0xb8;
	[tilespmem:$0x3878] =	vst v63  }
0x5f: {  	s14 =	simm.s32 @!p0 $0x1  }
0x60: {  	_ =	swait.ge @!p0 [sflag:s14], $0x80  }
0x61: {  	s30 =	sld [smem:$0x7FD];
	_ =	sdelay $0x1  }
0x62: {  	[sflag:s14] =	ssyncset.done @!p0 $0x0  }
0x63: {  	[sflag:s14] =	ssyncadd.s32 @!p0 $0xFFFFFF80;
	p0 =	seq.s32 s30, $0x1  }
0x64: {  	s14 =	simm.s32 @!p0 $0x1  }
0x65: {  	_ =	swait.ge @!p0 [sflag:s14], $0x80  }
0x66: {  	[sflag:s14] =	ssyncset.done @!p0 $0x0  }
0x67: {  	[sflag:s14] =	ssyncadd.s32 @!p0 $0xFFFFFF80;
	s14 =	simm.s32 @!p2 $0x1  }
0x68: {  	_ =	swait.ge @!p2 [sflag:s14], $0x80  }
0x69: {  	[sflag:s14] =	ssyncset.done @!p2 $0x0  }
0x6a: {  	[sflag:s14] =	ssyncadd.s32 @!p2 $0xFFFFFF80;
	s14 =	simm.s32 @!p3 $0x1  }
0x6b: {  	_ =	swait.ge @!p3 [sflag:s14], $0x80  }
0x6c: {  	[sflag:s14] =	ssyncset.done @!p3 $0x0  }
0x6d: {  	[sflag:s14] =	ssyncadd.s32 @!p3 $0xFFFFFF80;
	s14 =	simm.s32 @!p4 $0x1  }
0x6e: {  	_ =	swait.ge @!p4 [sflag:s14], $0x80  }
0x6f: {  	[sflag:s14] =	ssyncset.done @!p4 $0x0  }
0x70: {  	[sflag:s14] =	ssyncadd.s32 @!p4 $0xFFFFFF80;
	s14 =	simm.s32 @!p5 $0x1  }
0x71: {  	_ =	swait.ge @!p5 [sflag:s14], $0x80  }
0x72: {  	[sflag:s14] =	ssyncset.done @!p5 $0x0  }
0x73: {  	[sflag:s14] =	ssyncadd.s32 @!p5 $0xFFFFFF80;
	s14 =	simm.s32 @!p1 $0x1  }
0x74: {  	_ =	swait.ge @!p1 [sflag:s14], $0x80  }
0x75: {  	[sflag:s14] =	ssyncset.done @!p1 $0x0  }
0x76: {  	[sflag:s14] =	ssyncadd.s32 @!p1 $0xFFFFFF80;
	s14 =	simm.s32 @!p6 $0x1  }
0x77: {  	_ =	swait.ge @!p6 [sflag:s14], $0x80  }
0x78: {  	s13 =	sadd.s32 $0x8, s13;
	s31 =	rddreg [dreg:$0x3]  }
0x79: {  	p0 =	sne.s32 s31, s13  }
.Ltmp0:
0x7a: {  	_ = 	snop;
	(pc) =	sbr.rel @p0 .LBB2_2-.Ltmp0, $3  }
0x7b: {  	_ =	sdelay $0x1  }
0x7c: {  	[sflag:s14] =	ssyncset.done @!p6 $0x0  }
0x7d: {  	s12 =	sadd.s32 $0x400, s12;
	[sflag:s14] =	ssyncadd.s32 @!p6 $0xFFFFFF80  }
0x7e: {  	s11 =	sadd.s32 $0x1, s11  }
0x7f: {  	s12 =	sshll.u32 s0, $0x6;
	[bflag:$0x0] =	sbarrier.arrive $0xFFFF;
	p0 =	sne.s32 s11, s8  }
.Ltmp1:
0x80: {  	s13 =	sshrl.u32 s5, $0x3;
	s12 =	sor.u32 $0x1C02, s12;
	(pc) =	sbr.rel @p0 .LBB2_1-.Ltmp1, $4  }
0x81: {  	[hbm:s7], [sflag:s12] =	dma.local [spmem:s13], $0x4F  }
0x82: {  	_ =	swait.ge [sflag:s10], $0x4F  }
0x83: {  	[sflag:s10] =	ssyncset.done $0x0  }
0x84: {  	[sflag:s10] =	ssyncadd.s32 $0xFFFFFFB1  }
0x85: {  	_ =	sfence.sel $0x180000  }
0x86: {  	[bflag:$0x0] =	sbarrier.arrive $0xFFFF  }
0x87: {  	p0 =	sne.s32 s0, $0x0;
	_ =	strace $0x90000047  }
0x88: {  	s0 =	sadd.s32 @!p0 $0x100000, s1;
	[bflag:$0x2] =	sbarrier.arrive $0xFFFF  }
0x89: {  	[sflag:s0] =	ssyncadd.tile.s32 @!p0 $0x1;
	_ =	shalt  }
.Lfunc_end2:
_tile_overlayer_lowered:
.L_overlay_start_2:
0x8a: {  	(tag) =	ssettag $0x2  }
0x8b: {  	s0 =	rddreg [dreg:$0x0];
	s2 =	stileid.u32  }
0x8c: {  	s1 =	rddreg [dreg:$0x1];
	p0 =	sne.s32 s2, $0x0  }
0x8d: {  	s3 =	rddreg [dreg:$0x2];
	[bflag:$0x3] =	sbarrier.arrive $0xFFFF;
	s2 =	simm.s32 @!p0 $0x1C02  }
0x8e: {  	[timem:s3], [sflag:s2] =	dma.local @!p0 [hbm:s0], s1  }
0x8f: {  	s0 =	simm.s32 @!p0 $0x2  }
0x90: {  	_ =	swait.ge @!p0 [sflag:s0], s1  }
0x91: {  	s1 =	ssub.s32 @!p0 $0x0, s1;
	[sflag:s0] =	ssyncset.done @!p0 $0x0  }
0x92: {  	[sflag:s0] =	ssyncadd.s32 @!p0 s1  }
0x93: {  	[bflag:$0x3] =	sbarrier.arrive $0xFFFF  }
0x94: {  	_ =	shalt  }

</sc_bundles>
